<compile_context>
chip_gen: v7x
topology: tpu7x:2x2x1
jax: 0.10.2.dev20260603
libtpu: 0.0.44.dev20260713+nightly
codegen_flags: <defaults>
</compile_context>

<pallas_src>
import jax
import jax.numpy as jnp
from jax import lax
from jax.experimental import pallas as pl
from jax.experimental.pallas import tpu as pltpu
from jax.experimental.pallas import tpu_sc as plsc

_N_RINGS = 5
_N_ORIENT = 8
_N_USED = 10
_NC = 2
_NT = 16
_PT = 128
_PPC = _NT * _PT
_BLK = 1024
_LANES = 16

_SC_PARAMS = pltpu.CompilerParams(needs_layout_passes=False)


def _route(radial, angular):
    ring = jnp.clip((radial * _N_RINGS).astype(jnp.int32), 0, _N_RINGS - 1)
    orient = jnp.clip((angular * _N_ORIENT / (2 * 3.14159)).astype(jnp.int32),
                      0, _N_ORIENT - 1)
    return ring * 2 + orient


def _sc_dispatch_body(rad_hbm, ang_hbm, feat_hbm,
                      sorted_hbm, dest_hbm, off_hbm, hist_hbm,
                      rad_v, ang_v, e_v, dest_v, rows_v, stage_v, hist_v,
                      sem_rows, sem_scat):
    core = lax.axis_index("c")
    sid = lax.axis_index("s")
    base = core * _PPC + sid * _PT

    rows_cp = pltpu.make_async_copy(feat_hbm.at[pl.ds(base, _PT)], rows_v,
                                    sem_rows)
    rows_cp.start()
    pltpu.sync_copy(rad_hbm.at[pl.ds(base, _PT)], rad_v)
    pltpu.sync_copy(ang_hbm.at[pl.ds(base, _PT)], ang_v)

    iota = lax.iota(jnp.int32, _LANES)
    counts = jnp.zeros((_LANES,), jnp.int32)
    for j in range(_PT // _LANES):
        sl = pl.ds(j * _LANES, _LANES)
        e = _route(rad_v[sl], ang_v[sl])
        e_v[sl] = e
        for bnk in range(_N_USED):
            pc = jnp.sum((e == bnk).astype(jnp.int32))
            counts = counts + (iota == bnk).astype(jnp.int32) * pc

    stage_v[...] = counts
    pltpu.sync_copy(stage_v, hist_hbm.at[core, pl.ds(sid * _LANES, _LANES)])
    plsc.subcore_barrier()
    pltpu.sync_copy(hist_hbm.at[core], hist_v)

    totals = jnp.zeros((_LANES,), jnp.int32)
    below = jnp.zeros((_LANES,), jnp.int32)
    for t in range(_NT):
        row = hist_v[pl.ds(t * _LANES, _LANES)]
        totals = totals + row
        below = below + row * (jnp.int32(t) < sid).astype(jnp.int32)
    excl = jnp.cumsum(totals) - totals
    tile_base = excl + below + core * _PPC

    @pl.when(sid == 0)
    def _():
        stage_v[...] = jnp.where(iota < _N_USED, excl, _PPC)
        pltpu.sync_copy(stage_v, off_hbm.at[core])

    for bnk in range(_N_USED):
        run = jnp.sum((iota == bnk).astype(jnp.int32) * tile_base)
        for j in range(_PT // _LANES):
            sl = pl.ds(j * _LANES, _LANES)
            m = e_v[sl] == bnk
            mi = m.astype(jnp.int32)
            ii = jnp.cumsum(mi)
            dest_v[sl] = jnp.where(m, run + ii - 1, dest_v[sl])
            run = run + jnp.sum(mi)

    pltpu.sync_copy(dest_v, dest_hbm.at[pl.ds(base, _PT)])
    rows_cp.wait()
    pltpu.async_copy(rows_v, sorted_hbm.at[dest_v], sem_scat).wait()


def _sc_unsort_body(ysort_hbm, dest_hbm, out_hbm, idx_v, rows_v, sem):
    core = lax.axis_index("c")
    sid = lax.axis_index("s")
    base = core * _PPC + sid * _PT
    pltpu.sync_copy(dest_hbm.at[pl.ds(base, _PT)], idx_v)
    pltpu.async_copy(ysort_hbm.at[idx_v], rows_v, sem).wait()
    pltpu.sync_copy(rows_v, out_hbm.at[pl.ds(base, _PT)])


def _tc_matmul_body(off_ref, x_ref, w_ref, b_ref, o_ref):
    blk = pl.program_id(0)
    core = blk // (_PPC // _BLK)
    row0 = blk * _BLK
    rows = row0 + lax.broadcasted_iota(jnp.int32, (_BLK, 1), 0)
    cbase = core * _PPC
    xb = x_ref[...].astype(jnp.bfloat16)
    o_ref[...] = jnp.broadcast_to(b_ref[...], o_ref.shape)
    for e in range(_N_USED):
        lo = cbase + off_ref[core * _LANES + e]
        hi = cbase + off_ref[core * _LANES + e + 1]

        @pl.when(jnp.logical_and(lo < row0 + _BLK, hi > row0))
        def _(e=e, lo=lo, hi=hi):
            mask = jnp.logical_and(rows >= lo, rows < hi)
            xm = jnp.where(mask, xb, jnp.bfloat16(0.0))
            o_ref[...] += jnp.dot(xm, w_ref[e],
                                  preferred_element_type=jnp.float32)


def kernel(features, geodesic_coords, filters, bias):
    b, n_pts, in_ch = features.shape
    out_ch = filters.shape[3]
    n = b * n_pts
    x = features.reshape(n, in_ch)
    coords = geodesic_coords.reshape(n, 2)
    rad = coords[:, 0]
    ang = coords[:, 1]
    w10 = filters[:, :2].reshape(_N_USED, in_ch, out_ch).astype(jnp.bfloat16)
    bias2 = bias.reshape(1, out_ch)

    mesh = plsc.VectorSubcoreMesh(core_axis_name="c", subcore_axis_name="s",
                                  num_cores=_NC, num_subcores=_NT)
    sorted_x, dest, off, _ = pl.kernel(
        _sc_dispatch_body,
        out_type=[
            jax.ShapeDtypeStruct((n, in_ch), jnp.float32),
            jax.ShapeDtypeStruct((n,), jnp.int32),
            jax.ShapeDtypeStruct((_NC, _LANES), jnp.int32),
            jax.ShapeDtypeStruct((_NC, _NT * _LANES), jnp.int32),
        ],
        mesh=mesh,
        scratch_types=[
            pltpu.VMEM((_PT,), jnp.float32),
            pltpu.VMEM((_PT,), jnp.float32),
            pltpu.VMEM((_PT,), jnp.int32),
            pltpu.VMEM((_PT,), jnp.int32),
            pltpu.VMEM((_PT, in_ch), jnp.float32),
            pltpu.VMEM((_LANES,), jnp.int32),
            pltpu.VMEM((_NT * _LANES,), jnp.int32),
            pltpu.SemaphoreType.DMA,
            pltpu.SemaphoreType.DMA,
        ],
        compiler_params=_SC_PARAMS,
    )(rad, ang, x)

    ysort = pl.pallas_call(
        _tc_matmul_body,
        grid=(n // _BLK,),
        in_specs=[
            pl.BlockSpec(memory_space=pltpu.SMEM),
            pl.BlockSpec((_BLK, in_ch), lambda i: (i, 0)),
            pl.BlockSpec(w10.shape, lambda i: (0, 0, 0)),
            pl.BlockSpec((1, out_ch), lambda i: (0, 0)),
        ],
        out_specs=pl.BlockSpec((_BLK, out_ch), lambda i: (i, 0)),
        out_shape=jax.ShapeDtypeStruct((n, out_ch), jnp.float32),
    )(off.reshape(_NC * _LANES), sorted_x, w10, bias2)

    out = pl.kernel(
        _sc_unsort_body,
        out_type=jax.ShapeDtypeStruct((n, out_ch), jnp.float32),
        mesh=plsc.VectorSubcoreMesh(core_axis_name="c", subcore_axis_name="s",
                                    num_cores=_NC, num_subcores=_NT),
        scratch_types=[
            pltpu.VMEM((_PT,), jnp.int32),
            pltpu.VMEM((_PT, out_ch), jnp.float32),
            pltpu.SemaphoreType.DMA,
        ],
        compiler_params=_SC_PARAMS,
    )(ysort, dest)
    return out.reshape(b, n_pts, out_ch)

# --- scband reference (transcript-rebuilt; emitter-appended) ---
"""Pipeline reference for scband-geodesic-conv-70497593196912 (READ-ONLY COPY).

The authoritative reference and input builder live on the scoring server;
editing this copy changes nothing except your own understanding.
"""

import jax, jax.numpy as jnp
import numpy as np

N_RINGS = 5
N_ORIENT = 8
IN_CH = 256
OUT_CH = 256
B = 2
N_PTS = 2048


def setup_inputs(seed: int = 0) -> dict:
    key = jax.random.key(seed)
    k1, k2, k3 = jax.random.split(key, 3)
    features = jax.random.normal(k1, (B, N_PTS, IN_CH), dtype=jnp.float32)
    geodesic_coords = jax.random.uniform(k2, (B, N_PTS, 2), dtype=jnp.float32)
    filters = jax.random.normal(k3, (N_RINGS, N_ORIENT, IN_CH, OUT_CH), dtype=jnp.float32) * 0.01
    bias = jnp.zeros((OUT_CH,), dtype=jnp.float32)
    return {"features": features, "geodesic_coords": geodesic_coords, "filters": filters, "bias": bias}


def reference(features, geodesic_coords, filters, bias):
    n_rings = filters.shape[0]
    n_orient = filters.shape[1]
    out_ch = filters.shape[3]
    radial = geodesic_coords[:, :, 0]
    angular = geodesic_coords[:, :, 1]
    ring_idx = jnp.clip((radial * n_rings).astype(jnp.int32), 0, n_rings - 1)
    orient_idx = jnp.clip((angular * n_orient / (2 * 3.14159)).astype(jnp.int32), 0, n_orient - 1)
    flat_idx = ring_idx * n_orient + orient_idx  # (B, N) expert id per point
    Wf = filters.reshape(n_rings * n_orient, filters.shape[2], out_ch)
    out = jnp.zeros(features.shape[:2] + (out_ch,), dtype=features.dtype)
    # Dense MoE-style dispatch: each point's features are multiplied by the
    # filter bank selected by its (ring, orientation) routing index.
    for e in range(n_rings * n_orient):
        mask = (flat_idx == e).astype(features.dtype)[..., None]
        out = out + mask * (features @ Wf[e])
    return out + bias

if __name__ == "__main__":
    import jax
    _d = setup_inputs()
    print(jax.jit(kernel)(*tuple(_d.values())))

</pallas_src>

<mosaic_0001>
#map = affine_map<(d0, d1) -> (0)>
#map1 = affine_map<(d0, d1) -> (0, 0)>
module attributes {stable_mosaic.version = 14 : i64} {
  func.func @_sc_dispatch_body(%arg0: i32, %arg1: i32, %arg2: memref<4096xf32, #tpu.memory_space<hbm>>, %arg3: memref<4096xf32, #tpu.memory_space<hbm>>, %arg4: memref<4096x256xf32, #tpu.memory_space<hbm>>, %arg5: memref<4096x256xf32, #tpu.memory_space<hbm>>, %arg6: memref<4096xi32, #tpu.memory_space<hbm>>, %arg7: memref<2x16xi32, #tpu.memory_space<hbm>>, %arg8: memref<2x256xi32, #tpu.memory_space<hbm>>, %arg9: memref<128xf32, #tpu.memory_space<vmem>>, %arg10: memref<128xf32, #tpu.memory_space<vmem>>, %arg11: memref<128xi32, #tpu.memory_space<vmem>>, %arg12: memref<128xi32, #tpu.memory_space<vmem>>, %arg13: memref<128x256xf32, #tpu.memory_space<vmem>>, %arg14: memref<16xi32, #tpu.memory_space<vmem>>, %arg15: memref<256xi32, #tpu.memory_space<vmem>>, %arg16: memref<!tpu.dma_semaphore, #tpu.memory_space<semaphore_mem>>, %arg17: memref<!tpu.dma_semaphore, #tpu.memory_space<semaphore_mem>>) attributes {dimension_semantics = [#tpu.dimension_semantics<core_parallel>, #tpu.dimension_semantics<subcore_parallel>], iteration_bounds = array<i64: 2, 16>, scalar_prefetch = 0 : i64, scratch_operands = 9 : i64, tpu.core_type = #tpu.core_type<sc_vector_subcore>, window_params = [{transform_indices = #map}, {transform_indices = #map}, {transform_indices = #map1}, {transform_indices = #map1}, {transform_indices = #map}, {transform_indices = #map1}, {transform_indices = #map1}]} {
    %mul3A = arith.constant 2048 : i32
    %mul3A_0 = arith.muli %arg0, %mul3A : i32
    %mul3A_1 = arith.constant 128 : i32
    %mul3A_2 = arith.muli %arg1, %mul3A_1 : i32
    %add3A = arith.addi %mul3A_0, %mul3A_2 : i32
    %dma_start3A = arith.constant 0 : i32
    %dma_start3A_3 = tpu.memref_slice %arg4[%add3A, %dma_start3A] : memref<4096x256xf32, #tpu.memory_space<hbm>> -> memref<128x256xf32, #tpu.memory_space<hbm>>
    %dma_start3A_4 = arith.constant 0 : i32
    %dma_start3A_5 = tpu.memref_slice %arg4[%add3A, %dma_start3A_4] : memref<4096x256xf32, #tpu.memory_space<hbm>> -> memref<128x256xf32, #tpu.memory_space<hbm>>
    tpu.enqueue_dma source(%dma_start3A_5 : memref<128x256xf32, #tpu.memory_space<hbm>>) target(%arg13 : memref<128x256xf32, #tpu.memory_space<vmem>>) target_semaphore(%arg16 : memref<!tpu.dma_semaphore, #tpu.memory_space<semaphore_mem>>)
    "tpu.region"() ({
      %run_scoped3A = tpu.sem_alloc : memref<!tpu.dma_semaphore, #tpu.memory_space<semaphore_mem>>
      %dma_start3A_3642 = tpu.memref_slice %arg2[%add3A] : memref<4096xf32, #tpu.memory_space<hbm>> -> memref<128xf32, #tpu.memory_space<hbm>>
      %dma_start3A_3643 = tpu.memref_slice %arg2[%add3A] : memref<4096xf32, #tpu.memory_space<hbm>> -> memref<128xf32, #tpu.memory_space<hbm>>
      tpu.enqueue_dma source(%dma_start3A_3643 : memref<128xf32, #tpu.memory_space<hbm>>) target(%arg9 : memref<128xf32, #tpu.memory_space<vmem>>) target_semaphore(%run_scoped3A : memref<!tpu.dma_semaphore, #tpu.memory_space<semaphore_mem>>)
      %dma_wait3A_3644 = tpu.memref_slice %arg2[%add3A] : memref<4096xf32, #tpu.memory_space<hbm>> -> memref<128xf32, #tpu.memory_space<hbm>>
      %dma_wait3A_3645 = tpu.memref_slice %arg2[%add3A] : memref<4096xf32, #tpu.memory_space<hbm>> -> memref<128xf32, #tpu.memory_space<hbm>>
      tpu.wait_dma2 semaphore(%run_scoped3A : memref<!tpu.dma_semaphore, #tpu.memory_space<semaphore_mem>>) src(%dma_wait3A_3645 : memref<128xf32, #tpu.memory_space<hbm>>) dst(%arg9 : memref<128xf32, #tpu.memory_space<vmem>>)
      tpu.yield
    }) : () -> ()
    "tpu.region"() ({
      %run_scoped3A = tpu.sem_alloc : memref<!tpu.dma_semaphore, #tpu.memory_space<semaphore_mem>>
      %dma_start3A_3642 = tpu.memref_slice %arg3[%add3A] : memref<4096xf32, #tpu.memory_space<hbm>> -> memref<128xf32, #tpu.memory_space<hbm>>
      %dma_start3A_3643 = tpu.memref_slice %arg3[%add3A] : memref<4096xf32, #tpu.memory_space<hbm>> -> memref<128xf32, #tpu.memory_space<hbm>>
      tpu.enqueue_dma source(%dma_start3A_3643 : memref<128xf32, #tpu.memory_space<hbm>>) target(%arg10 : memref<128xf32, #tpu.memory_space<vmem>>) target_semaphore(%run_scoped3A : memref<!tpu.dma_semaphore, #tpu.memory_space<semaphore_mem>>)
      %dma_wait3A_3644 = tpu.memref_slice %arg3[%add3A] : memref<4096xf32, #tpu.memory_space<hbm>> -> memref<128xf32, #tpu.memory_space<hbm>>
      %dma_wait3A_3645 = tpu.memref_slice %arg3[%add3A] : memref<4096xf32, #tpu.memory_space<hbm>> -> memref<128xf32, #tpu.memory_space<hbm>>
      tpu.wait_dma2 semaphore(%run_scoped3A : memref<!tpu.dma_semaphore, #tpu.memory_space<semaphore_mem>>) src(%dma_wait3A_3645 : memref<128xf32, #tpu.memory_space<hbm>>) dst(%arg10 : memref<128xf32, #tpu.memory_space<vmem>>)
      tpu.yield
    }) : () -> ()
    %iota3A = tpu.iota {dimensions = array<i32: 0>} : vector<16xi32>
    %broadcast_in_dim3A = arith.constant 0 : i32
    %broadcast_in_dim3A_6 = vector.broadcast %broadcast_in_dim3A : i32 to vector<16xi32>
    %get3A = arith.constant 0 : index
    %get3A_7 = tpu.vector_load %arg9[%get3A] {strides = array<i32>} : memref<128xf32, #tpu.memory_space<vmem>>, vector<16xf32>,
    %get3A_8 = arith.constant 0 : index
    %get3A_9 = tpu.vector_load %arg10[%get3A_8] {strides = array<i32>} : memref<128xf32, #tpu.memory_space<vmem>>, vector<16xf32>,
    %mul3A_10 = arith.constant 5.000000e+00 : f32
    %mul3A_11 = vector.broadcast %mul3A_10 : f32 to vector<16xf32>
    %mul3A_12 = arith.mulf %get3A_7, %mul3A_11 : vector<16xf32>
    %convert_element_type3A = arith.fptosi %mul3A_12 : vector<16xf32> to vector<16xi32>
    %jit3A = arith.constant 0 : i32
    %jit3A_13 = arith.constant 4 : i32
    %max3A = vector.broadcast %jit3A : i32 to vector<16xi32>
    %max3A_14 = arith.maxsi %max3A, %convert_element_type3A : vector<16xi32>
    %min3A = vector.broadcast %jit3A_13 : i32 to vector<16xi32>
    %min3A_15 = arith.minsi %min3A, %max3A_14 : vector<16xi32>
    %mul3A_16 = arith.constant 8.000000e+00 : f32
    %mul3A_17 = vector.broadcast %mul3A_16 : f32 to vector<16xf32>
    %mul3A_18 = arith.mulf %get3A_9, %mul3A_17 : vector<16xf32>
    %div3A = arith.constant 6.283180e+00 : f32
    %div3A_19 = vector.broadcast %div3A : f32 to vector<16xf32>
    %div3A_20 = arith.divf %mul3A_18, %div3A_19 : vector<16xf32>
    %convert_element_type3A_21 = arith.fptosi %div3A_20 : vector<16xf32> to vector<16xi32>
    %jit3A_22 = arith.constant 0 : i32
    %jit3A_23 = arith.constant 7 : i32
    %max3A_24 = vector.broadcast %jit3A_22 : i32 to vector<16xi32>
    %max3A_25 = arith.maxsi %max3A_24, %convert_element_type3A_21 : vector<16xi32>
    %min3A_26 = vector.broadcast %jit3A_23 : i32 to vector<16xi32>
    %min3A_27 = arith.minsi %min3A_26, %max3A_25 : vector<16xi32>
    %mul3A_28 = arith.constant 2 : i32
    %mul3A_29 = vector.broadcast %mul3A_28 : i32 to vector<16xi32>
    %mul3A_30 = arith.muli %min3A_15, %mul3A_29 : vector<16xi32>
    %add3A_31 = arith.addi %mul3A_30, %min3A_27 : vector<16xi32>
    %swap3A = arith.constant 0 : index
    %swap3A_32 = tpu.vector_load %arg11[%swap3A] {strides = array<i32>} : memref<128xi32, #tpu.memory_space<vmem>>, vector<16xi32>,
    tpu.vector_store %arg11[%swap3A], %add3A_31 {strides = array<i32>} : memref<128xi32, #tpu.memory_space<vmem>>, vector<16xi32>,
    %eq3A = arith.constant 0 : i32
    %eq3A_33 = vector.broadcast %eq3A : i32 to vector<16xi32>
    %eq3A_34 = arith.cmpi eq, %add3A_31, %eq3A_33 : vector<16xi32>
    %convert_element_type3A_35 = arith.extui %eq3A_34 : vector<16xi1> to vector<16xi32>
    %reduce_sum3A = arith.constant true
    %reduce_sum3A_36 = vector.broadcast %reduce_sum3A : i1 to vector<16xi1>
    %reduce_sum3A_37 = tpu.scan <sum>, %convert_element_type3A_35 masked %reduce_sum3A_36 : vector<16xi32>, vector<16xi1> -> vector<16xi32>
    %reduce_sum3A_38 = vector.extract %reduce_sum3A_37[15] : i32 from vector<16xi32>
    %eq3A_39 = arith.constant 0 : i32
    %eq3A_40 = vector.broadcast %eq3A_39 : i32 to vector<16xi32>
    %eq3A_41 = arith.cmpi eq, %iota3A, %eq3A_40 : vector<16xi32>
    %convert_element_type3A_42 = arith.extui %eq3A_41 : vector<16xi1> to vector<16xi32>
    %mul3A_43 = vector.broadcast %reduce_sum3A_38 : i32 to vector<16xi32>
    %mul3A_44 = arith.muli %convert_element_type3A_42, %mul3A_43 : vector<16xi32>
    %add3A_45 = arith.addi %broadcast_in_dim3A_6, %mul3A_44 : vector<16xi32>
    %eq3A_46 = arith.constant 1 : i32
    %eq3A_47 = vector.broadcast %eq3A_46 : i32 to vector<16xi32>
    %eq3A_48 = arith.cmpi eq, %add3A_31, %eq3A_47 : vector<16xi32>
    %convert_element_type3A_49 = arith.extui %eq3A_48 : vector<16xi1> to vector<16xi32>
    %reduce_sum3A_50 = arith.constant true
    %reduce_sum3A_51 = vector.broadcast %reduce_sum3A_50 : i1 to vector<16xi1>
    %reduce_sum3A_52 = tpu.scan <sum>, %convert_element_type3A_49 masked %reduce_sum3A_51 : vector<16xi32>, vector<16xi1> -> vector<16xi32>
    %reduce_sum3A_53 = vector.extract %reduce_sum3A_52[15] : i32 from vector<16xi32>
    %eq3A_54 = arith.constant 1 : i32
    %eq3A_55 = vector.broadcast %eq3A_54 : i32 to vector<16xi32>
    %eq3A_56 = arith.cmpi eq, %iota3A, %eq3A_55 : vector<16xi32>
    %convert_element_type3A_57 = arith.extui %eq3A_56 : vector<16xi1> to vector<16xi32>
    %mul3A_58 = vector.broadcast %reduce_sum3A_53 : i32 to vector<16xi32>
    %mul3A_59 = arith.muli %convert_element_type3A_57, %mul3A_58 : vector<16xi32>
    %add3A_60 = arith.addi %add3A_45, %mul3A_59 : vector<16xi32>
    %eq3A_61 = arith.constant 2 : i32
    %eq3A_62 = vector.broadcast %eq3A_61 : i32 to vector<16xi32>
    %eq3A_63 = arith.cmpi eq, %add3A_31, %eq3A_62 : vector<16xi32>
    %convert_element_type3A_64 = arith.extui %eq3A_63 : vector<16xi1> to vector<16xi32>
    %reduce_sum3A_65 = arith.constant true
    %reduce_sum3A_66 = vector.broadcast %reduce_sum3A_65 : i1 to vector<16xi1>
    %reduce_sum3A_67 = tpu.scan <sum>, %convert_element_type3A_64 masked %reduce_sum3A_66 : vector<16xi32>, vector<16xi1> -> vector<16xi32>
    %reduce_sum3A_68 = vector.extract %reduce_sum3A_67[15] : i32 from vector<16xi32>
    %eq3A_69 = arith.constant 2 : i32
    %eq3A_70 = vector.broadcast %eq3A_69 : i32 to vector<16xi32>
    %eq3A_71 = arith.cmpi eq, %iota3A, %eq3A_70 : vector<16xi32>
    %convert_element_type3A_72 = arith.extui %eq3A_71 : vector<16xi1> to vector<16xi32>
    %mul3A_73 = vector.broadcast %reduce_sum3A_68 : i32 to vector<16xi32>
    %mul3A_74 = arith.muli %convert_element_type3A_72, %mul3A_73 : vector<16xi32>
    %add3A_75 = arith.addi %add3A_60, %mul3A_74 : vector<16xi32>
    %eq3A_76 = arith.constant 3 : i32
    %eq3A_77 = vector.broadcast %eq3A_76 : i32 to vector<16xi32>
    %eq3A_78 = arith.cmpi eq, %add3A_31, %eq3A_77 : vector<16xi32>
    %convert_element_type3A_79 = arith.extui %eq3A_78 : vector<16xi1> to vector<16xi32>
    %reduce_sum3A_80 = arith.constant true
    %reduce_sum3A_81 = vector.broadcast %reduce_sum3A_80 : i1 to vector<16xi1>
    %reduce_sum3A_82 = tpu.scan <sum>, %convert_element_type3A_79 masked %reduce_sum3A_81 : vector<16xi32>, vector<16xi1> -> vector<16xi32>
    %reduce_sum3A_83 = vector.extract %reduce_sum3A_82[15] : i32 from vector<16xi32>
    %eq3A_84 = arith.constant 3 : i32
    %eq3A_85 = vector.broadcast %eq3A_84 : i32 to vector<16xi32>
    %eq3A_86 = arith.cmpi eq, %iota3A, %eq3A_85 : vector<16xi32>
    %convert_element_type3A_87 = arith.extui %eq3A_86 : vector<16xi1> to vector<16xi32>
    %mul3A_88 = vector.broadcast %reduce_sum3A_83 : i32 to vector<16xi32>
    %mul3A_89 = arith.muli %convert_element_type3A_87, %mul3A_88 : vector<16xi32>
    %add3A_90 = arith.addi %add3A_75, %mul3A_89 : vector<16xi32>
    %eq3A_91 = arith.constant 4 : i32
    %eq3A_92 = vector.broadcast %eq3A_91 : i32 to vector<16xi32>
    %eq3A_93 = arith.cmpi eq, %add3A_31, %eq3A_92 : vector<16xi32>
    %convert_element_type3A_94 = arith.extui %eq3A_93 : vector<16xi1> to vector<16xi32>
    %reduce_sum3A_95 = arith.constant true
    %reduce_sum3A_96 = vector.broadcast %reduce_sum3A_95 : i1 to vector<16xi1>
    %reduce_sum3A_97 = tpu.scan <sum>, %convert_element_type3A_94 masked %reduce_sum3A_96 : vector<16xi32>, vector<16xi1> -> vector<16xi32>
    %reduce_sum3A_98 = vector.extract %reduce_sum3A_97[15] : i32 from vector<16xi32>
    %eq3A_99 = arith.constant 4 : i32
    %eq3A_100 = vector.broadcast %eq3A_99 : i32 to vector<16xi32>
    %eq3A_101 = arith.cmpi eq, %iota3A, %eq3A_100 : vector<16xi32>
    %convert_element_type3A_102 = arith.extui %eq3A_101 : vector<16xi1> to vector<16xi32>
    %mul3A_103 = vector.broadcast %reduce_sum3A_98 : i32 to vector<16xi32>
    %mul3A_104 = arith.muli %convert_element_type3A_102, %mul3A_103 : vector<16xi32>
    %add3A_105 = arith.addi %add3A_90, %mul3A_104 : vector<16xi32>
    %eq3A_106 = arith.constant 5 : i32
    %eq3A_107 = vector.broadcast %eq3A_106 : i32 to vector<16xi32>
    %eq3A_108 = arith.cmpi eq, %add3A_31, %eq3A_107 : vector<16xi32>
    %convert_element_type3A_109 = arith.extui %eq3A_108 : vector<16xi1> to vector<16xi32>
    %reduce_sum3A_110 = arith.constant true
    %reduce_sum3A_111 = vector.broadcast %reduce_sum3A_110 : i1 to vector<16xi1>
    %reduce_sum3A_112 = tpu.scan <sum>, %convert_element_type3A_109 masked %reduce_sum3A_111 : vector<16xi32>, vector<16xi1> -> vector<16xi32>
    %reduce_sum3A_113 = vector.extract %reduce_sum3A_112[15] : i32 from vector<16xi32>
    %eq3A_114 = arith.constant 5 : i32
    %eq3A_115 = vector.broadcast %eq3A_114 : i32 to vector<16xi32>
    %eq3A_116 = arith.cmpi eq, %iota3A, %eq3A_115 : vector<16xi32>
    %convert_element_type3A_117 = arith.extui %eq3A_116 : vector<16xi1> to vector<16xi32>
    %mul3A_118 = vector.broadcast %reduce_sum3A_113 : i32 to vector<16xi32>
    %mul3A_119 = arith.muli %convert_element_type3A_117, %mul3A_118 : vector<16xi32>
    %add3A_120 = arith.addi %add3A_105, %mul3A_119 : vector<16xi32>
    %eq3A_121 = arith.constant 6 : i32
    %eq3A_122 = vector.broadcast %eq3A_121 : i32 to vector<16xi32>
    %eq3A_123 = arith.cmpi eq, %add3A_31, %eq3A_122 : vector<16xi32>
    %convert_element_type3A_124 = arith.extui %eq3A_123 : vector<16xi1> to vector<16xi32>
    %reduce_sum3A_125 = arith.constant true
    %reduce_sum3A_126 = vector.broadcast %reduce_sum3A_125 : i1 to vector<16xi1>
    %reduce_sum3A_127 = tpu.scan <sum>, %convert_element_type3A_124 masked %reduce_sum3A_126 : vector<16xi32>, vector<16xi1> -> vector<16xi32>
    %reduce_sum3A_128 = vector.extract %reduce_sum3A_127[15] : i32 from vector<16xi32>
    %eq3A_129 = arith.constant 6 : i32
    %eq3A_130 = vector.broadcast %eq3A_129 : i32 to vector<16xi32>
    %eq3A_131 = arith.cmpi eq, %iota3A, %eq3A_130 : vector<16xi32>
    %convert_element_type3A_132 = arith.extui %eq3A_131 : vector<16xi1> to vector<16xi32>
    %mul3A_133 = vector.broadcast %reduce_sum3A_128 : i32 to vector<16xi32>
    %mul3A_134 = arith.muli %convert_element_type3A_132, %mul3A_133 : vector<16xi32>
    %add3A_135 = arith.addi %add3A_120, %mul3A_134 : vector<16xi32>
    %eq3A_136 = arith.constant 7 : i32
    %eq3A_137 = vector.broadcast %eq3A_136 : i32 to vector<16xi32>
    %eq3A_138 = arith.cmpi eq, %add3A_31, %eq3A_137 : vector<16xi32>
    %convert_element_type3A_139 = arith.extui %eq3A_138 : vector<16xi1> to vector<16xi32>
    %reduce_sum3A_140 = arith.constant true
    %reduce_sum3A_141 = vector.broadcast %reduce_sum3A_140 : i1 to vector<16xi1>
    %reduce_sum3A_142 = tpu.scan <sum>, %convert_element_type3A_139 masked %reduce_sum3A_141 : vector<16xi32>, vector<16xi1> -> vector<16xi32>
    %reduce_sum3A_143 = vector.extract %reduce_sum3A_142[15] : i32 from vector<16xi32>
    %eq3A_144 = arith.constant 7 : i32
    %eq3A_145 = vector.broadcast %eq3A_144 : i32 to vector<16xi32>
    %eq3A_146 = arith.cmpi eq, %iota3A, %eq3A_145 : vector<16xi32>
    %convert_element_type3A_147 = arith.extui %eq3A_146 : vector<16xi1> to vector<16xi32>
    %mul3A_148 = vector.broadcast %reduce_sum3A_143 : i32 to vector<16xi32>
    %mul3A_149 = arith.muli %convert_element_type3A_147, %mul3A_148 : vector<16xi32>
    %add3A_150 = arith.addi %add3A_135, %mul3A_149 : vector<16xi32>
    %eq3A_151 = arith.constant 8 : i32
    %eq3A_152 = vector.broadcast %eq3A_151 : i32 to vector<16xi32>
    %eq3A_153 = arith.cmpi eq, %add3A_31, %eq3A_152 : vector<16xi32>
    %convert_element_type3A_154 = arith.extui %eq3A_153 : vector<16xi1> to vector<16xi32>
    %reduce_sum3A_155 = arith.constant true
    %reduce_sum3A_156 = vector.broadcast %reduce_sum3A_155 : i1 to vector<16xi1>
    %reduce_sum3A_157 = tpu.scan <sum>, %convert_element_type3A_154 masked %reduce_sum3A_156 : vector<16xi32>, vector<16xi1> -> vector<16xi32>
    %reduce_sum3A_158 = vector.extract %reduce_sum3A_157[15] : i32 from vector<16xi32>
    %eq3A_159 = arith.constant 8 : i32
    %eq3A_160 = vector.broadcast %eq3A_159 : i32 to vector<16xi32>
    %eq3A_161 = arith.cmpi eq, %iota3A, %eq3A_160 : vector<16xi32>
    %convert_element_type3A_162 = arith.extui %eq3A_161 : vector<16xi1> to vector<16xi32>
    %mul3A_163 = vector.broadcast %reduce_sum3A_158 : i32 to vector<16xi32>
    %mul3A_164 = arith.muli %convert_element_type3A_162, %mul3A_163 : vector<16xi32>
    %add3A_165 = arith.addi %add3A_150, %mul3A_164 : vector<16xi32>
    %eq3A_166 = arith.constant 9 : i32
    %eq3A_167 = vector.broadcast %eq3A_166 : i32 to vector<16xi32>
    %eq3A_168 = arith.cmpi eq, %add3A_31, %eq3A_167 : vector<16xi32>
    %convert_element_type3A_169 = arith.extui %eq3A_168 : vector<16xi1> to vector<16xi32>
    %reduce_sum3A_170 = arith.constant true
    %reduce_sum3A_171 = vector.broadcast %reduce_sum3A_170 : i1 to vector<16xi1>
    %reduce_sum3A_172 = tpu.scan <sum>, %convert_element_type3A_169 masked %reduce_sum3A_171 : vector<16xi32>, vector<16xi1> -> vector<16xi32>
    %reduce_sum3A_173 = vector.extract %reduce_sum3A_172[15] : i32 from vector<16xi32>
    %eq3A_174 = arith.constant 9 : i32
    %eq3A_175 = vector.broadcast %eq3A_174 : i32 to vector<16xi32>
    %eq3A_176 = arith.cmpi eq, %iota3A, %eq3A_175 : vector<16xi32>
    %convert_element_type3A_177 = arith.extui %eq3A_176 : vector<16xi1> to vector<16xi32>
    %mul3A_178 = vector.broadcast %reduce_sum3A_173 : i32 to vector<16xi32>
    %mul3A_179 = arith.muli %convert_element_type3A_177, %mul3A_178 : vector<16xi32>
    %add3A_180 = arith.addi %add3A_165, %mul3A_179 : vector<16xi32>
    %get3A_181 = arith.constant 16 : index
    %get3A_182 = tpu.vector_load %arg9[%get3A_181] {strides = array<i32>} : memref<128xf32, #tpu.memory_space<vmem>>, vector<16xf32>,
    %get3A_183 = arith.constant 16 : index
    %get3A_184 = tpu.vector_load %arg10[%get3A_183] {strides = array<i32>} : memref<128xf32, #tpu.memory_space<vmem>>, vector<16xf32>,
    %mul3A_185 = arith.constant 5.000000e+00 : f32
    %mul3A_186 = vector.broadcast %mul3A_185 : f32 to vector<16xf32>
    %mul3A_187 = arith.mulf %get3A_182, %mul3A_186 : vector<16xf32>
    %convert_element_type3A_188 = arith.fptosi %mul3A_187 : vector<16xf32> to vector<16xi32>
    %jit3A_189 = arith.constant 0 : i32
    %jit3A_190 = arith.constant 4 : i32
    %max3A_191 = vector.broadcast %jit3A_189 : i32 to vector<16xi32>
    %max3A_192 = arith.maxsi %max3A_191, %convert_element_type3A_188 : vector<16xi32>
    %min3A_193 = vector.broadcast %jit3A_190 : i32 to vector<16xi32>
    %min3A_194 = arith.minsi %min3A_193, %max3A_192 : vector<16xi32>
    %mul3A_195 = arith.constant 8.000000e+00 : f32
    %mul3A_196 = vector.broadcast %mul3A_195 : f32 to vector<16xf32>
    %mul3A_197 = arith.mulf %get3A_184, %mul3A_196 : vector<16xf32>
    %div3A_198 = arith.constant 6.283180e+00 : f32
    %div3A_199 = vector.broadcast %div3A_198 : f32 to vector<16xf32>
    %div3A_200 = arith.divf %mul3A_197, %div3A_199 : vector<16xf32>
    %convert_element_type3A_201 = arith.fptosi %div3A_200 : vector<16xf32> to vector<16xi32>
    %jit3A_202 = arith.constant 0 : i32
    %jit3A_203 = arith.constant 7 : i32
    %max3A_204 = vector.broadcast %jit3A_202 : i32 to vector<16xi32>
    %max3A_205 = arith.maxsi %max3A_204, %convert_element_type3A_201 : vector<16xi32>
    %min3A_206 = vector.broadcast %jit3A_203 : i32 to vector<16xi32>
    %min3A_207 = arith.minsi %min3A_206, %max3A_205 : vector<16xi32>
    %mul3A_208 = arith.constant 2 : i32
    %mul3A_209 = vector.broadcast %mul3A_208 : i32 to vector<16xi32>
    %mul3A_210 = arith.muli %min3A_194, %mul3A_209 : vector<16xi32>
    %add3A_211 = arith.addi %mul3A_210, %min3A_207 : vector<16xi32>
    %swap3A_212 = arith.constant 16 : index
    %swap3A_213 = tpu.vector_load %arg11[%swap3A_212] {strides = array<i32>} : memref<128xi32, #tpu.memory_space<vmem>>, vector<16xi32>,
    tpu.vector_store %arg11[%swap3A_212], %add3A_211 {strides = array<i32>} : memref<128xi32, #tpu.memory_space<vmem>>, vector<16xi32>,
    %eq3A_214 = arith.constant 0 : i32
    %eq3A_215 = vector.broadcast %eq3A_214 : i32 to vector<16xi32>
    %eq3A_216 = arith.cmpi eq, %add3A_211, %eq3A_215 : vector<16xi32>
    %convert_element_type3A_217 = arith.extui %eq3A_216 : vector<16xi1> to vector<16xi32>
    %reduce_sum3A_218 = arith.constant true
    %reduce_sum3A_219 = vector.broadcast %reduce_sum3A_218 : i1 to vector<16xi1>
    %reduce_sum3A_220 = tpu.scan <sum>, %convert_element_type3A_217 masked %reduce_sum3A_219 : vector<16xi32>, vector<16xi1> -> vector<16xi32>
    %reduce_sum3A_221 = vector.extract %reduce_sum3A_220[15] : i32 from vector<16xi32>
    %eq3A_222 = arith.constant 0 : i32
    %eq3A_223 = vector.broadcast %eq3A_222 : i32 to vector<16xi32>
    %eq3A_224 = arith.cmpi eq, %iota3A, %eq3A_223 : vector<16xi32>
    %convert_element_type3A_225 = arith.extui %eq3A_224 : vector<16xi1> to vector<16xi32>
    %mul3A_226 = vector.broadcast %reduce_sum3A_221 : i32 to vector<16xi32>
    %mul3A_227 = arith.muli %convert_element_type3A_225, %mul3A_226 : vector<16xi32>
    %add3A_228 = arith.addi %add3A_180, %mul3A_227 : vector<16xi32>
    %eq3A_229 = arith.constant 1 : i32
    %eq3A_230 = vector.broadcast %eq3A_229 : i32 to vector<16xi32>
    %eq3A_231 = arith.cmpi eq, %add3A_211, %eq3A_230 : vector<16xi32>
    %convert_element_type3A_232 = arith.extui %eq3A_231 : vector<16xi1> to vector<16xi32>
    %reduce_sum3A_233 = arith.constant true
    %reduce_sum3A_234 = vector.broadcast %reduce_sum3A_233 : i1 to vector<16xi1>
    %reduce_sum3A_235 = tpu.scan <sum>, %convert_element_type3A_232 masked %reduce_sum3A_234 : vector<16xi32>, vector<16xi1> -> vector<16xi32>
    %reduce_sum3A_236 = vector.extract %reduce_sum3A_235[15] : i32 from vector<16xi32>
    %eq3A_237 = arith.constant 1 : i32
    %eq3A_238 = vector.broadcast %eq3A_237 : i32 to vector<16xi32>
    %eq3A_239 = arith.cmpi eq, %iota3A, %eq3A_238 : vector<16xi32>
    %convert_element_type3A_240 = arith.extui %eq3A_239 : vector<16xi1> to vector<16xi32>
    %mul3A_241 = vector.broadcast %reduce_sum3A_236 : i32 to vector<16xi32>
    %mul3A_242 = arith.muli %convert_element_type3A_240, %mul3A_241 : vector<16xi32>
    %add3A_243 = arith.addi %add3A_228, %mul3A_242 : vector<16xi32>
    %eq3A_244 = arith.constant 2 : i32
    %eq3A_245 = vector.broadcast %eq3A_244 : i32 to vector<16xi32>
    %eq3A_246 = arith.cmpi eq, %add3A_211, %eq3A_245 : vector<16xi32>
    %convert_element_type3A_247 = arith.extui %eq3A_246 : vector<16xi1> to vector<16xi32>
    %reduce_sum3A_248 = arith.constant true
    %reduce_sum3A_249 = vector.broadcast %reduce_sum3A_248 : i1 to vector<16xi1>
    %reduce_sum3A_250 = tpu.scan <sum>, %convert_element_type3A_247 masked %reduce_sum3A_249 : vector<16xi32>, vector<16xi1> -> vector<16xi32>
    %reduce_sum3A_251 = vector.extract %reduce_sum3A_250[15] : i32 from vector<16xi32>
    %eq3A_252 = arith.constant 2 : i32
    %eq3A_253 = vector.broadcast %eq3A_252 : i32 to vector<16xi32>
    %eq3A_254 = arith.cmpi eq, %iota3A, %eq3A_253 : vector<16xi32>
    %convert_element_type3A_255 = arith.extui %eq3A_254 : vector<16xi1> to vector<16xi32>
    %mul3A_256 = vector.broadcast %reduce_sum3A_251 : i32 to vector<16xi32>
    %mul3A_257 = arith.muli %convert_element_type3A_255, %mul3A_256 : vector<16xi32>
    %add3A_258 = arith.addi %add3A_243, %mul3A_257 : vector<16xi32>
    %eq3A_259 = arith.constant 3 : i32
    %eq3A_260 = vector.broadcast %eq3A_259 : i32 to vector<16xi32>
    %eq3A_261 = arith.cmpi eq, %add3A_211, %eq3A_260 : vector<16xi32>
    %convert_element_type3A_262 = arith.extui %eq3A_261 : vector<16xi1> to vector<16xi32>
    %reduce_sum3A_263 = arith.constant true
    %reduce_sum3A_264 = vector.broadcast %reduce_sum3A_263 : i1 to vector<16xi1>
    %reduce_sum3A_265 = tpu.scan <sum>, %convert_element_type3A_262 masked %reduce_sum3A_264 : vector<16xi32>, vector<16xi1> -> vector<16xi32>
    %reduce_sum3A_266 = vector.extract %reduce_sum3A_265[15] : i32 from vector<16xi32>
    %eq3A_267 = arith.constant 3 : i32
    %eq3A_268 = vector.broadcast %eq3A_267 : i32 to vector<16xi32>
    %eq3A_269 = arith.cmpi eq, %iota3A, %eq3A_268 : vector<16xi32>
    %convert_element_type3A_270 = arith.extui %eq3A_269 : vector<16xi1> to vector<16xi32>
    %mul3A_271 = vector.broadcast %reduce_sum3A_266 : i32 to vector<16xi32>
    %mul3A_272 = arith.muli %convert_element_type3A_270, %mul3A_271 : vector<16xi32>
    %add3A_273 = arith.addi %add3A_258, %mul3A_272 : vector<16xi32>
    %eq3A_274 = arith.constant 4 : i32
    %eq3A_275 = vector.broadcast %eq3A_274 : i32 to vector<16xi32>
    %eq3A_276 = arith.cmpi eq, %add3A_211, %eq3A_275 : vector<16xi32>
    %convert_element_type3A_277 = arith.extui %eq3A_276 : vector<16xi1> to vector<16xi32>
    %reduce_sum3A_278 = arith.constant true
    %reduce_sum3A_279 = vector.broadcast %reduce_sum3A_278 : i1 to vector<16xi1>
    %reduce_sum3A_280 = tpu.scan <sum>, %convert_element_type3A_277 masked %reduce_sum3A_279 : vector<16xi32>, vector<16xi1> -> vector<16xi32>
    %reduce_sum3A_281 = vector.extract %reduce_sum3A_280[15] : i32 from vector<16xi32>
    %eq3A_282 = arith.constant 4 : i32
    %eq3A_283 = vector.broadcast %eq3A_282 : i32 to vector<16xi32>
    %eq3A_284 = arith.cmpi eq, %iota3A, %eq3A_283 : vector<16xi32>
    %convert_element_type3A_285 = arith.extui %eq3A_284 : vector<16xi1> to vector<16xi32>
    %mul3A_286 = vector.broadcast %reduce_sum3A_281 : i32 to vector<16xi32>
    %mul3A_287 = arith.muli %convert_element_type3A_285, %mul3A_286 : vector<16xi32>
    %add3A_288 = arith.addi %add3A_273, %mul3A_287 : vector<16xi32>
    %eq3A_289 = arith.constant 5 : i32
    %eq3A_290 = vector.broadcast %eq3A_289 : i32 to vector<16xi32>
    %eq3A_291 = arith.cmpi eq, %add3A_211, %eq3A_290 : vector<16xi32>
    %convert_element_type3A_292 = arith.extui %eq3A_291 : vector<16xi1> to vector<16xi32>
    %reduce_sum3A_293 = arith.constant true
    %reduce_sum3A_294 = vector.broadcast %reduce_sum3A_293 : i1 to vector<16xi1>
    %reduce_sum3A_295 = tpu.scan <sum>, %convert_element_type3A_292 masked %reduce_sum3A_294 : vector<16xi32>, vector<16xi1> -> vector<16xi32>
    %reduce_sum3A_296 = vector.extract %reduce_sum3A_295[15] : i32 from vector<16xi32>
    %eq3A_297 = arith.constant 5 : i32
    %eq3A_298 = vector.broadcast %eq3A_297 : i32 to vector<16xi32>
    %eq3A_299 = arith.cmpi eq, %iota3A, %eq3A_298 : vector<16xi32>
    %convert_element_type3A_300 = arith.extui %eq3A_299 : vector<16xi1> to vector<16xi32>
    %mul3A_301 = vector.broadcast %reduce_sum3A_296 : i32 to vector<16xi32>
    %mul3A_302 = arith.muli %convert_element_type3A_300, %mul3A_301 : vector<16xi32>
    %add3A_303 = arith.addi %add3A_288, %mul3A_302 : vector<16xi32>
    %eq3A_304 = arith.constant 6 : i32
    %eq3A_305 = vector.broadcast %eq3A_304 : i32 to vector<16xi32>
    %eq3A_306 = arith.cmpi eq, %add3A_211, %eq3A_305 : vector<16xi32>
    %convert_element_type3A_307 = arith.extui %eq3A_306 : vector<16xi1> to vector<16xi32>
    %reduce_sum3A_308 = arith.constant true
    %reduce_sum3A_309 = vector.broadcast %reduce_sum3A_308 : i1 to vector<16xi1>
    %reduce_sum3A_310 = tpu.scan <sum>, %convert_element_type3A_307 masked %reduce_sum3A_309 : vector<16xi32>, vector<16xi1> -> vector<16xi32>
    %reduce_sum3A_311 = vector.extract %reduce_sum3A_310[15] : i32 from vector<16xi32>
    %eq3A_312 = arith.constant 6 : i32
    %eq3A_313 = vector.broadcast %eq3A_312 : i32 to vector<16xi32>
    %eq3A_314 = arith.cmpi eq, %iota3A, %eq3A_313 : vector<16xi32>
    %convert_element_type3A_315 = arith.extui %eq3A_314 : vector<16xi1> to vector<16xi32>
    %mul3A_316 = vector.broadcast %reduce_sum3A_311 : i32 to vector<16xi32>
    %mul3A_317 = arith.muli %convert_element_type3A_315, %mul3A_316 : vector<16xi32>
    %add3A_318 = arith.addi %add3A_303, %mul3A_317 : vector<16xi32>
    %eq3A_319 = arith.constant 7 : i32
    %eq3A_320 = vector.broadcast %eq3A_319 : i32 to vector<16xi32>
    %eq3A_321 = arith.cmpi eq, %add3A_211, %eq3A_320 : vector<16xi32>
    %convert_element_type3A_322 = arith.extui %eq3A_321 : vector<16xi1> to vector<16xi32>
    %reduce_sum3A_323 = arith.constant true
    %reduce_sum3A_324 = vector.broadcast %reduce_sum3A_323 : i1 to vector<16xi1>
    %reduce_sum3A_325 = tpu.scan <sum>, %convert_element_type3A_322 masked %reduce_sum3A_324 : vector<16xi32>, vector<16xi1> -> vector<16xi32>
    %reduce_sum3A_326 = vector.extract %reduce_sum3A_325[15] : i32 from vector<16xi32>
    %eq3A_327 = arith.constant 7 : i32
    %eq3A_328 = vector.broadcast %eq3A_327 : i32 to vector<16xi32>
    %eq3A_329 = arith.cmpi eq, %iota3A, %eq3A_328 : vector<16xi32>
    %convert_element_type3A_330 = arith.extui %eq3A_329 : vector<16xi1> to vector<16xi32>
    %mul3A_331 = vector.broadcast %reduce_sum3A_326 : i32 to vector<16xi32>
    %mul3A_332 = arith.muli %convert_element_type3A_330, %mul3A_331 : vector<16xi32>
    %add3A_333 = arith.addi %add3A_318, %mul3A_332 : vector<16xi32>
    %eq3A_334 = arith.constant 8 : i32
    %eq3A_335 = vector.broadcast %eq3A_334 : i32 to vector<16xi32>
    %eq3A_336 = arith.cmpi eq, %add3A_211, %eq3A_335 : vector<16xi32>
    %convert_element_type3A_337 = arith.extui %eq3A_336 : vector<16xi1> to vector<16xi32>
    %reduce_sum3A_338 = arith.constant true
    %reduce_sum3A_339 = vector.broadcast %reduce_sum3A_338 : i1 to vector<16xi1>
    %reduce_sum3A_340 = tpu.scan <sum>, %convert_element_type3A_337 masked %reduce_sum3A_339 : vector<16xi32>, vector<16xi1> -> vector<16xi32>
    %reduce_sum3A_341 = vector.extract %reduce_sum3A_340[15] : i32 from vector<16xi32>
    %eq3A_342 = arith.constant 8 : i32
    %eq3A_343 = vector.broadcast %eq3A_342 : i32 to vector<16xi32>
    %eq3A_344 = arith.cmpi eq, %iota3A, %eq3A_343 : vector<16xi32>
    %convert_element_type3A_345 = arith.extui %eq3A_344 : vector<16xi1> to vector<16xi32>
    %mul3A_346 = vector.broadcast %reduce_sum3A_341 : i32 to vector<16xi32>
    %mul3A_347 = arith.muli %convert_element_type3A_345, %mul3A_346 : vector<16xi32>
    %add3A_348 = arith.addi %add3A_333, %mul3A_347 : vector<16xi32>
    %eq3A_349 = arith.constant 9 : i32
    %eq3A_350 = vector.broadcast %eq3A_349 : i32 to vector<16xi32>
    %eq3A_351 = arith.cmpi eq, %add3A_211, %eq3A_350 : vector<16xi32>
    %convert_element_type3A_352 = arith.extui %eq3A_351 : vector<16xi1> to vector<16xi32>
    %reduce_sum3A_353 = arith.constant true
    %reduce_sum3A_354 = vector.broadcast %reduce_sum3A_353 : i1 to vector<16xi1>
    %reduce_sum3A_355 = tpu.scan <sum>, %convert_element_type3A_352 masked %reduce_sum3A_354 : vector<16xi32>, vector<16xi1> -> vector<16xi32>
    %reduce_sum3A_356 = vector.extract %reduce_sum3A_355[15] : i32 from vector<16xi32>
    %eq3A_357 = arith.constant 9 : i32
    %eq3A_358 = vector.broadcast %eq3A_357 : i32 to vector<16xi32>
    %eq3A_359 = arith.cmpi eq, %iota3A, %eq3A_358 : vector<16xi32>
    %convert_element_type3A_360 = arith.extui %eq3A_359 : vector<16xi1> to vector<16xi32>
    %mul3A_361 = vector.broadcast %reduce_sum3A_356 : i32 to vector<16xi32>
    %mul3A_362 = arith.muli %convert_element_type3A_360, %mul3A_361 : vector<16xi32>
    %add3A_363 = arith.addi %add3A_348, %mul3A_362 : vector<16xi32>
    %get3A_364 = arith.constant 32 : index
    %get3A_365 = tpu.vector_load %arg9[%get3A_364] {strides = array<i32>} : memref<128xf32, #tpu.memory_space<vmem>>, vector<16xf32>,
    %get3A_366 = arith.constant 32 : index
    %get3A_367 = tpu.vector_load %arg10[%get3A_366] {strides = array<i32>} : memref<128xf32, #tpu.memory_space<vmem>>, vector<16xf32>,
    %mul3A_368 = arith.constant 5.000000e+00 : f32
    %mul3A_369 = vector.broadcast %mul3A_368 : f32 to vector<16xf32>
    %mul3A_370 = arith.mulf %get3A_365, %mul3A_369 : vector<16xf32>
    %convert_element_type3A_371 = arith.fptosi %mul3A_370 : vector<16xf32> to vector<16xi32>
    %jit3A_372 = arith.constant 0 : i32
    %jit3A_373 = arith.constant 4 : i32
    %max3A_374 = vector.broadcast %jit3A_372 : i32 to vector<16xi32>
    %max3A_375 = arith.maxsi %max3A_374, %convert_element_type3A_371 : vector<16xi32>
    %min3A_376 = vector.broadcast %jit3A_373 : i32 to vector<16xi32>
    %min3A_377 = arith.minsi %min3A_376, %max3A_375 : vector<16xi32>
    %mul3A_378 = arith.constant 8.000000e+00 : f32
    %mul3A_379 = vector.broadcast %mul3A_378 : f32 to vector<16xf32>
    %mul3A_380 = arith.mulf %get3A_367, %mul3A_379 : vector<16xf32>
    %div3A_381 = arith.constant 6.283180e+00 : f32
    %div3A_382 = vector.broadcast %div3A_381 : f32 to vector<16xf32>
    %div3A_383 = arith.divf %mul3A_380, %div3A_382 : vector<16xf32>
    %convert_element_type3A_384 = arith.fptosi %div3A_383 : vector<16xf32> to vector<16xi32>
    %jit3A_385 = arith.constant 0 : i32
    %jit3A_386 = arith.constant 7 : i32
    %max3A_387 = vector.broadcast %jit3A_385 : i32 to vector<16xi32>
    %max3A_388 = arith.maxsi %max3A_387, %convert_element_type3A_384 : vector<16xi32>
    %min3A_389 = vector.broadcast %jit3A_386 : i32 to vector<16xi32>
    %min3A_390 = arith.minsi %min3A_389, %max3A_388 : vector<16xi32>
    %mul3A_391 = arith.constant 2 : i32
    %mul3A_392 = vector.broadcast %mul3A_391 : i32 to vector<16xi32>
    %mul3A_393 = arith.muli %min3A_377, %mul3A_392 : vector<16xi32>
    %add3A_394 = arith.addi %mul3A_393, %min3A_390 : vector<16xi32>
    %swap3A_395 = arith.constant 32 : index
    %swap3A_396 = tpu.vector_load %arg11[%swap3A_395] {strides = array<i32>} : memref<128xi32, #tpu.memory_space<vmem>>, vector<16xi32>,
    tpu.vector_store %arg11[%swap3A_395], %add3A_394 {strides = array<i32>} : memref<128xi32, #tpu.memory_space<vmem>>, vector<16xi32>,
    %eq3A_397 = arith.constant 0 : i32
    %eq3A_398 = vector.broadcast %eq3A_397 : i32 to vector<16xi32>
    %eq3A_399 = arith.cmpi eq, %add3A_394, %eq3A_398 : vector<16xi32>
    %convert_element_type3A_400 = arith.extui %eq3A_399 : vector<16xi1> to vector<16xi32>
    %reduce_sum3A_401 = arith.constant true
    %reduce_sum3A_402 = vector.broadcast %reduce_sum3A_401 : i1 to vector<16xi1>
    %reduce_sum3A_403 = tpu.scan <sum>, %convert_element_type3A_400 masked %reduce_sum3A_402 : vector<16xi32>, vector<16xi1> -> vector<16xi32>
    %reduce_sum3A_404 = vector.extract %reduce_sum3A_403[15] : i32 from vector<16xi32>
    %eq3A_405 = arith.constant 0 : i32
    %eq3A_406 = vector.broadcast %eq3A_405 : i32 to vector<16xi32>
    %eq3A_407 = arith.cmpi eq, %iota3A, %eq3A_406 : vector<16xi32>
    %convert_element_type3A_408 = arith.extui %eq3A_407 : vector<16xi1> to vector<16xi32>
    %mul3A_409 = vector.broadcast %reduce_sum3A_404 : i32 to vector<16xi32>
    %mul3A_410 = arith.muli %convert_element_type3A_408, %mul3A_409 : vector<16xi32>
    %add3A_411 = arith.addi %add3A_363, %mul3A_410 : vector<16xi32>
    %eq3A_412 = arith.constant 1 : i32
    %eq3A_413 = vector.broadcast %eq3A_412 : i32 to vector<16xi32>
    %eq3A_414 = arith.cmpi eq, %add3A_394, %eq3A_413 : vector<16xi32>
    %convert_element_type3A_415 = arith.extui %eq3A_414 : vector<16xi1> to vector<16xi32>
    %reduce_sum3A_416 = arith.constant true
    %reduce_sum3A_417 = vector.broadcast %reduce_sum3A_416 : i1 to vector<16xi1>
    %reduce_sum3A_418 = tpu.scan <sum>, %convert_element_type3A_415 masked %reduce_sum3A_417 : vector<16xi32>, vector<16xi1> -> vector<16xi32>
    %reduce_sum3A_419 = vector.extract %reduce_sum3A_418[15] : i32 from vector<16xi32>
    %eq3A_420 = arith.constant 1 : i32
    %eq3A_421 = vector.broadcast %eq3A_420 : i32 to vector<16xi32>
    %eq3A_422 = arith.cmpi eq, %iota3A, %eq3A_421 : vector<16xi32>
    %convert_element_type3A_423 = arith.extui %eq3A_422 : vector<16xi1> to vector<16xi32>
    %mul3A_424 = vector.broadcast %reduce_sum3A_419 : i32 to vector<16xi32>
    %mul3A_425 = arith.muli %convert_element_type3A_423, %mul3A_424 : vector<16xi32>
    %add3A_426 = arith.addi %add3A_411, %mul3A_425 : vector<16xi32>
    %eq3A_427 = arith.constant 2 : i32
    %eq3A_428 = vector.broadcast %eq3A_427 : i32 to vector<16xi32>
    %eq3A_429 = arith.cmpi eq, %add3A_394, %eq3A_428 : vector<16xi32>
    %convert_element_type3A_430 = arith.extui %eq3A_429 : vector<16xi1> to vector<16xi32>
    %reduce_sum3A_431 = arith.constant true
    %reduce_sum3A_432 = vector.broadcast %reduce_sum3A_431 : i1 to vector<16xi1>
    %reduce_sum3A_433 = tpu.scan <sum>, %convert_element_type3A_430 masked %reduce_sum3A_432 : vector<16xi32>, vector<16xi1> -> vector<16xi32>
    %reduce_sum3A_434 = vector.extract %reduce_sum3A_433[15] : i32 from vector<16xi32>
    %eq3A_435 = arith.constant 2 : i32
    %eq3A_436 = vector.broadcast %eq3A_435 : i32 to vector<16xi32>
    %eq3A_437 = arith.cmpi eq, %iota3A, %eq3A_436 : vector<16xi32>
    %convert_element_type3A_438 = arith.extui %eq3A_437 : vector<16xi1> to vector<16xi32>
    %mul3A_439 = vector.broadcast %reduce_sum3A_434 : i32 to vector<16xi32>
    %mul3A_440 = arith.muli %convert_element_type3A_438, %mul3A_439 : vector<16xi32>
    %add3A_441 = arith.addi %add3A_426, %mul3A_440 : vector<16xi32>
    %eq3A_442 = arith.constant 3 : i32
    %eq3A_443 = vector.broadcast %eq3A_442 : i32 to vector<16xi32>
    %eq3A_444 = arith.cmpi eq, %add3A_394, %eq3A_443 : vector<16xi32>
    %convert_element_type3A_445 = arith.extui %eq3A_444 : vector<16xi1> to vector<16xi32>
    %reduce_sum3A_446 = arith.constant true
    %reduce_sum3A_447 = vector.broadcast %reduce_sum3A_446 : i1 to vector<16xi1>
    %reduce_sum3A_448 = tpu.scan <sum>, %convert_element_type3A_445 masked %reduce_sum3A_447 : vector<16xi32>, vector<16xi1> -> vector<16xi32>
    %reduce_sum3A_449 = vector.extract %reduce_sum3A_448[15] : i32 from vector<16xi32>
    %eq3A_450 = arith.constant 3 : i32
    %eq3A_451 = vector.broadcast %eq3A_450 : i32 to vector<16xi32>
    %eq3A_452 = arith.cmpi eq, %iota3A, %eq3A_451 : vector<16xi32>
    %convert_element_type3A_453 = arith.extui %eq3A_452 : vector<16xi1> to vector<16xi32>
    %mul3A_454 = vector.broadcast %reduce_sum3A_449 : i32 to vector<16xi32>
    %mul3A_455 = arith.muli %convert_element_type3A_453, %mul3A_454 : vector<16xi32>
    %add3A_456 = arith.addi %add3A_441, %mul3A_455 : vector<16xi32>
    %eq3A_457 = arith.constant 4 : i32
    %eq3A_458 = vector.broadcast %eq3A_457 : i32 to vector<16xi32>
    %eq3A_459 = arith.cmpi eq, %add3A_394, %eq3A_458 : vector<16xi32>
    %convert_element_type3A_460 = arith.extui %eq3A_459 : vector<16xi1> to vector<16xi32>
    %reduce_sum3A_461 = arith.constant true
    %reduce_sum3A_462 = vector.broadcast %reduce_sum3A_461 : i1 to vector<16xi1>
    %reduce_sum3A_463 = tpu.scan <sum>, %convert_element_type3A_460 masked %reduce_sum3A_462 : vector<16xi32>, vector<16xi1> -> vector<16xi32>
    %reduce_sum3A_464 = vector.extract %reduce_sum3A_463[15] : i32 from vector<16xi32>
    %eq3A_465 = arith.constant 4 : i32
    %eq3A_466 = vector.broadcast %eq3A_465 : i32 to vector<16xi32>
    %eq3A_467 = arith.cmpi eq, %iota3A, %eq3A_466 : vector<16xi32>
    %convert_element_type3A_468 = arith.extui %eq3A_467 : vector<16xi1> to vector<16xi32>
    %mul3A_469 = vector.broadcast %reduce_sum3A_464 : i32 to vector<16xi32>
    %mul3A_470 = arith.muli %convert_element_type3A_468, %mul3A_469 : vector<16xi32>
    %add3A_471 = arith.addi %add3A_456, %mul3A_470 : vector<16xi32>
    %eq3A_472 = arith.constant 5 : i32
    %eq3A_473 = vector.broadcast %eq3A_472 : i32 to vector<16xi32>
    %eq3A_474 = arith.cmpi eq, %add3A_394, %eq3A_473 : vector<16xi32>
    %convert_element_type3A_475 = arith.extui %eq3A_474 : vector<16xi1> to vector<16xi32>
    %reduce_sum3A_476 = arith.constant true
    %reduce_sum3A_477 = vector.broadcast %reduce_sum3A_476 : i1 to vector<16xi1>
    %reduce_sum3A_478 = tpu.scan <sum>, %convert_element_type3A_475 masked %reduce_sum3A_477 : vector<16xi32>, vector<16xi1> -> vector<16xi32>
    %reduce_sum3A_479 = vector.extract %reduce_sum3A_478[15] : i32 from vector<16xi32>
    %eq3A_480 = arith.constant 5 : i32
    %eq3A_481 = vector.broadcast %eq3A_480 : i32 to vector<16xi32>
    %eq3A_482 = arith.cmpi eq, %iota3A, %eq3A_481 : vector<16xi32>
    %convert_element_type3A_483 = arith.extui %eq3A_482 : vector<16xi1> to vector<16xi32>
    %mul3A_484 = vector.broadcast %reduce_sum3A_479 : i32 to vector<16xi32>
    %mul3A_485 = arith.muli %convert_element_type3A_483, %mul3A_484 : vector<16xi32>
    %add3A_486 = arith.addi %add3A_471, %mul3A_485 : vector<16xi32>
    %eq3A_487 = arith.constant 6 : i32
    %eq3A_488 = vector.broadcast %eq3A_487 : i32 to vector<16xi32>
    %eq3A_489 = arith.cmpi eq, %add3A_394, %eq3A_488 : vector<16xi32>
    %convert_element_type3A_490 = arith.extui %eq3A_489 : vector<16xi1> to vector<16xi32>
    %reduce_sum3A_491 = arith.constant true
    %reduce_sum3A_492 = vector.broadcast %reduce_sum3A_491 : i1 to vector<16xi1>
    %reduce_sum3A_493 = tpu.scan <sum>, %convert_element_type3A_490 masked %reduce_sum3A_492 : vector<16xi32>, vector<16xi1> -> vector<16xi32>
    %reduce_sum3A_494 = vector.extract %reduce_sum3A_493[15] : i32 from vector<16xi32>
    %eq3A_495 = arith.constant 6 : i32
    %eq3A_496 = vector.broadcast %eq3A_495 : i32 to vector<16xi32>
    %eq3A_497 = arith.cmpi eq, %iota3A, %eq3A_496 : vector<16xi32>
    %convert_element_type3A_498 = arith.extui %eq3A_497 : vector<16xi1> to vector<16xi32>
    %mul3A_499 = vector.broadcast %reduce_sum3A_494 : i32 to vector<16xi32>
    %mul3A_500 = arith.muli %convert_element_type3A_498, %mul3A_499 : vector<16xi32>
    %add3A_501 = arith.addi %add3A_486, %mul3A_500 : vector<16xi32>
    %eq3A_502 = arith.constant 7 : i32
    %eq3A_503 = vector.broadcast %eq3A_502 : i32 to vector<16xi32>
    %eq3A_504 = arith.cmpi eq, %add3A_394, %eq3A_503 : vector<16xi32>
    %convert_element_type3A_505 = arith.extui %eq3A_504 : vector<16xi1> to vector<16xi32>
    %reduce_sum3A_506 = arith.constant true
    %reduce_sum3A_507 = vector.broadcast %reduce_sum3A_506 : i1 to vector<16xi1>
    %reduce_sum3A_508 = tpu.scan <sum>, %convert_element_type3A_505 masked %reduce_sum3A_507 : vector<16xi32>, vector<16xi1> -> vector<16xi32>
    %reduce_sum3A_509 = vector.extract %reduce_sum3A_508[15] : i32 from vector<16xi32>
    %eq3A_510 = arith.constant 7 : i32
    %eq3A_511 = vector.broadcast %eq3A_510 : i32 to vector<16xi32>
    %eq3A_512 = arith.cmpi eq, %iota3A, %eq3A_511 : vector<16xi32>
    %convert_element_type3A_513 = arith.extui %eq3A_512 : vector<16xi1> to vector<16xi32>
    %mul3A_514 = vector.broadcast %reduce_sum3A_509 : i32 to vector<16xi32>
    %mul3A_515 = arith.muli %convert_element_type3A_513, %mul3A_514 : vector<16xi32>
    %add3A_516 = arith.addi %add3A_501, %mul3A_515 : vector<16xi32>
    %eq3A_517 = arith.constant 8 : i32
    %eq3A_518 = vector.broadcast %eq3A_517 : i32 to vector<16xi32>
    %eq3A_519 = arith.cmpi eq, %add3A_394, %eq3A_518 : vector<16xi32>
    %convert_element_type3A_520 = arith.extui %eq3A_519 : vector<16xi1> to vector<16xi32>
    %reduce_sum3A_521 = arith.constant true
    %reduce_sum3A_522 = vector.broadcast %reduce_sum3A_521 : i1 to vector<16xi1>
    %reduce_sum3A_523 = tpu.scan <sum>, %convert_element_type3A_520 masked %reduce_sum3A_522 : vector<16xi32>, vector<16xi1> -> vector<16xi32>
    %reduce_sum3A_524 = vector.extract %reduce_sum3A_523[15] : i32 from vector<16xi32>
    %eq3A_525 = arith.constant 8 : i32
    %eq3A_526 = vector.broadcast %eq3A_525 : i32 to vector<16xi32>
    %eq3A_527 = arith.cmpi eq, %iota3A, %eq3A_526 : vector<16xi32>
    %convert_element_type3A_528 = arith.extui %eq3A_527 : vector<16xi1> to vector<16xi32>
    %mul3A_529 = vector.broadcast %reduce_sum3A_524 : i32 to vector<16xi32>
    %mul3A_530 = arith.muli %convert_element_type3A_528, %mul3A_529 : vector<16xi32>
    %add3A_531 = arith.addi %add3A_516, %mul3A_530 : vector<16xi32>
    %eq3A_532 = arith.constant 9 : i32
    %eq3A_533 = vector.broadcast %eq3A_532 : i32 to vector<16xi32>
    %eq3A_534 = arith.cmpi eq, %add3A_394, %eq3A_533 : vector<16xi32>
    %convert_element_type3A_535 = arith.extui %eq3A_534 : vector<16xi1> to vector<16xi32>
    %reduce_sum3A_536 = arith.constant true
    %reduce_sum3A_537 = vector.broadcast %reduce_sum3A_536 : i1 to vector<16xi1>
    %reduce_sum3A_538 = tpu.scan <sum>, %convert_element_type3A_535 masked %reduce_sum3A_537 : vector<16xi32>, vector<16xi1> -> vector<16xi32>
    %reduce_sum3A_539 = vector.extract %reduce_sum3A_538[15] : i32 from vector<16xi32>
    %eq3A_540 = arith.constant 9 : i32
    %eq3A_541 = vector.broadcast %eq3A_540 : i32 to vector<16xi32>
    %eq3A_542 = arith.cmpi eq, %iota3A, %eq3A_541 : vector<16xi32>
    %convert_element_type3A_543 = arith.extui %eq3A_542 : vector<16xi1> to vector<16xi32>
    %mul3A_544 = vector.broadcast %reduce_sum3A_539 : i32 to vector<16xi32>
    %mul3A_545 = arith.muli %convert_element_type3A_543, %mul3A_544 : vector<16xi32>
    %add3A_546 = arith.addi %add3A_531, %mul3A_545 : vector<16xi32>
    %get3A_547 = arith.constant 48 : index
    %get3A_548 = tpu.vector_load %arg9[%get3A_547] {strides = array<i32>} : memref<128xf32, #tpu.memory_space<vmem>>, vector<16xf32>,
    %get3A_549 = arith.constant 48 : index
    %get3A_550 = tpu.vector_load %arg10[%get3A_549] {strides = array<i32>} : memref<128xf32, #tpu.memory_space<vmem>>, vector<16xf32>,
    %mul3A_551 = arith.constant 5.000000e+00 : f32
    %mul3A_552 = vector.broadcast %mul3A_551 : f32 to vector<16xf32>
    %mul3A_553 = arith.mulf %get3A_548, %mul3A_552 : vector<16xf32>
    %convert_element_type3A_554 = arith.fptosi %mul3A_553 : vector<16xf32> to vector<16xi32>
    %jit3A_555 = arith.constant 0 : i32
    %jit3A_556 = arith.constant 4 : i32
    %max3A_557 = vector.broadcast %jit3A_555 : i32 to vector<16xi32>
    %max3A_558 = arith.maxsi %max3A_557, %convert_element_type3A_554 : vector<16xi32>
    %min3A_559 = vector.broadcast %jit3A_556 : i32 to vector<16xi32>
    %min3A_560 = arith.minsi %min3A_559, %max3A_558 : vector<16xi32>
    %mul3A_561 = arith.constant 8.000000e+00 : f32
    %mul3A_562 = vector.broadcast %mul3A_561 : f32 to vector<16xf32>
    %mul3A_563 = arith.mulf %get3A_550, %mul3A_562 : vector<16xf32>
    %div3A_564 = arith.constant 6.283180e+00 : f32
    %div3A_565 = vector.broadcast %div3A_564 : f32 to vector<16xf32>
    %div3A_566 = arith.divf %mul3A_563, %div3A_565 : vector<16xf32>
    %convert_element_type3A_567 = arith.fptosi %div3A_566 : vector<16xf32> to vector<16xi32>
    %jit3A_568 = arith.constant 0 : i32
    %jit3A_569 = arith.constant 7 : i32
    %max3A_570 = vector.broadcast %jit3A_568 : i32 to vector<16xi32>
    %max3A_571 = arith.maxsi %max3A_570, %convert_element_type3A_567 : vector<16xi32>
    %min3A_572 = vector.broadcast %jit3A_569 : i32 to vector<16xi32>
    %min3A_573 = arith.minsi %min3A_572, %max3A_571 : vector<16xi32>
    %mul3A_574 = arith.constant 2 : i32
    %mul3A_575 = vector.broadcast %mul3A_574 : i32 to vector<16xi32>
    %mul3A_576 = arith.muli %min3A_560, %mul3A_575 : vector<16xi32>
    %add3A_577 = arith.addi %mul3A_576, %min3A_573 : vector<16xi32>
    %swap3A_578 = arith.constant 48 : index
    %swap3A_579 = tpu.vector_load %arg11[%swap3A_578] {strides = array<i32>} : memref<128xi32, #tpu.memory_space<vmem>>, vector<16xi32>,
    tpu.vector_store %arg11[%swap3A_578], %add3A_577 {strides = array<i32>} : memref<128xi32, #tpu.memory_space<vmem>>, vector<16xi32>,
    %eq3A_580 = arith.constant 0 : i32
    %eq3A_581 = vector.broadcast %eq3A_580 : i32 to vector<16xi32>
    %eq3A_582 = arith.cmpi eq, %add3A_577, %eq3A_581 : vector<16xi32>
    %convert_element_type3A_583 = arith.extui %eq3A_582 : vector<16xi1> to vector<16xi32>
    %reduce_sum3A_584 = arith.constant true
    %reduce_sum3A_585 = vector.broadcast %reduce_sum3A_584 : i1 to vector<16xi1>
    %reduce_sum3A_586 = tpu.scan <sum>, %convert_element_type3A_583 masked %reduce_sum3A_585 : vector<16xi32>, vector<16xi1> -> vector<16xi32>
    %reduce_sum3A_587 = vector.extract %reduce_sum3A_586[15] : i32 from vector<16xi32>
    %eq3A_588 = arith.constant 0 : i32
    %eq3A_589 = vector.broadcast %eq3A_588 : i32 to vector<16xi32>
    %eq3A_590 = arith.cmpi eq, %iota3A, %eq3A_589 : vector<16xi32>
    %convert_element_type3A_591 = arith.extui %eq3A_590 : vector<16xi1> to vector<16xi32>
    %mul3A_592 = vector.broadcast %reduce_sum3A_587 : i32 to vector<16xi32>
    %mul3A_593 = arith.muli %convert_element_type3A_591, %mul3A_592 : vector<16xi32>
    %add3A_594 = arith.addi %add3A_546, %mul3A_593 : vector<16xi32>
    %eq3A_595 = arith.constant 1 : i32
    %eq3A_596 = vector.broadcast %eq3A_595 : i32 to vector<16xi32>
    %eq3A_597 = arith.cmpi eq, %add3A_577, %eq3A_596 : vector<16xi32>
    %convert_element_type3A_598 = arith.extui %eq3A_597 : vector<16xi1> to vector<16xi32>
    %reduce_sum3A_599 = arith.constant true
    %reduce_sum3A_600 = vector.broadcast %reduce_sum3A_599 : i1 to vector<16xi1>
    %reduce_sum3A_601 = tpu.scan <sum>, %convert_element_type3A_598 masked %reduce_sum3A_600 : vector<16xi32>, vector<16xi1> -> vector<16xi32>
    %reduce_sum3A_602 = vector.extract %reduce_sum3A_601[15] : i32 from vector<16xi32>
    %eq3A_603 = arith.constant 1 : i32
    %eq3A_604 = vector.broadcast %eq3A_603 : i32 to vector<16xi32>
    %eq3A_605 = arith.cmpi eq, %iota3A, %eq3A_604 : vector<16xi32>
    %convert_element_type3A_606 = arith.extui %eq3A_605 : vector<16xi1> to vector<16xi32>
    %mul3A_607 = vector.broadcast %reduce_sum3A_602 : i32 to vector<16xi32>
    %mul3A_608 = arith.muli %convert_element_type3A_606, %mul3A_607 : vector<16xi32>
    %add3A_609 = arith.addi %add3A_594, %mul3A_608 : vector<16xi32>
    %eq3A_610 = arith.constant 2 : i32
    %eq3A_611 = vector.broadcast %eq3A_610 : i32 to vector<16xi32>
    %eq3A_612 = arith.cmpi eq, %add3A_577, %eq3A_611 : vector<16xi32>
    %convert_element_type3A_613 = arith.extui %eq3A_612 : vector<16xi1> to vector<16xi32>
    %reduce_sum3A_614 = arith.constant true
    %reduce_sum3A_615 = vector.broadcast %reduce_sum3A_614 : i1 to vector<16xi1>
    %reduce_sum3A_616 = tpu.scan <sum>, %convert_element_type3A_613 masked %reduce_sum3A_615 : vector<16xi32>, vector<16xi1> -> vector<16xi32>
    %reduce_sum3A_617 = vector.extract %reduce_sum3A_616[15] : i32 from vector<16xi32>
    %eq3A_618 = arith.constant 2 : i32
    %eq3A_619 = vector.broadcast %eq3A_618 : i32 to vector<16xi32>
    %eq3A_620 = arith.cmpi eq, %iota3A, %eq3A_619 : vector<16xi32>
    %convert_element_type3A_621 = arith.extui %eq3A_620 : vector<16xi1> to vector<16xi32>
    %mul3A_622 = vector.broadcast %reduce_sum3A_617 : i32 to vector<16xi32>
    %mul3A_623 = arith.muli %convert_element_type3A_621, %mul3A_622 : vector<16xi32>
    %add3A_624 = arith.addi %add3A_609, %mul3A_623 : vector<16xi32>
    %eq3A_625 = arith.constant 3 : i32
    %eq3A_626 = vector.broadcast %eq3A_625 : i32 to vector<16xi32>
    %eq3A_627 = arith.cmpi eq, %add3A_577, %eq3A_626 : vector<16xi32>
    %convert_element_type3A_628 = arith.extui %eq3A_627 : vector<16xi1> to vector<16xi32>
    %reduce_sum3A_629 = arith.constant true
    %reduce_sum3A_630 = vector.broadcast %reduce_sum3A_629 : i1 to vector<16xi1>
    %reduce_sum3A_631 = tpu.scan <sum>, %convert_element_type3A_628 masked %reduce_sum3A_630 : vector<16xi32>, vector<16xi1> -> vector<16xi32>
    %reduce_sum3A_632 = vector.extract %reduce_sum3A_631[15] : i32 from vector<16xi32>
    %eq3A_633 = arith.constant 3 : i32
    %eq3A_634 = vector.broadcast %eq3A_633 : i32 to vector<16xi32>
    %eq3A_635 = arith.cmpi eq, %iota3A, %eq3A_634 : vector<16xi32>
    %convert_element_type3A_636 = arith.extui %eq3A_635 : vector<16xi1> to vector<16xi32>
    %mul3A_637 = vector.broadcast %reduce_sum3A_632 : i32 to vector<16xi32>
    %mul3A_638 = arith.muli %convert_element_type3A_636, %mul3A_637 : vector<16xi32>
    %add3A_639 = arith.addi %add3A_624, %mul3A_638 : vector<16xi32>
    %eq3A_640 = arith.constant 4 : i32
    %eq3A_641 = vector.broadcast %eq3A_640 : i32 to vector<16xi32>
    %eq3A_642 = arith.cmpi eq, %add3A_577, %eq3A_641 : vector<16xi32>
    %convert_element_type3A_643 = arith.extui %eq3A_642 : vector<16xi1> to vector<16xi32>
    %reduce_sum3A_644 = arith.constant true
    %reduce_sum3A_645 = vector.broadcast %reduce_sum3A_644 : i1 to vector<16xi1>
    %reduce_sum3A_646 = tpu.scan <sum>, %convert_element_type3A_643 masked %reduce_sum3A_645 : vector<16xi32>, vector<16xi1> -> vector<16xi32>
    %reduce_sum3A_647 = vector.extract %reduce_sum3A_646[15] : i32 from vector<16xi32>
    %eq3A_648 = arith.constant 4 : i32
    %eq3A_649 = vector.broadcast %eq3A_648 : i32 to vector<16xi32>
    %eq3A_650 = arith.cmpi eq, %iota3A, %eq3A_649 : vector<16xi32>
    %convert_element_type3A_651 = arith.extui %eq3A_650 : vector<16xi1> to vector<16xi32>
    %mul3A_652 = vector.broadcast %reduce_sum3A_647 : i32 to vector<16xi32>
    %mul3A_653 = arith.muli %convert_element_type3A_651, %mul3A_652 : vector<16xi32>
    %add3A_654 = arith.addi %add3A_639, %mul3A_653 : vector<16xi32>
    %eq3A_655 = arith.constant 5 : i32
    %eq3A_656 = vector.broadcast %eq3A_655 : i32 to vector<16xi32>
    %eq3A_657 = arith.cmpi eq, %add3A_577, %eq3A_656 : vector<16xi32>
    %convert_element_type3A_658 = arith.extui %eq3A_657 : vector<16xi1> to vector<16xi32>
    %reduce_sum3A_659 = arith.constant true
    %reduce_sum3A_660 = vector.broadcast %reduce_sum3A_659 : i1 to vector<16xi1>
    %reduce_sum3A_661 = tpu.scan <sum>, %convert_element_type3A_658 masked %reduce_sum3A_660 : vector<16xi32>, vector<16xi1> -> vector<16xi32>
    %reduce_sum3A_662 = vector.extract %reduce_sum3A_661[15] : i32 from vector<16xi32>
    %eq3A_663 = arith.constant 5 : i32
    %eq3A_664 = vector.broadcast %eq3A_663 : i32 to vector<16xi32>
    %eq3A_665 = arith.cmpi eq, %iota3A, %eq3A_664 : vector<16xi32>
    %convert_element_type3A_666 = arith.extui %eq3A_665 : vector<16xi1> to vector<16xi32>
    %mul3A_667 = vector.broadcast %reduce_sum3A_662 : i32 to vector<16xi32>
    %mul3A_668 = arith.muli %convert_element_type3A_666, %mul3A_667 : vector<16xi32>
    %add3A_669 = arith.addi %add3A_654, %mul3A_668 : vector<16xi32>
    %eq3A_670 = arith.constant 6 : i32
    %eq3A_671 = vector.broadcast %eq3A_670 : i32 to vector<16xi32>
    %eq3A_672 = arith.cmpi eq, %add3A_577, %eq3A_671 : vector<16xi32>
    %convert_element_type3A_673 = arith.extui %eq3A_672 : vector<16xi1> to vector<16xi32>
    %reduce_sum3A_674 = arith.constant true
    %reduce_sum3A_675 = vector.broadcast %reduce_sum3A_674 : i1 to vector<16xi1>
    %reduce_sum3A_676 = tpu.scan <sum>, %convert_element_type3A_673 masked %reduce_sum3A_675 : vector<16xi32>, vector<16xi1> -> vector<16xi32>
    %reduce_sum3A_677 = vector.extract %reduce_sum3A_676[15] : i32 from vector<16xi32>
    %eq3A_678 = arith.constant 6 : i32
    %eq3A_679 = vector.broadcast %eq3A_678 : i32 to vector<16xi32>
    %eq3A_680 = arith.cmpi eq, %iota3A, %eq3A_679 : vector<16xi32>
    %convert_element_type3A_681 = arith.extui %eq3A_680 : vector<16xi1> to vector<16xi32>
    %mul3A_682 = vector.broadcast %reduce_sum3A_677 : i32 to vector<16xi32>
    %mul3A_683 = arith.muli %convert_element_type3A_681, %mul3A_682 : vector<16xi32>
    %add3A_684 = arith.addi %add3A_669, %mul3A_683 : vector<16xi32>
    %eq3A_685 = arith.constant 7 : i32
    %eq3A_686 = vector.broadcast %eq3A_685 : i32 to vector<16xi32>
    %eq3A_687 = arith.cmpi eq, %add3A_577, %eq3A_686 : vector<16xi32>
    %convert_element_type3A_688 = arith.extui %eq3A_687 : vector<16xi1> to vector<16xi32>
    %reduce_sum3A_689 = arith.constant true
    %reduce_sum3A_690 = vector.broadcast %reduce_sum3A_689 : i1 to vector<16xi1>
    %reduce_sum3A_691 = tpu.scan <sum>, %convert_element_type3A_688 masked %reduce_sum3A_690 : vector<16xi32>, vector<16xi1> -> vector<16xi32>
    %reduce_sum3A_692 = vector.extract %reduce_sum3A_691[15] : i32 from vector<16xi32>
    %eq3A_693 = arith.constant 7 : i32
    %eq3A_694 = vector.broadcast %eq3A_693 : i32 to vector<16xi32>
    %eq3A_695 = arith.cmpi eq, %iota3A, %eq3A_694 : vector<16xi32>
    %convert_element_type3A_696 = arith.extui %eq3A_695 : vector<16xi1> to vector<16xi32>
    %mul3A_697 = vector.broadcast %reduce_sum3A_692 : i32 to vector<16xi32>
    %mul3A_698 = arith.muli %convert_element_type3A_696, %mul3A_697 : vector<16xi32>
    %add3A_699 = arith.addi %add3A_684, %mul3A_698 : vector<16xi32>
    %eq3A_700 = arith.constant 8 : i32
    %eq3A_701 = vector.broadcast %eq3A_700 : i32 to vector<16xi32>
    %eq3A_702 = arith.cmpi eq, %add3A_577, %eq3A_701 : vector<16xi32>
    %convert_element_type3A_703 = arith.extui %eq3A_702 : vector<16xi1> to vector<16xi32>
    %reduce_sum3A_704 = arith.constant true
    %reduce_sum3A_705 = vector.broadcast %reduce_sum3A_704 : i1 to vector<16xi1>
    %reduce_sum3A_706 = tpu.scan <sum>, %convert_element_type3A_703 masked %reduce_sum3A_705 : vector<16xi32>, vector<16xi1> -> vector<16xi32>
    %reduce_sum3A_707 = vector.extract %reduce_sum3A_706[15] : i32 from vector<16xi32>
    %eq3A_708 = arith.constant 8 : i32
    %eq3A_709 = vector.broadcast %eq3A_708 : i32 to vector<16xi32>
    %eq3A_710 = arith.cmpi eq, %iota3A, %eq3A_709 : vector<16xi32>
    %convert_element_type3A_711 = arith.extui %eq3A_710 : vector<16xi1> to vector<16xi32>
    %mul3A_712 = vector.broadcast %reduce_sum3A_707 : i32 to vector<16xi32>
    %mul3A_713 = arith.muli %convert_element_type3A_711, %mul3A_712 : vector<16xi32>
    %add3A_714 = arith.addi %add3A_699, %mul3A_713 : vector<16xi32>
    %eq3A_715 = arith.constant 9 : i32
    %eq3A_716 = vector.broadcast %eq3A_715 : i32 to vector<16xi32>
    %eq3A_717 = arith.cmpi eq, %add3A_577, %eq3A_716 : vector<16xi32>
    %convert_element_type3A_718 = arith.extui %eq3A_717 : vector<16xi1> to vector<16xi32>
    %reduce_sum3A_719 = arith.constant true
    %reduce_sum3A_720 = vector.broadcast %reduce_sum3A_719 : i1 to vector<16xi1>
    %reduce_sum3A_721 = tpu.scan <sum>, %convert_element_type3A_718 masked %reduce_sum3A_720 : vector<16xi32>, vector<16xi1> -> vector<16xi32>
    %reduce_sum3A_722 = vector.extract %reduce_sum3A_721[15] : i32 from vector<16xi32>
    %eq3A_723 = arith.constant 9 : i32
    %eq3A_724 = vector.broadcast %eq3A_723 : i32 to vector<16xi32>
    %eq3A_725 = arith.cmpi eq, %iota3A, %eq3A_724 : vector<16xi32>
    %convert_element_type3A_726 = arith.extui %eq3A_725 : vector<16xi1> to vector<16xi32>
    %mul3A_727 = vector.broadcast %reduce_sum3A_722 : i32 to vector<16xi32>
    %mul3A_728 = arith.muli %convert_element_type3A_726, %mul3A_727 : vector<16xi32>
    %add3A_729 = arith.addi %add3A_714, %mul3A_728 : vector<16xi32>
    %get3A_730 = arith.constant 64 : index
    %get3A_731 = tpu.vector_load %arg9[%get3A_730] {strides = array<i32>} : memref<128xf32, #tpu.memory_space<vmem>>, vector<16xf32>,
    %get3A_732 = arith.constant 64 : index
    %get3A_733 = tpu.vector_load %arg10[%get3A_732] {strides = array<i32>} : memref<128xf32, #tpu.memory_space<vmem>>, vector<16xf32>,
    %mul3A_734 = arith.constant 5.000000e+00 : f32
    %mul3A_735 = vector.broadcast %mul3A_734 : f32 to vector<16xf32>
    %mul3A_736 = arith.mulf %get3A_731, %mul3A_735 : vector<16xf32>
    %convert_element_type3A_737 = arith.fptosi %mul3A_736 : vector<16xf32> to vector<16xi32>
    %jit3A_738 = arith.constant 0 : i32
    %jit3A_739 = arith.constant 4 : i32
    %max3A_740 = vector.broadcast %jit3A_738 : i32 to vector<16xi32>
    %max3A_741 = arith.maxsi %max3A_740, %convert_element_type3A_737 : vector<16xi32>
    %min3A_742 = vector.broadcast %jit3A_739 : i32 to vector<16xi32>
    %min3A_743 = arith.minsi %min3A_742, %max3A_741 : vector<16xi32>
    %mul3A_744 = arith.constant 8.000000e+00 : f32
    %mul3A_745 = vector.broadcast %mul3A_744 : f32 to vector<16xf32>
    %mul3A_746 = arith.mulf %get3A_733, %mul3A_745 : vector<16xf32>
    %div3A_747 = arith.constant 6.283180e+00 : f32
    %div3A_748 = vector.broadcast %div3A_747 : f32 to vector<16xf32>
    %div3A_749 = arith.divf %mul3A_746, %div3A_748 : vector<16xf32>
    %convert_element_type3A_750 = arith.fptosi %div3A_749 : vector<16xf32> to vector<16xi32>
    %jit3A_751 = arith.constant 0 : i32
    %jit3A_752 = arith.constant 7 : i32
    %max3A_753 = vector.broadcast %jit3A_751 : i32 to vector<16xi32>
    %max3A_754 = arith.maxsi %max3A_753, %convert_element_type3A_750 : vector<16xi32>
    %min3A_755 = vector.broadcast %jit3A_752 : i32 to vector<16xi32>
    %min3A_756 = arith.minsi %min3A_755, %max3A_754 : vector<16xi32>
    %mul3A_757 = arith.constant 2 : i32
    %mul3A_758 = vector.broadcast %mul3A_757 : i32 to vector<16xi32>
    %mul3A_759 = arith.muli %min3A_743, %mul3A_758 : vector<16xi32>
    %add3A_760 = arith.addi %mul3A_759, %min3A_756 : vector<16xi32>
    %swap3A_761 = arith.constant 64 : index
    %swap3A_762 = tpu.vector_load %arg11[%swap3A_761] {strides = array<i32>} : memref<128xi32, #tpu.memory_space<vmem>>, vector<16xi32>,
    tpu.vector_store %arg11[%swap3A_761], %add3A_760 {strides = array<i32>} : memref<128xi32, #tpu.memory_space<vmem>>, vector<16xi32>,
    %eq3A_763 = arith.constant 0 : i32
    %eq3A_764 = vector.broadcast %eq3A_763 : i32 to vector<16xi32>
    %eq3A_765 = arith.cmpi eq, %add3A_760, %eq3A_764 : vector<16xi32>
    %convert_element_type3A_766 = arith.extui %eq3A_765 : vector<16xi1> to vector<16xi32>
    %reduce_sum3A_767 = arith.constant true
    %reduce_sum3A_768 = vector.broadcast %reduce_sum3A_767 : i1 to vector<16xi1>
    %reduce_sum3A_769 = tpu.scan <sum>, %convert_element_type3A_766 masked %reduce_sum3A_768 : vector<16xi32>, vector<16xi1> -> vector<16xi32>
    %reduce_sum3A_770 = vector.extract %reduce_sum3A_769[15] : i32 from vector<16xi32>
    %eq3A_771 = arith.constant 0 : i32
    %eq3A_772 = vector.broadcast %eq3A_771 : i32 to vector<16xi32>
    %eq3A_773 = arith.cmpi eq, %iota3A, %eq3A_772 : vector<16xi32>
    %convert_element_type3A_774 = arith.extui %eq3A_773 : vector<16xi1> to vector<16xi32>
    %mul3A_775 = vector.broadcast %reduce_sum3A_770 : i32 to vector<16xi32>
    %mul3A_776 = arith.muli %convert_element_type3A_774, %mul3A_775 : vector<16xi32>
    %add3A_777 = arith.addi %add3A_729, %mul3A_776 : vector<16xi32>
    %eq3A_778 = arith.constant 1 : i32
    %eq3A_779 = vector.broadcast %eq3A_778 : i32 to vector<16xi32>
    %eq3A_780 = arith.cmpi eq, %add3A_760, %eq3A_779 : vector<16xi32>
    %convert_element_type3A_781 = arith.extui %eq3A_780 : vector<16xi1> to vector<16xi32>
    %reduce_sum3A_782 = arith.constant true
    %reduce_sum3A_783 = vector.broadcast %reduce_sum3A_782 : i1 to vector<16xi1>
    %reduce_sum3A_784 = tpu.scan <sum>, %convert_element_type3A_781 masked %reduce_sum3A_783 : vector<16xi32>, vector<16xi1> -> vector<16xi32>
    %reduce_sum3A_785 = vector.extract %reduce_sum3A_784[15] : i32 from vector<16xi32>
    %eq3A_786 = arith.constant 1 : i32
    %eq3A_787 = vector.broadcast %eq3A_786 : i32 to vector<16xi32>
    %eq3A_788 = arith.cmpi eq, %iota3A, %eq3A_787 : vector<16xi32>
    %convert_element_type3A_789 = arith.extui %eq3A_788 : vector<16xi1> to vector<16xi32>
    %mul3A_790 = vector.broadcast %reduce_sum3A_785 : i32 to vector<16xi32>
    %mul3A_791 = arith.muli %convert_element_type3A_789, %mul3A_790 : vector<16xi32>
    %add3A_792 = arith.addi %add3A_777, %mul3A_791 : vector<16xi32>
    %eq3A_793 = arith.constant 2 : i32
    %eq3A_794 = vector.broadcast %eq3A_793 : i32 to vector<16xi32>
    %eq3A_795 = arith.cmpi eq, %add3A_760, %eq3A_794 : vector<16xi32>
    %convert_element_type3A_796 = arith.extui %eq3A_795 : vector<16xi1> to vector<16xi32>
    %reduce_sum3A_797 = arith.constant true
    %reduce_sum3A_798 = vector.broadcast %reduce_sum3A_797 : i1 to vector<16xi1>
    %reduce_sum3A_799 = tpu.scan <sum>, %convert_element_type3A_796 masked %reduce_sum3A_798 : vector<16xi32>, vector<16xi1> -> vector<16xi32>
    %reduce_sum3A_800 = vector.extract %reduce_sum3A_799[15] : i32 from vector<16xi32>
    %eq3A_801 = arith.constant 2 : i32
    %eq3A_802 = vector.broadcast %eq3A_801 : i32 to vector<16xi32>
    %eq3A_803 = arith.cmpi eq, %iota3A, %eq3A_802 : vector<16xi32>
    %convert_element_type3A_804 = arith.extui %eq3A_803 : vector<16xi1> to vector<16xi32>
    %mul3A_805 = vector.broadcast %reduce_sum3A_800 : i32 to vector<16xi32>
    %mul3A_806 = arith.muli %convert_element_type3A_804, %mul3A_805 : vector<16xi32>
    %add3A_807 = arith.addi %add3A_792, %mul3A_806 : vector<16xi32>
    %eq3A_808 = arith.constant 3 : i32
    %eq3A_809 = vector.broadcast %eq3A_808 : i32 to vector<16xi32>
    %eq3A_810 = arith.cmpi eq, %add3A_760, %eq3A_809 : vector<16xi32>
    %convert_element_type3A_811 = arith.extui %eq3A_810 : vector<16xi1> to vector<16xi32>
    %reduce_sum3A_812 = arith.constant true
    %reduce_sum3A_813 = vector.broadcast %reduce_sum3A_812 : i1 to vector<16xi1>
    %reduce_sum3A_814 = tpu.scan <sum>, %convert_element_type3A_811 masked %reduce_sum3A_813 : vector<16xi32>, vector<16xi1> -> vector<16xi32>
    %reduce_sum3A_815 = vector.extract %reduce_sum3A_814[15] : i32 from vector<16xi32>
    %eq3A_816 = arith.constant 3 : i32
    %eq3A_817 = vector.broadcast %eq3A_816 : i32 to vector<16xi32>
    %eq3A_818 = arith.cmpi eq, %iota3A, %eq3A_817 : vector<16xi32>
    %convert_element_type3A_819 = arith.extui %eq3A_818 : vector<16xi1> to vector<16xi32>
    %mul3A_820 = vector.broadcast %reduce_sum3A_815 : i32 to vector<16xi32>
    %mul3A_821 = arith.muli %convert_element_type3A_819, %mul3A_820 : vector<16xi32>
    %add3A_822 = arith.addi %add3A_807, %mul3A_821 : vector<16xi32>
    %eq3A_823 = arith.constant 4 : i32
    %eq3A_824 = vector.broadcast %eq3A_823 : i32 to vector<16xi32>
    %eq3A_825 = arith.cmpi eq, %add3A_760, %eq3A_824 : vector<16xi32>
    %convert_element_type3A_826 = arith.extui %eq3A_825 : vector<16xi1> to vector<16xi32>
    %reduce_sum3A_827 = arith.constant true
    %reduce_sum3A_828 = vector.broadcast %reduce_sum3A_827 : i1 to vector<16xi1>
    %reduce_sum3A_829 = tpu.scan <sum>, %convert_element_type3A_826 masked %reduce_sum3A_828 : vector<16xi32>, vector<16xi1> -> vector<16xi32>
    %reduce_sum3A_830 = vector.extract %reduce_sum3A_829[15] : i32 from vector<16xi32>
    %eq3A_831 = arith.constant 4 : i32
    %eq3A_832 = vector.broadcast %eq3A_831 : i32 to vector<16xi32>
    %eq3A_833 = arith.cmpi eq, %iota3A, %eq3A_832 : vector<16xi32>
    %convert_element_type3A_834 = arith.extui %eq3A_833 : vector<16xi1> to vector<16xi32>
    %mul3A_835 = vector.broadcast %reduce_sum3A_830 : i32 to vector<16xi32>
    %mul3A_836 = arith.muli %convert_element_type3A_834, %mul3A_835 : vector<16xi32>
    %add3A_837 = arith.addi %add3A_822, %mul3A_836 : vector<16xi32>
    %eq3A_838 = arith.constant 5 : i32
    %eq3A_839 = vector.broadcast %eq3A_838 : i32 to vector<16xi32>
    %eq3A_840 = arith.cmpi eq, %add3A_760, %eq3A_839 : vector<16xi32>
    %convert_element_type3A_841 = arith.extui %eq3A_840 : vector<16xi1> to vector<16xi32>
    %reduce_sum3A_842 = arith.constant true
    %reduce_sum3A_843 = vector.broadcast %reduce_sum3A_842 : i1 to vector<16xi1>
    %reduce_sum3A_844 = tpu.scan <sum>, %convert_element_type3A_841 masked %reduce_sum3A_843 : vector<16xi32>, vector<16xi1> -> vector<16xi32>
    %reduce_sum3A_845 = vector.extract %reduce_sum3A_844[15] : i32 from vector<16xi32>
    %eq3A_846 = arith.constant 5 : i32
    %eq3A_847 = vector.broadcast %eq3A_846 : i32 to vector<16xi32>
    %eq3A_848 = arith.cmpi eq, %iota3A, %eq3A_847 : vector<16xi32>
    %convert_element_type3A_849 = arith.extui %eq3A_848 : vector<16xi1> to vector<16xi32>
    %mul3A_850 = vector.broadcast %reduce_sum3A_845 : i32 to vector<16xi32>
    %mul3A_851 = arith.muli %convert_element_type3A_849, %mul3A_850 : vector<16xi32>
    %add3A_852 = arith.addi %add3A_837, %mul3A_851 : vector<16xi32>
    %eq3A_853 = arith.constant 6 : i32
    %eq3A_854 = vector.broadcast %eq3A_853 : i32 to vector<16xi32>
    %eq3A_855 = arith.cmpi eq, %add3A_760, %eq3A_854 : vector<16xi32>
    %convert_element_type3A_856 = arith.extui %eq3A_855 : vector<16xi1> to vector<16xi32>
    %reduce_sum3A_857 = arith.constant true
    %reduce_sum3A_858 = vector.broadcast %reduce_sum3A_857 : i1 to vector<16xi1>
    %reduce_sum3A_859 = tpu.scan <sum>, %convert_element_type3A_856 masked %reduce_sum3A_858 : vector<16xi32>, vector<16xi1> -> vector<16xi32>
    %reduce_sum3A_860 = vector.extract %reduce_sum3A_859[15] : i32 from vector<16xi32>
    %eq3A_861 = arith.constant 6 : i32
    %eq3A_862 = vector.broadcast %eq3A_861 : i32 to vector<16xi32>
    %eq3A_863 = arith.cmpi eq, %iota3A, %eq3A_862 : vector<16xi32>
    %convert_element_type3A_864 = arith.extui %eq3A_863 : vector<16xi1> to vector<16xi32>
    %mul3A_865 = vector.broadcast %reduce_sum3A_860 : i32 to vector<16xi32>
    %mul3A_866 = arith.muli %convert_element_type3A_864, %mul3A_865 : vector<16xi32>
    %add3A_867 = arith.addi %add3A_852, %mul3A_866 : vector<16xi32>
    %eq3A_868 = arith.constant 7 : i32
    %eq3A_869 = vector.broadcast %eq3A_868 : i32 to vector<16xi32>
    %eq3A_870 = arith.cmpi eq, %add3A_760, %eq3A_869 : vector<16xi32>
    %convert_element_type3A_871 = arith.extui %eq3A_870 : vector<16xi1> to vector<16xi32>
    %reduce_sum3A_872 = arith.constant true
    %reduce_sum3A_873 = vector.broadcast %reduce_sum3A_872 : i1 to vector<16xi1>
    %reduce_sum3A_874 = tpu.scan <sum>, %convert_element_type3A_871 masked %reduce_sum3A_873 : vector<16xi32>, vector<16xi1> -> vector<16xi32>
    %reduce_sum3A_875 = vector.extract %reduce_sum3A_874[15] : i32 from vector<16xi32>
    %eq3A_876 = arith.constant 7 : i32
    %eq3A_877 = vector.broadcast %eq3A_876 : i32 to vector<16xi32>
    %eq3A_878 = arith.cmpi eq, %iota3A, %eq3A_877 : vector<16xi32>
    %convert_element_type3A_879 = arith.extui %eq3A_878 : vector<16xi1> to vector<16xi32>
    %mul3A_880 = vector.broadcast %reduce_sum3A_875 : i32 to vector<16xi32>
    %mul3A_881 = arith.muli %convert_element_type3A_879, %mul3A_880 : vector<16xi32>
    %add3A_882 = arith.addi %add3A_867, %mul3A_881 : vector<16xi32>
    %eq3A_883 = arith.constant 8 : i32
    %eq3A_884 = vector.broadcast %eq3A_883 : i32 to vector<16xi32>
    %eq3A_885 = arith.cmpi eq, %add3A_760, %eq3A_884 : vector<16xi32>
    %convert_element_type3A_886 = arith.extui %eq3A_885 : vector<16xi1> to vector<16xi32>
    %reduce_sum3A_887 = arith.constant true
    %reduce_sum3A_888 = vector.broadcast %reduce_sum3A_887 : i1 to vector<16xi1>
    %reduce_sum3A_889 = tpu.scan <sum>, %convert_element_type3A_886 masked %reduce_sum3A_888 : vector<16xi32>, vector<16xi1> -> vector<16xi32>
    %reduce_sum3A_890 = vector.extract %reduce_sum3A_889[15] : i32 from vector<16xi32>
    %eq3A_891 = arith.constant 8 : i32
    %eq3A_892 = vector.broadcast %eq3A_891 : i32 to vector<16xi32>
    %eq3A_893 = arith.cmpi eq, %iota3A, %eq3A_892 : vector<16xi32>
    %convert_element_type3A_894 = arith.extui %eq3A_893 : vector<16xi1> to vector<16xi32>
    %mul3A_895 = vector.broadcast %reduce_sum3A_890 : i32 to vector<16xi32>
    %mul3A_896 = arith.muli %convert_element_type3A_894, %mul3A_895 : vector<16xi32>
    %add3A_897 = arith.addi %add3A_882, %mul3A_896 : vector<16xi32>
    %eq3A_898 = arith.constant 9 : i32
    %eq3A_899 = vector.broadcast %eq3A_898 : i32 to vector<16xi32>
    %eq3A_900 = arith.cmpi eq, %add3A_760, %eq3A_899 : vector<16xi32>
    %convert_element_type3A_901 = arith.extui %eq3A_900 : vector<16xi1> to vector<16xi32>
    %reduce_sum3A_902 = arith.constant true
    %reduce_sum3A_903 = vector.broadcast %reduce_sum3A_902 : i1 to vector<16xi1>
    %reduce_sum3A_904 = tpu.scan <sum>, %convert_element_type3A_901 masked %reduce_sum3A_903 : vector<16xi32>, vector<16xi1> -> vector<16xi32>
    %reduce_sum3A_905 = vector.extract %reduce_sum3A_904[15] : i32 from vector<16xi32>
    %eq3A_906 = arith.constant 9 : i32
    %eq3A_907 = vector.broadcast %eq3A_906 : i32 to vector<16xi32>
    %eq3A_908 = arith.cmpi eq, %iota3A, %eq3A_907 : vector<16xi32>
    %convert_element_type3A_909 = arith.extui %eq3A_908 : vector<16xi1> to vector<16xi32>
    %mul3A_910 = vector.broadcast %reduce_sum3A_905 : i32 to vector<16xi32>
    %mul3A_911 = arith.muli %convert_element_type3A_909, %mul3A_910 : vector<16xi32>
    %add3A_912 = arith.addi %add3A_897, %mul3A_911 : vector<16xi32>
    %get3A_913 = arith.constant 80 : index
    %get3A_914 = tpu.vector_load %arg9[%get3A_913] {strides = array<i32>} : memref<128xf32, #tpu.memory_space<vmem>>, vector<16xf32>,
    %get3A_915 = arith.constant 80 : index
    %get3A_916 = tpu.vector_load %arg10[%get3A_915] {strides = array<i32>} : memref<128xf32, #tpu.memory_space<vmem>>, vector<16xf32>,
    %mul3A_917 = arith.constant 5.000000e+00 : f32
    %mul3A_918 = vector.broadcast %mul3A_917 : f32 to vector<16xf32>
    %mul3A_919 = arith.mulf %get3A_914, %mul3A_918 : vector<16xf32>
    %convert_element_type3A_920 = arith.fptosi %mul3A_919 : vector<16xf32> to vector<16xi32>
    %jit3A_921 = arith.constant 0 : i32
    %jit3A_922 = arith.constant 4 : i32
    %max3A_923 = vector.broadcast %jit3A_921 : i32 to vector<16xi32>
    %max3A_924 = arith.maxsi %max3A_923, %convert_element_type3A_920 : vector<16xi32>
    %min3A_925 = vector.broadcast %jit3A_922 : i32 to vector<16xi32>
    %min3A_926 = arith.minsi %min3A_925, %max3A_924 : vector<16xi32>
    %mul3A_927 = arith.constant 8.000000e+00 : f32
    %mul3A_928 = vector.broadcast %mul3A_927 : f32 to vector<16xf32>
    %mul3A_929 = arith.mulf %get3A_916, %mul3A_928 : vector<16xf32>
    %div3A_930 = arith.constant 6.283180e+00 : f32
    %div3A_931 = vector.broadcast %div3A_930 : f32 to vector<16xf32>
    %div3A_932 = arith.divf %mul3A_929, %div3A_931 : vector<16xf32>
    %convert_element_type3A_933 = arith.fptosi %div3A_932 : vector<16xf32> to vector<16xi32>
    %jit3A_934 = arith.constant 0 : i32
    %jit3A_935 = arith.constant 7 : i32
    %max3A_936 = vector.broadcast %jit3A_934 : i32 to vector<16xi32>
    %max3A_937 = arith.maxsi %max3A_936, %convert_element_type3A_933 : vector<16xi32>
    %min3A_938 = vector.broadcast %jit3A_935 : i32 to vector<16xi32>
    %min3A_939 = arith.minsi %min3A_938, %max3A_937 : vector<16xi32>
    %mul3A_940 = arith.constant 2 : i32
    %mul3A_941 = vector.broadcast %mul3A_940 : i32 to vector<16xi32>
    %mul3A_942 = arith.muli %min3A_926, %mul3A_941 : vector<16xi32>
    %add3A_943 = arith.addi %mul3A_942, %min3A_939 : vector<16xi32>
    %swap3A_944 = arith.constant 80 : index
    %swap3A_945 = tpu.vector_load %arg11[%swap3A_944] {strides = array<i32>} : memref<128xi32, #tpu.memory_space<vmem>>, vector<16xi32>,
    tpu.vector_store %arg11[%swap3A_944], %add3A_943 {strides = array<i32>} : memref<128xi32, #tpu.memory_space<vmem>>, vector<16xi32>,
    %eq3A_946 = arith.constant 0 : i32
    %eq3A_947 = vector.broadcast %eq3A_946 : i32 to vector<16xi32>
    %eq3A_948 = arith.cmpi eq, %add3A_943, %eq3A_947 : vector<16xi32>
    %convert_element_type3A_949 = arith.extui %eq3A_948 : vector<16xi1> to vector<16xi32>
    %reduce_sum3A_950 = arith.constant true
    %reduce_sum3A_951 = vector.broadcast %reduce_sum3A_950 : i1 to vector<16xi1>
    %reduce_sum3A_952 = tpu.scan <sum>, %convert_element_type3A_949 masked %reduce_sum3A_951 : vector<16xi32>, vector<16xi1> -> vector<16xi32>
    %reduce_sum3A_953 = vector.extract %reduce_sum3A_952[15] : i32 from vector<16xi32>
    %eq3A_954 = arith.constant 0 : i32
    %eq3A_955 = vector.broadcast %eq3A_954 : i32 to vector<16xi32>
    %eq3A_956 = arith.cmpi eq, %iota3A, %eq3A_955 : vector<16xi32>
    %convert_element_type3A_957 = arith.extui %eq3A_956 : vector<16xi1> to vector<16xi32>
    %mul3A_958 = vector.broadcast %reduce_sum3A_953 : i32 to vector<16xi32>
    %mul3A_959 = arith.muli %convert_element_type3A_957, %mul3A_958 : vector<16xi32>
    %add3A_960 = arith.addi %add3A_912, %mul3A_959 : vector<16xi32>
    %eq3A_961 = arith.constant 1 : i32
    %eq3A_962 = vector.broadcast %eq3A_961 : i32 to vector<16xi32>
    %eq3A_963 = arith.cmpi eq, %add3A_943, %eq3A_962 : vector<16xi32>
    %convert_element_type3A_964 = arith.extui %eq3A_963 : vector<16xi1> to vector<16xi32>
    %reduce_sum3A_965 = arith.constant true
    %reduce_sum3A_966 = vector.broadcast %reduce_sum3A_965 : i1 to vector<16xi1>
    %reduce_sum3A_967 = tpu.scan <sum>, %convert_element_type3A_964 masked %reduce_sum3A_966 : vector<16xi32>, vector<16xi1> -> vector<16xi32>
    %reduce_sum3A_968 = vector.extract %reduce_sum3A_967[15] : i32 from vector<16xi32>
    %eq3A_969 = arith.constant 1 : i32
    %eq3A_970 = vector.broadcast %eq3A_969 : i32 to vector<16xi32>
    %eq3A_971 = arith.cmpi eq, %iota3A, %eq3A_970 : vector<16xi32>
    %convert_element_type3A_972 = arith.extui %eq3A_971 : vector<16xi1> to vector<16xi32>
    %mul3A_973 = vector.broadcast %reduce_sum3A_968 : i32 to vector<16xi32>
    %mul3A_974 = arith.muli %convert_element_type3A_972, %mul3A_973 : vector<16xi32>
    %add3A_975 = arith.addi %add3A_960, %mul3A_974 : vector<16xi32>
    %eq3A_976 = arith.constant 2 : i32
    %eq3A_977 = vector.broadcast %eq3A_976 : i32 to vector<16xi32>
    %eq3A_978 = arith.cmpi eq, %add3A_943, %eq3A_977 : vector<16xi32>
    %convert_element_type3A_979 = arith.extui %eq3A_978 : vector<16xi1> to vector<16xi32>
    %reduce_sum3A_980 = arith.constant true
    %reduce_sum3A_981 = vector.broadcast %reduce_sum3A_980 : i1 to vector<16xi1>
    %reduce_sum3A_982 = tpu.scan <sum>, %convert_element_type3A_979 masked %reduce_sum3A_981 : vector<16xi32>, vector<16xi1> -> vector<16xi32>
    %reduce_sum3A_983 = vector.extract %reduce_sum3A_982[15] : i32 from vector<16xi32>
    %eq3A_984 = arith.constant 2 : i32
    %eq3A_985 = vector.broadcast %eq3A_984 : i32 to vector<16xi32>
    %eq3A_986 = arith.cmpi eq, %iota3A, %eq3A_985 : vector<16xi32>
    %convert_element_type3A_987 = arith.extui %eq3A_986 : vector<16xi1> to vector<16xi32>
    %mul3A_988 = vector.broadcast %reduce_sum3A_983 : i32 to vector<16xi32>
    %mul3A_989 = arith.muli %convert_element_type3A_987, %mul3A_988 : vector<16xi32>
    %add3A_990 = arith.addi %add3A_975, %mul3A_989 : vector<16xi32>
    %eq3A_991 = arith.constant 3 : i32
    %eq3A_992 = vector.broadcast %eq3A_991 : i32 to vector<16xi32>
    %eq3A_993 = arith.cmpi eq, %add3A_943, %eq3A_992 : vector<16xi32>
    %convert_element_type3A_994 = arith.extui %eq3A_993 : vector<16xi1> to vector<16xi32>
    %reduce_sum3A_995 = arith.constant true
    %reduce_sum3A_996 = vector.broadcast %reduce_sum3A_995 : i1 to vector<16xi1>
    %reduce_sum3A_997 = tpu.scan <sum>, %convert_element_type3A_994 masked %reduce_sum3A_996 : vector<16xi32>, vector<16xi1> -> vector<16xi32>
    %reduce_sum3A_998 = vector.extract %reduce_sum3A_997[15] : i32 from vector<16xi32>
    %eq3A_999 = arith.constant 3 : i32
    %eq3A_1000 = vector.broadcast %eq3A_999 : i32 to vector<16xi32>
    %eq3A_1001 = arith.cmpi eq, %iota3A, %eq3A_1000 : vector<16xi32>
    %convert_element_type3A_1002 = arith.extui %eq3A_1001 : vector<16xi1> to vector<16xi32>
    %mul3A_1003 = vector.broadcast %reduce_sum3A_998 : i32 to vector<16xi32>
    %mul3A_1004 = arith.muli %convert_element_type3A_1002, %mul3A_1003 : vector<16xi32>
    %add3A_1005 = arith.addi %add3A_990, %mul3A_1004 : vector<16xi32>
    %eq3A_1006 = arith.constant 4 : i32
    %eq3A_1007 = vector.broadcast %eq3A_1006 : i32 to vector<16xi32>
    %eq3A_1008 = arith.cmpi eq, %add3A_943, %eq3A_1007 : vector<16xi32>
    %convert_element_type3A_1009 = arith.extui %eq3A_1008 : vector<16xi1> to vector<16xi32>
    %reduce_sum3A_1010 = arith.constant true
    %reduce_sum3A_1011 = vector.broadcast %reduce_sum3A_1010 : i1 to vector<16xi1>
    %reduce_sum3A_1012 = tpu.scan <sum>, %convert_element_type3A_1009 masked %reduce_sum3A_1011 : vector<16xi32>, vector<16xi1> -> vector<16xi32>
    %reduce_sum3A_1013 = vector.extract %reduce_sum3A_1012[15] : i32 from vector<16xi32>
    %eq3A_1014 = arith.constant 4 : i32
    %eq3A_1015 = vector.broadcast %eq3A_1014 : i32 to vector<16xi32>
    %eq3A_1016 = arith.cmpi eq, %iota3A, %eq3A_1015 : vector<16xi32>
    %convert_element_type3A_1017 = arith.extui %eq3A_1016 : vector<16xi1> to vector<16xi32>
    %mul3A_1018 = vector.broadcast %reduce_sum3A_1013 : i32 to vector<16xi32>
    %mul3A_1019 = arith.muli %convert_element_type3A_1017, %mul3A_1018 : vector<16xi32>
    %add3A_1020 = arith.addi %add3A_1005, %mul3A_1019 : vector<16xi32>
    %eq3A_1021 = arith.constant 5 : i32
    %eq3A_1022 = vector.broadcast %eq3A_1021 : i32 to vector<16xi32>
    %eq3A_1023 = arith.cmpi eq, %add3A_943, %eq3A_1022 : vector<16xi32>
    %convert_element_type3A_1024 = arith.extui %eq3A_1023 : vector<16xi1> to vector<16xi32>
    %reduce_sum3A_1025 = arith.constant true
    %reduce_sum3A_1026 = vector.broadcast %reduce_sum3A_1025 : i1 to vector<16xi1>
    %reduce_sum3A_1027 = tpu.scan <sum>, %convert_element_type3A_1024 masked %reduce_sum3A_1026 : vector<16xi32>, vector<16xi1> -> vector<16xi32>
    %reduce_sum3A_1028 = vector.extract %reduce_sum3A_1027[15] : i32 from vector<16xi32>
    %eq3A_1029 = arith.constant 5 : i32
    %eq3A_1030 = vector.broadcast %eq3A_1029 : i32 to vector<16xi32>
    %eq3A_1031 = arith.cmpi eq, %iota3A, %eq3A_1030 : vector<16xi32>
    %convert_element_type3A_1032 = arith.extui %eq3A_1031 : vector<16xi1> to vector<16xi32>
    %mul3A_1033 = vector.broadcast %reduce_sum3A_1028 : i32 to vector<16xi32>
    %mul3A_1034 = arith.muli %convert_element_type3A_1032, %mul3A_1033 : vector<16xi32>
    %add3A_1035 = arith.addi %add3A_1020, %mul3A_1034 : vector<16xi32>
    %eq3A_1036 = arith.constant 6 : i32
    %eq3A_1037 = vector.broadcast %eq3A_1036 : i32 to vector<16xi32>
    %eq3A_1038 = arith.cmpi eq, %add3A_943, %eq3A_1037 : vector<16xi32>
    %convert_element_type3A_1039 = arith.extui %eq3A_1038 : vector<16xi1> to vector<16xi32>
    %reduce_sum3A_1040 = arith.constant true
    %reduce_sum3A_1041 = vector.broadcast %reduce_sum3A_1040 : i1 to vector<16xi1>
    %reduce_sum3A_1042 = tpu.scan <sum>, %convert_element_type3A_1039 masked %reduce_sum3A_1041 : vector<16xi32>, vector<16xi1> -> vector<16xi32>
    %reduce_sum3A_1043 = vector.extract %reduce_sum3A_1042[15] : i32 from vector<16xi32>
    %eq3A_1044 = arith.constant 6 : i32
    %eq3A_1045 = vector.broadcast %eq3A_1044 : i32 to vector<16xi32>
    %eq3A_1046 = arith.cmpi eq, %iota3A, %eq3A_1045 : vector<16xi32>
    %convert_element_type3A_1047 = arith.extui %eq3A_1046 : vector<16xi1> to vector<16xi32>
    %mul3A_1048 = vector.broadcast %reduce_sum3A_1043 : i32 to vector<16xi32>
    %mul3A_1049 = arith.muli %convert_element_type3A_1047, %mul3A_1048 : vector<16xi32>
    %add3A_1050 = arith.addi %add3A_1035, %mul3A_1049 : vector<16xi32>
    %eq3A_1051 = arith.constant 7 : i32
    %eq3A_1052 = vector.broadcast %eq3A_1051 : i32 to vector<16xi32>
    %eq3A_1053 = arith.cmpi eq, %add3A_943, %eq3A_1052 : vector<16xi32>
    %convert_element_type3A_1054 = arith.extui %eq3A_1053 : vector<16xi1> to vector<16xi32>
    %reduce_sum3A_1055 = arith.constant true
    %reduce_sum3A_1056 = vector.broadcast %reduce_sum3A_1055 : i1 to vector<16xi1>
    %reduce_sum3A_1057 = tpu.scan <sum>, %convert_element_type3A_1054 masked %reduce_sum3A_1056 : vector<16xi32>, vector<16xi1> -> vector<16xi32>
    %reduce_sum3A_1058 = vector.extract %reduce_sum3A_1057[15] : i32 from vector<16xi32>
    %eq3A_1059 = arith.constant 7 : i32
    %eq3A_1060 = vector.broadcast %eq3A_1059 : i32 to vector<16xi32>
    %eq3A_1061 = arith.cmpi eq, %iota3A, %eq3A_1060 : vector<16xi32>
    %convert_element_type3A_1062 = arith.extui %eq3A_1061 : vector<16xi1> to vector<16xi32>
    %mul3A_1063 = vector.broadcast %reduce_sum3A_1058 : i32 to vector<16xi32>
    %mul3A_1064 = arith.muli %convert_element_type3A_1062, %mul3A_1063 : vector<16xi32>
    %add3A_1065 = arith.addi %add3A_1050, %mul3A_1064 : vector<16xi32>
    %eq3A_1066 = arith.constant 8 : i32
    %eq3A_1067 = vector.broadcast %eq3A_1066 : i32 to vector<16xi32>
    %eq3A_1068 = arith.cmpi eq, %add3A_943, %eq3A_1067 : vector<16xi32>
    %convert_element_type3A_1069 = arith.extui %eq3A_1068 : vector<16xi1> to vector<16xi32>
    %reduce_sum3A_1070 = arith.constant true
    %reduce_sum3A_1071 = vector.broadcast %reduce_sum3A_1070 : i1 to vector<16xi1>
    %reduce_sum3A_1072 = tpu.scan <sum>, %convert_element_type3A_1069 masked %reduce_sum3A_1071 : vector<16xi32>, vector<16xi1> -> vector<16xi32>
    %reduce_sum3A_1073 = vector.extract %reduce_sum3A_1072[15] : i32 from vector<16xi32>
    %eq3A_1074 = arith.constant 8 : i32
    %eq3A_1075 = vector.broadcast %eq3A_1074 : i32 to vector<16xi32>
    %eq3A_1076 = arith.cmpi eq, %iota3A, %eq3A_1075 : vector<16xi32>
    %convert_element_type3A_1077 = arith.extui %eq3A_1076 : vector<16xi1> to vector<16xi32>
    %mul3A_1078 = vector.broadcast %reduce_sum3A_1073 : i32 to vector<16xi32>
    %mul3A_1079 = arith.muli %convert_element_type3A_1077, %mul3A_1078 : vector<16xi32>
    %add3A_1080 = arith.addi %add3A_1065, %mul3A_1079 : vector<16xi32>
    %eq3A_1081 = arith.constant 9 : i32
    %eq3A_1082 = vector.broadcast %eq3A_1081 : i32 to vector<16xi32>
    %eq3A_1083 = arith.cmpi eq, %add3A_943, %eq3A_1082 : vector<16xi32>
    %convert_element_type3A_1084 = arith.extui %eq3A_1083 : vector<16xi1> to vector<16xi32>
    %reduce_sum3A_1085 = arith.constant true
    %reduce_sum3A_1086 = vector.broadcast %reduce_sum3A_1085 : i1 to vector<16xi1>
    %reduce_sum3A_1087 = tpu.scan <sum>, %convert_element_type3A_1084 masked %reduce_sum3A_1086 : vector<16xi32>, vector<16xi1> -> vector<16xi32>
    %reduce_sum3A_1088 = vector.extract %reduce_sum3A_1087[15] : i32 from vector<16xi32>
    %eq3A_1089 = arith.constant 9 : i32
    %eq3A_1090 = vector.broadcast %eq3A_1089 : i32 to vector<16xi32>
    %eq3A_1091 = arith.cmpi eq, %iota3A, %eq3A_1090 : vector<16xi32>
    %convert_element_type3A_1092 = arith.extui %eq3A_1091 : vector<16xi1> to vector<16xi32>
    %mul3A_1093 = vector.broadcast %reduce_sum3A_1088 : i32 to vector<16xi32>
    %mul3A_1094 = arith.muli %convert_element_type3A_1092, %mul3A_1093 : vector<16xi32>
    %add3A_1095 = arith.addi %add3A_1080, %mul3A_1094 : vector<16xi32>
    %get3A_1096 = arith.constant 96 : index
    %get3A_1097 = tpu.vector_load %arg9[%get3A_1096] {strides = array<i32>} : memref<128xf32, #tpu.memory_space<vmem>>, vector<16xf32>,
    %get3A_1098 = arith.constant 96 : index
    %get3A_1099 = tpu.vector_load %arg10[%get3A_1098] {strides = array<i32>} : memref<128xf32, #tpu.memory_space<vmem>>, vector<16xf32>,
    %mul3A_1100 = arith.constant 5.000000e+00 : f32
    %mul3A_1101 = vector.broadcast %mul3A_1100 : f32 to vector<16xf32>
    %mul3A_1102 = arith.mulf %get3A_1097, %mul3A_1101 : vector<16xf32>
    %convert_element_type3A_1103 = arith.fptosi %mul3A_1102 : vector<16xf32> to vector<16xi32>
    %jit3A_1104 = arith.constant 0 : i32
    %jit3A_1105 = arith.constant 4 : i32
    %max3A_1106 = vector.broadcast %jit3A_1104 : i32 to vector<16xi32>
    %max3A_1107 = arith.maxsi %max3A_1106, %convert_element_type3A_1103 : vector<16xi32>
    %min3A_1108 = vector.broadcast %jit3A_1105 : i32 to vector<16xi32>
    %min3A_1109 = arith.minsi %min3A_1108, %max3A_1107 : vector<16xi32>
    %mul3A_1110 = arith.constant 8.000000e+00 : f32
    %mul3A_1111 = vector.broadcast %mul3A_1110 : f32 to vector<16xf32>
    %mul3A_1112 = arith.mulf %get3A_1099, %mul3A_1111 : vector<16xf32>
    %div3A_1113 = arith.constant 6.283180e+00 : f32
    %div3A_1114 = vector.broadcast %div3A_1113 : f32 to vector<16xf32>
    %div3A_1115 = arith.divf %mul3A_1112, %div3A_1114 : vector<16xf32>
    %convert_element_type3A_1116 = arith.fptosi %div3A_1115 : vector<16xf32> to vector<16xi32>
    %jit3A_1117 = arith.constant 0 : i32
    %jit3A_1118 = arith.constant 7 : i32
    %max3A_1119 = vector.broadcast %jit3A_1117 : i32 to vector<16xi32>
    %max3A_1120 = arith.maxsi %max3A_1119, %convert_element_type3A_1116 : vector<16xi32>
    %min3A_1121 = vector.broadcast %jit3A_1118 : i32 to vector<16xi32>
    %min3A_1122 = arith.minsi %min3A_1121, %max3A_1120 : vector<16xi32>
    %mul3A_1123 = arith.constant 2 : i32
    %mul3A_1124 = vector.broadcast %mul3A_1123 : i32 to vector<16xi32>
    %mul3A_1125 = arith.muli %min3A_1109, %mul3A_1124 : vector<16xi32>
    %add3A_1126 = arith.addi %mul3A_1125, %min3A_1122 : vector<16xi32>
    %swap3A_1127 = arith.constant 96 : index
    %swap3A_1128 = tpu.vector_load %arg11[%swap3A_1127] {strides = array<i32>} : memref<128xi32, #tpu.memory_space<vmem>>, vector<16xi32>,
    tpu.vector_store %arg11[%swap3A_1127], %add3A_1126 {strides = array<i32>} : memref<128xi32, #tpu.memory_space<vmem>>, vector<16xi32>,
    %eq3A_1129 = arith.constant 0 : i32
    %eq3A_1130 = vector.broadcast %eq3A_1129 : i32 to vector<16xi32>
    %eq3A_1131 = arith.cmpi eq, %add3A_1126, %eq3A_1130 : vector<16xi32>
    %convert_element_type3A_1132 = arith.extui %eq3A_1131 : vector<16xi1> to vector<16xi32>
    %reduce_sum3A_1133 = arith.constant true
    %reduce_sum3A_1134 = vector.broadcast %reduce_sum3A_1133 : i1 to vector<16xi1>
    %reduce_sum3A_1135 = tpu.scan <sum>, %convert_element_type3A_1132 masked %reduce_sum3A_1134 : vector<16xi32>, vector<16xi1> -> vector<16xi32>
    %reduce_sum3A_1136 = vector.extract %reduce_sum3A_1135[15] : i32 from vector<16xi32>
    %eq3A_1137 = arith.constant 0 : i32
    %eq3A_1138 = vector.broadcast %eq3A_1137 : i32 to vector<16xi32>
    %eq3A_1139 = arith.cmpi eq, %iota3A, %eq3A_1138 : vector<16xi32>
    %convert_element_type3A_1140 = arith.extui %eq3A_1139 : vector<16xi1> to vector<16xi32>
    %mul3A_1141 = vector.broadcast %reduce_sum3A_1136 : i32 to vector<16xi32>
    %mul3A_1142 = arith.muli %convert_element_type3A_1140, %mul3A_1141 : vector<16xi32>
    %add3A_1143 = arith.addi %add3A_1095, %mul3A_1142 : vector<16xi32>
    %eq3A_1144 = arith.constant 1 : i32
    %eq3A_1145 = vector.broadcast %eq3A_1144 : i32 to vector<16xi32>
    %eq3A_1146 = arith.cmpi eq, %add3A_1126, %eq3A_1145 : vector<16xi32>
    %convert_element_type3A_1147 = arith.extui %eq3A_1146 : vector<16xi1> to vector<16xi32>
    %reduce_sum3A_1148 = arith.constant true
    %reduce_sum3A_1149 = vector.broadcast %reduce_sum3A_1148 : i1 to vector<16xi1>
    %reduce_sum3A_1150 = tpu.scan <sum>, %convert_element_type3A_1147 masked %reduce_sum3A_1149 : vector<16xi32>, vector<16xi1> -> vector<16xi32>
    %reduce_sum3A_1151 = vector.extract %reduce_sum3A_1150[15] : i32 from vector<16xi32>
    %eq3A_1152 = arith.constant 1 : i32
    %eq3A_1153 = vector.broadcast %eq3A_1152 : i32 to vector<16xi32>
    %eq3A_1154 = arith.cmpi eq, %iota3A, %eq3A_1153 : vector<16xi32>
    %convert_element_type3A_1155 = arith.extui %eq3A_1154 : vector<16xi1> to vector<16xi32>
    %mul3A_1156 = vector.broadcast %reduce_sum3A_1151 : i32 to vector<16xi32>
    %mul3A_1157 = arith.muli %convert_element_type3A_1155, %mul3A_1156 : vector<16xi32>
    %add3A_1158 = arith.addi %add3A_1143, %mul3A_1157 : vector<16xi32>
    %eq3A_1159 = arith.constant 2 : i32
    %eq3A_1160 = vector.broadcast %eq3A_1159 : i32 to vector<16xi32>
    %eq3A_1161 = arith.cmpi eq, %add3A_1126, %eq3A_1160 : vector<16xi32>
    %convert_element_type3A_1162 = arith.extui %eq3A_1161 : vector<16xi1> to vector<16xi32>
    %reduce_sum3A_1163 = arith.constant true
    %reduce_sum3A_1164 = vector.broadcast %reduce_sum3A_1163 : i1 to vector<16xi1>
    %reduce_sum3A_1165 = tpu.scan <sum>, %convert_element_type3A_1162 masked %reduce_sum3A_1164 : vector<16xi32>, vector<16xi1> -> vector<16xi32>
    %reduce_sum3A_1166 = vector.extract %reduce_sum3A_1165[15] : i32 from vector<16xi32>
    %eq3A_1167 = arith.constant 2 : i32
    %eq3A_1168 = vector.broadcast %eq3A_1167 : i32 to vector<16xi32>
    %eq3A_1169 = arith.cmpi eq, %iota3A, %eq3A_1168 : vector<16xi32>
    %convert_element_type3A_1170 = arith.extui %eq3A_1169 : vector<16xi1> to vector<16xi32>
    %mul3A_1171 = vector.broadcast %reduce_sum3A_1166 : i32 to vector<16xi32>
    %mul3A_1172 = arith.muli %convert_element_type3A_1170, %mul3A_1171 : vector<16xi32>
    %add3A_1173 = arith.addi %add3A_1158, %mul3A_1172 : vector<16xi32>
    %eq3A_1174 = arith.constant 3 : i32
    %eq3A_1175 = vector.broadcast %eq3A_1174 : i32 to vector<16xi32>
    %eq3A_1176 = arith.cmpi eq, %add3A_1126, %eq3A_1175 : vector<16xi32>
    %convert_element_type3A_1177 = arith.extui %eq3A_1176 : vector<16xi1> to vector<16xi32>
    %reduce_sum3A_1178 = arith.constant true
    %reduce_sum3A_1179 = vector.broadcast %reduce_sum3A_1178 : i1 to vector<16xi1>
    %reduce_sum3A_1180 = tpu.scan <sum>, %convert_element_type3A_1177 masked %reduce_sum3A_1179 : vector<16xi32>, vector<16xi1> -> vector<16xi32>
    %reduce_sum3A_1181 = vector.extract %reduce_sum3A_1180[15] : i32 from vector<16xi32>
    %eq3A_1182 = arith.constant 3 : i32
    %eq3A_1183 = vector.broadcast %eq3A_1182 : i32 to vector<16xi32>
    %eq3A_1184 = arith.cmpi eq, %iota3A, %eq3A_1183 : vector<16xi32>
    %convert_element_type3A_1185 = arith.extui %eq3A_1184 : vector<16xi1> to vector<16xi32>
    %mul3A_1186 = vector.broadcast %reduce_sum3A_1181 : i32 to vector<16xi32>
    %mul3A_1187 = arith.muli %convert_element_type3A_1185, %mul3A_1186 : vector<16xi32>
    %add3A_1188 = arith.addi %add3A_1173, %mul3A_1187 : vector<16xi32>
    %eq3A_1189 = arith.constant 4 : i32
    %eq3A_1190 = vector.broadcast %eq3A_1189 : i32 to vector<16xi32>
    %eq3A_1191 = arith.cmpi eq, %add3A_1126, %eq3A_1190 : vector<16xi32>
    %convert_element_type3A_1192 = arith.extui %eq3A_1191 : vector<16xi1> to vector<16xi32>
    %reduce_sum3A_1193 = arith.constant true
    %reduce_sum3A_1194 = vector.broadcast %reduce_sum3A_1193 : i1 to vector<16xi1>
    %reduce_sum3A_1195 = tpu.scan <sum>, %convert_element_type3A_1192 masked %reduce_sum3A_1194 : vector<16xi32>, vector<16xi1> -> vector<16xi32>
    %reduce_sum3A_1196 = vector.extract %reduce_sum3A_1195[15] : i32 from vector<16xi32>
    %eq3A_1197 = arith.constant 4 : i32
    %eq3A_1198 = vector.broadcast %eq3A_1197 : i32 to vector<16xi32>
    %eq3A_1199 = arith.cmpi eq, %iota3A, %eq3A_1198 : vector<16xi32>
    %convert_element_type3A_1200 = arith.extui %eq3A_1199 : vector<16xi1> to vector<16xi32>
    %mul3A_1201 = vector.broadcast %reduce_sum3A_1196 : i32 to vector<16xi32>
    %mul3A_1202 = arith.muli %convert_element_type3A_1200, %mul3A_1201 : vector<16xi32>
    %add3A_1203 = arith.addi %add3A_1188, %mul3A_1202 : vector<16xi32>
    %eq3A_1204 = arith.constant 5 : i32
    %eq3A_1205 = vector.broadcast %eq3A_1204 : i32 to vector<16xi32>
    %eq3A_1206 = arith.cmpi eq, %add3A_1126, %eq3A_1205 : vector<16xi32>
    %convert_element_type3A_1207 = arith.extui %eq3A_1206 : vector<16xi1> to vector<16xi32>
    %reduce_sum3A_1208 = arith.constant true
    %reduce_sum3A_1209 = vector.broadcast %reduce_sum3A_1208 : i1 to vector<16xi1>
    %reduce_sum3A_1210 = tpu.scan <sum>, %convert_element_type3A_1207 masked %reduce_sum3A_1209 : vector<16xi32>, vector<16xi1> -> vector<16xi32>
    %reduce_sum3A_1211 = vector.extract %reduce_sum3A_1210[15] : i32 from vector<16xi32>
    %eq3A_1212 = arith.constant 5 : i32
    %eq3A_1213 = vector.broadcast %eq3A_1212 : i32 to vector<16xi32>
    %eq3A_1214 = arith.cmpi eq, %iota3A, %eq3A_1213 : vector<16xi32>
    %convert_element_type3A_1215 = arith.extui %eq3A_1214 : vector<16xi1> to vector<16xi32>
    %mul3A_1216 = vector.broadcast %reduce_sum3A_1211 : i32 to vector<16xi32>
    %mul3A_1217 = arith.muli %convert_element_type3A_1215, %mul3A_1216 : vector<16xi32>
    %add3A_1218 = arith.addi %add3A_1203, %mul3A_1217 : vector<16xi32>
    %eq3A_1219 = arith.constant 6 : i32
    %eq3A_1220 = vector.broadcast %eq3A_1219 : i32 to vector<16xi32>
    %eq3A_1221 = arith.cmpi eq, %add3A_1126, %eq3A_1220 : vector<16xi32>
    %convert_element_type3A_1222 = arith.extui %eq3A_1221 : vector<16xi1> to vector<16xi32>
    %reduce_sum3A_1223 = arith.constant true
    %reduce_sum3A_1224 = vector.broadcast %reduce_sum3A_1223 : i1 to vector<16xi1>
    %reduce_sum3A_1225 = tpu.scan <sum>, %convert_element_type3A_1222 masked %reduce_sum3A_1224 : vector<16xi32>, vector<16xi1> -> vector<16xi32>
    %reduce_sum3A_1226 = vector.extract %reduce_sum3A_1225[15] : i32 from vector<16xi32>
    %eq3A_1227 = arith.constant 6 : i32
    %eq3A_1228 = vector.broadcast %eq3A_1227 : i32 to vector<16xi32>
    %eq3A_1229 = arith.cmpi eq, %iota3A, %eq3A_1228 : vector<16xi32>
    %convert_element_type3A_1230 = arith.extui %eq3A_1229 : vector<16xi1> to vector<16xi32>
    %mul3A_1231 = vector.broadcast %reduce_sum3A_1226 : i32 to vector<16xi32>
    %mul3A_1232 = arith.muli %convert_element_type3A_1230, %mul3A_1231 : vector<16xi32>
    %add3A_1233 = arith.addi %add3A_1218, %mul3A_1232 : vector<16xi32>
    %eq3A_1234 = arith.constant 7 : i32
    %eq3A_1235 = vector.broadcast %eq3A_1234 : i32 to vector<16xi32>
    %eq3A_1236 = arith.cmpi eq, %add3A_1126, %eq3A_1235 : vector<16xi32>
    %convert_element_type3A_1237 = arith.extui %eq3A_1236 : vector<16xi1> to vector<16xi32>
    %reduce_sum3A_1238 = arith.constant true
    %reduce_sum3A_1239 = vector.broadcast %reduce_sum3A_1238 : i1 to vector<16xi1>
    %reduce_sum3A_1240 = tpu.scan <sum>, %convert_element_type3A_1237 masked %reduce_sum3A_1239 : vector<16xi32>, vector<16xi1> -> vector<16xi32>
    %reduce_sum3A_1241 = vector.extract %reduce_sum3A_1240[15] : i32 from vector<16xi32>
    %eq3A_1242 = arith.constant 7 : i32
    %eq3A_1243 = vector.broadcast %eq3A_1242 : i32 to vector<16xi32>
    %eq3A_1244 = arith.cmpi eq, %iota3A, %eq3A_1243 : vector<16xi32>
    %convert_element_type3A_1245 = arith.extui %eq3A_1244 : vector<16xi1> to vector<16xi32>
    %mul3A_1246 = vector.broadcast %reduce_sum3A_1241 : i32 to vector<16xi32>
    %mul3A_1247 = arith.muli %convert_element_type3A_1245, %mul3A_1246 : vector<16xi32>
    %add3A_1248 = arith.addi %add3A_1233, %mul3A_1247 : vector<16xi32>
    %eq3A_1249 = arith.constant 8 : i32
    %eq3A_1250 = vector.broadcast %eq3A_1249 : i32 to vector<16xi32>
    %eq3A_1251 = arith.cmpi eq, %add3A_1126, %eq3A_1250 : vector<16xi32>
    %convert_element_type3A_1252 = arith.extui %eq3A_1251 : vector<16xi1> to vector<16xi32>
    %reduce_sum3A_1253 = arith.constant true
    %reduce_sum3A_1254 = vector.broadcast %reduce_sum3A_1253 : i1 to vector<16xi1>
    %reduce_sum3A_1255 = tpu.scan <sum>, %convert_element_type3A_1252 masked %reduce_sum3A_1254 : vector<16xi32>, vector<16xi1> -> vector<16xi32>
    %reduce_sum3A_1256 = vector.extract %reduce_sum3A_1255[15] : i32 from vector<16xi32>
    %eq3A_1257 = arith.constant 8 : i32
    %eq3A_1258 = vector.broadcast %eq3A_1257 : i32 to vector<16xi32>
    %eq3A_1259 = arith.cmpi eq, %iota3A, %eq3A_1258 : vector<16xi32>
    %convert_element_type3A_1260 = arith.extui %eq3A_1259 : vector<16xi1> to vector<16xi32>
    %mul3A_1261 = vector.broadcast %reduce_sum3A_1256 : i32 to vector<16xi32>
    %mul3A_1262 = arith.muli %convert_element_type3A_1260, %mul3A_1261 : vector<16xi32>
    %add3A_1263 = arith.addi %add3A_1248, %mul3A_1262 : vector<16xi32>
    %eq3A_1264 = arith.constant 9 : i32
    %eq3A_1265 = vector.broadcast %eq3A_1264 : i32 to vector<16xi32>
    %eq3A_1266 = arith.cmpi eq, %add3A_1126, %eq3A_1265 : vector<16xi32>
    %convert_element_type3A_1267 = arith.extui %eq3A_1266 : vector<16xi1> to vector<16xi32>
    %reduce_sum3A_1268 = arith.constant true
    %reduce_sum3A_1269 = vector.broadcast %reduce_sum3A_1268 : i1 to vector<16xi1>
    %reduce_sum3A_1270 = tpu.scan <sum>, %convert_element_type3A_1267 masked %reduce_sum3A_1269 : vector<16xi32>, vector<16xi1> -> vector<16xi32>
    %reduce_sum3A_1271 = vector.extract %reduce_sum3A_1270[15] : i32 from vector<16xi32>
    %eq3A_1272 = arith.constant 9 : i32
    %eq3A_1273 = vector.broadcast %eq3A_1272 : i32 to vector<16xi32>
    %eq3A_1274 = arith.cmpi eq, %iota3A, %eq3A_1273 : vector<16xi32>
    %convert_element_type3A_1275 = arith.extui %eq3A_1274 : vector<16xi1> to vector<16xi32>
    %mul3A_1276 = vector.broadcast %reduce_sum3A_1271 : i32 to vector<16xi32>
    %mul3A_1277 = arith.muli %convert_element_type3A_1275, %mul3A_1276 : vector<16xi32>
    %add3A_1278 = arith.addi %add3A_1263, %mul3A_1277 : vector<16xi32>
    %get3A_1279 = arith.constant 112 : index
    %get3A_1280 = tpu.vector_load %arg9[%get3A_1279] {strides = array<i32>} : memref<128xf32, #tpu.memory_space<vmem>>, vector<16xf32>,
    %get3A_1281 = arith.constant 112 : index
    %get3A_1282 = tpu.vector_load %arg10[%get3A_1281] {strides = array<i32>} : memref<128xf32, #tpu.memory_space<vmem>>, vector<16xf32>,
    %mul3A_1283 = arith.constant 5.000000e+00 : f32
    %mul3A_1284 = vector.broadcast %mul3A_1283 : f32 to vector<16xf32>
    %mul3A_1285 = arith.mulf %get3A_1280, %mul3A_1284 : vector<16xf32>
    %convert_element_type3A_1286 = arith.fptosi %mul3A_1285 : vector<16xf32> to vector<16xi32>
    %jit3A_1287 = arith.constant 0 : i32
    %jit3A_1288 = arith.constant 4 : i32
    %max3A_1289 = vector.broadcast %jit3A_1287 : i32 to vector<16xi32>
    %max3A_1290 = arith.maxsi %max3A_1289, %convert_element_type3A_1286 : vector<16xi32>
    %min3A_1291 = vector.broadcast %jit3A_1288 : i32 to vector<16xi32>
    %min3A_1292 = arith.minsi %min3A_1291, %max3A_1290 : vector<16xi32>
    %mul3A_1293 = arith.constant 8.000000e+00 : f32
    %mul3A_1294 = vector.broadcast %mul3A_1293 : f32 to vector<16xf32>
    %mul3A_1295 = arith.mulf %get3A_1282, %mul3A_1294 : vector<16xf32>
    %div3A_1296 = arith.constant 6.283180e+00 : f32
    %div3A_1297 = vector.broadcast %div3A_1296 : f32 to vector<16xf32>
    %div3A_1298 = arith.divf %mul3A_1295, %div3A_1297 : vector<16xf32>
    %convert_element_type3A_1299 = arith.fptosi %div3A_1298 : vector<16xf32> to vector<16xi32>
    %jit3A_1300 = arith.constant 0 : i32
    %jit3A_1301 = arith.constant 7 : i32
    %max3A_1302 = vector.broadcast %jit3A_1300 : i32 to vector<16xi32>
    %max3A_1303 = arith.maxsi %max3A_1302, %convert_element_type3A_1299 : vector<16xi32>
    %min3A_1304 = vector.broadcast %jit3A_1301 : i32 to vector<16xi32>
    %min3A_1305 = arith.minsi %min3A_1304, %max3A_1303 : vector<16xi32>
    %mul3A_1306 = arith.constant 2 : i32
    %mul3A_1307 = vector.broadcast %mul3A_1306 : i32 to vector<16xi32>
    %mul3A_1308 = arith.muli %min3A_1292, %mul3A_1307 : vector<16xi32>
    %add3A_1309 = arith.addi %mul3A_1308, %min3A_1305 : vector<16xi32>
    %swap3A_1310 = arith.constant 112 : index
    %swap3A_1311 = tpu.vector_load %arg11[%swap3A_1310] {strides = array<i32>} : memref<128xi32, #tpu.memory_space<vmem>>, vector<16xi32>,
    tpu.vector_store %arg11[%swap3A_1310], %add3A_1309 {strides = array<i32>} : memref<128xi32, #tpu.memory_space<vmem>>, vector<16xi32>,
    %eq3A_1312 = arith.constant 0 : i32
    %eq3A_1313 = vector.broadcast %eq3A_1312 : i32 to vector<16xi32>
    %eq3A_1314 = arith.cmpi eq, %add3A_1309, %eq3A_1313 : vector<16xi32>
    %convert_element_type3A_1315 = arith.extui %eq3A_1314 : vector<16xi1> to vector<16xi32>
    %reduce_sum3A_1316 = arith.constant true
    %reduce_sum3A_1317 = vector.broadcast %reduce_sum3A_1316 : i1 to vector<16xi1>
    %reduce_sum3A_1318 = tpu.scan <sum>, %convert_element_type3A_1315 masked %reduce_sum3A_1317 : vector<16xi32>, vector<16xi1> -> vector<16xi32>
    %reduce_sum3A_1319 = vector.extract %reduce_sum3A_1318[15] : i32 from vector<16xi32>
    %eq3A_1320 = arith.constant 0 : i32
    %eq3A_1321 = vector.broadcast %eq3A_1320 : i32 to vector<16xi32>
    %eq3A_1322 = arith.cmpi eq, %iota3A, %eq3A_1321 : vector<16xi32>
    %convert_element_type3A_1323 = arith.extui %eq3A_1322 : vector<16xi1> to vector<16xi32>
    %mul3A_1324 = vector.broadcast %reduce_sum3A_1319 : i32 to vector<16xi32>
    %mul3A_1325 = arith.muli %convert_element_type3A_1323, %mul3A_1324 : vector<16xi32>
    %add3A_1326 = arith.addi %add3A_1278, %mul3A_1325 : vector<16xi32>
    %eq3A_1327 = arith.constant 1 : i32
    %eq3A_1328 = vector.broadcast %eq3A_1327 : i32 to vector<16xi32>
    %eq3A_1329 = arith.cmpi eq, %add3A_1309, %eq3A_1328 : vector<16xi32>
    %convert_element_type3A_1330 = arith.extui %eq3A_1329 : vector<16xi1> to vector<16xi32>
    %reduce_sum3A_1331 = arith.constant true
    %reduce_sum3A_1332 = vector.broadcast %reduce_sum3A_1331 : i1 to vector<16xi1>
    %reduce_sum3A_1333 = tpu.scan <sum>, %convert_element_type3A_1330 masked %reduce_sum3A_1332 : vector<16xi32>, vector<16xi1> -> vector<16xi32>
    %reduce_sum3A_1334 = vector.extract %reduce_sum3A_1333[15] : i32 from vector<16xi32>
    %eq3A_1335 = arith.constant 1 : i32
    %eq3A_1336 = vector.broadcast %eq3A_1335 : i32 to vector<16xi32>
    %eq3A_1337 = arith.cmpi eq, %iota3A, %eq3A_1336 : vector<16xi32>
    %convert_element_type3A_1338 = arith.extui %eq3A_1337 : vector<16xi1> to vector<16xi32>
    %mul3A_1339 = vector.broadcast %reduce_sum3A_1334 : i32 to vector<16xi32>
    %mul3A_1340 = arith.muli %convert_element_type3A_1338, %mul3A_1339 : vector<16xi32>
    %add3A_1341 = arith.addi %add3A_1326, %mul3A_1340 : vector<16xi32>
    %eq3A_1342 = arith.constant 2 : i32
    %eq3A_1343 = vector.broadcast %eq3A_1342 : i32 to vector<16xi32>
    %eq3A_1344 = arith.cmpi eq, %add3A_1309, %eq3A_1343 : vector<16xi32>
    %convert_element_type3A_1345 = arith.extui %eq3A_1344 : vector<16xi1> to vector<16xi32>
    %reduce_sum3A_1346 = arith.constant true
    %reduce_sum3A_1347 = vector.broadcast %reduce_sum3A_1346 : i1 to vector<16xi1>
    %reduce_sum3A_1348 = tpu.scan <sum>, %convert_element_type3A_1345 masked %reduce_sum3A_1347 : vector<16xi32>, vector<16xi1> -> vector<16xi32>
    %reduce_sum3A_1349 = vector.extract %reduce_sum3A_1348[15] : i32 from vector<16xi32>
    %eq3A_1350 = arith.constant 2 : i32
    %eq3A_1351 = vector.broadcast %eq3A_1350 : i32 to vector<16xi32>
    %eq3A_1352 = arith.cmpi eq, %iota3A, %eq3A_1351 : vector<16xi32>
    %convert_element_type3A_1353 = arith.extui %eq3A_1352 : vector<16xi1> to vector<16xi32>
    %mul3A_1354 = vector.broadcast %reduce_sum3A_1349 : i32 to vector<16xi32>
    %mul3A_1355 = arith.muli %convert_element_type3A_1353, %mul3A_1354 : vector<16xi32>
    %add3A_1356 = arith.addi %add3A_1341, %mul3A_1355 : vector<16xi32>
    %eq3A_1357 = arith.constant 3 : i32
    %eq3A_1358 = vector.broadcast %eq3A_1357 : i32 to vector<16xi32>
    %eq3A_1359 = arith.cmpi eq, %add3A_1309, %eq3A_1358 : vector<16xi32>
    %convert_element_type3A_1360 = arith.extui %eq3A_1359 : vector<16xi1> to vector<16xi32>
    %reduce_sum3A_1361 = arith.constant true
    %reduce_sum3A_1362 = vector.broadcast %reduce_sum3A_1361 : i1 to vector<16xi1>
    %reduce_sum3A_1363 = tpu.scan <sum>, %convert_element_type3A_1360 masked %reduce_sum3A_1362 : vector<16xi32>, vector<16xi1> -> vector<16xi32>
    %reduce_sum3A_1364 = vector.extract %reduce_sum3A_1363[15] : i32 from vector<16xi32>
    %eq3A_1365 = arith.constant 3 : i32
    %eq3A_1366 = vector.broadcast %eq3A_1365 : i32 to vector<16xi32>
    %eq3A_1367 = arith.cmpi eq, %iota3A, %eq3A_1366 : vector<16xi32>
    %convert_element_type3A_1368 = arith.extui %eq3A_1367 : vector<16xi1> to vector<16xi32>
    %mul3A_1369 = vector.broadcast %reduce_sum3A_1364 : i32 to vector<16xi32>
    %mul3A_1370 = arith.muli %convert_element_type3A_1368, %mul3A_1369 : vector<16xi32>
    %add3A_1371 = arith.addi %add3A_1356, %mul3A_1370 : vector<16xi32>
    %eq3A_1372 = arith.constant 4 : i32
    %eq3A_1373 = vector.broadcast %eq3A_1372 : i32 to vector<16xi32>
    %eq3A_1374 = arith.cmpi eq, %add3A_1309, %eq3A_1373 : vector<16xi32>
    %convert_element_type3A_1375 = arith.extui %eq3A_1374 : vector<16xi1> to vector<16xi32>
    %reduce_sum3A_1376 = arith.constant true
    %reduce_sum3A_1377 = vector.broadcast %reduce_sum3A_1376 : i1 to vector<16xi1>
    %reduce_sum3A_1378 = tpu.scan <sum>, %convert_element_type3A_1375 masked %reduce_sum3A_1377 : vector<16xi32>, vector<16xi1> -> vector<16xi32>
    %reduce_sum3A_1379 = vector.extract %reduce_sum3A_1378[15] : i32 from vector<16xi32>
    %eq3A_1380 = arith.constant 4 : i32
    %eq3A_1381 = vector.broadcast %eq3A_1380 : i32 to vector<16xi32>
    %eq3A_1382 = arith.cmpi eq, %iota3A, %eq3A_1381 : vector<16xi32>
    %convert_element_type3A_1383 = arith.extui %eq3A_1382 : vector<16xi1> to vector<16xi32>
    %mul3A_1384 = vector.broadcast %reduce_sum3A_1379 : i32 to vector<16xi32>
    %mul3A_1385 = arith.muli %convert_element_type3A_1383, %mul3A_1384 : vector<16xi32>
    %add3A_1386 = arith.addi %add3A_1371, %mul3A_1385 : vector<16xi32>
    %eq3A_1387 = arith.constant 5 : i32
    %eq3A_1388 = vector.broadcast %eq3A_1387 : i32 to vector<16xi32>
    %eq3A_1389 = arith.cmpi eq, %add3A_1309, %eq3A_1388 : vector<16xi32>
    %convert_element_type3A_1390 = arith.extui %eq3A_1389 : vector<16xi1> to vector<16xi32>
    %reduce_sum3A_1391 = arith.constant true
    %reduce_sum3A_1392 = vector.broadcast %reduce_sum3A_1391 : i1 to vector<16xi1>
    %reduce_sum3A_1393 = tpu.scan <sum>, %convert_element_type3A_1390 masked %reduce_sum3A_1392 : vector<16xi32>, vector<16xi1> -> vector<16xi32>
    %reduce_sum3A_1394 = vector.extract %reduce_sum3A_1393[15] : i32 from vector<16xi32>
    %eq3A_1395 = arith.constant 5 : i32
    %eq3A_1396 = vector.broadcast %eq3A_1395 : i32 to vector<16xi32>
    %eq3A_1397 = arith.cmpi eq, %iota3A, %eq3A_1396 : vector<16xi32>
    %convert_element_type3A_1398 = arith.extui %eq3A_1397 : vector<16xi1> to vector<16xi32>
    %mul3A_1399 = vector.broadcast %reduce_sum3A_1394 : i32 to vector<16xi32>
    %mul3A_1400 = arith.muli %convert_element_type3A_1398, %mul3A_1399 : vector<16xi32>
    %add3A_1401 = arith.addi %add3A_1386, %mul3A_1400 : vector<16xi32>
    %eq3A_1402 = arith.constant 6 : i32
    %eq3A_1403 = vector.broadcast %eq3A_1402 : i32 to vector<16xi32>
    %eq3A_1404 = arith.cmpi eq, %add3A_1309, %eq3A_1403 : vector<16xi32>
    %convert_element_type3A_1405 = arith.extui %eq3A_1404 : vector<16xi1> to vector<16xi32>
    %reduce_sum3A_1406 = arith.constant true
    %reduce_sum3A_1407 = vector.broadcast %reduce_sum3A_1406 : i1 to vector<16xi1>
    %reduce_sum3A_1408 = tpu.scan <sum>, %convert_element_type3A_1405 masked %reduce_sum3A_1407 : vector<16xi32>, vector<16xi1> -> vector<16xi32>
    %reduce_sum3A_1409 = vector.extract %reduce_sum3A_1408[15] : i32 from vector<16xi32>
    %eq3A_1410 = arith.constant 6 : i32
    %eq3A_1411 = vector.broadcast %eq3A_1410 : i32 to vector<16xi32>
    %eq3A_1412 = arith.cmpi eq, %iota3A, %eq3A_1411 : vector<16xi32>
    %convert_element_type3A_1413 = arith.extui %eq3A_1412 : vector<16xi1> to vector<16xi32>
    %mul3A_1414 = vector.broadcast %reduce_sum3A_1409 : i32 to vector<16xi32>
    %mul3A_1415 = arith.muli %convert_element_type3A_1413, %mul3A_1414 : vector<16xi32>
    %add3A_1416 = arith.addi %add3A_1401, %mul3A_1415 : vector<16xi32>
    %eq3A_1417 = arith.constant 7 : i32
    %eq3A_1418 = vector.broadcast %eq3A_1417 : i32 to vector<16xi32>
    %eq3A_1419 = arith.cmpi eq, %add3A_1309, %eq3A_1418 : vector<16xi32>
    %convert_element_type3A_1420 = arith.extui %eq3A_1419 : vector<16xi1> to vector<16xi32>
    %reduce_sum3A_1421 = arith.constant true
    %reduce_sum3A_1422 = vector.broadcast %reduce_sum3A_1421 : i1 to vector<16xi1>
    %reduce_sum3A_1423 = tpu.scan <sum>, %convert_element_type3A_1420 masked %reduce_sum3A_1422 : vector<16xi32>, vector<16xi1> -> vector<16xi32>
    %reduce_sum3A_1424 = vector.extract %reduce_sum3A_1423[15] : i32 from vector<16xi32>
    %eq3A_1425 = arith.constant 7 : i32
    %eq3A_1426 = vector.broadcast %eq3A_1425 : i32 to vector<16xi32>
    %eq3A_1427 = arith.cmpi eq, %iota3A, %eq3A_1426 : vector<16xi32>
    %convert_element_type3A_1428 = arith.extui %eq3A_1427 : vector<16xi1> to vector<16xi32>
    %mul3A_1429 = vector.broadcast %reduce_sum3A_1424 : i32 to vector<16xi32>
    %mul3A_1430 = arith.muli %convert_element_type3A_1428, %mul3A_1429 : vector<16xi32>
    %add3A_1431 = arith.addi %add3A_1416, %mul3A_1430 : vector<16xi32>
    %eq3A_1432 = arith.constant 8 : i32
    %eq3A_1433 = vector.broadcast %eq3A_1432 : i32 to vector<16xi32>
    %eq3A_1434 = arith.cmpi eq, %add3A_1309, %eq3A_1433 : vector<16xi32>
    %convert_element_type3A_1435 = arith.extui %eq3A_1434 : vector<16xi1> to vector<16xi32>
    %reduce_sum3A_1436 = arith.constant true
    %reduce_sum3A_1437 = vector.broadcast %reduce_sum3A_1436 : i1 to vector<16xi1>
    %reduce_sum3A_1438 = tpu.scan <sum>, %convert_element_type3A_1435 masked %reduce_sum3A_1437 : vector<16xi32>, vector<16xi1> -> vector<16xi32>
    %reduce_sum3A_1439 = vector.extract %reduce_sum3A_1438[15] : i32 from vector<16xi32>
    %eq3A_1440 = arith.constant 8 : i32
    %eq3A_1441 = vector.broadcast %eq3A_1440 : i32 to vector<16xi32>
    %eq3A_1442 = arith.cmpi eq, %iota3A, %eq3A_1441 : vector<16xi32>
    %convert_element_type3A_1443 = arith.extui %eq3A_1442 : vector<16xi1> to vector<16xi32>
    %mul3A_1444 = vector.broadcast %reduce_sum3A_1439 : i32 to vector<16xi32>
    %mul3A_1445 = arith.muli %convert_element_type3A_1443, %mul3A_1444 : vector<16xi32>
    %add3A_1446 = arith.addi %add3A_1431, %mul3A_1445 : vector<16xi32>
    %eq3A_1447 = arith.constant 9 : i32
    %eq3A_1448 = vector.broadcast %eq3A_1447 : i32 to vector<16xi32>
    %eq3A_1449 = arith.cmpi eq, %add3A_1309, %eq3A_1448 : vector<16xi32>
    %convert_element_type3A_1450 = arith.extui %eq3A_1449 : vector<16xi1> to vector<16xi32>
    %reduce_sum3A_1451 = arith.constant true
    %reduce_sum3A_1452 = vector.broadcast %reduce_sum3A_1451 : i1 to vector<16xi1>
    %reduce_sum3A_1453 = tpu.scan <sum>, %convert_element_type3A_1450 masked %reduce_sum3A_1452 : vector<16xi32>, vector<16xi1> -> vector<16xi32>
    %reduce_sum3A_1454 = vector.extract %reduce_sum3A_1453[15] : i32 from vector<16xi32>
    %eq3A_1455 = arith.constant 9 : i32
    %eq3A_1456 = vector.broadcast %eq3A_1455 : i32 to vector<16xi32>
    %eq3A_1457 = arith.cmpi eq, %iota3A, %eq3A_1456 : vector<16xi32>
    %convert_element_type3A_1458 = arith.extui %eq3A_1457 : vector<16xi1> to vector<16xi32>
    %mul3A_1459 = vector.broadcast %reduce_sum3A_1454 : i32 to vector<16xi32>
    %mul3A_1460 = arith.muli %convert_element_type3A_1458, %mul3A_1459 : vector<16xi32>
    %add3A_1461 = arith.addi %add3A_1446, %mul3A_1460 : vector<16xi32>
    %swap3A_1462 = arith.constant 0 : index
    %swap3A_1463 = tpu.vector_load %arg14[%swap3A_1462] {strides = array<i32>} : memref<16xi32, #tpu.memory_space<vmem>>, vector<16xi32>,
    tpu.vector_store %arg14[%swap3A_1462], %add3A_1461 {strides = array<i32>} : memref<16xi32, #tpu.memory_space<vmem>>, vector<16xi32>,
    %mul3A_1464 = arith.constant 16 : i32
    %mul3A_1465 = arith.muli %arg1, %mul3A_1464 : i32
    "tpu.region"() ({
      %run_scoped3A = tpu.sem_alloc : memref<!tpu.dma_semaphore, #tpu.memory_space<semaphore_mem>>
      %dma_start3A_3642 = tpu.memref_slice %arg8[%arg0, %mul3A_1465] : memref<2x256xi32, #tpu.memory_space<hbm>> -> memref<1x16xi32, #tpu.memory_space<hbm>>
      %dma_start3A_3643 = tpu.memref_squeeze %dma_start3A_3642 : memref<1x16xi32, #tpu.memory_space<hbm>> -> memref<16xi32, #tpu.memory_space<hbm>>
      %dma_start3A_3644 = tpu.memref_slice %arg8[%arg0, %mul3A_1465] : memref<2x256xi32, #tpu.memory_space<hbm>> -> memref<1x16xi32, #tpu.memory_space<hbm>>
      %dma_start3A_3645 = tpu.memref_squeeze %dma_start3A_3644 : memref<1x16xi32, #tpu.memory_space<hbm>> -> memref<16xi32, #tpu.memory_space<hbm>>
      tpu.enqueue_dma source(%arg14 : memref<16xi32, #tpu.memory_space<vmem>>) target(%dma_start3A_3645 : memref<16xi32, #tpu.memory_space<hbm>>) target_semaphore(%run_scoped3A : memref<!tpu.dma_semaphore, #tpu.memory_space<semaphore_mem>>)
      %dma_wait3A_3646 = tpu.memref_slice %arg8[%arg0, %mul3A_1465] : memref<2x256xi32, #tpu.memory_space<hbm>> -> memref<1x16xi32, #tpu.memory_space<hbm>>
      %dma_wait3A_3647 = tpu.memref_squeeze %dma_wait3A_3646 : memref<1x16xi32, #tpu.memory_space<hbm>> -> memref<16xi32, #tpu.memory_space<hbm>>
      %dma_wait3A_3648 = tpu.memref_slice %arg8[%arg0, %mul3A_1465] : memref<2x256xi32, #tpu.memory_space<hbm>> -> memref<1x16xi32, #tpu.memory_space<hbm>>
      %dma_wait3A_3649 = tpu.memref_squeeze %dma_wait3A_3648 : memref<1x16xi32, #tpu.memory_space<hbm>> -> memref<16xi32, #tpu.memory_space<hbm>>
      tpu.wait_dma2 semaphore(%run_scoped3A : memref<!tpu.dma_semaphore, #tpu.memory_space<semaphore_mem>>) src(%arg14 : memref<16xi32, #tpu.memory_space<vmem>>) dst(%dma_wait3A_3649 : memref<16xi32, #tpu.memory_space<hbm>>)
      tpu.yield
    }) : () -> ()
    %barrier3A = arith.constant 0 : index
    tpu.barrier barrier_id(%barrier3A)
    "tpu.region"() ({
      %run_scoped3A = tpu.sem_alloc : memref<!tpu.dma_semaphore, #tpu.memory_space<semaphore_mem>>
      %dma_start3A_3642 = arith.constant 0 : i32
      %dma_start3A_3643 = tpu.memref_slice %arg8[%arg0, %dma_start3A_3642] : memref<2x256xi32, #tpu.memory_space<hbm>> -> memref<1x256xi32, #tpu.memory_space<hbm>>
      %dma_start3A_3644 = tpu.memref_squeeze %dma_start3A_3643 : memref<1x256xi32, #tpu.memory_space<hbm>> -> memref<256xi32, #tpu.memory_space<hbm>>
      %dma_start3A_3645 = arith.constant 0 : i32
      %dma_start3A_3646 = tpu.memref_slice %arg8[%arg0, %dma_start3A_3645] : memref<2x256xi32, #tpu.memory_space<hbm>> -> memref<1x256xi32, #tpu.memory_space<hbm>>
      %dma_start3A_3647 = tpu.memref_squeeze %dma_start3A_3646 : memref<1x256xi32, #tpu.memory_space<hbm>> -> memref<256xi32, #tpu.memory_space<hbm>>
      tpu.enqueue_dma source(%dma_start3A_3647 : memref<256xi32, #tpu.memory_space<hbm>>) target(%arg15 : memref<256xi32, #tpu.memory_space<vmem>>) target_semaphore(%run_scoped3A : memref<!tpu.dma_semaphore, #tpu.memory_space<semaphore_mem>>)
      %dma_wait3A_3648 = arith.constant 0 : i32
      %dma_wait3A_3649 = tpu.memref_slice %arg8[%arg0, %dma_wait3A_3648] : memref<2x256xi32, #tpu.memory_space<hbm>> -> memref<1x256xi32, #tpu.memory_space<hbm>>
      %dma_wait3A_3650 = tpu.memref_squeeze %dma_wait3A_3649 : memref<1x256xi32, #tpu.memory_space<hbm>> -> memref<256xi32, #tpu.memory_space<hbm>>
      %dma_wait3A_3651 = arith.constant 0 : i32
      %dma_wait3A_3652 = tpu.memref_slice %arg8[%arg0, %dma_wait3A_3651] : memref<2x256xi32, #tpu.memory_space<hbm>> -> memref<1x256xi32, #tpu.memory_space<hbm>>
      %dma_wait3A_3653 = tpu.memref_squeeze %dma_wait3A_3652 : memref<1x256xi32, #tpu.memory_space<hbm>> -> memref<256xi32, #tpu.memory_space<hbm>>
      tpu.wait_dma2 semaphore(%run_scoped3A : memref<!tpu.dma_semaphore, #tpu.memory_space<semaphore_mem>>) src(%dma_wait3A_3653 : memref<256xi32, #tpu.memory_space<hbm>>) dst(%arg15 : memref<256xi32, #tpu.memory_space<vmem>>)
      tpu.yield
    }) : () -> ()
    %broadcast_in_dim3A_1466 = arith.constant 0 : i32
    %broadcast_in_dim3A_1467 = vector.broadcast %broadcast_in_dim3A_1466 : i32 to vector<16xi32>
    %broadcast_in_dim3A_1468 = arith.constant 0 : i32
    %broadcast_in_dim3A_1469 = vector.broadcast %broadcast_in_dim3A_1468 : i32 to vector<16xi32>
    %get3A_1470 = arith.constant 0 : index
    %get3A_1471 = tpu.vector_load %arg15[%get3A_1470] {strides = array<i32>} : memref<256xi32, #tpu.memory_space<vmem>>, vector<16xi32>,
    %add3A_1472 = arith.addi %broadcast_in_dim3A_1467, %get3A_1471 : vector<16xi32>
    %lt3A = arith.constant 0 : i32
    %lt3A_1473 = arith.cmpi slt, %lt3A, %arg1 : i32
    %convert_element_type3A_1474 = arith.extui %lt3A_1473 : i1 to i32
    %mul3A_1475 = vector.broadcast %convert_element_type3A_1474 : i32 to vector<16xi32>
    %mul3A_1476 = arith.muli %get3A_1471, %mul3A_1475 : vector<16xi32>
    %add3A_1477 = arith.addi %broadcast_in_dim3A_1469, %mul3A_1476 : vector<16xi32>
    %get3A_1478 = arith.constant 16 : index
    %get3A_1479 = tpu.vector_load %arg15[%get3A_1478] {strides = array<i32>} : memref<256xi32, #tpu.memory_space<vmem>>, vector<16xi32>,
    %add3A_1480 = arith.addi %add3A_1472, %get3A_1479 : vector<16xi32>
    %lt3A_1481 = arith.constant 1 : i32
    %lt3A_1482 = arith.cmpi slt, %lt3A_1481, %arg1 : i32
    %convert_element_type3A_1483 = arith.extui %lt3A_1482 : i1 to i32
    %mul3A_1484 = vector.broadcast %convert_element_type3A_1483 : i32 to vector<16xi32>
    %mul3A_1485 = arith.muli %get3A_1479, %mul3A_1484 : vector<16xi32>
    %add3A_1486 = arith.addi %add3A_1477, %mul3A_1485 : vector<16xi32>
    %get3A_1487 = arith.constant 32 : index
    %get3A_1488 = tpu.vector_load %arg15[%get3A_1487] {strides = array<i32>} : memref<256xi32, #tpu.memory_space<vmem>>, vector<16xi32>,
    %add3A_1489 = arith.addi %add3A_1480, %get3A_1488 : vector<16xi32>
    %lt3A_1490 = arith.constant 2 : i32
    %lt3A_1491 = arith.cmpi slt, %lt3A_1490, %arg1 : i32
    %convert_element_type3A_1492 = arith.extui %lt3A_1491 : i1 to i32
    %mul3A_1493 = vector.broadcast %convert_element_type3A_1492 : i32 to vector<16xi32>
    %mul3A_1494 = arith.muli %get3A_1488, %mul3A_1493 : vector<16xi32>
    %add3A_1495 = arith.addi %add3A_1486, %mul3A_1494 : vector<16xi32>
    %get3A_1496 = arith.constant 48 : index
    %get3A_1497 = tpu.vector_load %arg15[%get3A_1496] {strides = array<i32>} : memref<256xi32, #tpu.memory_space<vmem>>, vector<16xi32>,
    %add3A_1498 = arith.addi %add3A_1489, %get3A_1497 : vector<16xi32>
    %lt3A_1499 = arith.constant 3 : i32
    %lt3A_1500 = arith.cmpi slt, %lt3A_1499, %arg1 : i32
    %convert_element_type3A_1501 = arith.extui %lt3A_1500 : i1 to i32
    %mul3A_1502 = vector.broadcast %convert_element_type3A_1501 : i32 to vector<16xi32>
    %mul3A_1503 = arith.muli %get3A_1497, %mul3A_1502 : vector<16xi32>
    %add3A_1504 = arith.addi %add3A_1495, %mul3A_1503 : vector<16xi32>
    %get3A_1505 = arith.constant 64 : index
    %get3A_1506 = tpu.vector_load %arg15[%get3A_1505] {strides = array<i32>} : memref<256xi32, #tpu.memory_space<vmem>>, vector<16xi32>,
    %add3A_1507 = arith.addi %add3A_1498, %get3A_1506 : vector<16xi32>
    %lt3A_1508 = arith.constant 4 : i32
    %lt3A_1509 = arith.cmpi slt, %lt3A_1508, %arg1 : i32
    %convert_element_type3A_1510 = arith.extui %lt3A_1509 : i1 to i32
    %mul3A_1511 = vector.broadcast %convert_element_type3A_1510 : i32 to vector<16xi32>
    %mul3A_1512 = arith.muli %get3A_1506, %mul3A_1511 : vector<16xi32>
    %add3A_1513 = arith.addi %add3A_1504, %mul3A_1512 : vector<16xi32>
    %get3A_1514 = arith.constant 80 : index
    %get3A_1515 = tpu.vector_load %arg15[%get3A_1514] {strides = array<i32>} : memref<256xi32, #tpu.memory_space<vmem>>, vector<16xi32>,
    %add3A_1516 = arith.addi %add3A_1507, %get3A_1515 : vector<16xi32>
    %lt3A_1517 = arith.constant 5 : i32
    %lt3A_1518 = arith.cmpi slt, %lt3A_1517, %arg1 : i32
    %convert_element_type3A_1519 = arith.extui %lt3A_1518 : i1 to i32
    %mul3A_1520 = vector.broadcast %convert_element_type3A_1519 : i32 to vector<16xi32>
    %mul3A_1521 = arith.muli %get3A_1515, %mul3A_1520 : vector<16xi32>
    %add3A_1522 = arith.addi %add3A_1513, %mul3A_1521 : vector<16xi32>
    %get3A_1523 = arith.constant 96 : index
    %get3A_1524 = tpu.vector_load %arg15[%get3A_1523] {strides = array<i32>} : memref<256xi32, #tpu.memory_space<vmem>>, vector<16xi32>,
    %add3A_1525 = arith.addi %add3A_1516, %get3A_1524 : vector<16xi32>
    %lt3A_1526 = arith.constant 6 : i32
    %lt3A_1527 = arith.cmpi slt, %lt3A_1526, %arg1 : i32
    %convert_element_type3A_1528 = arith.extui %lt3A_1527 : i1 to i32
    %mul3A_1529 = vector.broadcast %convert_element_type3A_1528 : i32 to vector<16xi32>
    %mul3A_1530 = arith.muli %get3A_1524, %mul3A_1529 : vector<16xi32>
    %add3A_1531 = arith.addi %add3A_1522, %mul3A_1530 : vector<16xi32>
    %get3A_1532 = arith.constant 112 : index
    %get3A_1533 = tpu.vector_load %arg15[%get3A_1532] {strides = array<i32>} : memref<256xi32, #tpu.memory_space<vmem>>, vector<16xi32>,
    %add3A_1534 = arith.addi %add3A_1525, %get3A_1533 : vector<16xi32>
    %lt3A_1535 = arith.constant 7 : i32
    %lt3A_1536 = arith.cmpi slt, %lt3A_1535, %arg1 : i32
    %convert_element_type3A_1537 = arith.extui %lt3A_1536 : i1 to i32
    %mul3A_1538 = vector.broadcast %convert_element_type3A_1537 : i32 to vector<16xi32>
    %mul3A_1539 = arith.muli %get3A_1533, %mul3A_1538 : vector<16xi32>
    %add3A_1540 = arith.addi %add3A_1531, %mul3A_1539 : vector<16xi32>
    %get3A_1541 = arith.constant 128 : index
    %get3A_1542 = tpu.vector_load %arg15[%get3A_1541] {strides = array<i32>} : memref<256xi32, #tpu.memory_space<vmem>>, vector<16xi32>,
    %add3A_1543 = arith.addi %add3A_1534, %get3A_1542 : vector<16xi32>
    %lt3A_1544 = arith.constant 8 : i32
    %lt3A_1545 = arith.cmpi slt, %lt3A_1544, %arg1 : i32
    %convert_element_type3A_1546 = arith.extui %lt3A_1545 : i1 to i32
    %mul3A_1547 = vector.broadcast %convert_element_type3A_1546 : i32 to vector<16xi32>
    %mul3A_1548 = arith.muli %get3A_1542, %mul3A_1547 : vector<16xi32>
    %add3A_1549 = arith.addi %add3A_1540, %mul3A_1548 : vector<16xi32>
    %get3A_1550 = arith.constant 144 : index
    %get3A_1551 = tpu.vector_load %arg15[%get3A_1550] {strides = array<i32>} : memref<256xi32, #tpu.memory_space<vmem>>, vector<16xi32>,
    %add3A_1552 = arith.addi %add3A_1543, %get3A_1551 : vector<16xi32>
    %lt3A_1553 = arith.constant 9 : i32
    %lt3A_1554 = arith.cmpi slt, %lt3A_1553, %arg1 : i32
    %convert_element_type3A_1555 = arith.extui %lt3A_1554 : i1 to i32
    %mul3A_1556 = vector.broadcast %convert_element_type3A_1555 : i32 to vector<16xi32>
    %mul3A_1557 = arith.muli %get3A_1551, %mul3A_1556 : vector<16xi32>
    %add3A_1558 = arith.addi %add3A_1549, %mul3A_1557 : vector<16xi32>
    %get3A_1559 = arith.constant 160 : index
    %get3A_1560 = tpu.vector_load %arg15[%get3A_1559] {strides = array<i32>} : memref<256xi32, #tpu.memory_space<vmem>>, vector<16xi32>,
    %add3A_1561 = arith.addi %add3A_1552, %get3A_1560 : vector<16xi32>
    %lt3A_1562 = arith.constant 10 : i32
    %lt3A_1563 = arith.cmpi slt, %lt3A_1562, %arg1 : i32
    %convert_element_type3A_1564 = arith.extui %lt3A_1563 : i1 to i32
    %mul3A_1565 = vector.broadcast %convert_element_type3A_1564 : i32 to vector<16xi32>
    %mul3A_1566 = arith.muli %get3A_1560, %mul3A_1565 : vector<16xi32>
    %add3A_1567 = arith.addi %add3A_1558, %mul3A_1566 : vector<16xi32>
    %get3A_1568 = arith.constant 176 : index
    %get3A_1569 = tpu.vector_load %arg15[%get3A_1568] {strides = array<i32>} : memref<256xi32, #tpu.memory_space<vmem>>, vector<16xi32>,
    %add3A_1570 = arith.addi %add3A_1561, %get3A_1569 : vector<16xi32>
    %lt3A_1571 = arith.constant 11 : i32
    %lt3A_1572 = arith.cmpi slt, %lt3A_1571, %arg1 : i32
    %convert_element_type3A_1573 = arith.extui %lt3A_1572 : i1 to i32
    %mul3A_1574 = vector.broadcast %convert_element_type3A_1573 : i32 to vector<16xi32>
    %mul3A_1575 = arith.muli %get3A_1569, %mul3A_1574 : vector<16xi32>
    %add3A_1576 = arith.addi %add3A_1567, %mul3A_1575 : vector<16xi32>
    %get3A_1577 = arith.constant 192 : index
    %get3A_1578 = tpu.vector_load %arg15[%get3A_1577] {strides = array<i32>} : memref<256xi32, #tpu.memory_space<vmem>>, vector<16xi32>,
    %add3A_1579 = arith.addi %add3A_1570, %get3A_1578 : vector<16xi32>
    %lt3A_1580 = arith.constant 12 : i32
    %lt3A_1581 = arith.cmpi slt, %lt3A_1580, %arg1 : i32
    %convert_element_type3A_1582 = arith.extui %lt3A_1581 : i1 to i32
    %mul3A_1583 = vector.broadcast %convert_element_type3A_1582 : i32 to vector<16xi32>
    %mul3A_1584 = arith.muli %get3A_1578, %mul3A_1583 : vector<16xi32>
    %add3A_1585 = arith.addi %add3A_1576, %mul3A_1584 : vector<16xi32>
    %get3A_1586 = arith.constant 208 : index
    %get3A_1587 = tpu.vector_load %arg15[%get3A_1586] {strides = array<i32>} : memref<256xi32, #tpu.memory_space<vmem>>, vector<16xi32>,
    %add3A_1588 = arith.addi %add3A_1579, %get3A_1587 : vector<16xi32>
    %lt3A_1589 = arith.constant 13 : i32
    %lt3A_1590 = arith.cmpi slt, %lt3A_1589, %arg1 : i32
    %convert_element_type3A_1591 = arith.extui %lt3A_1590 : i1 to i32
    %mul3A_1592 = vector.broadcast %convert_element_type3A_1591 : i32 to vector<16xi32>
    %mul3A_1593 = arith.muli %get3A_1587, %mul3A_1592 : vector<16xi32>
    %add3A_1594 = arith.addi %add3A_1585, %mul3A_1593 : vector<16xi32>
    %get3A_1595 = arith.constant 224 : index
    %get3A_1596 = tpu.vector_load %arg15[%get3A_1595] {strides = array<i32>} : memref<256xi32, #tpu.memory_space<vmem>>, vector<16xi32>,
    %add3A_1597 = arith.addi %add3A_1588, %get3A_1596 : vector<16xi32>
    %lt3A_1598 = arith.constant 14 : i32
    %lt3A_1599 = arith.cmpi slt, %lt3A_1598, %arg1 : i32
    %convert_element_type3A_1600 = arith.extui %lt3A_1599 : i1 to i32
    %mul3A_1601 = vector.broadcast %convert_element_type3A_1600 : i32 to vector<16xi32>
    %mul3A_1602 = arith.muli %get3A_1596, %mul3A_1601 : vector<16xi32>
    %add3A_1603 = arith.addi %add3A_1594, %mul3A_1602 : vector<16xi32>
    %get3A_1604 = arith.constant 240 : index
    %get3A_1605 = tpu.vector_load %arg15[%get3A_1604] {strides = array<i32>} : memref<256xi32, #tpu.memory_space<vmem>>, vector<16xi32>,
    %add3A_1606 = arith.addi %add3A_1597, %get3A_1605 : vector<16xi32>
    %lt3A_1607 = arith.constant 15 : i32
    %lt3A_1608 = arith.cmpi slt, %lt3A_1607, %arg1 : i32
    %convert_element_type3A_1609 = arith.extui %lt3A_1608 : i1 to i32
    %mul3A_1610 = vector.broadcast %convert_element_type3A_1609 : i32 to vector<16xi32>
    %mul3A_1611 = arith.muli %get3A_1605, %mul3A_1610 : vector<16xi32>
    %add3A_1612 = arith.addi %add3A_1603, %mul3A_1611 : vector<16xi32>
    %cumsum3A = arith.constant true
    %cumsum3A_1613 = vector.broadcast %cumsum3A : i1 to vector<16xi1>
    %cumsum3A_1614 = tpu.scan <sum>, %add3A_1606 masked %cumsum3A_1613 : vector<16xi32>, vector<16xi1> -> vector<16xi32>
    %sub3A = arith.subi %cumsum3A_1614, %add3A_1606 : vector<16xi32>
    %add3A_1615 = arith.addi %sub3A, %add3A_1612 : vector<16xi32>
    %mul3A_1616 = arith.constant 2048 : i32
    %mul3A_1617 = arith.muli %arg0, %mul3A_1616 : i32
    %add3A_1618 = vector.broadcast %mul3A_1617 : i32 to vector<16xi32>
    %add3A_1619 = arith.addi %add3A_1615, %add3A_1618 : vector<16xi32>
    %eq3A_1620 = arith.constant 0 : i32
    %eq3A_1621 = arith.cmpi eq, %arg1, %eq3A_1620 : i32
    %convert_element_type3A_1622 = arith.extui %eq3A_1621 : i1 to i32
    %cond3A = arith.constant 0 : i32
    %cond3A_1623 = arith.cmpi ne, %convert_element_type3A_1622, %cond3A : i32
    scf.if %cond3A_1623 {
      %lt3A_3642 = arith.constant 10 : i32
      %lt3A_3643 = vector.broadcast %lt3A_3642 : i32 to vector<16xi32>
      %lt3A_3644 = arith.cmpi slt, %iota3A, %lt3A_3643 : vector<16xi32>
      %jit3A_3645 = arith.constant 2048 : i32
      %broadcast_in_dim3A_3646 = vector.broadcast %jit3A_3645 : i32 to vector<16xi32>
      %select_n3A_3647 = arith.select %lt3A_3644, %sub3A, %broadcast_in_dim3A_3646 : vector<16xi1>, vector<16xi32>
      %swap3A_3648 = arith.constant 0 : index
      %swap3A_3649 = tpu.vector_load %arg14[%swap3A_3648] {strides = array<i32>} : memref<16xi32, #tpu.memory_space<vmem>>, vector<16xi32>,
      tpu.vector_store %arg14[%swap3A_3648], %select_n3A_3647 {strides = array<i32>} : memref<16xi32, #tpu.memory_space<vmem>>, vector<16xi32>,
      "tpu.region"() ({
        %run_scoped3A = tpu.sem_alloc : memref<!tpu.dma_semaphore, #tpu.memory_space<semaphore_mem>>
        %dma_start3A_3650 = arith.constant 0 : i32
        %dma_start3A_3651 = tpu.memref_slice %arg7[%arg0, %dma_start3A_3650] : memref<2x16xi32, #tpu.memory_space<hbm>> -> memref<1x16xi32, #tpu.memory_space<hbm>>
        %dma_start3A_3652 = tpu.memref_squeeze %dma_start3A_3651 : memref<1x16xi32, #tpu.memory_space<hbm>> -> memref<16xi32, #tpu.memory_space<hbm>>
        %dma_start3A_3653 = arith.constant 0 : i32
        %dma_start3A_3654 = tpu.memref_slice %arg7[%arg0, %dma_start3A_3653] : memref<2x16xi32, #tpu.memory_space<hbm>> -> memref<1x16xi32, #tpu.memory_space<hbm>>
        %dma_start3A_3655 = tpu.memref_squeeze %dma_start3A_3654 : memref<1x16xi32, #tpu.memory_space<hbm>> -> memref<16xi32, #tpu.memory_space<hbm>>
        tpu.enqueue_dma source(%arg14 : memref<16xi32, #tpu.memory_space<vmem>>) target(%dma_start3A_3655 : memref<16xi32, #tpu.memory_space<hbm>>) target_semaphore(%run_scoped3A : memref<!tpu.dma_semaphore, #tpu.memory_space<semaphore_mem>>)
        %dma_wait3A_3656 = arith.constant 0 : i32
        %dma_wait3A_3657 = tpu.memref_slice %arg7[%arg0, %dma_wait3A_3656] : memref<2x16xi32, #tpu.memory_space<hbm>> -> memref<1x16xi32, #tpu.memory_space<hbm>>
        %dma_wait3A_3658 = tpu.memref_squeeze %dma_wait3A_3657 : memref<1x16xi32, #tpu.memory_space<hbm>> -> memref<16xi32, #tpu.memory_space<hbm>>
        %dma_wait3A_3659 = arith.constant 0 : i32
        %dma_wait3A_3660 = tpu.memref_slice %arg7[%arg0, %dma_wait3A_3659] : memref<2x16xi32, #tpu.memory_space<hbm>> -> memref<1x16xi32, #tpu.memory_space<hbm>>
        %dma_wait3A_3661 = tpu.memref_squeeze %dma_wait3A_3660 : memref<1x16xi32, #tpu.memory_space<hbm>> -> memref<16xi32, #tpu.memory_space<hbm>>
        tpu.wait_dma2 semaphore(%run_scoped3A : memref<!tpu.dma_semaphore, #tpu.memory_space<semaphore_mem>>) src(%arg14 : memref<16xi32, #tpu.memory_space<vmem>>) dst(%dma_wait3A_3661 : memref<16xi32, #tpu.memory_space<hbm>>)
        tpu.yield
      }) : () -> ()
    } else {
    }
    %eq3A_1624 = arith.constant 0 : i32
    %eq3A_1625 = vector.broadcast %eq3A_1624 : i32 to vector<16xi32>
    %eq3A_1626 = arith.cmpi eq, %iota3A, %eq3A_1625 : vector<16xi32>
    %convert_element_type3A_1627 = arith.extui %eq3A_1626 : vector<16xi1> to vector<16xi32>
    %mul3A_1628 = arith.muli %convert_element_type3A_1627, %add3A_1619 : vector<16xi32>
    %reduce_sum3A_1629 = arith.constant true
    %reduce_sum3A_1630 = vector.broadcast %reduce_sum3A_1629 : i1 to vector<16xi1>
    %reduce_sum3A_1631 = tpu.scan <sum>, %mul3A_1628 masked %reduce_sum3A_1630 : vector<16xi32>, vector<16xi1> -> vector<16xi32>
    %reduce_sum3A_1632 = vector.extract %reduce_sum3A_1631[15] : i32 from vector<16xi32>
    %get3A_1633 = arith.constant 0 : index
    %get3A_1634 = tpu.vector_load %arg11[%get3A_1633] {strides = array<i32>} : memref<128xi32, #tpu.memory_space<vmem>>, vector<16xi32>,
    %eq3A_1635 = arith.constant 0 : i32
    %eq3A_1636 = vector.broadcast %eq3A_1635 : i32 to vector<16xi32>
    %eq3A_1637 = arith.cmpi eq, %get3A_1634, %eq3A_1636 : vector<16xi32>
    %convert_element_type3A_1638 = arith.extui %eq3A_1637 : vector<16xi1> to vector<16xi32>
    %cumsum3A_1639 = arith.constant true
    %cumsum3A_1640 = vector.broadcast %cumsum3A_1639 : i1 to vector<16xi1>
    %cumsum3A_1641 = tpu.scan <sum>, %convert_element_type3A_1638 masked %cumsum3A_1640 : vector<16xi32>, vector<16xi1> -> vector<16xi32>
    %add3A_1642 = vector.broadcast %reduce_sum3A_1632 : i32 to vector<16xi32>
    %add3A_1643 = arith.addi %add3A_1642, %cumsum3A_1641 : vector<16xi32>
    %sub3A_1644 = arith.constant 1 : i32
    %sub3A_1645 = vector.broadcast %sub3A_1644 : i32 to vector<16xi32>
    %sub3A_1646 = arith.subi %add3A_1643, %sub3A_1645 : vector<16xi32>
    %get3A_1647 = arith.constant 0 : index
    %get3A_1648 = tpu.vector_load %arg12[%get3A_1647] {strides = array<i32>} : memref<128xi32, #tpu.memory_space<vmem>>, vector<16xi32>,
    %select_n3A = arith.select %eq3A_1637, %sub3A_1646, %get3A_1648 : vector<16xi1>, vector<16xi32>
    %swap3A_1649 = arith.constant 0 : index
    %swap3A_1650 = tpu.vector_load %arg12[%swap3A_1649] {strides = array<i32>} : memref<128xi32, #tpu.memory_space<vmem>>, vector<16xi32>,
    tpu.vector_store %arg12[%swap3A_1649], %select_n3A {strides = array<i32>} : memref<128xi32, #tpu.memory_space<vmem>>, vector<16xi32>,
    %reduce_sum3A_1651 = arith.constant true
    %reduce_sum3A_1652 = vector.broadcast %reduce_sum3A_1651 : i1 to vector<16xi1>
    %reduce_sum3A_1653 = tpu.scan <sum>, %convert_element_type3A_1638 masked %reduce_sum3A_1652 : vector<16xi32>, vector<16xi1> -> vector<16xi32>
    %reduce_sum3A_1654 = vector.extract %reduce_sum3A_1653[15] : i32 from vector<16xi32>
    %add3A_1655 = arith.addi %reduce_sum3A_1632, %reduce_sum3A_1654 : i32
    %get3A_1656 = arith.constant 16 : index
    %get3A_1657 = tpu.vector_load %arg11[%get3A_1656] {strides = array<i32>} : memref<128xi32, #tpu.memory_space<vmem>>, vector<16xi32>,
    %eq3A_1658 = arith.constant 0 : i32
    %eq3A_1659 = vector.broadcast %eq3A_1658 : i32 to vector<16xi32>
    %eq3A_1660 = arith.cmpi eq, %get3A_1657, %eq3A_1659 : vector<16xi32>
    %convert_element_type3A_1661 = arith.extui %eq3A_1660 : vector<16xi1> to vector<16xi32>
    %cumsum3A_1662 = arith.constant true
    %cumsum3A_1663 = vector.broadcast %cumsum3A_1662 : i1 to vector<16xi1>
    %cumsum3A_1664 = tpu.scan <sum>, %convert_element_type3A_1661 masked %cumsum3A_1663 : vector<16xi32>, vector<16xi1> -> vector<16xi32>
    %add3A_1665 = vector.broadcast %add3A_1655 : i32 to vector<16xi32>
    %add3A_1666 = arith.addi %add3A_1665, %cumsum3A_1664 : vector<16xi32>
    %sub3A_1667 = arith.constant 1 : i32
    %sub3A_1668 = vector.broadcast %sub3A_1667 : i32 to vector<16xi32>
    %sub3A_1669 = arith.subi %add3A_1666, %sub3A_1668 : vector<16xi32>
    %get3A_1670 = arith.constant 16 : index
    %get3A_1671 = tpu.vector_load %arg12[%get3A_1670] {strides = array<i32>} : memref<128xi32, #tpu.memory_space<vmem>>, vector<16xi32>,
    %select_n3A_1672 = arith.select %eq3A_1660, %sub3A_1669, %get3A_1671 : vector<16xi1>, vector<16xi32>
    %swap3A_1673 = arith.constant 16 : index
    %swap3A_1674 = tpu.vector_load %arg12[%swap3A_1673] {strides = array<i32>} : memref<128xi32, #tpu.memory_space<vmem>>, vector<16xi32>,
    tpu.vector_store %arg12[%swap3A_1673], %select_n3A_1672 {strides = array<i32>} : memref<128xi32, #tpu.memory_space<vmem>>, vector<16xi32>,
    %reduce_sum3A_1675 = arith.constant true
    %reduce_sum3A_1676 = vector.broadcast %reduce_sum3A_1675 : i1 to vector<16xi1>
    %reduce_sum3A_1677 = tpu.scan <sum>, %convert_element_type3A_1661 masked %reduce_sum3A_1676 : vector<16xi32>, vector<16xi1> -> vector<16xi32>
    %reduce_sum3A_1678 = vector.extract %reduce_sum3A_1677[15] : i32 from vector<16xi32>
    %add3A_1679 = arith.addi %add3A_1655, %reduce_sum3A_1678 : i32
    %get3A_1680 = arith.constant 32 : index
    %get3A_1681 = tpu.vector_load %arg11[%get3A_1680] {strides = array<i32>} : memref<128xi32, #tpu.memory_space<vmem>>, vector<16xi32>,
    %eq3A_1682 = arith.constant 0 : i32
    %eq3A_1683 = vector.broadcast %eq3A_1682 : i32 to vector<16xi32>
    %eq3A_1684 = arith.cmpi eq, %get3A_1681, %eq3A_1683 : vector<16xi32>
    %convert_element_type3A_1685 = arith.extui %eq3A_1684 : vector<16xi1> to vector<16xi32>
    %cumsum3A_1686 = arith.constant true
    %cumsum3A_1687 = vector.broadcast %cumsum3A_1686 : i1 to vector<16xi1>
    %cumsum3A_1688 = tpu.scan <sum>, %convert_element_type3A_1685 masked %cumsum3A_1687 : vector<16xi32>, vector<16xi1> -> vector<16xi32>
    %add3A_1689 = vector.broadcast %add3A_1679 : i32 to vector<16xi32>
    %add3A_1690 = arith.addi %add3A_1689, %cumsum3A_1688 : vector<16xi32>
    %sub3A_1691 = arith.constant 1 : i32
    %sub3A_1692 = vector.broadcast %sub3A_1691 : i32 to vector<16xi32>
    %sub3A_1693 = arith.subi %add3A_1690, %sub3A_1692 : vector<16xi32>
    %get3A_1694 = arith.constant 32 : index
    %get3A_1695 = tpu.vector_load %arg12[%get3A_1694] {strides = array<i32>} : memref<128xi32, #tpu.memory_space<vmem>>, vector<16xi32>,
    %select_n3A_1696 = arith.select %eq3A_1684, %sub3A_1693, %get3A_1695 : vector<16xi1>, vector<16xi32>
    %swap3A_1697 = arith.constant 32 : index
    %swap3A_1698 = tpu.vector_load %arg12[%swap3A_1697] {strides = array<i32>} : memref<128xi32, #tpu.memory_space<vmem>>, vector<16xi32>,
    tpu.vector_store %arg12[%swap3A_1697], %select_n3A_1696 {strides = array<i32>} : memref<128xi32, #tpu.memory_space<vmem>>, vector<16xi32>,
    %reduce_sum3A_1699 = arith.constant true
    %reduce_sum3A_1700 = vector.broadcast %reduce_sum3A_1699 : i1 to vector<16xi1>
    %reduce_sum3A_1701 = tpu.scan <sum>, %convert_element_type3A_1685 masked %reduce_sum3A_1700 : vector<16xi32>, vector<16xi1> -> vector<16xi32>
    %reduce_sum3A_1702 = vector.extract %reduce_sum3A_1701[15] : i32 from vector<16xi32>
    %add3A_1703 = arith.addi %add3A_1679, %reduce_sum3A_1702 : i32
    %get3A_1704 = arith.constant 48 : index
    %get3A_1705 = tpu.vector_load %arg11[%get3A_1704] {strides = array<i32>} : memref<128xi32, #tpu.memory_space<vmem>>, vector<16xi32>,
    %eq3A_1706 = arith.constant 0 : i32
    %eq3A_1707 = vector.broadcast %eq3A_1706 : i32 to vector<16xi32>
    %eq3A_1708 = arith.cmpi eq, %get3A_1705, %eq3A_1707 : vector<16xi32>
    %convert_element_type3A_1709 = arith.extui %eq3A_1708 : vector<16xi1> to vector<16xi32>
    %cumsum3A_1710 = arith.constant true
    %cumsum3A_1711 = vector.broadcast %cumsum3A_1710 : i1 to vector<16xi1>
    %cumsum3A_1712 = tpu.scan <sum>, %convert_element_type3A_1709 masked %cumsum3A_1711 : vector<16xi32>, vector<16xi1> -> vector<16xi32>
    %add3A_1713 = vector.broadcast %add3A_1703 : i32 to vector<16xi32>
    %add3A_1714 = arith.addi %add3A_1713, %cumsum3A_1712 : vector<16xi32>
    %sub3A_1715 = arith.constant 1 : i32
    %sub3A_1716 = vector.broadcast %sub3A_1715 : i32 to vector<16xi32>
    %sub3A_1717 = arith.subi %add3A_1714, %sub3A_1716 : vector<16xi32>
    %get3A_1718 = arith.constant 48 : index
    %get3A_1719 = tpu.vector_load %arg12[%get3A_1718] {strides = array<i32>} : memref<128xi32, #tpu.memory_space<vmem>>, vector<16xi32>,
    %select_n3A_1720 = arith.select %eq3A_1708, %sub3A_1717, %get3A_1719 : vector<16xi1>, vector<16xi32>
    %swap3A_1721 = arith.constant 48 : index
    %swap3A_1722 = tpu.vector_load %arg12[%swap3A_1721] {strides = array<i32>} : memref<128xi32, #tpu.memory_space<vmem>>, vector<16xi32>,
    tpu.vector_store %arg12[%swap3A_1721], %select_n3A_1720 {strides = array<i32>} : memref<128xi32, #tpu.memory_space<vmem>>, vector<16xi32>,
    %reduce_sum3A_1723 = arith.constant true
    %reduce_sum3A_1724 = vector.broadcast %reduce_sum3A_1723 : i1 to vector<16xi1>
    %reduce_sum3A_1725 = tpu.scan <sum>, %convert_element_type3A_1709 masked %reduce_sum3A_1724 : vector<16xi32>, vector<16xi1> -> vector<16xi32>
    %reduce_sum3A_1726 = vector.extract %reduce_sum3A_1725[15] : i32 from vector<16xi32>
    %add3A_1727 = arith.addi %add3A_1703, %reduce_sum3A_1726 : i32
    %get3A_1728 = arith.constant 64 : index
    %get3A_1729 = tpu.vector_load %arg11[%get3A_1728] {strides = array<i32>} : memref<128xi32, #tpu.memory_space<vmem>>, vector<16xi32>,
    %eq3A_1730 = arith.constant 0 : i32
    %eq3A_1731 = vector.broadcast %eq3A_1730 : i32 to vector<16xi32>
    %eq3A_1732 = arith.cmpi eq, %get3A_1729, %eq3A_1731 : vector<16xi32>
    %convert_element_type3A_1733 = arith.extui %eq3A_1732 : vector<16xi1> to vector<16xi32>
    %cumsum3A_1734 = arith.constant true
    %cumsum3A_1735 = vector.broadcast %cumsum3A_1734 : i1 to vector<16xi1>
    %cumsum3A_1736 = tpu.scan <sum>, %convert_element_type3A_1733 masked %cumsum3A_1735 : vector<16xi32>, vector<16xi1> -> vector<16xi32>
    %add3A_1737 = vector.broadcast %add3A_1727 : i32 to vector<16xi32>
    %add3A_1738 = arith.addi %add3A_1737, %cumsum3A_1736 : vector<16xi32>
    %sub3A_1739 = arith.constant 1 : i32
    %sub3A_1740 = vector.broadcast %sub3A_1739 : i32 to vector<16xi32>
    %sub3A_1741 = arith.subi %add3A_1738, %sub3A_1740 : vector<16xi32>
    %get3A_1742 = arith.constant 64 : index
    %get3A_1743 = tpu.vector_load %arg12[%get3A_1742] {strides = array<i32>} : memref<128xi32, #tpu.memory_space<vmem>>, vector<16xi32>,
    %select_n3A_1744 = arith.select %eq3A_1732, %sub3A_1741, %get3A_1743 : vector<16xi1>, vector<16xi32>
    %swap3A_1745 = arith.constant 64 : index
    %swap3A_1746 = tpu.vector_load %arg12[%swap3A_1745] {strides = array<i32>} : memref<128xi32, #tpu.memory_space<vmem>>, vector<16xi32>,
    tpu.vector_store %arg12[%swap3A_1745], %select_n3A_1744 {strides = array<i32>} : memref<128xi32, #tpu.memory_space<vmem>>, vector<16xi32>,
    %reduce_sum3A_1747 = arith.constant true
    %reduce_sum3A_1748 = vector.broadcast %reduce_sum3A_1747 : i1 to vector<16xi1>
    %reduce_sum3A_1749 = tpu.scan <sum>, %convert_element_type3A_1733 masked %reduce_sum3A_1748 : vector<16xi32>, vector<16xi1> -> vector<16xi32>
    %reduce_sum3A_1750 = vector.extract %reduce_sum3A_1749[15] : i32 from vector<16xi32>
    %add3A_1751 = arith.addi %add3A_1727, %reduce_sum3A_1750 : i32
    %get3A_1752 = arith.constant 80 : index
    %get3A_1753 = tpu.vector_load %arg11[%get3A_1752] {strides = array<i32>} : memref<128xi32, #tpu.memory_space<vmem>>, vector<16xi32>,
    %eq3A_1754 = arith.constant 0 : i32
    %eq3A_1755 = vector.broadcast %eq3A_1754 : i32 to vector<16xi32>
    %eq3A_1756 = arith.cmpi eq, %get3A_1753, %eq3A_1755 : vector<16xi32>
    %convert_element_type3A_1757 = arith.extui %eq3A_1756 : vector<16xi1> to vector<16xi32>
    %cumsum3A_1758 = arith.constant true
    %cumsum3A_1759 = vector.broadcast %cumsum3A_1758 : i1 to vector<16xi1>
    %cumsum3A_1760 = tpu.scan <sum>, %convert_element_type3A_1757 masked %cumsum3A_1759 : vector<16xi32>, vector<16xi1> -> vector<16xi32>
    %add3A_1761 = vector.broadcast %add3A_1751 : i32 to vector<16xi32>
    %add3A_1762 = arith.addi %add3A_1761, %cumsum3A_1760 : vector<16xi32>
    %sub3A_1763 = arith.constant 1 : i32
    %sub3A_1764 = vector.broadcast %sub3A_1763 : i32 to vector<16xi32>
    %sub3A_1765 = arith.subi %add3A_1762, %sub3A_1764 : vector<16xi32>
    %get3A_1766 = arith.constant 80 : index
    %get3A_1767 = tpu.vector_load %arg12[%get3A_1766] {strides = array<i32>} : memref<128xi32, #tpu.memory_space<vmem>>, vector<16xi32>,
    %select_n3A_1768 = arith.select %eq3A_1756, %sub3A_1765, %get3A_1767 : vector<16xi1>, vector<16xi32>
    %swap3A_1769 = arith.constant 80 : index
    %swap3A_1770 = tpu.vector_load %arg12[%swap3A_1769] {strides = array<i32>} : memref<128xi32, #tpu.memory_space<vmem>>, vector<16xi32>,
    tpu.vector_store %arg12[%swap3A_1769], %select_n3A_1768 {strides = array<i32>} : memref<128xi32, #tpu.memory_space<vmem>>, vector<16xi32>,
    %reduce_sum3A_1771 = arith.constant true
    %reduce_sum3A_1772 = vector.broadcast %reduce_sum3A_1771 : i1 to vector<16xi1>
    %reduce_sum3A_1773 = tpu.scan <sum>, %convert_element_type3A_1757 masked %reduce_sum3A_1772 : vector<16xi32>, vector<16xi1> -> vector<16xi32>
    %reduce_sum3A_1774 = vector.extract %reduce_sum3A_1773[15] : i32 from vector<16xi32>
    %add3A_1775 = arith.addi %add3A_1751, %reduce_sum3A_1774 : i32
    %get3A_1776 = arith.constant 96 : index
    %get3A_1777 = tpu.vector_load %arg11[%get3A_1776] {strides = array<i32>} : memref<128xi32, #tpu.memory_space<vmem>>, vector<16xi32>,
    %eq3A_1778 = arith.constant 0 : i32
    %eq3A_1779 = vector.broadcast %eq3A_1778 : i32 to vector<16xi32>
    %eq3A_1780 = arith.cmpi eq, %get3A_1777, %eq3A_1779 : vector<16xi32>
    %convert_element_type3A_1781 = arith.extui %eq3A_1780 : vector<16xi1> to vector<16xi32>
    %cumsum3A_1782 = arith.constant true
    %cumsum3A_1783 = vector.broadcast %cumsum3A_1782 : i1 to vector<16xi1>
    %cumsum3A_1784 = tpu.scan <sum>, %convert_element_type3A_1781 masked %cumsum3A_1783 : vector<16xi32>, vector<16xi1> -> vector<16xi32>
    %add3A_1785 = vector.broadcast %add3A_1775 : i32 to vector<16xi32>
    %add3A_1786 = arith.addi %add3A_1785, %cumsum3A_1784 : vector<16xi32>
    %sub3A_1787 = arith.constant 1 : i32
    %sub3A_1788 = vector.broadcast %sub3A_1787 : i32 to vector<16xi32>
    %sub3A_1789 = arith.subi %add3A_1786, %sub3A_1788 : vector<16xi32>
    %get3A_1790 = arith.constant 96 : index
    %get3A_1791 = tpu.vector_load %arg12[%get3A_1790] {strides = array<i32>} : memref<128xi32, #tpu.memory_space<vmem>>, vector<16xi32>,
    %select_n3A_1792 = arith.select %eq3A_1780, %sub3A_1789, %get3A_1791 : vector<16xi1>, vector<16xi32>
    %swap3A_1793 = arith.constant 96 : index
    %swap3A_1794 = tpu.vector_load %arg12[%swap3A_1793] {strides = array<i32>} : memref<128xi32, #tpu.memory_space<vmem>>, vector<16xi32>,
    tpu.vector_store %arg12[%swap3A_1793], %select_n3A_1792 {strides = array<i32>} : memref<128xi32, #tpu.memory_space<vmem>>, vector<16xi32>,
    %reduce_sum3A_1795 = arith.constant true
    %reduce_sum3A_1796 = vector.broadcast %reduce_sum3A_1795 : i1 to vector<16xi1>
    %reduce_sum3A_1797 = tpu.scan <sum>, %convert_element_type3A_1781 masked %reduce_sum3A_1796 : vector<16xi32>, vector<16xi1> -> vector<16xi32>
    %reduce_sum3A_1798 = vector.extract %reduce_sum3A_1797[15] : i32 from vector<16xi32>
    %add3A_1799 = arith.addi %add3A_1775, %reduce_sum3A_1798 : i32
    %get3A_1800 = arith.constant 112 : index
    %get3A_1801 = tpu.vector_load %arg11[%get3A_1800] {strides = array<i32>} : memref<128xi32, #tpu.memory_space<vmem>>, vector<16xi32>,
    %eq3A_1802 = arith.constant 0 : i32
    %eq3A_1803 = vector.broadcast %eq3A_1802 : i32 to vector<16xi32>
    %eq3A_1804 = arith.cmpi eq, %get3A_1801, %eq3A_1803 : vector<16xi32>
    %convert_element_type3A_1805 = arith.extui %eq3A_1804 : vector<16xi1> to vector<16xi32>
    %cumsum3A_1806 = arith.constant true
    %cumsum3A_1807 = vector.broadcast %cumsum3A_1806 : i1 to vector<16xi1>
    %cumsum3A_1808 = tpu.scan <sum>, %convert_element_type3A_1805 masked %cumsum3A_1807 : vector<16xi32>, vector<16xi1> -> vector<16xi32>
    %add3A_1809 = vector.broadcast %add3A_1799 : i32 to vector<16xi32>
    %add3A_1810 = arith.addi %add3A_1809, %cumsum3A_1808 : vector<16xi32>
    %sub3A_1811 = arith.constant 1 : i32
    %sub3A_1812 = vector.broadcast %sub3A_1811 : i32 to vector<16xi32>
    %sub3A_1813 = arith.subi %add3A_1810, %sub3A_1812 : vector<16xi32>
    %get3A_1814 = arith.constant 112 : index
    %get3A_1815 = tpu.vector_load %arg12[%get3A_1814] {strides = array<i32>} : memref<128xi32, #tpu.memory_space<vmem>>, vector<16xi32>,
    %select_n3A_1816 = arith.select %eq3A_1804, %sub3A_1813, %get3A_1815 : vector<16xi1>, vector<16xi32>
    %swap3A_1817 = arith.constant 112 : index
    %swap3A_1818 = tpu.vector_load %arg12[%swap3A_1817] {strides = array<i32>} : memref<128xi32, #tpu.memory_space<vmem>>, vector<16xi32>,
    tpu.vector_store %arg12[%swap3A_1817], %select_n3A_1816 {strides = array<i32>} : memref<128xi32, #tpu.memory_space<vmem>>, vector<16xi32>,
    %reduce_sum3A_1819 = arith.constant true
    %reduce_sum3A_1820 = vector.broadcast %reduce_sum3A_1819 : i1 to vector<16xi1>
    %reduce_sum3A_1821 = tpu.scan <sum>, %convert_element_type3A_1805 masked %reduce_sum3A_1820 : vector<16xi32>, vector<16xi1> -> vector<16xi32>
    %reduce_sum3A_1822 = vector.extract %reduce_sum3A_1821[15] : i32 from vector<16xi32>
    %add3A_1823 = arith.addi %add3A_1799, %reduce_sum3A_1822 : i32
    %eq3A_1824 = arith.constant 1 : i32
    %eq3A_1825 = vector.broadcast %eq3A_1824 : i32 to vector<16xi32>
    %eq3A_1826 = arith.cmpi eq, %iota3A, %eq3A_1825 : vector<16xi32>
    %convert_element_type3A_1827 = arith.extui %eq3A_1826 : vector<16xi1> to vector<16xi32>
    %mul3A_1828 = arith.muli %convert_element_type3A_1827, %add3A_1619 : vector<16xi32>
    %reduce_sum3A_1829 = arith.constant true
    %reduce_sum3A_1830 = vector.broadcast %reduce_sum3A_1829 : i1 to vector<16xi1>
    %reduce_sum3A_1831 = tpu.scan <sum>, %mul3A_1828 masked %reduce_sum3A_1830 : vector<16xi32>, vector<16xi1> -> vector<16xi32>
    %reduce_sum3A_1832 = vector.extract %reduce_sum3A_1831[15] : i32 from vector<16xi32>
    %get3A_1833 = arith.constant 0 : index
    %get3A_1834 = tpu.vector_load %arg11[%get3A_1833] {strides = array<i32>} : memref<128xi32, #tpu.memory_space<vmem>>, vector<16xi32>,
    %eq3A_1835 = arith.constant 1 : i32
    %eq3A_1836 = vector.broadcast %eq3A_1835 : i32 to vector<16xi32>
    %eq3A_1837 = arith.cmpi eq, %get3A_1834, %eq3A_1836 : vector<16xi32>
    %convert_element_type3A_1838 = arith.extui %eq3A_1837 : vector<16xi1> to vector<16xi32>
    %cumsum3A_1839 = arith.constant true
    %cumsum3A_1840 = vector.broadcast %cumsum3A_1839 : i1 to vector<16xi1>
    %cumsum3A_1841 = tpu.scan <sum>, %convert_element_type3A_1838 masked %cumsum3A_1840 : vector<16xi32>, vector<16xi1> -> vector<16xi32>
    %add3A_1842 = vector.broadcast %reduce_sum3A_1832 : i32 to vector<16xi32>
    %add3A_1843 = arith.addi %add3A_1842, %cumsum3A_1841 : vector<16xi32>
    %sub3A_1844 = arith.constant 1 : i32
    %sub3A_1845 = vector.broadcast %sub3A_1844 : i32 to vector<16xi32>
    %sub3A_1846 = arith.subi %add3A_1843, %sub3A_1845 : vector<16xi32>
    %get3A_1847 = arith.constant 0 : index
    %get3A_1848 = tpu.vector_load %arg12[%get3A_1847] {strides = array<i32>} : memref<128xi32, #tpu.memory_space<vmem>>, vector<16xi32>,
    %select_n3A_1849 = arith.select %eq3A_1837, %sub3A_1846, %get3A_1848 : vector<16xi1>, vector<16xi32>
    %swap3A_1850 = arith.constant 0 : index
    %swap3A_1851 = tpu.vector_load %arg12[%swap3A_1850] {strides = array<i32>} : memref<128xi32, #tpu.memory_space<vmem>>, vector<16xi32>,
    tpu.vector_store %arg12[%swap3A_1850], %select_n3A_1849 {strides = array<i32>} : memref<128xi32, #tpu.memory_space<vmem>>, vector<16xi32>,
    %reduce_sum3A_1852 = arith.constant true
    %reduce_sum3A_1853 = vector.broadcast %reduce_sum3A_1852 : i1 to vector<16xi1>
    %reduce_sum3A_1854 = tpu.scan <sum>, %convert_element_type3A_1838 masked %reduce_sum3A_1853 : vector<16xi32>, vector<16xi1> -> vector<16xi32>
    %reduce_sum3A_1855 = vector.extract %reduce_sum3A_1854[15] : i32 from vector<16xi32>
    %add3A_1856 = arith.addi %reduce_sum3A_1832, %reduce_sum3A_1855 : i32
    %get3A_1857 = arith.constant 16 : index
    %get3A_1858 = tpu.vector_load %arg11[%get3A_1857] {strides = array<i32>} : memref<128xi32, #tpu.memory_space<vmem>>, vector<16xi32>,
    %eq3A_1859 = arith.constant 1 : i32
    %eq3A_1860 = vector.broadcast %eq3A_1859 : i32 to vector<16xi32>
    %eq3A_1861 = arith.cmpi eq, %get3A_1858, %eq3A_1860 : vector<16xi32>
    %convert_element_type3A_1862 = arith.extui %eq3A_1861 : vector<16xi1> to vector<16xi32>
    %cumsum3A_1863 = arith.constant true
    %cumsum3A_1864 = vector.broadcast %cumsum3A_1863 : i1 to vector<16xi1>
    %cumsum3A_1865 = tpu.scan <sum>, %convert_element_type3A_1862 masked %cumsum3A_1864 : vector<16xi32>, vector<16xi1> -> vector<16xi32>
    %add3A_1866 = vector.broadcast %add3A_1856 : i32 to vector<16xi32>
    %add3A_1867 = arith.addi %add3A_1866, %cumsum3A_1865 : vector<16xi32>
    %sub3A_1868 = arith.constant 1 : i32
    %sub3A_1869 = vector.broadcast %sub3A_1868 : i32 to vector<16xi32>
    %sub3A_1870 = arith.subi %add3A_1867, %sub3A_1869 : vector<16xi32>
    %get3A_1871 = arith.constant 16 : index
    %get3A_1872 = tpu.vector_load %arg12[%get3A_1871] {strides = array<i32>} : memref<128xi32, #tpu.memory_space<vmem>>, vector<16xi32>,
    %select_n3A_1873 = arith.select %eq3A_1861, %sub3A_1870, %get3A_1872 : vector<16xi1>, vector<16xi32>
    %swap3A_1874 = arith.constant 16 : index
    %swap3A_1875 = tpu.vector_load %arg12[%swap3A_1874] {strides = array<i32>} : memref<128xi32, #tpu.memory_space<vmem>>, vector<16xi32>,
    tpu.vector_store %arg12[%swap3A_1874], %select_n3A_1873 {strides = array<i32>} : memref<128xi32, #tpu.memory_space<vmem>>, vector<16xi32>,
    %reduce_sum3A_1876 = arith.constant true
    %reduce_sum3A_1877 = vector.broadcast %reduce_sum3A_1876 : i1 to vector<16xi1>
    %reduce_sum3A_1878 = tpu.scan <sum>, %convert_element_type3A_1862 masked %reduce_sum3A_1877 : vector<16xi32>, vector<16xi1> -> vector<16xi32>
    %reduce_sum3A_1879 = vector.extract %reduce_sum3A_1878[15] : i32 from vector<16xi32>
    %add3A_1880 = arith.addi %add3A_1856, %reduce_sum3A_1879 : i32
    %get3A_1881 = arith.constant 32 : index
    %get3A_1882 = tpu.vector_load %arg11[%get3A_1881] {strides = array<i32>} : memref<128xi32, #tpu.memory_space<vmem>>, vector<16xi32>,
    %eq3A_1883 = arith.constant 1 : i32
    %eq3A_1884 = vector.broadcast %eq3A_1883 : i32 to vector<16xi32>
    %eq3A_1885 = arith.cmpi eq, %get3A_1882, %eq3A_1884 : vector<16xi32>
    %convert_element_type3A_1886 = arith.extui %eq3A_1885 : vector<16xi1> to vector<16xi32>
    %cumsum3A_1887 = arith.constant true
    %cumsum3A_1888 = vector.broadcast %cumsum3A_1887 : i1 to vector<16xi1>
    %cumsum3A_1889 = tpu.scan <sum>, %convert_element_type3A_1886 masked %cumsum3A_1888 : vector<16xi32>, vector<16xi1> -> vector<16xi32>
    %add3A_1890 = vector.broadcast %add3A_1880 : i32 to vector<16xi32>
    %add3A_1891 = arith.addi %add3A_1890, %cumsum3A_1889 : vector<16xi32>
    %sub3A_1892 = arith.constant 1 : i32
    %sub3A_1893 = vector.broadcast %sub3A_1892 : i32 to vector<16xi32>
    %sub3A_1894 = arith.subi %add3A_1891, %sub3A_1893 : vector<16xi32>
    %get3A_1895 = arith.constant 32 : index
    %get3A_1896 = tpu.vector_load %arg12[%get3A_1895] {strides = array<i32>} : memref<128xi32, #tpu.memory_space<vmem>>, vector<16xi32>,
    %select_n3A_1897 = arith.select %eq3A_1885, %sub3A_1894, %get3A_1896 : vector<16xi1>, vector<16xi32>
    %swap3A_1898 = arith.constant 32 : index
    %swap3A_1899 = tpu.vector_load %arg12[%swap3A_1898] {strides = array<i32>} : memref<128xi32, #tpu.memory_space<vmem>>, vector<16xi32>,
    tpu.vector_store %arg12[%swap3A_1898], %select_n3A_1897 {strides = array<i32>} : memref<128xi32, #tpu.memory_space<vmem>>, vector<16xi32>,
    %reduce_sum3A_1900 = arith.constant true
    %reduce_sum3A_1901 = vector.broadcast %reduce_sum3A_1900 : i1 to vector<16xi1>
    %reduce_sum3A_1902 = tpu.scan <sum>, %convert_element_type3A_1886 masked %reduce_sum3A_1901 : vector<16xi32>, vector<16xi1> -> vector<16xi32>
    %reduce_sum3A_1903 = vector.extract %reduce_sum3A_1902[15] : i32 from vector<16xi32>
    %add3A_1904 = arith.addi %add3A_1880, %reduce_sum3A_1903 : i32
    %get3A_1905 = arith.constant 48 : index
    %get3A_1906 = tpu.vector_load %arg11[%get3A_1905] {strides = array<i32>} : memref<128xi32, #tpu.memory_space<vmem>>, vector<16xi32>,
    %eq3A_1907 = arith.constant 1 : i32
    %eq3A_1908 = vector.broadcast %eq3A_1907 : i32 to vector<16xi32>
    %eq3A_1909 = arith.cmpi eq, %get3A_1906, %eq3A_1908 : vector<16xi32>
    %convert_element_type3A_1910 = arith.extui %eq3A_1909 : vector<16xi1> to vector<16xi32>
    %cumsum3A_1911 = arith.constant true
    %cumsum3A_1912 = vector.broadcast %cumsum3A_1911 : i1 to vector<16xi1>
    %cumsum3A_1913 = tpu.scan <sum>, %convert_element_type3A_1910 masked %cumsum3A_1912 : vector<16xi32>, vector<16xi1> -> vector<16xi32>
    %add3A_1914 = vector.broadcast %add3A_1904 : i32 to vector<16xi32>
    %add3A_1915 = arith.addi %add3A_1914, %cumsum3A_1913 : vector<16xi32>
    %sub3A_1916 = arith.constant 1 : i32
    %sub3A_1917 = vector.broadcast %sub3A_1916 : i32 to vector<16xi32>
    %sub3A_1918 = arith.subi %add3A_1915, %sub3A_1917 : vector<16xi32>
    %get3A_1919 = arith.constant 48 : index
    %get3A_1920 = tpu.vector_load %arg12[%get3A_1919] {strides = array<i32>} : memref<128xi32, #tpu.memory_space<vmem>>, vector<16xi32>,
    %select_n3A_1921 = arith.select %eq3A_1909, %sub3A_1918, %get3A_1920 : vector<16xi1>, vector<16xi32>
    %swap3A_1922 = arith.constant 48 : index
    %swap3A_1923 = tpu.vector_load %arg12[%swap3A_1922] {strides = array<i32>} : memref<128xi32, #tpu.memory_space<vmem>>, vector<16xi32>,
    tpu.vector_store %arg12[%swap3A_1922], %select_n3A_1921 {strides = array<i32>} : memref<128xi32, #tpu.memory_space<vmem>>, vector<16xi32>,
    %reduce_sum3A_1924 = arith.constant true
    %reduce_sum3A_1925 = vector.broadcast %reduce_sum3A_1924 : i1 to vector<16xi1>
    %reduce_sum3A_1926 = tpu.scan <sum>, %convert_element_type3A_1910 masked %reduce_sum3A_1925 : vector<16xi32>, vector<16xi1> -> vector<16xi32>
    %reduce_sum3A_1927 = vector.extract %reduce_sum3A_1926[15] : i32 from vector<16xi32>
    %add3A_1928 = arith.addi %add3A_1904, %reduce_sum3A_1927 : i32
    %get3A_1929 = arith.constant 64 : index
    %get3A_1930 = tpu.vector_load %arg11[%get3A_1929] {strides = array<i32>} : memref<128xi32, #tpu.memory_space<vmem>>, vector<16xi32>,
    %eq3A_1931 = arith.constant 1 : i32
    %eq3A_1932 = vector.broadcast %eq3A_1931 : i32 to vector<16xi32>
    %eq3A_1933 = arith.cmpi eq, %get3A_1930, %eq3A_1932 : vector<16xi32>
    %convert_element_type3A_1934 = arith.extui %eq3A_1933 : vector<16xi1> to vector<16xi32>
    %cumsum3A_1935 = arith.constant true
    %cumsum3A_1936 = vector.broadcast %cumsum3A_1935 : i1 to vector<16xi1>
    %cumsum3A_1937 = tpu.scan <sum>, %convert_element_type3A_1934 masked %cumsum3A_1936 : vector<16xi32>, vector<16xi1> -> vector<16xi32>
    %add3A_1938 = vector.broadcast %add3A_1928 : i32 to vector<16xi32>
    %add3A_1939 = arith.addi %add3A_1938, %cumsum3A_1937 : vector<16xi32>
    %sub3A_1940 = arith.constant 1 : i32
    %sub3A_1941 = vector.broadcast %sub3A_1940 : i32 to vector<16xi32>
    %sub3A_1942 = arith.subi %add3A_1939, %sub3A_1941 : vector<16xi32>
    %get3A_1943 = arith.constant 64 : index
    %get3A_1944 = tpu.vector_load %arg12[%get3A_1943] {strides = array<i32>} : memref<128xi32, #tpu.memory_space<vmem>>, vector<16xi32>,
    %select_n3A_1945 = arith.select %eq3A_1933, %sub3A_1942, %get3A_1944 : vector<16xi1>, vector<16xi32>
    %swap3A_1946 = arith.constant 64 : index
    %swap3A_1947 = tpu.vector_load %arg12[%swap3A_1946] {strides = array<i32>} : memref<128xi32, #tpu.memory_space<vmem>>, vector<16xi32>,
    tpu.vector_store %arg12[%swap3A_1946], %select_n3A_1945 {strides = array<i32>} : memref<128xi32, #tpu.memory_space<vmem>>, vector<16xi32>,
    %reduce_sum3A_1948 = arith.constant true
    %reduce_sum3A_1949 = vector.broadcast %reduce_sum3A_1948 : i1 to vector<16xi1>
    %reduce_sum3A_1950 = tpu.scan <sum>, %convert_element_type3A_1934 masked %reduce_sum3A_1949 : vector<16xi32>, vector<16xi1> -> vector<16xi32>
    %reduce_sum3A_1951 = vector.extract %reduce_sum3A_1950[15] : i32 from vector<16xi32>
    %add3A_1952 = arith.addi %add3A_1928, %reduce_sum3A_1951 : i32
    %get3A_1953 = arith.constant 80 : index
    %get3A_1954 = tpu.vector_load %arg11[%get3A_1953] {strides = array<i32>} : memref<128xi32, #tpu.memory_space<vmem>>, vector<16xi32>,
    %eq3A_1955 = arith.constant 1 : i32
    %eq3A_1956 = vector.broadcast %eq3A_1955 : i32 to vector<16xi32>
    %eq3A_1957 = arith.cmpi eq, %get3A_1954, %eq3A_1956 : vector<16xi32>
    %convert_element_type3A_1958 = arith.extui %eq3A_1957 : vector<16xi1> to vector<16xi32>
    %cumsum3A_1959 = arith.constant true
    %cumsum3A_1960 = vector.broadcast %cumsum3A_1959 : i1 to vector<16xi1>
    %cumsum3A_1961 = tpu.scan <sum>, %convert_element_type3A_1958 masked %cumsum3A_1960 : vector<16xi32>, vector<16xi1> -> vector<16xi32>
    %add3A_1962 = vector.broadcast %add3A_1952 : i32 to vector<16xi32>
    %add3A_1963 = arith.addi %add3A_1962, %cumsum3A_1961 : vector<16xi32>
    %sub3A_1964 = arith.constant 1 : i32
    %sub3A_1965 = vector.broadcast %sub3A_1964 : i32 to vector<16xi32>
    %sub3A_1966 = arith.subi %add3A_1963, %sub3A_1965 : vector<16xi32>
    %get3A_1967 = arith.constant 80 : index
    %get3A_1968 = tpu.vector_load %arg12[%get3A_1967] {strides = array<i32>} : memref<128xi32, #tpu.memory_space<vmem>>, vector<16xi32>,
    %select_n3A_1969 = arith.select %eq3A_1957, %sub3A_1966, %get3A_1968 : vector<16xi1>, vector<16xi32>
    %swap3A_1970 = arith.constant 80 : index
    %swap3A_1971 = tpu.vector_load %arg12[%swap3A_1970] {strides = array<i32>} : memref<128xi32, #tpu.memory_space<vmem>>, vector<16xi32>,
    tpu.vector_store %arg12[%swap3A_1970], %select_n3A_1969 {strides = array<i32>} : memref<128xi32, #tpu.memory_space<vmem>>, vector<16xi32>,
    %reduce_sum3A_1972 = arith.constant true
    %reduce_sum3A_1973 = vector.broadcast %reduce_sum3A_1972 : i1 to vector<16xi1>
    %reduce_sum3A_1974 = tpu.scan <sum>, %convert_element_type3A_1958 masked %reduce_sum3A_1973 : vector<16xi32>, vector<16xi1> -> vector<16xi32>
    %reduce_sum3A_1975 = vector.extract %reduce_sum3A_1974[15] : i32 from vector<16xi32>
    %add3A_1976 = arith.addi %add3A_1952, %reduce_sum3A_1975 : i32
    %get3A_1977 = arith.constant 96 : index
    %get3A_1978 = tpu.vector_load %arg11[%get3A_1977] {strides = array<i32>} : memref<128xi32, #tpu.memory_space<vmem>>, vector<16xi32>,
    %eq3A_1979 = arith.constant 1 : i32
    %eq3A_1980 = vector.broadcast %eq3A_1979 : i32 to vector<16xi32>
    %eq3A_1981 = arith.cmpi eq, %get3A_1978, %eq3A_1980 : vector<16xi32>
    %convert_element_type3A_1982 = arith.extui %eq3A_1981 : vector<16xi1> to vector<16xi32>
    %cumsum3A_1983 = arith.constant true
    %cumsum3A_1984 = vector.broadcast %cumsum3A_1983 : i1 to vector<16xi1>
    %cumsum3A_1985 = tpu.scan <sum>, %convert_element_type3A_1982 masked %cumsum3A_1984 : vector<16xi32>, vector<16xi1> -> vector<16xi32>
    %add3A_1986 = vector.broadcast %add3A_1976 : i32 to vector<16xi32>
    %add3A_1987 = arith.addi %add3A_1986, %cumsum3A_1985 : vector<16xi32>
    %sub3A_1988 = arith.constant 1 : i32
    %sub3A_1989 = vector.broadcast %sub3A_1988 : i32 to vector<16xi32>
    %sub3A_1990 = arith.subi %add3A_1987, %sub3A_1989 : vector<16xi32>
    %get3A_1991 = arith.constant 96 : index
    %get3A_1992 = tpu.vector_load %arg12[%get3A_1991] {strides = array<i32>} : memref<128xi32, #tpu.memory_space<vmem>>, vector<16xi32>,
    %select_n3A_1993 = arith.select %eq3A_1981, %sub3A_1990, %get3A_1992 : vector<16xi1>, vector<16xi32>
    %swap3A_1994 = arith.constant 96 : index
    %swap3A_1995 = tpu.vector_load %arg12[%swap3A_1994] {strides = array<i32>} : memref<128xi32, #tpu.memory_space<vmem>>, vector<16xi32>,
    tpu.vector_store %arg12[%swap3A_1994], %select_n3A_1993 {strides = array<i32>} : memref<128xi32, #tpu.memory_space<vmem>>, vector<16xi32>,
    %reduce_sum3A_1996 = arith.constant true
    %reduce_sum3A_1997 = vector.broadcast %reduce_sum3A_1996 : i1 to vector<16xi1>
    %reduce_sum3A_1998 = tpu.scan <sum>, %convert_element_type3A_1982 masked %reduce_sum3A_1997 : vector<16xi32>, vector<16xi1> -> vector<16xi32>
    %reduce_sum3A_1999 = vector.extract %reduce_sum3A_1998[15] : i32 from vector<16xi32>
    %add3A_2000 = arith.addi %add3A_1976, %reduce_sum3A_1999 : i32
    %get3A_2001 = arith.constant 112 : index
    %get3A_2002 = tpu.vector_load %arg11[%get3A_2001] {strides = array<i32>} : memref<128xi32, #tpu.memory_space<vmem>>, vector<16xi32>,
    %eq3A_2003 = arith.constant 1 : i32
    %eq3A_2004 = vector.broadcast %eq3A_2003 : i32 to vector<16xi32>
    %eq3A_2005 = arith.cmpi eq, %get3A_2002, %eq3A_2004 : vector<16xi32>
    %convert_element_type3A_2006 = arith.extui %eq3A_2005 : vector<16xi1> to vector<16xi32>
    %cumsum3A_2007 = arith.constant true
    %cumsum3A_2008 = vector.broadcast %cumsum3A_2007 : i1 to vector<16xi1>
    %cumsum3A_2009 = tpu.scan <sum>, %convert_element_type3A_2006 masked %cumsum3A_2008 : vector<16xi32>, vector<16xi1> -> vector<16xi32>
    %add3A_2010 = vector.broadcast %add3A_2000 : i32 to vector<16xi32>
    %add3A_2011 = arith.addi %add3A_2010, %cumsum3A_2009 : vector<16xi32>
    %sub3A_2012 = arith.constant 1 : i32
    %sub3A_2013 = vector.broadcast %sub3A_2012 : i32 to vector<16xi32>
    %sub3A_2014 = arith.subi %add3A_2011, %sub3A_2013 : vector<16xi32>
    %get3A_2015 = arith.constant 112 : index
    %get3A_2016 = tpu.vector_load %arg12[%get3A_2015] {strides = array<i32>} : memref<128xi32, #tpu.memory_space<vmem>>, vector<16xi32>,
    %select_n3A_2017 = arith.select %eq3A_2005, %sub3A_2014, %get3A_2016 : vector<16xi1>, vector<16xi32>
    %swap3A_2018 = arith.constant 112 : index
    %swap3A_2019 = tpu.vector_load %arg12[%swap3A_2018] {strides = array<i32>} : memref<128xi32, #tpu.memory_space<vmem>>, vector<16xi32>,
    tpu.vector_store %arg12[%swap3A_2018], %select_n3A_2017 {strides = array<i32>} : memref<128xi32, #tpu.memory_space<vmem>>, vector<16xi32>,
    %reduce_sum3A_2020 = arith.constant true
    %reduce_sum3A_2021 = vector.broadcast %reduce_sum3A_2020 : i1 to vector<16xi1>
    %reduce_sum3A_2022 = tpu.scan <sum>, %convert_element_type3A_2006 masked %reduce_sum3A_2021 : vector<16xi32>, vector<16xi1> -> vector<16xi32>
    %reduce_sum3A_2023 = vector.extract %reduce_sum3A_2022[15] : i32 from vector<16xi32>
    %add3A_2024 = arith.addi %add3A_2000, %reduce_sum3A_2023 : i32
    %eq3A_2025 = arith.constant 2 : i32
    %eq3A_2026 = vector.broadcast %eq3A_2025 : i32 to vector<16xi32>
    %eq3A_2027 = arith.cmpi eq, %iota3A, %eq3A_2026 : vector<16xi32>
    %convert_element_type3A_2028 = arith.extui %eq3A_2027 : vector<16xi1> to vector<16xi32>
    %mul3A_2029 = arith.muli %convert_element_type3A_2028, %add3A_1619 : vector<16xi32>
    %reduce_sum3A_2030 = arith.constant true
    %reduce_sum3A_2031 = vector.broadcast %reduce_sum3A_2030 : i1 to vector<16xi1>
    %reduce_sum3A_2032 = tpu.scan <sum>, %mul3A_2029 masked %reduce_sum3A_2031 : vector<16xi32>, vector<16xi1> -> vector<16xi32>
    %reduce_sum3A_2033 = vector.extract %reduce_sum3A_2032[15] : i32 from vector<16xi32>
    %get3A_2034 = arith.constant 0 : index
    %get3A_2035 = tpu.vector_load %arg11[%get3A_2034] {strides = array<i32>} : memref<128xi32, #tpu.memory_space<vmem>>, vector<16xi32>,
    %eq3A_2036 = arith.constant 2 : i32
    %eq3A_2037 = vector.broadcast %eq3A_2036 : i32 to vector<16xi32>
    %eq3A_2038 = arith.cmpi eq, %get3A_2035, %eq3A_2037 : vector<16xi32>
    %convert_element_type3A_2039 = arith.extui %eq3A_2038 : vector<16xi1> to vector<16xi32>
    %cumsum3A_2040 = arith.constant true
    %cumsum3A_2041 = vector.broadcast %cumsum3A_2040 : i1 to vector<16xi1>
    %cumsum3A_2042 = tpu.scan <sum>, %convert_element_type3A_2039 masked %cumsum3A_2041 : vector<16xi32>, vector<16xi1> -> vector<16xi32>
    %add3A_2043 = vector.broadcast %reduce_sum3A_2033 : i32 to vector<16xi32>
    %add3A_2044 = arith.addi %add3A_2043, %cumsum3A_2042 : vector<16xi32>
    %sub3A_2045 = arith.constant 1 : i32
    %sub3A_2046 = vector.broadcast %sub3A_2045 : i32 to vector<16xi32>
    %sub3A_2047 = arith.subi %add3A_2044, %sub3A_2046 : vector<16xi32>
    %get3A_2048 = arith.constant 0 : index
    %get3A_2049 = tpu.vector_load %arg12[%get3A_2048] {strides = array<i32>} : memref<128xi32, #tpu.memory_space<vmem>>, vector<16xi32>,
    %select_n3A_2050 = arith.select %eq3A_2038, %sub3A_2047, %get3A_2049 : vector<16xi1>, vector<16xi32>
    %swap3A_2051 = arith.constant 0 : index
    %swap3A_2052 = tpu.vector_load %arg12[%swap3A_2051] {strides = array<i32>} : memref<128xi32, #tpu.memory_space<vmem>>, vector<16xi32>,
    tpu.vector_store %arg12[%swap3A_2051], %select_n3A_2050 {strides = array<i32>} : memref<128xi32, #tpu.memory_space<vmem>>, vector<16xi32>,
    %reduce_sum3A_2053 = arith.constant true
    %reduce_sum3A_2054 = vector.broadcast %reduce_sum3A_2053 : i1 to vector<16xi1>
    %reduce_sum3A_2055 = tpu.scan <sum>, %convert_element_type3A_2039 masked %reduce_sum3A_2054 : vector<16xi32>, vector<16xi1> -> vector<16xi32>
    %reduce_sum3A_2056 = vector.extract %reduce_sum3A_2055[15] : i32 from vector<16xi32>
    %add3A_2057 = arith.addi %reduce_sum3A_2033, %reduce_sum3A_2056 : i32
    %get3A_2058 = arith.constant 16 : index
    %get3A_2059 = tpu.vector_load %arg11[%get3A_2058] {strides = array<i32>} : memref<128xi32, #tpu.memory_space<vmem>>, vector<16xi32>,
    %eq3A_2060 = arith.constant 2 : i32
    %eq3A_2061 = vector.broadcast %eq3A_2060 : i32 to vector<16xi32>
    %eq3A_2062 = arith.cmpi eq, %get3A_2059, %eq3A_2061 : vector<16xi32>
    %convert_element_type3A_2063 = arith.extui %eq3A_2062 : vector<16xi1> to vector<16xi32>
    %cumsum3A_2064 = arith.constant true
    %cumsum3A_2065 = vector.broadcast %cumsum3A_2064 : i1 to vector<16xi1>
    %cumsum3A_2066 = tpu.scan <sum>, %convert_element_type3A_2063 masked %cumsum3A_2065 : vector<16xi32>, vector<16xi1> -> vector<16xi32>
    %add3A_2067 = vector.broadcast %add3A_2057 : i32 to vector<16xi32>
    %add3A_2068 = arith.addi %add3A_2067, %cumsum3A_2066 : vector<16xi32>
    %sub3A_2069 = arith.constant 1 : i32
    %sub3A_2070 = vector.broadcast %sub3A_2069 : i32 to vector<16xi32>
    %sub3A_2071 = arith.subi %add3A_2068, %sub3A_2070 : vector<16xi32>
    %get3A_2072 = arith.constant 16 : index
    %get3A_2073 = tpu.vector_load %arg12[%get3A_2072] {strides = array<i32>} : memref<128xi32, #tpu.memory_space<vmem>>, vector<16xi32>,
    %select_n3A_2074 = arith.select %eq3A_2062, %sub3A_2071, %get3A_2073 : vector<16xi1>, vector<16xi32>
    %swap3A_2075 = arith.constant 16 : index
    %swap3A_2076 = tpu.vector_load %arg12[%swap3A_2075] {strides = array<i32>} : memref<128xi32, #tpu.memory_space<vmem>>, vector<16xi32>,
    tpu.vector_store %arg12[%swap3A_2075], %select_n3A_2074 {strides = array<i32>} : memref<128xi32, #tpu.memory_space<vmem>>, vector<16xi32>,
    %reduce_sum3A_2077 = arith.constant true
    %reduce_sum3A_2078 = vector.broadcast %reduce_sum3A_2077 : i1 to vector<16xi1>
    %reduce_sum3A_2079 = tpu.scan <sum>, %convert_element_type3A_2063 masked %reduce_sum3A_2078 : vector<16xi32>, vector<16xi1> -> vector<16xi32>
    %reduce_sum3A_2080 = vector.extract %reduce_sum3A_2079[15] : i32 from vector<16xi32>
    %add3A_2081 = arith.addi %add3A_2057, %reduce_sum3A_2080 : i32
    %get3A_2082 = arith.constant 32 : index
    %get3A_2083 = tpu.vector_load %arg11[%get3A_2082] {strides = array<i32>} : memref<128xi32, #tpu.memory_space<vmem>>, vector<16xi32>,
    %eq3A_2084 = arith.constant 2 : i32
    %eq3A_2085 = vector.broadcast %eq3A_2084 : i32 to vector<16xi32>
    %eq3A_2086 = arith.cmpi eq, %get3A_2083, %eq3A_2085 : vector<16xi32>
    %convert_element_type3A_2087 = arith.extui %eq3A_2086 : vector<16xi1> to vector<16xi32>
    %cumsum3A_2088 = arith.constant true
    %cumsum3A_2089 = vector.broadcast %cumsum3A_2088 : i1 to vector<16xi1>
    %cumsum3A_2090 = tpu.scan <sum>, %convert_element_type3A_2087 masked %cumsum3A_2089 : vector<16xi32>, vector<16xi1> -> vector<16xi32>
    %add3A_2091 = vector.broadcast %add3A_2081 : i32 to vector<16xi32>
    %add3A_2092 = arith.addi %add3A_2091, %cumsum3A_2090 : vector<16xi32>
    %sub3A_2093 = arith.constant 1 : i32
    %sub3A_2094 = vector.broadcast %sub3A_2093 : i32 to vector<16xi32>
    %sub3A_2095 = arith.subi %add3A_2092, %sub3A_2094 : vector<16xi32>
    %get3A_2096 = arith.constant 32 : index
    %get3A_2097 = tpu.vector_load %arg12[%get3A_2096] {strides = array<i32>} : memref<128xi32, #tpu.memory_space<vmem>>, vector<16xi32>,
    %select_n3A_2098 = arith.select %eq3A_2086, %sub3A_2095, %get3A_2097 : vector<16xi1>, vector<16xi32>
    %swap3A_2099 = arith.constant 32 : index
    %swap3A_2100 = tpu.vector_load %arg12[%swap3A_2099] {strides = array<i32>} : memref<128xi32, #tpu.memory_space<vmem>>, vector<16xi32>,
    tpu.vector_store %arg12[%swap3A_2099], %select_n3A_2098 {strides = array<i32>} : memref<128xi32, #tpu.memory_space<vmem>>, vector<16xi32>,
    %reduce_sum3A_2101 = arith.constant true
    %reduce_sum3A_2102 = vector.broadcast %reduce_sum3A_2101 : i1 to vector<16xi1>
    %reduce_sum3A_2103 = tpu.scan <sum>, %convert_element_type3A_2087 masked %reduce_sum3A_2102 : vector<16xi32>, vector<16xi1> -> vector<16xi32>
    %reduce_sum3A_2104 = vector.extract %reduce_sum3A_2103[15] : i32 from vector<16xi32>
    %add3A_2105 = arith.addi %add3A_2081, %reduce_sum3A_2104 : i32
    %get3A_2106 = arith.constant 48 : index
    %get3A_2107 = tpu.vector_load %arg11[%get3A_2106] {strides = array<i32>} : memref<128xi32, #tpu.memory_space<vmem>>, vector<16xi32>,
    %eq3A_2108 = arith.constant 2 : i32
    %eq3A_2109 = vector.broadcast %eq3A_2108 : i32 to vector<16xi32>
    %eq3A_2110 = arith.cmpi eq, %get3A_2107, %eq3A_2109 : vector<16xi32>
    %convert_element_type3A_2111 = arith.extui %eq3A_2110 : vector<16xi1> to vector<16xi32>
    %cumsum3A_2112 = arith.constant true
    %cumsum3A_2113 = vector.broadcast %cumsum3A_2112 : i1 to vector<16xi1>
    %cumsum3A_2114 = tpu.scan <sum>, %convert_element_type3A_2111 masked %cumsum3A_2113 : vector<16xi32>, vector<16xi1> -> vector<16xi32>
    %add3A_2115 = vector.broadcast %add3A_2105 : i32 to vector<16xi32>
    %add3A_2116 = arith.addi %add3A_2115, %cumsum3A_2114 : vector<16xi32>
    %sub3A_2117 = arith.constant 1 : i32
    %sub3A_2118 = vector.broadcast %sub3A_2117 : i32 to vector<16xi32>
    %sub3A_2119 = arith.subi %add3A_2116, %sub3A_2118 : vector<16xi32>
    %get3A_2120 = arith.constant 48 : index
    %get3A_2121 = tpu.vector_load %arg12[%get3A_2120] {strides = array<i32>} : memref<128xi32, #tpu.memory_space<vmem>>, vector<16xi32>,
    %select_n3A_2122 = arith.select %eq3A_2110, %sub3A_2119, %get3A_2121 : vector<16xi1>, vector<16xi32>
    %swap3A_2123 = arith.constant 48 : index
    %swap3A_2124 = tpu.vector_load %arg12[%swap3A_2123] {strides = array<i32>} : memref<128xi32, #tpu.memory_space<vmem>>, vector<16xi32>,
    tpu.vector_store %arg12[%swap3A_2123], %select_n3A_2122 {strides = array<i32>} : memref<128xi32, #tpu.memory_space<vmem>>, vector<16xi32>,
    %reduce_sum3A_2125 = arith.constant true
    %reduce_sum3A_2126 = vector.broadcast %reduce_sum3A_2125 : i1 to vector<16xi1>
    %reduce_sum3A_2127 = tpu.scan <sum>, %convert_element_type3A_2111 masked %reduce_sum3A_2126 : vector<16xi32>, vector<16xi1> -> vector<16xi32>
    %reduce_sum3A_2128 = vector.extract %reduce_sum3A_2127[15] : i32 from vector<16xi32>
    %add3A_2129 = arith.addi %add3A_2105, %reduce_sum3A_2128 : i32
    %get3A_2130 = arith.constant 64 : index
    %get3A_2131 = tpu.vector_load %arg11[%get3A_2130] {strides = array<i32>} : memref<128xi32, #tpu.memory_space<vmem>>, vector<16xi32>,
    %eq3A_2132 = arith.constant 2 : i32
    %eq3A_2133 = vector.broadcast %eq3A_2132 : i32 to vector<16xi32>
    %eq3A_2134 = arith.cmpi eq, %get3A_2131, %eq3A_2133 : vector<16xi32>
    %convert_element_type3A_2135 = arith.extui %eq3A_2134 : vector<16xi1> to vector<16xi32>
    %cumsum3A_2136 = arith.constant true
    %cumsum3A_2137 = vector.broadcast %cumsum3A_2136 : i1 to vector<16xi1>
    %cumsum3A_2138 = tpu.scan <sum>, %convert_element_type3A_2135 masked %cumsum3A_2137 : vector<16xi32>, vector<16xi1> -> vector<16xi32>
    %add3A_2139 = vector.broadcast %add3A_2129 : i32 to vector<16xi32>
    %add3A_2140 = arith.addi %add3A_2139, %cumsum3A_2138 : vector<16xi32>
    %sub3A_2141 = arith.constant 1 : i32
    %sub3A_2142 = vector.broadcast %sub3A_2141 : i32 to vector<16xi32>
    %sub3A_2143 = arith.subi %add3A_2140, %sub3A_2142 : vector<16xi32>
    %get3A_2144 = arith.constant 64 : index
    %get3A_2145 = tpu.vector_load %arg12[%get3A_2144] {strides = array<i32>} : memref<128xi32, #tpu.memory_space<vmem>>, vector<16xi32>,
    %select_n3A_2146 = arith.select %eq3A_2134, %sub3A_2143, %get3A_2145 : vector<16xi1>, vector<16xi32>
    %swap3A_2147 = arith.constant 64 : index
    %swap3A_2148 = tpu.vector_load %arg12[%swap3A_2147] {strides = array<i32>} : memref<128xi32, #tpu.memory_space<vmem>>, vector<16xi32>,
    tpu.vector_store %arg12[%swap3A_2147], %select_n3A_2146 {strides = array<i32>} : memref<128xi32, #tpu.memory_space<vmem>>, vector<16xi32>,
    %reduce_sum3A_2149 = arith.constant true
    %reduce_sum3A_2150 = vector.broadcast %reduce_sum3A_2149 : i1 to vector<16xi1>
    %reduce_sum3A_2151 = tpu.scan <sum>, %convert_element_type3A_2135 masked %reduce_sum3A_2150 : vector<16xi32>, vector<16xi1> -> vector<16xi32>
    %reduce_sum3A_2152 = vector.extract %reduce_sum3A_2151[15] : i32 from vector<16xi32>
    %add3A_2153 = arith.addi %add3A_2129, %reduce_sum3A_2152 : i32
    %get3A_2154 = arith.constant 80 : index
    %get3A_2155 = tpu.vector_load %arg11[%get3A_2154] {strides = array<i32>} : memref<128xi32, #tpu.memory_space<vmem>>, vector<16xi32>,
    %eq3A_2156 = arith.constant 2 : i32
    %eq3A_2157 = vector.broadcast %eq3A_2156 : i32 to vector<16xi32>
    %eq3A_2158 = arith.cmpi eq, %get3A_2155, %eq3A_2157 : vector<16xi32>
    %convert_element_type3A_2159 = arith.extui %eq3A_2158 : vector<16xi1> to vector<16xi32>
    %cumsum3A_2160 = arith.constant true
    %cumsum3A_2161 = vector.broadcast %cumsum3A_2160 : i1 to vector<16xi1>
    %cumsum3A_2162 = tpu.scan <sum>, %convert_element_type3A_2159 masked %cumsum3A_2161 : vector<16xi32>, vector<16xi1> -> vector<16xi32>
    %add3A_2163 = vector.broadcast %add3A_2153 : i32 to vector<16xi32>
    %add3A_2164 = arith.addi %add3A_2163, %cumsum3A_2162 : vector<16xi32>
    %sub3A_2165 = arith.constant 1 : i32
    %sub3A_2166 = vector.broadcast %sub3A_2165 : i32 to vector<16xi32>
    %sub3A_2167 = arith.subi %add3A_2164, %sub3A_2166 : vector<16xi32>
    %get3A_2168 = arith.constant 80 : index
    %get3A_2169 = tpu.vector_load %arg12[%get3A_2168] {strides = array<i32>} : memref<128xi32, #tpu.memory_space<vmem>>, vector<16xi32>,
    %select_n3A_2170 = arith.select %eq3A_2158, %sub3A_2167, %get3A_2169 : vector<16xi1>, vector<16xi32>
    %swap3A_2171 = arith.constant 80 : index
    %swap3A_2172 = tpu.vector_load %arg12[%swap3A_2171] {strides = array<i32>} : memref<128xi32, #tpu.memory_space<vmem>>, vector<16xi32>,
    tpu.vector_store %arg12[%swap3A_2171], %select_n3A_2170 {strides = array<i32>} : memref<128xi32, #tpu.memory_space<vmem>>, vector<16xi32>,
    %reduce_sum3A_2173 = arith.constant true
    %reduce_sum3A_2174 = vector.broadcast %reduce_sum3A_2173 : i1 to vector<16xi1>
    %reduce_sum3A_2175 = tpu.scan <sum>, %convert_element_type3A_2159 masked %reduce_sum3A_2174 : vector<16xi32>, vector<16xi1> -> vector<16xi32>
    %reduce_sum3A_2176 = vector.extract %reduce_sum3A_2175[15] : i32 from vector<16xi32>
    %add3A_2177 = arith.addi %add3A_2153, %reduce_sum3A_2176 : i32
    %get3A_2178 = arith.constant 96 : index
    %get3A_2179 = tpu.vector_load %arg11[%get3A_2178] {strides = array<i32>} : memref<128xi32, #tpu.memory_space<vmem>>, vector<16xi32>,
    %eq3A_2180 = arith.constant 2 : i32
    %eq3A_2181 = vector.broadcast %eq3A_2180 : i32 to vector<16xi32>
    %eq3A_2182 = arith.cmpi eq, %get3A_2179, %eq3A_2181 : vector<16xi32>
    %convert_element_type3A_2183 = arith.extui %eq3A_2182 : vector<16xi1> to vector<16xi32>
    %cumsum3A_2184 = arith.constant true
    %cumsum3A_2185 = vector.broadcast %cumsum3A_2184 : i1 to vector<16xi1>
    %cumsum3A_2186 = tpu.scan <sum>, %convert_element_type3A_2183 masked %cumsum3A_2185 : vector<16xi32>, vector<16xi1> -> vector<16xi32>
    %add3A_2187 = vector.broadcast %add3A_2177 : i32 to vector<16xi32>
    %add3A_2188 = arith.addi %add3A_2187, %cumsum3A_2186 : vector<16xi32>
    %sub3A_2189 = arith.constant 1 : i32
    %sub3A_2190 = vector.broadcast %sub3A_2189 : i32 to vector<16xi32>
    %sub3A_2191 = arith.subi %add3A_2188, %sub3A_2190 : vector<16xi32>
    %get3A_2192 = arith.constant 96 : index
    %get3A_2193 = tpu.vector_load %arg12[%get3A_2192] {strides = array<i32>} : memref<128xi32, #tpu.memory_space<vmem>>, vector<16xi32>,
    %select_n3A_2194 = arith.select %eq3A_2182, %sub3A_2191, %get3A_2193 : vector<16xi1>, vector<16xi32>
    %swap3A_2195 = arith.constant 96 : index
    %swap3A_2196 = tpu.vector_load %arg12[%swap3A_2195] {strides = array<i32>} : memref<128xi32, #tpu.memory_space<vmem>>, vector<16xi32>,
    tpu.vector_store %arg12[%swap3A_2195], %select_n3A_2194 {strides = array<i32>} : memref<128xi32, #tpu.memory_space<vmem>>, vector<16xi32>,
    %reduce_sum3A_2197 = arith.constant true
    %reduce_sum3A_2198 = vector.broadcast %reduce_sum3A_2197 : i1 to vector<16xi1>
    %reduce_sum3A_2199 = tpu.scan <sum>, %convert_element_type3A_2183 masked %reduce_sum3A_2198 : vector<16xi32>, vector<16xi1> -> vector<16xi32>
    %reduce_sum3A_2200 = vector.extract %reduce_sum3A_2199[15] : i32 from vector<16xi32>
    %add3A_2201 = arith.addi %add3A_2177, %reduce_sum3A_2200 : i32
    %get3A_2202 = arith.constant 112 : index
    %get3A_2203 = tpu.vector_load %arg11[%get3A_2202] {strides = array<i32>} : memref<128xi32, #tpu.memory_space<vmem>>, vector<16xi32>,
    %eq3A_2204 = arith.constant 2 : i32
    %eq3A_2205 = vector.broadcast %eq3A_2204 : i32 to vector<16xi32>
    %eq3A_2206 = arith.cmpi eq, %get3A_2203, %eq3A_2205 : vector<16xi32>
    %convert_element_type3A_2207 = arith.extui %eq3A_2206 : vector<16xi1> to vector<16xi32>
    %cumsum3A_2208 = arith.constant true
    %cumsum3A_2209 = vector.broadcast %cumsum3A_2208 : i1 to vector<16xi1>
    %cumsum3A_2210 = tpu.scan <sum>, %convert_element_type3A_2207 masked %cumsum3A_2209 : vector<16xi32>, vector<16xi1> -> vector<16xi32>
    %add3A_2211 = vector.broadcast %add3A_2201 : i32 to vector<16xi32>
    %add3A_2212 = arith.addi %add3A_2211, %cumsum3A_2210 : vector<16xi32>
    %sub3A_2213 = arith.constant 1 : i32
    %sub3A_2214 = vector.broadcast %sub3A_2213 : i32 to vector<16xi32>
    %sub3A_2215 = arith.subi %add3A_2212, %sub3A_2214 : vector<16xi32>
    %get3A_2216 = arith.constant 112 : index
    %get3A_2217 = tpu.vector_load %arg12[%get3A_2216] {strides = array<i32>} : memref<128xi32, #tpu.memory_space<vmem>>, vector<16xi32>,
    %select_n3A_2218 = arith.select %eq3A_2206, %sub3A_2215, %get3A_2217 : vector<16xi1>, vector<16xi32>
    %swap3A_2219 = arith.constant 112 : index
    %swap3A_2220 = tpu.vector_load %arg12[%swap3A_2219] {strides = array<i32>} : memref<128xi32, #tpu.memory_space<vmem>>, vector<16xi32>,
    tpu.vector_store %arg12[%swap3A_2219], %select_n3A_2218 {strides = array<i32>} : memref<128xi32, #tpu.memory_space<vmem>>, vector<16xi32>,
    %reduce_sum3A_2221 = arith.constant true
    %reduce_sum3A_2222 = vector.broadcast %reduce_sum3A_2221 : i1 to vector<16xi1>
    %reduce_sum3A_2223 = tpu.scan <sum>, %convert_element_type3A_2207 masked %reduce_sum3A_2222 : vector<16xi32>, vector<16xi1> -> vector<16xi32>
    %reduce_sum3A_2224 = vector.extract %reduce_sum3A_2223[15] : i32 from vector<16xi32>
    %add3A_2225 = arith.addi %add3A_2201, %reduce_sum3A_2224 : i32
    %eq3A_2226 = arith.constant 3 : i32
    %eq3A_2227 = vector.broadcast %eq3A_2226 : i32 to vector<16xi32>
    %eq3A_2228 = arith.cmpi eq, %iota3A, %eq3A_2227 : vector<16xi32>
    %convert_element_type3A_2229 = arith.extui %eq3A_2228 : vector<16xi1> to vector<16xi32>
    %mul3A_2230 = arith.muli %convert_element_type3A_2229, %add3A_1619 : vector<16xi32>
    %reduce_sum3A_2231 = arith.constant true
    %reduce_sum3A_2232 = vector.broadcast %reduce_sum3A_2231 : i1 to vector<16xi1>
    %reduce_sum3A_2233 = tpu.scan <sum>, %mul3A_2230 masked %reduce_sum3A_2232 : vector<16xi32>, vector<16xi1> -> vector<16xi32>
    %reduce_sum3A_2234 = vector.extract %reduce_sum3A_2233[15] : i32 from vector<16xi32>
    %get3A_2235 = arith.constant 0 : index
    %get3A_2236 = tpu.vector_load %arg11[%get3A_2235] {strides = array<i32>} : memref<128xi32, #tpu.memory_space<vmem>>, vector<16xi32>,
    %eq3A_2237 = arith.constant 3 : i32
    %eq3A_2238 = vector.broadcast %eq3A_2237 : i32 to vector<16xi32>
    %eq3A_2239 = arith.cmpi eq, %get3A_2236, %eq3A_2238 : vector<16xi32>
    %convert_element_type3A_2240 = arith.extui %eq3A_2239 : vector<16xi1> to vector<16xi32>
    %cumsum3A_2241 = arith.constant true
    %cumsum3A_2242 = vector.broadcast %cumsum3A_2241 : i1 to vector<16xi1>
    %cumsum3A_2243 = tpu.scan <sum>, %convert_element_type3A_2240 masked %cumsum3A_2242 : vector<16xi32>, vector<16xi1> -> vector<16xi32>
    %add3A_2244 = vector.broadcast %reduce_sum3A_2234 : i32 to vector<16xi32>
    %add3A_2245 = arith.addi %add3A_2244, %cumsum3A_2243 : vector<16xi32>
    %sub3A_2246 = arith.constant 1 : i32
    %sub3A_2247 = vector.broadcast %sub3A_2246 : i32 to vector<16xi32>
    %sub3A_2248 = arith.subi %add3A_2245, %sub3A_2247 : vector<16xi32>
    %get3A_2249 = arith.constant 0 : index
    %get3A_2250 = tpu.vector_load %arg12[%get3A_2249] {strides = array<i32>} : memref<128xi32, #tpu.memory_space<vmem>>, vector<16xi32>,
    %select_n3A_2251 = arith.select %eq3A_2239, %sub3A_2248, %get3A_2250 : vector<16xi1>, vector<16xi32>
    %swap3A_2252 = arith.constant 0 : index
    %swap3A_2253 = tpu.vector_load %arg12[%swap3A_2252] {strides = array<i32>} : memref<128xi32, #tpu.memory_space<vmem>>, vector<16xi32>,
    tpu.vector_store %arg12[%swap3A_2252], %select_n3A_2251 {strides = array<i32>} : memref<128xi32, #tpu.memory_space<vmem>>, vector<16xi32>,
    %reduce_sum3A_2254 = arith.constant true
    %reduce_sum3A_2255 = vector.broadcast %reduce_sum3A_2254 : i1 to vector<16xi1>
    %reduce_sum3A_2256 = tpu.scan <sum>, %convert_element_type3A_2240 masked %reduce_sum3A_2255 : vector<16xi32>, vector<16xi1> -> vector<16xi32>
    %reduce_sum3A_2257 = vector.extract %reduce_sum3A_2256[15] : i32 from vector<16xi32>
    %add3A_2258 = arith.addi %reduce_sum3A_2234, %reduce_sum3A_2257 : i32
    %get3A_2259 = arith.constant 16 : index
    %get3A_2260 = tpu.vector_load %arg11[%get3A_2259] {strides = array<i32>} : memref<128xi32, #tpu.memory_space<vmem>>, vector<16xi32>,
    %eq3A_2261 = arith.constant 3 : i32
    %eq3A_2262 = vector.broadcast %eq3A_2261 : i32 to vector<16xi32>
    %eq3A_2263 = arith.cmpi eq, %get3A_2260, %eq3A_2262 : vector<16xi32>
    %convert_element_type3A_2264 = arith.extui %eq3A_2263 : vector<16xi1> to vector<16xi32>
    %cumsum3A_2265 = arith.constant true
    %cumsum3A_2266 = vector.broadcast %cumsum3A_2265 : i1 to vector<16xi1>
    %cumsum3A_2267 = tpu.scan <sum>, %convert_element_type3A_2264 masked %cumsum3A_2266 : vector<16xi32>, vector<16xi1> -> vector<16xi32>
    %add3A_2268 = vector.broadcast %add3A_2258 : i32 to vector<16xi32>
    %add3A_2269 = arith.addi %add3A_2268, %cumsum3A_2267 : vector<16xi32>
    %sub3A_2270 = arith.constant 1 : i32
    %sub3A_2271 = vector.broadcast %sub3A_2270 : i32 to vector<16xi32>
    %sub3A_2272 = arith.subi %add3A_2269, %sub3A_2271 : vector<16xi32>
    %get3A_2273 = arith.constant 16 : index
    %get3A_2274 = tpu.vector_load %arg12[%get3A_2273] {strides = array<i32>} : memref<128xi32, #tpu.memory_space<vmem>>, vector<16xi32>,
    %select_n3A_2275 = arith.select %eq3A_2263, %sub3A_2272, %get3A_2274 : vector<16xi1>, vector<16xi32>
    %swap3A_2276 = arith.constant 16 : index
    %swap3A_2277 = tpu.vector_load %arg12[%swap3A_2276] {strides = array<i32>} : memref<128xi32, #tpu.memory_space<vmem>>, vector<16xi32>,
    tpu.vector_store %arg12[%swap3A_2276], %select_n3A_2275 {strides = array<i32>} : memref<128xi32, #tpu.memory_space<vmem>>, vector<16xi32>,
    %reduce_sum3A_2278 = arith.constant true
    %reduce_sum3A_2279 = vector.broadcast %reduce_sum3A_2278 : i1 to vector<16xi1>
    %reduce_sum3A_2280 = tpu.scan <sum>, %convert_element_type3A_2264 masked %reduce_sum3A_2279 : vector<16xi32>, vector<16xi1> -> vector<16xi32>
    %reduce_sum3A_2281 = vector.extract %reduce_sum3A_2280[15] : i32 from vector<16xi32>
    %add3A_2282 = arith.addi %add3A_2258, %reduce_sum3A_2281 : i32
    %get3A_2283 = arith.constant 32 : index
    %get3A_2284 = tpu.vector_load %arg11[%get3A_2283] {strides = array<i32>} : memref<128xi32, #tpu.memory_space<vmem>>, vector<16xi32>,
    %eq3A_2285 = arith.constant 3 : i32
    %eq3A_2286 = vector.broadcast %eq3A_2285 : i32 to vector<16xi32>
    %eq3A_2287 = arith.cmpi eq, %get3A_2284, %eq3A_2286 : vector<16xi32>
    %convert_element_type3A_2288 = arith.extui %eq3A_2287 : vector<16xi1> to vector<16xi32>
    %cumsum3A_2289 = arith.constant true
    %cumsum3A_2290 = vector.broadcast %cumsum3A_2289 : i1 to vector<16xi1>
    %cumsum3A_2291 = tpu.scan <sum>, %convert_element_type3A_2288 masked %cumsum3A_2290 : vector<16xi32>, vector<16xi1> -> vector<16xi32>
    %add3A_2292 = vector.broadcast %add3A_2282 : i32 to vector<16xi32>
    %add3A_2293 = arith.addi %add3A_2292, %cumsum3A_2291 : vector<16xi32>
    %sub3A_2294 = arith.constant 1 : i32
    %sub3A_2295 = vector.broadcast %sub3A_2294 : i32 to vector<16xi32>
    %sub3A_2296 = arith.subi %add3A_2293, %sub3A_2295 : vector<16xi32>
    %get3A_2297 = arith.constant 32 : index
    %get3A_2298 = tpu.vector_load %arg12[%get3A_2297] {strides = array<i32>} : memref<128xi32, #tpu.memory_space<vmem>>, vector<16xi32>,
    %select_n3A_2299 = arith.select %eq3A_2287, %sub3A_2296, %get3A_2298 : vector<16xi1>, vector<16xi32>
    %swap3A_2300 = arith.constant 32 : index
    %swap3A_2301 = tpu.vector_load %arg12[%swap3A_2300] {strides = array<i32>} : memref<128xi32, #tpu.memory_space<vmem>>, vector<16xi32>,
    tpu.vector_store %arg12[%swap3A_2300], %select_n3A_2299 {strides = array<i32>} : memref<128xi32, #tpu.memory_space<vmem>>, vector<16xi32>,
    %reduce_sum3A_2302 = arith.constant true
    %reduce_sum3A_2303 = vector.broadcast %reduce_sum3A_2302 : i1 to vector<16xi1>
    %reduce_sum3A_2304 = tpu.scan <sum>, %convert_element_type3A_2288 masked %reduce_sum3A_2303 : vector<16xi32>, vector<16xi1> -> vector<16xi32>
    %reduce_sum3A_2305 = vector.extract %reduce_sum3A_2304[15] : i32 from vector<16xi32>
    %add3A_2306 = arith.addi %add3A_2282, %reduce_sum3A_2305 : i32
    %get3A_2307 = arith.constant 48 : index
    %get3A_2308 = tpu.vector_load %arg11[%get3A_2307] {strides = array<i32>} : memref<128xi32, #tpu.memory_space<vmem>>, vector<16xi32>,
    %eq3A_2309 = arith.constant 3 : i32
    %eq3A_2310 = vector.broadcast %eq3A_2309 : i32 to vector<16xi32>
    %eq3A_2311 = arith.cmpi eq, %get3A_2308, %eq3A_2310 : vector<16xi32>
    %convert_element_type3A_2312 = arith.extui %eq3A_2311 : vector<16xi1> to vector<16xi32>
    %cumsum3A_2313 = arith.constant true
    %cumsum3A_2314 = vector.broadcast %cumsum3A_2313 : i1 to vector<16xi1>
    %cumsum3A_2315 = tpu.scan <sum>, %convert_element_type3A_2312 masked %cumsum3A_2314 : vector<16xi32>, vector<16xi1> -> vector<16xi32>
    %add3A_2316 = vector.broadcast %add3A_2306 : i32 to vector<16xi32>
    %add3A_2317 = arith.addi %add3A_2316, %cumsum3A_2315 : vector<16xi32>
    %sub3A_2318 = arith.constant 1 : i32
    %sub3A_2319 = vector.broadcast %sub3A_2318 : i32 to vector<16xi32>
    %sub3A_2320 = arith.subi %add3A_2317, %sub3A_2319 : vector<16xi32>
    %get3A_2321 = arith.constant 48 : index
    %get3A_2322 = tpu.vector_load %arg12[%get3A_2321] {strides = array<i32>} : memref<128xi32, #tpu.memory_space<vmem>>, vector<16xi32>,
    %select_n3A_2323 = arith.select %eq3A_2311, %sub3A_2320, %get3A_2322 : vector<16xi1>, vector<16xi32>
    %swap3A_2324 = arith.constant 48 : index
    %swap3A_2325 = tpu.vector_load %arg12[%swap3A_2324] {strides = array<i32>} : memref<128xi32, #tpu.memory_space<vmem>>, vector<16xi32>,
    tpu.vector_store %arg12[%swap3A_2324], %select_n3A_2323 {strides = array<i32>} : memref<128xi32, #tpu.memory_space<vmem>>, vector<16xi32>,
    %reduce_sum3A_2326 = arith.constant true
    %reduce_sum3A_2327 = vector.broadcast %reduce_sum3A_2326 : i1 to vector<16xi1>
    %reduce_sum3A_2328 = tpu.scan <sum>, %convert_element_type3A_2312 masked %reduce_sum3A_2327 : vector<16xi32>, vector<16xi1> -> vector<16xi32>
    %reduce_sum3A_2329 = vector.extract %reduce_sum3A_2328[15] : i32 from vector<16xi32>
    %add3A_2330 = arith.addi %add3A_2306, %reduce_sum3A_2329 : i32
    %get3A_2331 = arith.constant 64 : index
    %get3A_2332 = tpu.vector_load %arg11[%get3A_2331] {strides = array<i32>} : memref<128xi32, #tpu.memory_space<vmem>>, vector<16xi32>,
    %eq3A_2333 = arith.constant 3 : i32
    %eq3A_2334 = vector.broadcast %eq3A_2333 : i32 to vector<16xi32>
    %eq3A_2335 = arith.cmpi eq, %get3A_2332, %eq3A_2334 : vector<16xi32>
    %convert_element_type3A_2336 = arith.extui %eq3A_2335 : vector<16xi1> to vector<16xi32>
    %cumsum3A_2337 = arith.constant true
    %cumsum3A_2338 = vector.broadcast %cumsum3A_2337 : i1 to vector<16xi1>
    %cumsum3A_2339 = tpu.scan <sum>, %convert_element_type3A_2336 masked %cumsum3A_2338 : vector<16xi32>, vector<16xi1> -> vector<16xi32>
    %add3A_2340 = vector.broadcast %add3A_2330 : i32 to vector<16xi32>
    %add3A_2341 = arith.addi %add3A_2340, %cumsum3A_2339 : vector<16xi32>
    %sub3A_2342 = arith.constant 1 : i32
    %sub3A_2343 = vector.broadcast %sub3A_2342 : i32 to vector<16xi32>
    %sub3A_2344 = arith.subi %add3A_2341, %sub3A_2343 : vector<16xi32>
    %get3A_2345 = arith.constant 64 : index
    %get3A_2346 = tpu.vector_load %arg12[%get3A_2345] {strides = array<i32>} : memref<128xi32, #tpu.memory_space<vmem>>, vector<16xi32>,
    %select_n3A_2347 = arith.select %eq3A_2335, %sub3A_2344, %get3A_2346 : vector<16xi1>, vector<16xi32>
    %swap3A_2348 = arith.constant 64 : index
    %swap3A_2349 = tpu.vector_load %arg12[%swap3A_2348] {strides = array<i32>} : memref<128xi32, #tpu.memory_space<vmem>>, vector<16xi32>,
    tpu.vector_store %arg12[%swap3A_2348], %select_n3A_2347 {strides = array<i32>} : memref<128xi32, #tpu.memory_space<vmem>>, vector<16xi32>,
    %reduce_sum3A_2350 = arith.constant true
    %reduce_sum3A_2351 = vector.broadcast %reduce_sum3A_2350 : i1 to vector<16xi1>
    %reduce_sum3A_2352 = tpu.scan <sum>, %convert_element_type3A_2336 masked %reduce_sum3A_2351 : vector<16xi32>, vector<16xi1> -> vector<16xi32>
    %reduce_sum3A_2353 = vector.extract %reduce_sum3A_2352[15] : i32 from vector<16xi32>
    %add3A_2354 = arith.addi %add3A_2330, %reduce_sum3A_2353 : i32
    %get3A_2355 = arith.constant 80 : index
    %get3A_2356 = tpu.vector_load %arg11[%get3A_2355] {strides = array<i32>} : memref<128xi32, #tpu.memory_space<vmem>>, vector<16xi32>,
    %eq3A_2357 = arith.constant 3 : i32
    %eq3A_2358 = vector.broadcast %eq3A_2357 : i32 to vector<16xi32>
    %eq3A_2359 = arith.cmpi eq, %get3A_2356, %eq3A_2358 : vector<16xi32>
    %convert_element_type3A_2360 = arith.extui %eq3A_2359 : vector<16xi1> to vector<16xi32>
    %cumsum3A_2361 = arith.constant true
    %cumsum3A_2362 = vector.broadcast %cumsum3A_2361 : i1 to vector<16xi1>
    %cumsum3A_2363 = tpu.scan <sum>, %convert_element_type3A_2360 masked %cumsum3A_2362 : vector<16xi32>, vector<16xi1> -> vector<16xi32>
    %add3A_2364 = vector.broadcast %add3A_2354 : i32 to vector<16xi32>
    %add3A_2365 = arith.addi %add3A_2364, %cumsum3A_2363 : vector<16xi32>
    %sub3A_2366 = arith.constant 1 : i32
    %sub3A_2367 = vector.broadcast %sub3A_2366 : i32 to vector<16xi32>
    %sub3A_2368 = arith.subi %add3A_2365, %sub3A_2367 : vector<16xi32>
    %get3A_2369 = arith.constant 80 : index
    %get3A_2370 = tpu.vector_load %arg12[%get3A_2369] {strides = array<i32>} : memref<128xi32, #tpu.memory_space<vmem>>, vector<16xi32>,
    %select_n3A_2371 = arith.select %eq3A_2359, %sub3A_2368, %get3A_2370 : vector<16xi1>, vector<16xi32>
    %swap3A_2372 = arith.constant 80 : index
    %swap3A_2373 = tpu.vector_load %arg12[%swap3A_2372] {strides = array<i32>} : memref<128xi32, #tpu.memory_space<vmem>>, vector<16xi32>,
    tpu.vector_store %arg12[%swap3A_2372], %select_n3A_2371 {strides = array<i32>} : memref<128xi32, #tpu.memory_space<vmem>>, vector<16xi32>,
    %reduce_sum3A_2374 = arith.constant true
    %reduce_sum3A_2375 = vector.broadcast %reduce_sum3A_2374 : i1 to vector<16xi1>
    %reduce_sum3A_2376 = tpu.scan <sum>, %convert_element_type3A_2360 masked %reduce_sum3A_2375 : vector<16xi32>, vector<16xi1> -> vector<16xi32>
    %reduce_sum3A_2377 = vector.extract %reduce_sum3A_2376[15] : i32 from vector<16xi32>
    %add3A_2378 = arith.addi %add3A_2354, %reduce_sum3A_2377 : i32
    %get3A_2379 = arith.constant 96 : index
    %get3A_2380 = tpu.vector_load %arg11[%get3A_2379] {strides = array<i32>} : memref<128xi32, #tpu.memory_space<vmem>>, vector<16xi32>,
    %eq3A_2381 = arith.constant 3 : i32
    %eq3A_2382 = vector.broadcast %eq3A_2381 : i32 to vector<16xi32>
    %eq3A_2383 = arith.cmpi eq, %get3A_2380, %eq3A_2382 : vector<16xi32>
    %convert_element_type3A_2384 = arith.extui %eq3A_2383 : vector<16xi1> to vector<16xi32>
    %cumsum3A_2385 = arith.constant true
    %cumsum3A_2386 = vector.broadcast %cumsum3A_2385 : i1 to vector<16xi1>
    %cumsum3A_2387 = tpu.scan <sum>, %convert_element_type3A_2384 masked %cumsum3A_2386 : vector<16xi32>, vector<16xi1> -> vector<16xi32>
    %add3A_2388 = vector.broadcast %add3A_2378 : i32 to vector<16xi32>
    %add3A_2389 = arith.addi %add3A_2388, %cumsum3A_2387 : vector<16xi32>
    %sub3A_2390 = arith.constant 1 : i32
    %sub3A_2391 = vector.broadcast %sub3A_2390 : i32 to vector<16xi32>
    %sub3A_2392 = arith.subi %add3A_2389, %sub3A_2391 : vector<16xi32>
    %get3A_2393 = arith.constant 96 : index
    %get3A_2394 = tpu.vector_load %arg12[%get3A_2393] {strides = array<i32>} : memref<128xi32, #tpu.memory_space<vmem>>, vector<16xi32>,
    %select_n3A_2395 = arith.select %eq3A_2383, %sub3A_2392, %get3A_2394 : vector<16xi1>, vector<16xi32>
    %swap3A_2396 = arith.constant 96 : index
    %swap3A_2397 = tpu.vector_load %arg12[%swap3A_2396] {strides = array<i32>} : memref<128xi32, #tpu.memory_space<vmem>>, vector<16xi32>,
    tpu.vector_store %arg12[%swap3A_2396], %select_n3A_2395 {strides = array<i32>} : memref<128xi32, #tpu.memory_space<vmem>>, vector<16xi32>,
    %reduce_sum3A_2398 = arith.constant true
    %reduce_sum3A_2399 = vector.broadcast %reduce_sum3A_2398 : i1 to vector<16xi1>
    %reduce_sum3A_2400 = tpu.scan <sum>, %convert_element_type3A_2384 masked %reduce_sum3A_2399 : vector<16xi32>, vector<16xi1> -> vector<16xi32>
    %reduce_sum3A_2401 = vector.extract %reduce_sum3A_2400[15] : i32 from vector<16xi32>
    %add3A_2402 = arith.addi %add3A_2378, %reduce_sum3A_2401 : i32
    %get3A_2403 = arith.constant 112 : index
    %get3A_2404 = tpu.vector_load %arg11[%get3A_2403] {strides = array<i32>} : memref<128xi32, #tpu.memory_space<vmem>>, vector<16xi32>,
    %eq3A_2405 = arith.constant 3 : i32
    %eq3A_2406 = vector.broadcast %eq3A_2405 : i32 to vector<16xi32>
    %eq3A_2407 = arith.cmpi eq, %get3A_2404, %eq3A_2406 : vector<16xi32>
    %convert_element_type3A_2408 = arith.extui %eq3A_2407 : vector<16xi1> to vector<16xi32>
    %cumsum3A_2409 = arith.constant true
    %cumsum3A_2410 = vector.broadcast %cumsum3A_2409 : i1 to vector<16xi1>
    %cumsum3A_2411 = tpu.scan <sum>, %convert_element_type3A_2408 masked %cumsum3A_2410 : vector<16xi32>, vector<16xi1> -> vector<16xi32>
    %add3A_2412 = vector.broadcast %add3A_2402 : i32 to vector<16xi32>
    %add3A_2413 = arith.addi %add3A_2412, %cumsum3A_2411 : vector<16xi32>
    %sub3A_2414 = arith.constant 1 : i32
    %sub3A_2415 = vector.broadcast %sub3A_2414 : i32 to vector<16xi32>
    %sub3A_2416 = arith.subi %add3A_2413, %sub3A_2415 : vector<16xi32>
    %get3A_2417 = arith.constant 112 : index
    %get3A_2418 = tpu.vector_load %arg12[%get3A_2417] {strides = array<i32>} : memref<128xi32, #tpu.memory_space<vmem>>, vector<16xi32>,
    %select_n3A_2419 = arith.select %eq3A_2407, %sub3A_2416, %get3A_2418 : vector<16xi1>, vector<16xi32>
    %swap3A_2420 = arith.constant 112 : index
    %swap3A_2421 = tpu.vector_load %arg12[%swap3A_2420] {strides = array<i32>} : memref<128xi32, #tpu.memory_space<vmem>>, vector<16xi32>,
    tpu.vector_store %arg12[%swap3A_2420], %select_n3A_2419 {strides = array<i32>} : memref<128xi32, #tpu.memory_space<vmem>>, vector<16xi32>,
    %reduce_sum3A_2422 = arith.constant true
    %reduce_sum3A_2423 = vector.broadcast %reduce_sum3A_2422 : i1 to vector<16xi1>
    %reduce_sum3A_2424 = tpu.scan <sum>, %convert_element_type3A_2408 masked %reduce_sum3A_2423 : vector<16xi32>, vector<16xi1> -> vector<16xi32>
    %reduce_sum3A_2425 = vector.extract %reduce_sum3A_2424[15] : i32 from vector<16xi32>
    %add3A_2426 = arith.addi %add3A_2402, %reduce_sum3A_2425 : i32
    %eq3A_2427 = arith.constant 4 : i32
    %eq3A_2428 = vector.broadcast %eq3A_2427 : i32 to vector<16xi32>
    %eq3A_2429 = arith.cmpi eq, %iota3A, %eq3A_2428 : vector<16xi32>
    %convert_element_type3A_2430 = arith.extui %eq3A_2429 : vector<16xi1> to vector<16xi32>
    %mul3A_2431 = arith.muli %convert_element_type3A_2430, %add3A_1619 : vector<16xi32>
    %reduce_sum3A_2432 = arith.constant true
    %reduce_sum3A_2433 = vector.broadcast %reduce_sum3A_2432 : i1 to vector<16xi1>
    %reduce_sum3A_2434 = tpu.scan <sum>, %mul3A_2431 masked %reduce_sum3A_2433 : vector<16xi32>, vector<16xi1> -> vector<16xi32>
    %reduce_sum3A_2435 = vector.extract %reduce_sum3A_2434[15] : i32 from vector<16xi32>
    %get3A_2436 = arith.constant 0 : index
    %get3A_2437 = tpu.vector_load %arg11[%get3A_2436] {strides = array<i32>} : memref<128xi32, #tpu.memory_space<vmem>>, vector<16xi32>,
    %eq3A_2438 = arith.constant 4 : i32
    %eq3A_2439 = vector.broadcast %eq3A_2438 : i32 to vector<16xi32>
    %eq3A_2440 = arith.cmpi eq, %get3A_2437, %eq3A_2439 : vector<16xi32>
    %convert_element_type3A_2441 = arith.extui %eq3A_2440 : vector<16xi1> to vector<16xi32>
    %cumsum3A_2442 = arith.constant true
    %cumsum3A_2443 = vector.broadcast %cumsum3A_2442 : i1 to vector<16xi1>
    %cumsum3A_2444 = tpu.scan <sum>, %convert_element_type3A_2441 masked %cumsum3A_2443 : vector<16xi32>, vector<16xi1> -> vector<16xi32>
    %add3A_2445 = vector.broadcast %reduce_sum3A_2435 : i32 to vector<16xi32>
    %add3A_2446 = arith.addi %add3A_2445, %cumsum3A_2444 : vector<16xi32>
    %sub3A_2447 = arith.constant 1 : i32
    %sub3A_2448 = vector.broadcast %sub3A_2447 : i32 to vector<16xi32>
    %sub3A_2449 = arith.subi %add3A_2446, %sub3A_2448 : vector<16xi32>
    %get3A_2450 = arith.constant 0 : index
    %get3A_2451 = tpu.vector_load %arg12[%get3A_2450] {strides = array<i32>} : memref<128xi32, #tpu.memory_space<vmem>>, vector<16xi32>,
    %select_n3A_2452 = arith.select %eq3A_2440, %sub3A_2449, %get3A_2451 : vector<16xi1>, vector<16xi32>
    %swap3A_2453 = arith.constant 0 : index
    %swap3A_2454 = tpu.vector_load %arg12[%swap3A_2453] {strides = array<i32>} : memref<128xi32, #tpu.memory_space<vmem>>, vector<16xi32>,
    tpu.vector_store %arg12[%swap3A_2453], %select_n3A_2452 {strides = array<i32>} : memref<128xi32, #tpu.memory_space<vmem>>, vector<16xi32>,
    %reduce_sum3A_2455 = arith.constant true
    %reduce_sum3A_2456 = vector.broadcast %reduce_sum3A_2455 : i1 to vector<16xi1>
    %reduce_sum3A_2457 = tpu.scan <sum>, %convert_element_type3A_2441 masked %reduce_sum3A_2456 : vector<16xi32>, vector<16xi1> -> vector<16xi32>
    %reduce_sum3A_2458 = vector.extract %reduce_sum3A_2457[15] : i32 from vector<16xi32>
    %add3A_2459 = arith.addi %reduce_sum3A_2435, %reduce_sum3A_2458 : i32
    %get3A_2460 = arith.constant 16 : index
    %get3A_2461 = tpu.vector_load %arg11[%get3A_2460] {strides = array<i32>} : memref<128xi32, #tpu.memory_space<vmem>>, vector<16xi32>,
    %eq3A_2462 = arith.constant 4 : i32
    %eq3A_2463 = vector.broadcast %eq3A_2462 : i32 to vector<16xi32>
    %eq3A_2464 = arith.cmpi eq, %get3A_2461, %eq3A_2463 : vector<16xi32>
    %convert_element_type3A_2465 = arith.extui %eq3A_2464 : vector<16xi1> to vector<16xi32>
    %cumsum3A_2466 = arith.constant true
    %cumsum3A_2467 = vector.broadcast %cumsum3A_2466 : i1 to vector<16xi1>
    %cumsum3A_2468 = tpu.scan <sum>, %convert_element_type3A_2465 masked %cumsum3A_2467 : vector<16xi32>, vector<16xi1> -> vector<16xi32>
    %add3A_2469 = vector.broadcast %add3A_2459 : i32 to vector<16xi32>
    %add3A_2470 = arith.addi %add3A_2469, %cumsum3A_2468 : vector<16xi32>
    %sub3A_2471 = arith.constant 1 : i32
    %sub3A_2472 = vector.broadcast %sub3A_2471 : i32 to vector<16xi32>
    %sub3A_2473 = arith.subi %add3A_2470, %sub3A_2472 : vector<16xi32>
    %get3A_2474 = arith.constant 16 : index
    %get3A_2475 = tpu.vector_load %arg12[%get3A_2474] {strides = array<i32>} : memref<128xi32, #tpu.memory_space<vmem>>, vector<16xi32>,
    %select_n3A_2476 = arith.select %eq3A_2464, %sub3A_2473, %get3A_2475 : vector<16xi1>, vector<16xi32>
    %swap3A_2477 = arith.constant 16 : index
    %swap3A_2478 = tpu.vector_load %arg12[%swap3A_2477] {strides = array<i32>} : memref<128xi32, #tpu.memory_space<vmem>>, vector<16xi32>,
    tpu.vector_store %arg12[%swap3A_2477], %select_n3A_2476 {strides = array<i32>} : memref<128xi32, #tpu.memory_space<vmem>>, vector<16xi32>,
    %reduce_sum3A_2479 = arith.constant true
    %reduce_sum3A_2480 = vector.broadcast %reduce_sum3A_2479 : i1 to vector<16xi1>
    %reduce_sum3A_2481 = tpu.scan <sum>, %convert_element_type3A_2465 masked %reduce_sum3A_2480 : vector<16xi32>, vector<16xi1> -> vector<16xi32>
    %reduce_sum3A_2482 = vector.extract %reduce_sum3A_2481[15] : i32 from vector<16xi32>
    %add3A_2483 = arith.addi %add3A_2459, %reduce_sum3A_2482 : i32
    %get3A_2484 = arith.constant 32 : index
    %get3A_2485 = tpu.vector_load %arg11[%get3A_2484] {strides = array<i32>} : memref<128xi32, #tpu.memory_space<vmem>>, vector<16xi32>,
    %eq3A_2486 = arith.constant 4 : i32
    %eq3A_2487 = vector.broadcast %eq3A_2486 : i32 to vector<16xi32>
    %eq3A_2488 = arith.cmpi eq, %get3A_2485, %eq3A_2487 : vector<16xi32>
    %convert_element_type3A_2489 = arith.extui %eq3A_2488 : vector<16xi1> to vector<16xi32>
    %cumsum3A_2490 = arith.constant true
    %cumsum3A_2491 = vector.broadcast %cumsum3A_2490 : i1 to vector<16xi1>
    %cumsum3A_2492 = tpu.scan <sum>, %convert_element_type3A_2489 masked %cumsum3A_2491 : vector<16xi32>, vector<16xi1> -> vector<16xi32>
    %add3A_2493 = vector.broadcast %add3A_2483 : i32 to vector<16xi32>
    %add3A_2494 = arith.addi %add3A_2493, %cumsum3A_2492 : vector<16xi32>
    %sub3A_2495 = arith.constant 1 : i32
    %sub3A_2496 = vector.broadcast %sub3A_2495 : i32 to vector<16xi32>
    %sub3A_2497 = arith.subi %add3A_2494, %sub3A_2496 : vector<16xi32>
    %get3A_2498 = arith.constant 32 : index
    %get3A_2499 = tpu.vector_load %arg12[%get3A_2498] {strides = array<i32>} : memref<128xi32, #tpu.memory_space<vmem>>, vector<16xi32>,
    %select_n3A_2500 = arith.select %eq3A_2488, %sub3A_2497, %get3A_2499 : vector<16xi1>, vector<16xi32>
    %swap3A_2501 = arith.constant 32 : index
    %swap3A_2502 = tpu.vector_load %arg12[%swap3A_2501] {strides = array<i32>} : memref<128xi32, #tpu.memory_space<vmem>>, vector<16xi32>,
    tpu.vector_store %arg12[%swap3A_2501], %select_n3A_2500 {strides = array<i32>} : memref<128xi32, #tpu.memory_space<vmem>>, vector<16xi32>,
    %reduce_sum3A_2503 = arith.constant true
    %reduce_sum3A_2504 = vector.broadcast %reduce_sum3A_2503 : i1 to vector<16xi1>
    %reduce_sum3A_2505 = tpu.scan <sum>, %convert_element_type3A_2489 masked %reduce_sum3A_2504 : vector<16xi32>, vector<16xi1> -> vector<16xi32>
    %reduce_sum3A_2506 = vector.extract %reduce_sum3A_2505[15] : i32 from vector<16xi32>
    %add3A_2507 = arith.addi %add3A_2483, %reduce_sum3A_2506 : i32
    %get3A_2508 = arith.constant 48 : index
    %get3A_2509 = tpu.vector_load %arg11[%get3A_2508] {strides = array<i32>} : memref<128xi32, #tpu.memory_space<vmem>>, vector<16xi32>,
    %eq3A_2510 = arith.constant 4 : i32
    %eq3A_2511 = vector.broadcast %eq3A_2510 : i32 to vector<16xi32>
    %eq3A_2512 = arith.cmpi eq, %get3A_2509, %eq3A_2511 : vector<16xi32>
    %convert_element_type3A_2513 = arith.extui %eq3A_2512 : vector<16xi1> to vector<16xi32>
    %cumsum3A_2514 = arith.constant true
    %cumsum3A_2515 = vector.broadcast %cumsum3A_2514 : i1 to vector<16xi1>
    %cumsum3A_2516 = tpu.scan <sum>, %convert_element_type3A_2513 masked %cumsum3A_2515 : vector<16xi32>, vector<16xi1> -> vector<16xi32>
    %add3A_2517 = vector.broadcast %add3A_2507 : i32 to vector<16xi32>
    %add3A_2518 = arith.addi %add3A_2517, %cumsum3A_2516 : vector<16xi32>
    %sub3A_2519 = arith.constant 1 : i32
    %sub3A_2520 = vector.broadcast %sub3A_2519 : i32 to vector<16xi32>
    %sub3A_2521 = arith.subi %add3A_2518, %sub3A_2520 : vector<16xi32>
    %get3A_2522 = arith.constant 48 : index
    %get3A_2523 = tpu.vector_load %arg12[%get3A_2522] {strides = array<i32>} : memref<128xi32, #tpu.memory_space<vmem>>, vector<16xi32>,
    %select_n3A_2524 = arith.select %eq3A_2512, %sub3A_2521, %get3A_2523 : vector<16xi1>, vector<16xi32>
    %swap3A_2525 = arith.constant 48 : index
    %swap3A_2526 = tpu.vector_load %arg12[%swap3A_2525] {strides = array<i32>} : memref<128xi32, #tpu.memory_space<vmem>>, vector<16xi32>,
    tpu.vector_store %arg12[%swap3A_2525], %select_n3A_2524 {strides = array<i32>} : memref<128xi32, #tpu.memory_space<vmem>>, vector<16xi32>,
    %reduce_sum3A_2527 = arith.constant true
    %reduce_sum3A_2528 = vector.broadcast %reduce_sum3A_2527 : i1 to vector<16xi1>
    %reduce_sum3A_2529 = tpu.scan <sum>, %convert_element_type3A_2513 masked %reduce_sum3A_2528 : vector<16xi32>, vector<16xi1> -> vector<16xi32>
    %reduce_sum3A_2530 = vector.extract %reduce_sum3A_2529[15] : i32 from vector<16xi32>
    %add3A_2531 = arith.addi %add3A_2507, %reduce_sum3A_2530 : i32
    %get3A_2532 = arith.constant 64 : index
    %get3A_2533 = tpu.vector_load %arg11[%get3A_2532] {strides = array<i32>} : memref<128xi32, #tpu.memory_space<vmem>>, vector<16xi32>,
    %eq3A_2534 = arith.constant 4 : i32
    %eq3A_2535 = vector.broadcast %eq3A_2534 : i32 to vector<16xi32>
    %eq3A_2536 = arith.cmpi eq, %get3A_2533, %eq3A_2535 : vector<16xi32>
    %convert_element_type3A_2537 = arith.extui %eq3A_2536 : vector<16xi1> to vector<16xi32>
    %cumsum3A_2538 = arith.constant true
    %cumsum3A_2539 = vector.broadcast %cumsum3A_2538 : i1 to vector<16xi1>
    %cumsum3A_2540 = tpu.scan <sum>, %convert_element_type3A_2537 masked %cumsum3A_2539 : vector<16xi32>, vector<16xi1> -> vector<16xi32>
    %add3A_2541 = vector.broadcast %add3A_2531 : i32 to vector<16xi32>
    %add3A_2542 = arith.addi %add3A_2541, %cumsum3A_2540 : vector<16xi32>
    %sub3A_2543 = arith.constant 1 : i32
    %sub3A_2544 = vector.broadcast %sub3A_2543 : i32 to vector<16xi32>
    %sub3A_2545 = arith.subi %add3A_2542, %sub3A_2544 : vector<16xi32>
    %get3A_2546 = arith.constant 64 : index
    %get3A_2547 = tpu.vector_load %arg12[%get3A_2546] {strides = array<i32>} : memref<128xi32, #tpu.memory_space<vmem>>, vector<16xi32>,
    %select_n3A_2548 = arith.select %eq3A_2536, %sub3A_2545, %get3A_2547 : vector<16xi1>, vector<16xi32>
    %swap3A_2549 = arith.constant 64 : index
    %swap3A_2550 = tpu.vector_load %arg12[%swap3A_2549] {strides = array<i32>} : memref<128xi32, #tpu.memory_space<vmem>>, vector<16xi32>,
    tpu.vector_store %arg12[%swap3A_2549], %select_n3A_2548 {strides = array<i32>} : memref<128xi32, #tpu.memory_space<vmem>>, vector<16xi32>,
    %reduce_sum3A_2551 = arith.constant true
    %reduce_sum3A_2552 = vector.broadcast %reduce_sum3A_2551 : i1 to vector<16xi1>
    %reduce_sum3A_2553 = tpu.scan <sum>, %convert_element_type3A_2537 masked %reduce_sum3A_2552 : vector<16xi32>, vector<16xi1> -> vector<16xi32>
    %reduce_sum3A_2554 = vector.extract %reduce_sum3A_2553[15] : i32 from vector<16xi32>
    %add3A_2555 = arith.addi %add3A_2531, %reduce_sum3A_2554 : i32
    %get3A_2556 = arith.constant 80 : index
    %get3A_2557 = tpu.vector_load %arg11[%get3A_2556] {strides = array<i32>} : memref<128xi32, #tpu.memory_space<vmem>>, vector<16xi32>,
    %eq3A_2558 = arith.constant 4 : i32
    %eq3A_2559 = vector.broadcast %eq3A_2558 : i32 to vector<16xi32>
    %eq3A_2560 = arith.cmpi eq, %get3A_2557, %eq3A_2559 : vector<16xi32>
    %convert_element_type3A_2561 = arith.extui %eq3A_2560 : vector<16xi1> to vector<16xi32>
    %cumsum3A_2562 = arith.constant true
    %cumsum3A_2563 = vector.broadcast %cumsum3A_2562 : i1 to vector<16xi1>
    %cumsum3A_2564 = tpu.scan <sum>, %convert_element_type3A_2561 masked %cumsum3A_2563 : vector<16xi32>, vector<16xi1> -> vector<16xi32>
    %add3A_2565 = vector.broadcast %add3A_2555 : i32 to vector<16xi32>
    %add3A_2566 = arith.addi %add3A_2565, %cumsum3A_2564 : vector<16xi32>
    %sub3A_2567 = arith.constant 1 : i32
    %sub3A_2568 = vector.broadcast %sub3A_2567 : i32 to vector<16xi32>
    %sub3A_2569 = arith.subi %add3A_2566, %sub3A_2568 : vector<16xi32>
    %get3A_2570 = arith.constant 80 : index
    %get3A_2571 = tpu.vector_load %arg12[%get3A_2570] {strides = array<i32>} : memref<128xi32, #tpu.memory_space<vmem>>, vector<16xi32>,
    %select_n3A_2572 = arith.select %eq3A_2560, %sub3A_2569, %get3A_2571 : vector<16xi1>, vector<16xi32>
    %swap3A_2573 = arith.constant 80 : index
    %swap3A_2574 = tpu.vector_load %arg12[%swap3A_2573] {strides = array<i32>} : memref<128xi32, #tpu.memory_space<vmem>>, vector<16xi32>,
    tpu.vector_store %arg12[%swap3A_2573], %select_n3A_2572 {strides = array<i32>} : memref<128xi32, #tpu.memory_space<vmem>>, vector<16xi32>,
    %reduce_sum3A_2575 = arith.constant true
    %reduce_sum3A_2576 = vector.broadcast %reduce_sum3A_2575 : i1 to vector<16xi1>
    %reduce_sum3A_2577 = tpu.scan <sum>, %convert_element_type3A_2561 masked %reduce_sum3A_2576 : vector<16xi32>, vector<16xi1> -> vector<16xi32>
    %reduce_sum3A_2578 = vector.extract %reduce_sum3A_2577[15] : i32 from vector<16xi32>
    %add3A_2579 = arith.addi %add3A_2555, %reduce_sum3A_2578 : i32
    %get3A_2580 = arith.constant 96 : index
    %get3A_2581 = tpu.vector_load %arg11[%get3A_2580] {strides = array<i32>} : memref<128xi32, #tpu.memory_space<vmem>>, vector<16xi32>,
    %eq3A_2582 = arith.constant 4 : i32
    %eq3A_2583 = vector.broadcast %eq3A_2582 : i32 to vector<16xi32>
    %eq3A_2584 = arith.cmpi eq, %get3A_2581, %eq3A_2583 : vector<16xi32>
    %convert_element_type3A_2585 = arith.extui %eq3A_2584 : vector<16xi1> to vector<16xi32>
    %cumsum3A_2586 = arith.constant true
    %cumsum3A_2587 = vector.broadcast %cumsum3A_2586 : i1 to vector<16xi1>
    %cumsum3A_2588 = tpu.scan <sum>, %convert_element_type3A_2585 masked %cumsum3A_2587 : vector<16xi32>, vector<16xi1> -> vector<16xi32>
    %add3A_2589 = vector.broadcast %add3A_2579 : i32 to vector<16xi32>
    %add3A_2590 = arith.addi %add3A_2589, %cumsum3A_2588 : vector<16xi32>
    %sub3A_2591 = arith.constant 1 : i32
    %sub3A_2592 = vector.broadcast %sub3A_2591 : i32 to vector<16xi32>
    %sub3A_2593 = arith.subi %add3A_2590, %sub3A_2592 : vector<16xi32>
    %get3A_2594 = arith.constant 96 : index
    %get3A_2595 = tpu.vector_load %arg12[%get3A_2594] {strides = array<i32>} : memref<128xi32, #tpu.memory_space<vmem>>, vector<16xi32>,
    %select_n3A_2596 = arith.select %eq3A_2584, %sub3A_2593, %get3A_2595 : vector<16xi1>, vector<16xi32>
    %swap3A_2597 = arith.constant 96 : index
    %swap3A_2598 = tpu.vector_load %arg12[%swap3A_2597] {strides = array<i32>} : memref<128xi32, #tpu.memory_space<vmem>>, vector<16xi32>,
    tpu.vector_store %arg12[%swap3A_2597], %select_n3A_2596 {strides = array<i32>} : memref<128xi32, #tpu.memory_space<vmem>>, vector<16xi32>,
    %reduce_sum3A_2599 = arith.constant true
    %reduce_sum3A_2600 = vector.broadcast %reduce_sum3A_2599 : i1 to vector<16xi1>
    %reduce_sum3A_2601 = tpu.scan <sum>, %convert_element_type3A_2585 masked %reduce_sum3A_2600 : vector<16xi32>, vector<16xi1> -> vector<16xi32>
    %reduce_sum3A_2602 = vector.extract %reduce_sum3A_2601[15] : i32 from vector<16xi32>
    %add3A_2603 = arith.addi %add3A_2579, %reduce_sum3A_2602 : i32
    %get3A_2604 = arith.constant 112 : index
    %get3A_2605 = tpu.vector_load %arg11[%get3A_2604] {strides = array<i32>} : memref<128xi32, #tpu.memory_space<vmem>>, vector<16xi32>,
    %eq3A_2606 = arith.constant 4 : i32
    %eq3A_2607 = vector.broadcast %eq3A_2606 : i32 to vector<16xi32>
    %eq3A_2608 = arith.cmpi eq, %get3A_2605, %eq3A_2607 : vector<16xi32>
    %convert_element_type3A_2609 = arith.extui %eq3A_2608 : vector<16xi1> to vector<16xi32>
    %cumsum3A_2610 = arith.constant true
    %cumsum3A_2611 = vector.broadcast %cumsum3A_2610 : i1 to vector<16xi1>
    %cumsum3A_2612 = tpu.scan <sum>, %convert_element_type3A_2609 masked %cumsum3A_2611 : vector<16xi32>, vector<16xi1> -> vector<16xi32>
    %add3A_2613 = vector.broadcast %add3A_2603 : i32 to vector<16xi32>
    %add3A_2614 = arith.addi %add3A_2613, %cumsum3A_2612 : vector<16xi32>
    %sub3A_2615 = arith.constant 1 : i32
    %sub3A_2616 = vector.broadcast %sub3A_2615 : i32 to vector<16xi32>
    %sub3A_2617 = arith.subi %add3A_2614, %sub3A_2616 : vector<16xi32>
    %get3A_2618 = arith.constant 112 : index
    %get3A_2619 = tpu.vector_load %arg12[%get3A_2618] {strides = array<i32>} : memref<128xi32, #tpu.memory_space<vmem>>, vector<16xi32>,
    %select_n3A_2620 = arith.select %eq3A_2608, %sub3A_2617, %get3A_2619 : vector<16xi1>, vector<16xi32>
    %swap3A_2621 = arith.constant 112 : index
    %swap3A_2622 = tpu.vector_load %arg12[%swap3A_2621] {strides = array<i32>} : memref<128xi32, #tpu.memory_space<vmem>>, vector<16xi32>,
    tpu.vector_store %arg12[%swap3A_2621], %select_n3A_2620 {strides = array<i32>} : memref<128xi32, #tpu.memory_space<vmem>>, vector<16xi32>,
    %reduce_sum3A_2623 = arith.constant true
    %reduce_sum3A_2624 = vector.broadcast %reduce_sum3A_2623 : i1 to vector<16xi1>
    %reduce_sum3A_2625 = tpu.scan <sum>, %convert_element_type3A_2609 masked %reduce_sum3A_2624 : vector<16xi32>, vector<16xi1> -> vector<16xi32>
    %reduce_sum3A_2626 = vector.extract %reduce_sum3A_2625[15] : i32 from vector<16xi32>
    %add3A_2627 = arith.addi %add3A_2603, %reduce_sum3A_2626 : i32
    %eq3A_2628 = arith.constant 5 : i32
    %eq3A_2629 = vector.broadcast %eq3A_2628 : i32 to vector<16xi32>
    %eq3A_2630 = arith.cmpi eq, %iota3A, %eq3A_2629 : vector<16xi32>
    %convert_element_type3A_2631 = arith.extui %eq3A_2630 : vector<16xi1> to vector<16xi32>
    %mul3A_2632 = arith.muli %convert_element_type3A_2631, %add3A_1619 : vector<16xi32>
    %reduce_sum3A_2633 = arith.constant true
    %reduce_sum3A_2634 = vector.broadcast %reduce_sum3A_2633 : i1 to vector<16xi1>
    %reduce_sum3A_2635 = tpu.scan <sum>, %mul3A_2632 masked %reduce_sum3A_2634 : vector<16xi32>, vector<16xi1> -> vector<16xi32>
    %reduce_sum3A_2636 = vector.extract %reduce_sum3A_2635[15] : i32 from vector<16xi32>
    %get3A_2637 = arith.constant 0 : index
    %get3A_2638 = tpu.vector_load %arg11[%get3A_2637] {strides = array<i32>} : memref<128xi32, #tpu.memory_space<vmem>>, vector<16xi32>,
    %eq3A_2639 = arith.constant 5 : i32
    %eq3A_2640 = vector.broadcast %eq3A_2639 : i32 to vector<16xi32>
    %eq3A_2641 = arith.cmpi eq, %get3A_2638, %eq3A_2640 : vector<16xi32>
    %convert_element_type3A_2642 = arith.extui %eq3A_2641 : vector<16xi1> to vector<16xi32>
    %cumsum3A_2643 = arith.constant true
    %cumsum3A_2644 = vector.broadcast %cumsum3A_2643 : i1 to vector<16xi1>
    %cumsum3A_2645 = tpu.scan <sum>, %convert_element_type3A_2642 masked %cumsum3A_2644 : vector<16xi32>, vector<16xi1> -> vector<16xi32>
    %add3A_2646 = vector.broadcast %reduce_sum3A_2636 : i32 to vector<16xi32>
    %add3A_2647 = arith.addi %add3A_2646, %cumsum3A_2645 : vector<16xi32>
    %sub3A_2648 = arith.constant 1 : i32
    %sub3A_2649 = vector.broadcast %sub3A_2648 : i32 to vector<16xi32>
    %sub3A_2650 = arith.subi %add3A_2647, %sub3A_2649 : vector<16xi32>
    %get3A_2651 = arith.constant 0 : index
    %get3A_2652 = tpu.vector_load %arg12[%get3A_2651] {strides = array<i32>} : memref<128xi32, #tpu.memory_space<vmem>>, vector<16xi32>,
    %select_n3A_2653 = arith.select %eq3A_2641, %sub3A_2650, %get3A_2652 : vector<16xi1>, vector<16xi32>
    %swap3A_2654 = arith.constant 0 : index
    %swap3A_2655 = tpu.vector_load %arg12[%swap3A_2654] {strides = array<i32>} : memref<128xi32, #tpu.memory_space<vmem>>, vector<16xi32>,
    tpu.vector_store %arg12[%swap3A_2654], %select_n3A_2653 {strides = array<i32>} : memref<128xi32, #tpu.memory_space<vmem>>, vector<16xi32>,
    %reduce_sum3A_2656 = arith.constant true
    %reduce_sum3A_2657 = vector.broadcast %reduce_sum3A_2656 : i1 to vector<16xi1>
    %reduce_sum3A_2658 = tpu.scan <sum>, %convert_element_type3A_2642 masked %reduce_sum3A_2657 : vector<16xi32>, vector<16xi1> -> vector<16xi32>
    %reduce_sum3A_2659 = vector.extract %reduce_sum3A_2658[15] : i32 from vector<16xi32>
    %add3A_2660 = arith.addi %reduce_sum3A_2636, %reduce_sum3A_2659 : i32
    %get3A_2661 = arith.constant 16 : index
    %get3A_2662 = tpu.vector_load %arg11[%get3A_2661] {strides = array<i32>} : memref<128xi32, #tpu.memory_space<vmem>>, vector<16xi32>,
    %eq3A_2663 = arith.constant 5 : i32
    %eq3A_2664 = vector.broadcast %eq3A_2663 : i32 to vector<16xi32>
    %eq3A_2665 = arith.cmpi eq, %get3A_2662, %eq3A_2664 : vector<16xi32>
    %convert_element_type3A_2666 = arith.extui %eq3A_2665 : vector<16xi1> to vector<16xi32>
    %cumsum3A_2667 = arith.constant true
    %cumsum3A_2668 = vector.broadcast %cumsum3A_2667 : i1 to vector<16xi1>
    %cumsum3A_2669 = tpu.scan <sum>, %convert_element_type3A_2666 masked %cumsum3A_2668 : vector<16xi32>, vector<16xi1> -> vector<16xi32>
    %add3A_2670 = vector.broadcast %add3A_2660 : i32 to vector<16xi32>
    %add3A_2671 = arith.addi %add3A_2670, %cumsum3A_2669 : vector<16xi32>
    %sub3A_2672 = arith.constant 1 : i32
    %sub3A_2673 = vector.broadcast %sub3A_2672 : i32 to vector<16xi32>
    %sub3A_2674 = arith.subi %add3A_2671, %sub3A_2673 : vector<16xi32>
    %get3A_2675 = arith.constant 16 : index
    %get3A_2676 = tpu.vector_load %arg12[%get3A_2675] {strides = array<i32>} : memref<128xi32, #tpu.memory_space<vmem>>, vector<16xi32>,
    %select_n3A_2677 = arith.select %eq3A_2665, %sub3A_2674, %get3A_2676 : vector<16xi1>, vector<16xi32>
    %swap3A_2678 = arith.constant 16 : index
    %swap3A_2679 = tpu.vector_load %arg12[%swap3A_2678] {strides = array<i32>} : memref<128xi32, #tpu.memory_space<vmem>>, vector<16xi32>,
    tpu.vector_store %arg12[%swap3A_2678], %select_n3A_2677 {strides = array<i32>} : memref<128xi32, #tpu.memory_space<vmem>>, vector<16xi32>,
    %reduce_sum3A_2680 = arith.constant true
    %reduce_sum3A_2681 = vector.broadcast %reduce_sum3A_2680 : i1 to vector<16xi1>
    %reduce_sum3A_2682 = tpu.scan <sum>, %convert_element_type3A_2666 masked %reduce_sum3A_2681 : vector<16xi32>, vector<16xi1> -> vector<16xi32>
    %reduce_sum3A_2683 = vector.extract %reduce_sum3A_2682[15] : i32 from vector<16xi32>
    %add3A_2684 = arith.addi %add3A_2660, %reduce_sum3A_2683 : i32
    %get3A_2685 = arith.constant 32 : index
    %get3A_2686 = tpu.vector_load %arg11[%get3A_2685] {strides = array<i32>} : memref<128xi32, #tpu.memory_space<vmem>>, vector<16xi32>,
    %eq3A_2687 = arith.constant 5 : i32
    %eq3A_2688 = vector.broadcast %eq3A_2687 : i32 to vector<16xi32>
    %eq3A_2689 = arith.cmpi eq, %get3A_2686, %eq3A_2688 : vector<16xi32>
    %convert_element_type3A_2690 = arith.extui %eq3A_2689 : vector<16xi1> to vector<16xi32>
    %cumsum3A_2691 = arith.constant true
    %cumsum3A_2692 = vector.broadcast %cumsum3A_2691 : i1 to vector<16xi1>
    %cumsum3A_2693 = tpu.scan <sum>, %convert_element_type3A_2690 masked %cumsum3A_2692 : vector<16xi32>, vector<16xi1> -> vector<16xi32>
    %add3A_2694 = vector.broadcast %add3A_2684 : i32 to vector<16xi32>
    %add3A_2695 = arith.addi %add3A_2694, %cumsum3A_2693 : vector<16xi32>
    %sub3A_2696 = arith.constant 1 : i32
    %sub3A_2697 = vector.broadcast %sub3A_2696 : i32 to vector<16xi32>
    %sub3A_2698 = arith.subi %add3A_2695, %sub3A_2697 : vector<16xi32>
    %get3A_2699 = arith.constant 32 : index
    %get3A_2700 = tpu.vector_load %arg12[%get3A_2699] {strides = array<i32>} : memref<128xi32, #tpu.memory_space<vmem>>, vector<16xi32>,
    %select_n3A_2701 = arith.select %eq3A_2689, %sub3A_2698, %get3A_2700 : vector<16xi1>, vector<16xi32>
    %swap3A_2702 = arith.constant 32 : index
    %swap3A_2703 = tpu.vector_load %arg12[%swap3A_2702] {strides = array<i32>} : memref<128xi32, #tpu.memory_space<vmem>>, vector<16xi32>,
    tpu.vector_store %arg12[%swap3A_2702], %select_n3A_2701 {strides = array<i32>} : memref<128xi32, #tpu.memory_space<vmem>>, vector<16xi32>,
    %reduce_sum3A_2704 = arith.constant true
    %reduce_sum3A_2705 = vector.broadcast %reduce_sum3A_2704 : i1 to vector<16xi1>
    %reduce_sum3A_2706 = tpu.scan <sum>, %convert_element_type3A_2690 masked %reduce_sum3A_2705 : vector<16xi32>, vector<16xi1> -> vector<16xi32>
    %reduce_sum3A_2707 = vector.extract %reduce_sum3A_2706[15] : i32 from vector<16xi32>
    %add3A_2708 = arith.addi %add3A_2684, %reduce_sum3A_2707 : i32
    %get3A_2709 = arith.constant 48 : index
    %get3A_2710 = tpu.vector_load %arg11[%get3A_2709] {strides = array<i32>} : memref<128xi32, #tpu.memory_space<vmem>>, vector<16xi32>,
    %eq3A_2711 = arith.constant 5 : i32
    %eq3A_2712 = vector.broadcast %eq3A_2711 : i32 to vector<16xi32>
    %eq3A_2713 = arith.cmpi eq, %get3A_2710, %eq3A_2712 : vector<16xi32>
    %convert_element_type3A_2714 = arith.extui %eq3A_2713 : vector<16xi1> to vector<16xi32>
    %cumsum3A_2715 = arith.constant true
    %cumsum3A_2716 = vector.broadcast %cumsum3A_2715 : i1 to vector<16xi1>
    %cumsum3A_2717 = tpu.scan <sum>, %convert_element_type3A_2714 masked %cumsum3A_2716 : vector<16xi32>, vector<16xi1> -> vector<16xi32>
    %add3A_2718 = vector.broadcast %add3A_2708 : i32 to vector<16xi32>
    %add3A_2719 = arith.addi %add3A_2718, %cumsum3A_2717 : vector<16xi32>
    %sub3A_2720 = arith.constant 1 : i32
    %sub3A_2721 = vector.broadcast %sub3A_2720 : i32 to vector<16xi32>
    %sub3A_2722 = arith.subi %add3A_2719, %sub3A_2721 : vector<16xi32>
    %get3A_2723 = arith.constant 48 : index
    %get3A_2724 = tpu.vector_load %arg12[%get3A_2723] {strides = array<i32>} : memref<128xi32, #tpu.memory_space<vmem>>, vector<16xi32>,
    %select_n3A_2725 = arith.select %eq3A_2713, %sub3A_2722, %get3A_2724 : vector<16xi1>, vector<16xi32>
    %swap3A_2726 = arith.constant 48 : index
    %swap3A_2727 = tpu.vector_load %arg12[%swap3A_2726] {strides = array<i32>} : memref<128xi32, #tpu.memory_space<vmem>>, vector<16xi32>,
    tpu.vector_store %arg12[%swap3A_2726], %select_n3A_2725 {strides = array<i32>} : memref<128xi32, #tpu.memory_space<vmem>>, vector<16xi32>,
    %reduce_sum3A_2728 = arith.constant true
    %reduce_sum3A_2729 = vector.broadcast %reduce_sum3A_2728 : i1 to vector<16xi1>
    %reduce_sum3A_2730 = tpu.scan <sum>, %convert_element_type3A_2714 masked %reduce_sum3A_2729 : vector<16xi32>, vector<16xi1> -> vector<16xi32>
    %reduce_sum3A_2731 = vector.extract %reduce_sum3A_2730[15] : i32 from vector<16xi32>
    %add3A_2732 = arith.addi %add3A_2708, %reduce_sum3A_2731 : i32
    %get3A_2733 = arith.constant 64 : index
    %get3A_2734 = tpu.vector_load %arg11[%get3A_2733] {strides = array<i32>} : memref<128xi32, #tpu.memory_space<vmem>>, vector<16xi32>,
    %eq3A_2735 = arith.constant 5 : i32
    %eq3A_2736 = vector.broadcast %eq3A_2735 : i32 to vector<16xi32>
    %eq3A_2737 = arith.cmpi eq, %get3A_2734, %eq3A_2736 : vector<16xi32>
    %convert_element_type3A_2738 = arith.extui %eq3A_2737 : vector<16xi1> to vector<16xi32>
    %cumsum3A_2739 = arith.constant true
    %cumsum3A_2740 = vector.broadcast %cumsum3A_2739 : i1 to vector<16xi1>
    %cumsum3A_2741 = tpu.scan <sum>, %convert_element_type3A_2738 masked %cumsum3A_2740 : vector<16xi32>, vector<16xi1> -> vector<16xi32>
    %add3A_2742 = vector.broadcast %add3A_2732 : i32 to vector<16xi32>
    %add3A_2743 = arith.addi %add3A_2742, %cumsum3A_2741 : vector<16xi32>
    %sub3A_2744 = arith.constant 1 : i32
    %sub3A_2745 = vector.broadcast %sub3A_2744 : i32 to vector<16xi32>
    %sub3A_2746 = arith.subi %add3A_2743, %sub3A_2745 : vector<16xi32>
    %get3A_2747 = arith.constant 64 : index
    %get3A_2748 = tpu.vector_load %arg12[%get3A_2747] {strides = array<i32>} : memref<128xi32, #tpu.memory_space<vmem>>, vector<16xi32>,
    %select_n3A_2749 = arith.select %eq3A_2737, %sub3A_2746, %get3A_2748 : vector<16xi1>, vector<16xi32>
    %swap3A_2750 = arith.constant 64 : index
    %swap3A_2751 = tpu.vector_load %arg12[%swap3A_2750] {strides = array<i32>} : memref<128xi32, #tpu.memory_space<vmem>>, vector<16xi32>,
    tpu.vector_store %arg12[%swap3A_2750], %select_n3A_2749 {strides = array<i32>} : memref<128xi32, #tpu.memory_space<vmem>>, vector<16xi32>,
    %reduce_sum3A_2752 = arith.constant true
    %reduce_sum3A_2753 = vector.broadcast %reduce_sum3A_2752 : i1 to vector<16xi1>
    %reduce_sum3A_2754 = tpu.scan <sum>, %convert_element_type3A_2738 masked %reduce_sum3A_2753 : vector<16xi32>, vector<16xi1> -> vector<16xi32>
    %reduce_sum3A_2755 = vector.extract %reduce_sum3A_2754[15] : i32 from vector<16xi32>
    %add3A_2756 = arith.addi %add3A_2732, %reduce_sum3A_2755 : i32
    %get3A_2757 = arith.constant 80 : index
    %get3A_2758 = tpu.vector_load %arg11[%get3A_2757] {strides = array<i32>} : memref<128xi32, #tpu.memory_space<vmem>>, vector<16xi32>,
    %eq3A_2759 = arith.constant 5 : i32
    %eq3A_2760 = vector.broadcast %eq3A_2759 : i32 to vector<16xi32>
    %eq3A_2761 = arith.cmpi eq, %get3A_2758, %eq3A_2760 : vector<16xi32>
    %convert_element_type3A_2762 = arith.extui %eq3A_2761 : vector<16xi1> to vector<16xi32>
    %cumsum3A_2763 = arith.constant true
    %cumsum3A_2764 = vector.broadcast %cumsum3A_2763 : i1 to vector<16xi1>
    %cumsum3A_2765 = tpu.scan <sum>, %convert_element_type3A_2762 masked %cumsum3A_2764 : vector<16xi32>, vector<16xi1> -> vector<16xi32>
    %add3A_2766 = vector.broadcast %add3A_2756 : i32 to vector<16xi32>
    %add3A_2767 = arith.addi %add3A_2766, %cumsum3A_2765 : vector<16xi32>
    %sub3A_2768 = arith.constant 1 : i32
    %sub3A_2769 = vector.broadcast %sub3A_2768 : i32 to vector<16xi32>
    %sub3A_2770 = arith.subi %add3A_2767, %sub3A_2769 : vector<16xi32>
    %get3A_2771 = arith.constant 80 : index
    %get3A_2772 = tpu.vector_load %arg12[%get3A_2771] {strides = array<i32>} : memref<128xi32, #tpu.memory_space<vmem>>, vector<16xi32>,
    %select_n3A_2773 = arith.select %eq3A_2761, %sub3A_2770, %get3A_2772 : vector<16xi1>, vector<16xi32>
    %swap3A_2774 = arith.constant 80 : index
    %swap3A_2775 = tpu.vector_load %arg12[%swap3A_2774] {strides = array<i32>} : memref<128xi32, #tpu.memory_space<vmem>>, vector<16xi32>,
    tpu.vector_store %arg12[%swap3A_2774], %select_n3A_2773 {strides = array<i32>} : memref<128xi32, #tpu.memory_space<vmem>>, vector<16xi32>,
    %reduce_sum3A_2776 = arith.constant true
    %reduce_sum3A_2777 = vector.broadcast %reduce_sum3A_2776 : i1 to vector<16xi1>
    %reduce_sum3A_2778 = tpu.scan <sum>, %convert_element_type3A_2762 masked %reduce_sum3A_2777 : vector<16xi32>, vector<16xi1> -> vector<16xi32>
    %reduce_sum3A_2779 = vector.extract %reduce_sum3A_2778[15] : i32 from vector<16xi32>
    %add3A_2780 = arith.addi %add3A_2756, %reduce_sum3A_2779 : i32
    %get3A_2781 = arith.constant 96 : index
    %get3A_2782 = tpu.vector_load %arg11[%get3A_2781] {strides = array<i32>} : memref<128xi32, #tpu.memory_space<vmem>>, vector<16xi32>,
    %eq3A_2783 = arith.constant 5 : i32
    %eq3A_2784 = vector.broadcast %eq3A_2783 : i32 to vector<16xi32>
    %eq3A_2785 = arith.cmpi eq, %get3A_2782, %eq3A_2784 : vector<16xi32>
    %convert_element_type3A_2786 = arith.extui %eq3A_2785 : vector<16xi1> to vector<16xi32>
    %cumsum3A_2787 = arith.constant true
    %cumsum3A_2788 = vector.broadcast %cumsum3A_2787 : i1 to vector<16xi1>
    %cumsum3A_2789 = tpu.scan <sum>, %convert_element_type3A_2786 masked %cumsum3A_2788 : vector<16xi32>, vector<16xi1> -> vector<16xi32>
    %add3A_2790 = vector.broadcast %add3A_2780 : i32 to vector<16xi32>
    %add3A_2791 = arith.addi %add3A_2790, %cumsum3A_2789 : vector<16xi32>
    %sub3A_2792 = arith.constant 1 : i32
    %sub3A_2793 = vector.broadcast %sub3A_2792 : i32 to vector<16xi32>
    %sub3A_2794 = arith.subi %add3A_2791, %sub3A_2793 : vector<16xi32>
    %get3A_2795 = arith.constant 96 : index
    %get3A_2796 = tpu.vector_load %arg12[%get3A_2795] {strides = array<i32>} : memref<128xi32, #tpu.memory_space<vmem>>, vector<16xi32>,
    %select_n3A_2797 = arith.select %eq3A_2785, %sub3A_2794, %get3A_2796 : vector<16xi1>, vector<16xi32>
    %swap3A_2798 = arith.constant 96 : index
    %swap3A_2799 = tpu.vector_load %arg12[%swap3A_2798] {strides = array<i32>} : memref<128xi32, #tpu.memory_space<vmem>>, vector<16xi32>,
    tpu.vector_store %arg12[%swap3A_2798], %select_n3A_2797 {strides = array<i32>} : memref<128xi32, #tpu.memory_space<vmem>>, vector<16xi32>,
    %reduce_sum3A_2800 = arith.constant true
    %reduce_sum3A_2801 = vector.broadcast %reduce_sum3A_2800 : i1 to vector<16xi1>
    %reduce_sum3A_2802 = tpu.scan <sum>, %convert_element_type3A_2786 masked %reduce_sum3A_2801 : vector<16xi32>, vector<16xi1> -> vector<16xi32>
    %reduce_sum3A_2803 = vector.extract %reduce_sum3A_2802[15] : i32 from vector<16xi32>
    %add3A_2804 = arith.addi %add3A_2780, %reduce_sum3A_2803 : i32
    %get3A_2805 = arith.constant 112 : index
    %get3A_2806 = tpu.vector_load %arg11[%get3A_2805] {strides = array<i32>} : memref<128xi32, #tpu.memory_space<vmem>>, vector<16xi32>,
    %eq3A_2807 = arith.constant 5 : i32
    %eq3A_2808 = vector.broadcast %eq3A_2807 : i32 to vector<16xi32>
    %eq3A_2809 = arith.cmpi eq, %get3A_2806, %eq3A_2808 : vector<16xi32>
    %convert_element_type3A_2810 = arith.extui %eq3A_2809 : vector<16xi1> to vector<16xi32>
    %cumsum3A_2811 = arith.constant true
    %cumsum3A_2812 = vector.broadcast %cumsum3A_2811 : i1 to vector<16xi1>
    %cumsum3A_2813 = tpu.scan <sum>, %convert_element_type3A_2810 masked %cumsum3A_2812 : vector<16xi32>, vector<16xi1> -> vector<16xi32>
    %add3A_2814 = vector.broadcast %add3A_2804 : i32 to vector<16xi32>
    %add3A_2815 = arith.addi %add3A_2814, %cumsum3A_2813 : vector<16xi32>
    %sub3A_2816 = arith.constant 1 : i32
    %sub3A_2817 = vector.broadcast %sub3A_2816 : i32 to vector<16xi32>
    %sub3A_2818 = arith.subi %add3A_2815, %sub3A_2817 : vector<16xi32>
    %get3A_2819 = arith.constant 112 : index
    %get3A_2820 = tpu.vector_load %arg12[%get3A_2819] {strides = array<i32>} : memref<128xi32, #tpu.memory_space<vmem>>, vector<16xi32>,
    %select_n3A_2821 = arith.select %eq3A_2809, %sub3A_2818, %get3A_2820 : vector<16xi1>, vector<16xi32>
    %swap3A_2822 = arith.constant 112 : index
    %swap3A_2823 = tpu.vector_load %arg12[%swap3A_2822] {strides = array<i32>} : memref<128xi32, #tpu.memory_space<vmem>>, vector<16xi32>,
    tpu.vector_store %arg12[%swap3A_2822], %select_n3A_2821 {strides = array<i32>} : memref<128xi32, #tpu.memory_space<vmem>>, vector<16xi32>,
    %reduce_sum3A_2824 = arith.constant true
    %reduce_sum3A_2825 = vector.broadcast %reduce_sum3A_2824 : i1 to vector<16xi1>
    %reduce_sum3A_2826 = tpu.scan <sum>, %convert_element_type3A_2810 masked %reduce_sum3A_2825 : vector<16xi32>, vector<16xi1> -> vector<16xi32>
    %reduce_sum3A_2827 = vector.extract %reduce_sum3A_2826[15] : i32 from vector<16xi32>
    %add3A_2828 = arith.addi %add3A_2804, %reduce_sum3A_2827 : i32
    %eq3A_2829 = arith.constant 6 : i32
    %eq3A_2830 = vector.broadcast %eq3A_2829 : i32 to vector<16xi32>
    %eq3A_2831 = arith.cmpi eq, %iota3A, %eq3A_2830 : vector<16xi32>
    %convert_element_type3A_2832 = arith.extui %eq3A_2831 : vector<16xi1> to vector<16xi32>
    %mul3A_2833 = arith.muli %convert_element_type3A_2832, %add3A_1619 : vector<16xi32>
    %reduce_sum3A_2834 = arith.constant true
    %reduce_sum3A_2835 = vector.broadcast %reduce_sum3A_2834 : i1 to vector<16xi1>
    %reduce_sum3A_2836 = tpu.scan <sum>, %mul3A_2833 masked %reduce_sum3A_2835 : vector<16xi32>, vector<16xi1> -> vector<16xi32>
    %reduce_sum3A_2837 = vector.extract %reduce_sum3A_2836[15] : i32 from vector<16xi32>
    %get3A_2838 = arith.constant 0 : index
    %get3A_2839 = tpu.vector_load %arg11[%get3A_2838] {strides = array<i32>} : memref<128xi32, #tpu.memory_space<vmem>>, vector<16xi32>,
    %eq3A_2840 = arith.constant 6 : i32
    %eq3A_2841 = vector.broadcast %eq3A_2840 : i32 to vector<16xi32>
    %eq3A_2842 = arith.cmpi eq, %get3A_2839, %eq3A_2841 : vector<16xi32>
    %convert_element_type3A_2843 = arith.extui %eq3A_2842 : vector<16xi1> to vector<16xi32>
    %cumsum3A_2844 = arith.constant true
    %cumsum3A_2845 = vector.broadcast %cumsum3A_2844 : i1 to vector<16xi1>
    %cumsum3A_2846 = tpu.scan <sum>, %convert_element_type3A_2843 masked %cumsum3A_2845 : vector<16xi32>, vector<16xi1> -> vector<16xi32>
    %add3A_2847 = vector.broadcast %reduce_sum3A_2837 : i32 to vector<16xi32>
    %add3A_2848 = arith.addi %add3A_2847, %cumsum3A_2846 : vector<16xi32>
    %sub3A_2849 = arith.constant 1 : i32
    %sub3A_2850 = vector.broadcast %sub3A_2849 : i32 to vector<16xi32>
    %sub3A_2851 = arith.subi %add3A_2848, %sub3A_2850 : vector<16xi32>
    %get3A_2852 = arith.constant 0 : index
    %get3A_2853 = tpu.vector_load %arg12[%get3A_2852] {strides = array<i32>} : memref<128xi32, #tpu.memory_space<vmem>>, vector<16xi32>,
    %select_n3A_2854 = arith.select %eq3A_2842, %sub3A_2851, %get3A_2853 : vector<16xi1>, vector<16xi32>
    %swap3A_2855 = arith.constant 0 : index
    %swap3A_2856 = tpu.vector_load %arg12[%swap3A_2855] {strides = array<i32>} : memref<128xi32, #tpu.memory_space<vmem>>, vector<16xi32>,
    tpu.vector_store %arg12[%swap3A_2855], %select_n3A_2854 {strides = array<i32>} : memref<128xi32, #tpu.memory_space<vmem>>, vector<16xi32>,
    %reduce_sum3A_2857 = arith.constant true
    %reduce_sum3A_2858 = vector.broadcast %reduce_sum3A_2857 : i1 to vector<16xi1>
    %reduce_sum3A_2859 = tpu.scan <sum>, %convert_element_type3A_2843 masked %reduce_sum3A_2858 : vector<16xi32>, vector<16xi1> -> vector<16xi32>
    %reduce_sum3A_2860 = vector.extract %reduce_sum3A_2859[15] : i32 from vector<16xi32>
    %add3A_2861 = arith.addi %reduce_sum3A_2837, %reduce_sum3A_2860 : i32
    %get3A_2862 = arith.constant 16 : index
    %get3A_2863 = tpu.vector_load %arg11[%get3A_2862] {strides = array<i32>} : memref<128xi32, #tpu.memory_space<vmem>>, vector<16xi32>,
    %eq3A_2864 = arith.constant 6 : i32
    %eq3A_2865 = vector.broadcast %eq3A_2864 : i32 to vector<16xi32>
    %eq3A_2866 = arith.cmpi eq, %get3A_2863, %eq3A_2865 : vector<16xi32>
    %convert_element_type3A_2867 = arith.extui %eq3A_2866 : vector<16xi1> to vector<16xi32>
    %cumsum3A_2868 = arith.constant true
    %cumsum3A_2869 = vector.broadcast %cumsum3A_2868 : i1 to vector<16xi1>
    %cumsum3A_2870 = tpu.scan <sum>, %convert_element_type3A_2867 masked %cumsum3A_2869 : vector<16xi32>, vector<16xi1> -> vector<16xi32>
    %add3A_2871 = vector.broadcast %add3A_2861 : i32 to vector<16xi32>
    %add3A_2872 = arith.addi %add3A_2871, %cumsum3A_2870 : vector<16xi32>
    %sub3A_2873 = arith.constant 1 : i32
    %sub3A_2874 = vector.broadcast %sub3A_2873 : i32 to vector<16xi32>
    %sub3A_2875 = arith.subi %add3A_2872, %sub3A_2874 : vector<16xi32>
    %get3A_2876 = arith.constant 16 : index
    %get3A_2877 = tpu.vector_load %arg12[%get3A_2876] {strides = array<i32>} : memref<128xi32, #tpu.memory_space<vmem>>, vector<16xi32>,
    %select_n3A_2878 = arith.select %eq3A_2866, %sub3A_2875, %get3A_2877 : vector<16xi1>, vector<16xi32>
    %swap3A_2879 = arith.constant 16 : index
    %swap3A_2880 = tpu.vector_load %arg12[%swap3A_2879] {strides = array<i32>} : memref<128xi32, #tpu.memory_space<vmem>>, vector<16xi32>,
    tpu.vector_store %arg12[%swap3A_2879], %select_n3A_2878 {strides = array<i32>} : memref<128xi32, #tpu.memory_space<vmem>>, vector<16xi32>,
    %reduce_sum3A_2881 = arith.constant true
    %reduce_sum3A_2882 = vector.broadcast %reduce_sum3A_2881 : i1 to vector<16xi1>
    %reduce_sum3A_2883 = tpu.scan <sum>, %convert_element_type3A_2867 masked %reduce_sum3A_2882 : vector<16xi32>, vector<16xi1> -> vector<16xi32>
    %reduce_sum3A_2884 = vector.extract %reduce_sum3A_2883[15] : i32 from vector<16xi32>
    %add3A_2885 = arith.addi %add3A_2861, %reduce_sum3A_2884 : i32
    %get3A_2886 = arith.constant 32 : index
    %get3A_2887 = tpu.vector_load %arg11[%get3A_2886] {strides = array<i32>} : memref<128xi32, #tpu.memory_space<vmem>>, vector<16xi32>,
    %eq3A_2888 = arith.constant 6 : i32
    %eq3A_2889 = vector.broadcast %eq3A_2888 : i32 to vector<16xi32>
    %eq3A_2890 = arith.cmpi eq, %get3A_2887, %eq3A_2889 : vector<16xi32>
    %convert_element_type3A_2891 = arith.extui %eq3A_2890 : vector<16xi1> to vector<16xi32>
    %cumsum3A_2892 = arith.constant true
    %cumsum3A_2893 = vector.broadcast %cumsum3A_2892 : i1 to vector<16xi1>
    %cumsum3A_2894 = tpu.scan <sum>, %convert_element_type3A_2891 masked %cumsum3A_2893 : vector<16xi32>, vector<16xi1> -> vector<16xi32>
    %add3A_2895 = vector.broadcast %add3A_2885 : i32 to vector<16xi32>
    %add3A_2896 = arith.addi %add3A_2895, %cumsum3A_2894 : vector<16xi32>
    %sub3A_2897 = arith.constant 1 : i32
    %sub3A_2898 = vector.broadcast %sub3A_2897 : i32 to vector<16xi32>
    %sub3A_2899 = arith.subi %add3A_2896, %sub3A_2898 : vector<16xi32>
    %get3A_2900 = arith.constant 32 : index
    %get3A_2901 = tpu.vector_load %arg12[%get3A_2900] {strides = array<i32>} : memref<128xi32, #tpu.memory_space<vmem>>, vector<16xi32>,
    %select_n3A_2902 = arith.select %eq3A_2890, %sub3A_2899, %get3A_2901 : vector<16xi1>, vector<16xi32>
    %swap3A_2903 = arith.constant 32 : index
    %swap3A_2904 = tpu.vector_load %arg12[%swap3A_2903] {strides = array<i32>} : memref<128xi32, #tpu.memory_space<vmem>>, vector<16xi32>,
    tpu.vector_store %arg12[%swap3A_2903], %select_n3A_2902 {strides = array<i32>} : memref<128xi32, #tpu.memory_space<vmem>>, vector<16xi32>,
    %reduce_sum3A_2905 = arith.constant true
    %reduce_sum3A_2906 = vector.broadcast %reduce_sum3A_2905 : i1 to vector<16xi1>
    %reduce_sum3A_2907 = tpu.scan <sum>, %convert_element_type3A_2891 masked %reduce_sum3A_2906 : vector<16xi32>, vector<16xi1> -> vector<16xi32>
    %reduce_sum3A_2908 = vector.extract %reduce_sum3A_2907[15] : i32 from vector<16xi32>
    %add3A_2909 = arith.addi %add3A_2885, %reduce_sum3A_2908 : i32
    %get3A_2910 = arith.constant 48 : index
    %get3A_2911 = tpu.vector_load %arg11[%get3A_2910] {strides = array<i32>} : memref<128xi32, #tpu.memory_space<vmem>>, vector<16xi32>,
    %eq3A_2912 = arith.constant 6 : i32
    %eq3A_2913 = vector.broadcast %eq3A_2912 : i32 to vector<16xi32>
    %eq3A_2914 = arith.cmpi eq, %get3A_2911, %eq3A_2913 : vector<16xi32>
    %convert_element_type3A_2915 = arith.extui %eq3A_2914 : vector<16xi1> to vector<16xi32>
    %cumsum3A_2916 = arith.constant true
    %cumsum3A_2917 = vector.broadcast %cumsum3A_2916 : i1 to vector<16xi1>
    %cumsum3A_2918 = tpu.scan <sum>, %convert_element_type3A_2915 masked %cumsum3A_2917 : vector<16xi32>, vector<16xi1> -> vector<16xi32>
    %add3A_2919 = vector.broadcast %add3A_2909 : i32 to vector<16xi32>
    %add3A_2920 = arith.addi %add3A_2919, %cumsum3A_2918 : vector<16xi32>
    %sub3A_2921 = arith.constant 1 : i32
    %sub3A_2922 = vector.broadcast %sub3A_2921 : i32 to vector<16xi32>
    %sub3A_2923 = arith.subi %add3A_2920, %sub3A_2922 : vector<16xi32>
    %get3A_2924 = arith.constant 48 : index
    %get3A_2925 = tpu.vector_load %arg12[%get3A_2924] {strides = array<i32>} : memref<128xi32, #tpu.memory_space<vmem>>, vector<16xi32>,
    %select_n3A_2926 = arith.select %eq3A_2914, %sub3A_2923, %get3A_2925 : vector<16xi1>, vector<16xi32>
    %swap3A_2927 = arith.constant 48 : index
    %swap3A_2928 = tpu.vector_load %arg12[%swap3A_2927] {strides = array<i32>} : memref<128xi32, #tpu.memory_space<vmem>>, vector<16xi32>,
    tpu.vector_store %arg12[%swap3A_2927], %select_n3A_2926 {strides = array<i32>} : memref<128xi32, #tpu.memory_space<vmem>>, vector<16xi32>,
    %reduce_sum3A_2929 = arith.constant true
    %reduce_sum3A_2930 = vector.broadcast %reduce_sum3A_2929 : i1 to vector<16xi1>
    %reduce_sum3A_2931 = tpu.scan <sum>, %convert_element_type3A_2915 masked %reduce_sum3A_2930 : vector<16xi32>, vector<16xi1> -> vector<16xi32>
    %reduce_sum3A_2932 = vector.extract %reduce_sum3A_2931[15] : i32 from vector<16xi32>
    %add3A_2933 = arith.addi %add3A_2909, %reduce_sum3A_2932 : i32
    %get3A_2934 = arith.constant 64 : index
    %get3A_2935 = tpu.vector_load %arg11[%get3A_2934] {strides = array<i32>} : memref<128xi32, #tpu.memory_space<vmem>>, vector<16xi32>,
    %eq3A_2936 = arith.constant 6 : i32
    %eq3A_2937 = vector.broadcast %eq3A_2936 : i32 to vector<16xi32>
    %eq3A_2938 = arith.cmpi eq, %get3A_2935, %eq3A_2937 : vector<16xi32>
    %convert_element_type3A_2939 = arith.extui %eq3A_2938 : vector<16xi1> to vector<16xi32>
    %cumsum3A_2940 = arith.constant true
    %cumsum3A_2941 = vector.broadcast %cumsum3A_2940 : i1 to vector<16xi1>
    %cumsum3A_2942 = tpu.scan <sum>, %convert_element_type3A_2939 masked %cumsum3A_2941 : vector<16xi32>, vector<16xi1> -> vector<16xi32>
    %add3A_2943 = vector.broadcast %add3A_2933 : i32 to vector<16xi32>
    %add3A_2944 = arith.addi %add3A_2943, %cumsum3A_2942 : vector<16xi32>
    %sub3A_2945 = arith.constant 1 : i32
    %sub3A_2946 = vector.broadcast %sub3A_2945 : i32 to vector<16xi32>
    %sub3A_2947 = arith.subi %add3A_2944, %sub3A_2946 : vector<16xi32>
    %get3A_2948 = arith.constant 64 : index
    %get3A_2949 = tpu.vector_load %arg12[%get3A_2948] {strides = array<i32>} : memref<128xi32, #tpu.memory_space<vmem>>, vector<16xi32>,
    %select_n3A_2950 = arith.select %eq3A_2938, %sub3A_2947, %get3A_2949 : vector<16xi1>, vector<16xi32>
    %swap3A_2951 = arith.constant 64 : index
    %swap3A_2952 = tpu.vector_load %arg12[%swap3A_2951] {strides = array<i32>} : memref<128xi32, #tpu.memory_space<vmem>>, vector<16xi32>,
    tpu.vector_store %arg12[%swap3A_2951], %select_n3A_2950 {strides = array<i32>} : memref<128xi32, #tpu.memory_space<vmem>>, vector<16xi32>,
    %reduce_sum3A_2953 = arith.constant true
    %reduce_sum3A_2954 = vector.broadcast %reduce_sum3A_2953 : i1 to vector<16xi1>
    %reduce_sum3A_2955 = tpu.scan <sum>, %convert_element_type3A_2939 masked %reduce_sum3A_2954 : vector<16xi32>, vector<16xi1> -> vector<16xi32>
    %reduce_sum3A_2956 = vector.extract %reduce_sum3A_2955[15] : i32 from vector<16xi32>
    %add3A_2957 = arith.addi %add3A_2933, %reduce_sum3A_2956 : i32
    %get3A_2958 = arith.constant 80 : index
    %get3A_2959 = tpu.vector_load %arg11[%get3A_2958] {strides = array<i32>} : memref<128xi32, #tpu.memory_space<vmem>>, vector<16xi32>,
    %eq3A_2960 = arith.constant 6 : i32
    %eq3A_2961 = vector.broadcast %eq3A_2960 : i32 to vector<16xi32>
    %eq3A_2962 = arith.cmpi eq, %get3A_2959, %eq3A_2961 : vector<16xi32>
    %convert_element_type3A_2963 = arith.extui %eq3A_2962 : vector<16xi1> to vector<16xi32>
    %cumsum3A_2964 = arith.constant true
    %cumsum3A_2965 = vector.broadcast %cumsum3A_2964 : i1 to vector<16xi1>
    %cumsum3A_2966 = tpu.scan <sum>, %convert_element_type3A_2963 masked %cumsum3A_2965 : vector<16xi32>, vector<16xi1> -> vector<16xi32>
    %add3A_2967 = vector.broadcast %add3A_2957 : i32 to vector<16xi32>
    %add3A_2968 = arith.addi %add3A_2967, %cumsum3A_2966 : vector<16xi32>
    %sub3A_2969 = arith.constant 1 : i32
    %sub3A_2970 = vector.broadcast %sub3A_2969 : i32 to vector<16xi32>
    %sub3A_2971 = arith.subi %add3A_2968, %sub3A_2970 : vector<16xi32>
    %get3A_2972 = arith.constant 80 : index
    %get3A_2973 = tpu.vector_load %arg12[%get3A_2972] {strides = array<i32>} : memref<128xi32, #tpu.memory_space<vmem>>, vector<16xi32>,
    %select_n3A_2974 = arith.select %eq3A_2962, %sub3A_2971, %get3A_2973 : vector<16xi1>, vector<16xi32>
    %swap3A_2975 = arith.constant 80 : index
    %swap3A_2976 = tpu.vector_load %arg12[%swap3A_2975] {strides = array<i32>} : memref<128xi32, #tpu.memory_space<vmem>>, vector<16xi32>,
    tpu.vector_store %arg12[%swap3A_2975], %select_n3A_2974 {strides = array<i32>} : memref<128xi32, #tpu.memory_space<vmem>>, vector<16xi32>,
    %reduce_sum3A_2977 = arith.constant true
    %reduce_sum3A_2978 = vector.broadcast %reduce_sum3A_2977 : i1 to vector<16xi1>
    %reduce_sum3A_2979 = tpu.scan <sum>, %convert_element_type3A_2963 masked %reduce_sum3A_2978 : vector<16xi32>, vector<16xi1> -> vector<16xi32>
    %reduce_sum3A_2980 = vector.extract %reduce_sum3A_2979[15] : i32 from vector<16xi32>
    %add3A_2981 = arith.addi %add3A_2957, %reduce_sum3A_2980 : i32
    %get3A_2982 = arith.constant 96 : index
    %get3A_2983 = tpu.vector_load %arg11[%get3A_2982] {strides = array<i32>} : memref<128xi32, #tpu.memory_space<vmem>>, vector<16xi32>,
    %eq3A_2984 = arith.constant 6 : i32
    %eq3A_2985 = vector.broadcast %eq3A_2984 : i32 to vector<16xi32>
    %eq3A_2986 = arith.cmpi eq, %get3A_2983, %eq3A_2985 : vector<16xi32>
    %convert_element_type3A_2987 = arith.extui %eq3A_2986 : vector<16xi1> to vector<16xi32>
    %cumsum3A_2988 = arith.constant true
    %cumsum3A_2989 = vector.broadcast %cumsum3A_2988 : i1 to vector<16xi1>
    %cumsum3A_2990 = tpu.scan <sum>, %convert_element_type3A_2987 masked %cumsum3A_2989 : vector<16xi32>, vector<16xi1> -> vector<16xi32>
    %add3A_2991 = vector.broadcast %add3A_2981 : i32 to vector<16xi32>
    %add3A_2992 = arith.addi %add3A_2991, %cumsum3A_2990 : vector<16xi32>
    %sub3A_2993 = arith.constant 1 : i32
    %sub3A_2994 = vector.broadcast %sub3A_2993 : i32 to vector<16xi32>
    %sub3A_2995 = arith.subi %add3A_2992, %sub3A_2994 : vector<16xi32>
    %get3A_2996 = arith.constant 96 : index
    %get3A_2997 = tpu.vector_load %arg12[%get3A_2996] {strides = array<i32>} : memref<128xi32, #tpu.memory_space<vmem>>, vector<16xi32>,
    %select_n3A_2998 = arith.select %eq3A_2986, %sub3A_2995, %get3A_2997 : vector<16xi1>, vector<16xi32>
    %swap3A_2999 = arith.constant 96 : index
    %swap3A_3000 = tpu.vector_load %arg12[%swap3A_2999] {strides = array<i32>} : memref<128xi32, #tpu.memory_space<vmem>>, vector<16xi32>,
    tpu.vector_store %arg12[%swap3A_2999], %select_n3A_2998 {strides = array<i32>} : memref<128xi32, #tpu.memory_space<vmem>>, vector<16xi32>,
    %reduce_sum3A_3001 = arith.constant true
    %reduce_sum3A_3002 = vector.broadcast %reduce_sum3A_3001 : i1 to vector<16xi1>
    %reduce_sum3A_3003 = tpu.scan <sum>, %convert_element_type3A_2987 masked %reduce_sum3A_3002 : vector<16xi32>, vector<16xi1> -> vector<16xi32>
    %reduce_sum3A_3004 = vector.extract %reduce_sum3A_3003[15] : i32 from vector<16xi32>
    %add3A_3005 = arith.addi %add3A_2981, %reduce_sum3A_3004 : i32
    %get3A_3006 = arith.constant 112 : index
    %get3A_3007 = tpu.vector_load %arg11[%get3A_3006] {strides = array<i32>} : memref<128xi32, #tpu.memory_space<vmem>>, vector<16xi32>,
    %eq3A_3008 = arith.constant 6 : i32
    %eq3A_3009 = vector.broadcast %eq3A_3008 : i32 to vector<16xi32>
    %eq3A_3010 = arith.cmpi eq, %get3A_3007, %eq3A_3009 : vector<16xi32>
    %convert_element_type3A_3011 = arith.extui %eq3A_3010 : vector<16xi1> to vector<16xi32>
    %cumsum3A_3012 = arith.constant true
    %cumsum3A_3013 = vector.broadcast %cumsum3A_3012 : i1 to vector<16xi1>
    %cumsum3A_3014 = tpu.scan <sum>, %convert_element_type3A_3011 masked %cumsum3A_3013 : vector<16xi32>, vector<16xi1> -> vector<16xi32>
    %add3A_3015 = vector.broadcast %add3A_3005 : i32 to vector<16xi32>
    %add3A_3016 = arith.addi %add3A_3015, %cumsum3A_3014 : vector<16xi32>
    %sub3A_3017 = arith.constant 1 : i32
    %sub3A_3018 = vector.broadcast %sub3A_3017 : i32 to vector<16xi32>
    %sub3A_3019 = arith.subi %add3A_3016, %sub3A_3018 : vector<16xi32>
    %get3A_3020 = arith.constant 112 : index
    %get3A_3021 = tpu.vector_load %arg12[%get3A_3020] {strides = array<i32>} : memref<128xi32, #tpu.memory_space<vmem>>, vector<16xi32>,
    %select_n3A_3022 = arith.select %eq3A_3010, %sub3A_3019, %get3A_3021 : vector<16xi1>, vector<16xi32>
    %swap3A_3023 = arith.constant 112 : index
    %swap3A_3024 = tpu.vector_load %arg12[%swap3A_3023] {strides = array<i32>} : memref<128xi32, #tpu.memory_space<vmem>>, vector<16xi32>,
    tpu.vector_store %arg12[%swap3A_3023], %select_n3A_3022 {strides = array<i32>} : memref<128xi32, #tpu.memory_space<vmem>>, vector<16xi32>,
    %reduce_sum3A_3025 = arith.constant true
    %reduce_sum3A_3026 = vector.broadcast %reduce_sum3A_3025 : i1 to vector<16xi1>
    %reduce_sum3A_3027 = tpu.scan <sum>, %convert_element_type3A_3011 masked %reduce_sum3A_3026 : vector<16xi32>, vector<16xi1> -> vector<16xi32>
    %reduce_sum3A_3028 = vector.extract %reduce_sum3A_3027[15] : i32 from vector<16xi32>
    %add3A_3029 = arith.addi %add3A_3005, %reduce_sum3A_3028 : i32
    %eq3A_3030 = arith.constant 7 : i32
    %eq3A_3031 = vector.broadcast %eq3A_3030 : i32 to vector<16xi32>
    %eq3A_3032 = arith.cmpi eq, %iota3A, %eq3A_3031 : vector<16xi32>
    %convert_element_type3A_3033 = arith.extui %eq3A_3032 : vector<16xi1> to vector<16xi32>
    %mul3A_3034 = arith.muli %convert_element_type3A_3033, %add3A_1619 : vector<16xi32>
    %reduce_sum3A_3035 = arith.constant true
    %reduce_sum3A_3036 = vector.broadcast %reduce_sum3A_3035 : i1 to vector<16xi1>
    %reduce_sum3A_3037 = tpu.scan <sum>, %mul3A_3034 masked %reduce_sum3A_3036 : vector<16xi32>, vector<16xi1> -> vector<16xi32>
    %reduce_sum3A_3038 = vector.extract %reduce_sum3A_3037[15] : i32 from vector<16xi32>
    %get3A_3039 = arith.constant 0 : index
    %get3A_3040 = tpu.vector_load %arg11[%get3A_3039] {strides = array<i32>} : memref<128xi32, #tpu.memory_space<vmem>>, vector<16xi32>,
    %eq3A_3041 = arith.constant 7 : i32
    %eq3A_3042 = vector.broadcast %eq3A_3041 : i32 to vector<16xi32>
    %eq3A_3043 = arith.cmpi eq, %get3A_3040, %eq3A_3042 : vector<16xi32>
    %convert_element_type3A_3044 = arith.extui %eq3A_3043 : vector<16xi1> to vector<16xi32>
    %cumsum3A_3045 = arith.constant true
    %cumsum3A_3046 = vector.broadcast %cumsum3A_3045 : i1 to vector<16xi1>
    %cumsum3A_3047 = tpu.scan <sum>, %convert_element_type3A_3044 masked %cumsum3A_3046 : vector<16xi32>, vector<16xi1> -> vector<16xi32>
    %add3A_3048 = vector.broadcast %reduce_sum3A_3038 : i32 to vector<16xi32>
    %add3A_3049 = arith.addi %add3A_3048, %cumsum3A_3047 : vector<16xi32>
    %sub3A_3050 = arith.constant 1 : i32
    %sub3A_3051 = vector.broadcast %sub3A_3050 : i32 to vector<16xi32>
    %sub3A_3052 = arith.subi %add3A_3049, %sub3A_3051 : vector<16xi32>
    %get3A_3053 = arith.constant 0 : index
    %get3A_3054 = tpu.vector_load %arg12[%get3A_3053] {strides = array<i32>} : memref<128xi32, #tpu.memory_space<vmem>>, vector<16xi32>,
    %select_n3A_3055 = arith.select %eq3A_3043, %sub3A_3052, %get3A_3054 : vector<16xi1>, vector<16xi32>
    %swap3A_3056 = arith.constant 0 : index
    %swap3A_3057 = tpu.vector_load %arg12[%swap3A_3056] {strides = array<i32>} : memref<128xi32, #tpu.memory_space<vmem>>, vector<16xi32>,
    tpu.vector_store %arg12[%swap3A_3056], %select_n3A_3055 {strides = array<i32>} : memref<128xi32, #tpu.memory_space<vmem>>, vector<16xi32>,
    %reduce_sum3A_3058 = arith.constant true
    %reduce_sum3A_3059 = vector.broadcast %reduce_sum3A_3058 : i1 to vector<16xi1>
    %reduce_sum3A_3060 = tpu.scan <sum>, %convert_element_type3A_3044 masked %reduce_sum3A_3059 : vector<16xi32>, vector<16xi1> -> vector<16xi32>
    %reduce_sum3A_3061 = vector.extract %reduce_sum3A_3060[15] : i32 from vector<16xi32>
    %add3A_3062 = arith.addi %reduce_sum3A_3038, %reduce_sum3A_3061 : i32
    %get3A_3063 = arith.constant 16 : index
    %get3A_3064 = tpu.vector_load %arg11[%get3A_3063] {strides = array<i32>} : memref<128xi32, #tpu.memory_space<vmem>>, vector<16xi32>,
    %eq3A_3065 = arith.constant 7 : i32
    %eq3A_3066 = vector.broadcast %eq3A_3065 : i32 to vector<16xi32>
    %eq3A_3067 = arith.cmpi eq, %get3A_3064, %eq3A_3066 : vector<16xi32>
    %convert_element_type3A_3068 = arith.extui %eq3A_3067 : vector<16xi1> to vector<16xi32>
    %cumsum3A_3069 = arith.constant true
    %cumsum3A_3070 = vector.broadcast %cumsum3A_3069 : i1 to vector<16xi1>
    %cumsum3A_3071 = tpu.scan <sum>, %convert_element_type3A_3068 masked %cumsum3A_3070 : vector<16xi32>, vector<16xi1> -> vector<16xi32>
    %add3A_3072 = vector.broadcast %add3A_3062 : i32 to vector<16xi32>
    %add3A_3073 = arith.addi %add3A_3072, %cumsum3A_3071 : vector<16xi32>
    %sub3A_3074 = arith.constant 1 : i32
    %sub3A_3075 = vector.broadcast %sub3A_3074 : i32 to vector<16xi32>
    %sub3A_3076 = arith.subi %add3A_3073, %sub3A_3075 : vector<16xi32>
    %get3A_3077 = arith.constant 16 : index
    %get3A_3078 = tpu.vector_load %arg12[%get3A_3077] {strides = array<i32>} : memref<128xi32, #tpu.memory_space<vmem>>, vector<16xi32>,
    %select_n3A_3079 = arith.select %eq3A_3067, %sub3A_3076, %get3A_3078 : vector<16xi1>, vector<16xi32>
    %swap3A_3080 = arith.constant 16 : index
    %swap3A_3081 = tpu.vector_load %arg12[%swap3A_3080] {strides = array<i32>} : memref<128xi32, #tpu.memory_space<vmem>>, vector<16xi32>,
    tpu.vector_store %arg12[%swap3A_3080], %select_n3A_3079 {strides = array<i32>} : memref<128xi32, #tpu.memory_space<vmem>>, vector<16xi32>,
    %reduce_sum3A_3082 = arith.constant true
    %reduce_sum3A_3083 = vector.broadcast %reduce_sum3A_3082 : i1 to vector<16xi1>
    %reduce_sum3A_3084 = tpu.scan <sum>, %convert_element_type3A_3068 masked %reduce_sum3A_3083 : vector<16xi32>, vector<16xi1> -> vector<16xi32>
    %reduce_sum3A_3085 = vector.extract %reduce_sum3A_3084[15] : i32 from vector<16xi32>
    %add3A_3086 = arith.addi %add3A_3062, %reduce_sum3A_3085 : i32
    %get3A_3087 = arith.constant 32 : index
    %get3A_3088 = tpu.vector_load %arg11[%get3A_3087] {strides = array<i32>} : memref<128xi32, #tpu.memory_space<vmem>>, vector<16xi32>,
    %eq3A_3089 = arith.constant 7 : i32
    %eq3A_3090 = vector.broadcast %eq3A_3089 : i32 to vector<16xi32>
    %eq3A_3091 = arith.cmpi eq, %get3A_3088, %eq3A_3090 : vector<16xi32>
    %convert_element_type3A_3092 = arith.extui %eq3A_3091 : vector<16xi1> to vector<16xi32>
    %cumsum3A_3093 = arith.constant true
    %cumsum3A_3094 = vector.broadcast %cumsum3A_3093 : i1 to vector<16xi1>
    %cumsum3A_3095 = tpu.scan <sum>, %convert_element_type3A_3092 masked %cumsum3A_3094 : vector<16xi32>, vector<16xi1> -> vector<16xi32>
    %add3A_3096 = vector.broadcast %add3A_3086 : i32 to vector<16xi32>
    %add3A_3097 = arith.addi %add3A_3096, %cumsum3A_3095 : vector<16xi32>
    %sub3A_3098 = arith.constant 1 : i32
    %sub3A_3099 = vector.broadcast %sub3A_3098 : i32 to vector<16xi32>
    %sub3A_3100 = arith.subi %add3A_3097, %sub3A_3099 : vector<16xi32>
    %get3A_3101 = arith.constant 32 : index
    %get3A_3102 = tpu.vector_load %arg12[%get3A_3101] {strides = array<i32>} : memref<128xi32, #tpu.memory_space<vmem>>, vector<16xi32>,
    %select_n3A_3103 = arith.select %eq3A_3091, %sub3A_3100, %get3A_3102 : vector<16xi1>, vector<16xi32>
    %swap3A_3104 = arith.constant 32 : index
    %swap3A_3105 = tpu.vector_load %arg12[%swap3A_3104] {strides = array<i32>} : memref<128xi32, #tpu.memory_space<vmem>>, vector<16xi32>,
    tpu.vector_store %arg12[%swap3A_3104], %select_n3A_3103 {strides = array<i32>} : memref<128xi32, #tpu.memory_space<vmem>>, vector<16xi32>,
    %reduce_sum3A_3106 = arith.constant true
    %reduce_sum3A_3107 = vector.broadcast %reduce_sum3A_3106 : i1 to vector<16xi1>
    %reduce_sum3A_3108 = tpu.scan <sum>, %convert_element_type3A_3092 masked %reduce_sum3A_3107 : vector<16xi32>, vector<16xi1> -> vector<16xi32>
    %reduce_sum3A_3109 = vector.extract %reduce_sum3A_3108[15] : i32 from vector<16xi32>
    %add3A_3110 = arith.addi %add3A_3086, %reduce_sum3A_3109 : i32
    %get3A_3111 = arith.constant 48 : index
    %get3A_3112 = tpu.vector_load %arg11[%get3A_3111] {strides = array<i32>} : memref<128xi32, #tpu.memory_space<vmem>>, vector<16xi32>,
    %eq3A_3113 = arith.constant 7 : i32
    %eq3A_3114 = vector.broadcast %eq3A_3113 : i32 to vector<16xi32>
    %eq3A_3115 = arith.cmpi eq, %get3A_3112, %eq3A_3114 : vector<16xi32>
    %convert_element_type3A_3116 = arith.extui %eq3A_3115 : vector<16xi1> to vector<16xi32>
    %cumsum3A_3117 = arith.constant true
    %cumsum3A_3118 = vector.broadcast %cumsum3A_3117 : i1 to vector<16xi1>
    %cumsum3A_3119 = tpu.scan <sum>, %convert_element_type3A_3116 masked %cumsum3A_3118 : vector<16xi32>, vector<16xi1> -> vector<16xi32>
    %add3A_3120 = vector.broadcast %add3A_3110 : i32 to vector<16xi32>
    %add3A_3121 = arith.addi %add3A_3120, %cumsum3A_3119 : vector<16xi32>
    %sub3A_3122 = arith.constant 1 : i32
    %sub3A_3123 = vector.broadcast %sub3A_3122 : i32 to vector<16xi32>
    %sub3A_3124 = arith.subi %add3A_3121, %sub3A_3123 : vector<16xi32>
    %get3A_3125 = arith.constant 48 : index
    %get3A_3126 = tpu.vector_load %arg12[%get3A_3125] {strides = array<i32>} : memref<128xi32, #tpu.memory_space<vmem>>, vector<16xi32>,
    %select_n3A_3127 = arith.select %eq3A_3115, %sub3A_3124, %get3A_3126 : vector<16xi1>, vector<16xi32>
    %swap3A_3128 = arith.constant 48 : index
    %swap3A_3129 = tpu.vector_load %arg12[%swap3A_3128] {strides = array<i32>} : memref<128xi32, #tpu.memory_space<vmem>>, vector<16xi32>,
    tpu.vector_store %arg12[%swap3A_3128], %select_n3A_3127 {strides = array<i32>} : memref<128xi32, #tpu.memory_space<vmem>>, vector<16xi32>,
    %reduce_sum3A_3130 = arith.constant true
    %reduce_sum3A_3131 = vector.broadcast %reduce_sum3A_3130 : i1 to vector<16xi1>
    %reduce_sum3A_3132 = tpu.scan <sum>, %convert_element_type3A_3116 masked %reduce_sum3A_3131 : vector<16xi32>, vector<16xi1> -> vector<16xi32>
    %reduce_sum3A_3133 = vector.extract %reduce_sum3A_3132[15] : i32 from vector<16xi32>
    %add3A_3134 = arith.addi %add3A_3110, %reduce_sum3A_3133 : i32
    %get3A_3135 = arith.constant 64 : index
    %get3A_3136 = tpu.vector_load %arg11[%get3A_3135] {strides = array<i32>} : memref<128xi32, #tpu.memory_space<vmem>>, vector<16xi32>,
    %eq3A_3137 = arith.constant 7 : i32
    %eq3A_3138 = vector.broadcast %eq3A_3137 : i32 to vector<16xi32>
    %eq3A_3139 = arith.cmpi eq, %get3A_3136, %eq3A_3138 : vector<16xi32>
    %convert_element_type3A_3140 = arith.extui %eq3A_3139 : vector<16xi1> to vector<16xi32>
    %cumsum3A_3141 = arith.constant true
    %cumsum3A_3142 = vector.broadcast %cumsum3A_3141 : i1 to vector<16xi1>
    %cumsum3A_3143 = tpu.scan <sum>, %convert_element_type3A_3140 masked %cumsum3A_3142 : vector<16xi32>, vector<16xi1> -> vector<16xi32>
    %add3A_3144 = vector.broadcast %add3A_3134 : i32 to vector<16xi32>
    %add3A_3145 = arith.addi %add3A_3144, %cumsum3A_3143 : vector<16xi32>
    %sub3A_3146 = arith.constant 1 : i32
    %sub3A_3147 = vector.broadcast %sub3A_3146 : i32 to vector<16xi32>
    %sub3A_3148 = arith.subi %add3A_3145, %sub3A_3147 : vector<16xi32>
    %get3A_3149 = arith.constant 64 : index
    %get3A_3150 = tpu.vector_load %arg12[%get3A_3149] {strides = array<i32>} : memref<128xi32, #tpu.memory_space<vmem>>, vector<16xi32>,
    %select_n3A_3151 = arith.select %eq3A_3139, %sub3A_3148, %get3A_3150 : vector<16xi1>, vector<16xi32>
    %swap3A_3152 = arith.constant 64 : index
    %swap3A_3153 = tpu.vector_load %arg12[%swap3A_3152] {strides = array<i32>} : memref<128xi32, #tpu.memory_space<vmem>>, vector<16xi32>,
    tpu.vector_store %arg12[%swap3A_3152], %select_n3A_3151 {strides = array<i32>} : memref<128xi32, #tpu.memory_space<vmem>>, vector<16xi32>,
    %reduce_sum3A_3154 = arith.constant true
    %reduce_sum3A_3155 = vector.broadcast %reduce_sum3A_3154 : i1 to vector<16xi1>
    %reduce_sum3A_3156 = tpu.scan <sum>, %convert_element_type3A_3140 masked %reduce_sum3A_3155 : vector<16xi32>, vector<16xi1> -> vector<16xi32>
    %reduce_sum3A_3157 = vector.extract %reduce_sum3A_3156[15] : i32 from vector<16xi32>
    %add3A_3158 = arith.addi %add3A_3134, %reduce_sum3A_3157 : i32
    %get3A_3159 = arith.constant 80 : index
    %get3A_3160 = tpu.vector_load %arg11[%get3A_3159] {strides = array<i32>} : memref<128xi32, #tpu.memory_space<vmem>>, vector<16xi32>,
    %eq3A_3161 = arith.constant 7 : i32
    %eq3A_3162 = vector.broadcast %eq3A_3161 : i32 to vector<16xi32>
    %eq3A_3163 = arith.cmpi eq, %get3A_3160, %eq3A_3162 : vector<16xi32>
    %convert_element_type3A_3164 = arith.extui %eq3A_3163 : vector<16xi1> to vector<16xi32>
    %cumsum3A_3165 = arith.constant true
    %cumsum3A_3166 = vector.broadcast %cumsum3A_3165 : i1 to vector<16xi1>
    %cumsum3A_3167 = tpu.scan <sum>, %convert_element_type3A_3164 masked %cumsum3A_3166 : vector<16xi32>, vector<16xi1> -> vector<16xi32>
    %add3A_3168 = vector.broadcast %add3A_3158 : i32 to vector<16xi32>
    %add3A_3169 = arith.addi %add3A_3168, %cumsum3A_3167 : vector<16xi32>
    %sub3A_3170 = arith.constant 1 : i32
    %sub3A_3171 = vector.broadcast %sub3A_3170 : i32 to vector<16xi32>
    %sub3A_3172 = arith.subi %add3A_3169, %sub3A_3171 : vector<16xi32>
    %get3A_3173 = arith.constant 80 : index
    %get3A_3174 = tpu.vector_load %arg12[%get3A_3173] {strides = array<i32>} : memref<128xi32, #tpu.memory_space<vmem>>, vector<16xi32>,
    %select_n3A_3175 = arith.select %eq3A_3163, %sub3A_3172, %get3A_3174 : vector<16xi1>, vector<16xi32>
    %swap3A_3176 = arith.constant 80 : index
    %swap3A_3177 = tpu.vector_load %arg12[%swap3A_3176] {strides = array<i32>} : memref<128xi32, #tpu.memory_space<vmem>>, vector<16xi32>,
    tpu.vector_store %arg12[%swap3A_3176], %select_n3A_3175 {strides = array<i32>} : memref<128xi32, #tpu.memory_space<vmem>>, vector<16xi32>,
    %reduce_sum3A_3178 = arith.constant true
    %reduce_sum3A_3179 = vector.broadcast %reduce_sum3A_3178 : i1 to vector<16xi1>
    %reduce_sum3A_3180 = tpu.scan <sum>, %convert_element_type3A_3164 masked %reduce_sum3A_3179 : vector<16xi32>, vector<16xi1> -> vector<16xi32>
    %reduce_sum3A_3181 = vector.extract %reduce_sum3A_3180[15] : i32 from vector<16xi32>
    %add3A_3182 = arith.addi %add3A_3158, %reduce_sum3A_3181 : i32
    %get3A_3183 = arith.constant 96 : index
    %get3A_3184 = tpu.vector_load %arg11[%get3A_3183] {strides = array<i32>} : memref<128xi32, #tpu.memory_space<vmem>>, vector<16xi32>,
    %eq3A_3185 = arith.constant 7 : i32
    %eq3A_3186 = vector.broadcast %eq3A_3185 : i32 to vector<16xi32>
    %eq3A_3187 = arith.cmpi eq, %get3A_3184, %eq3A_3186 : vector<16xi32>
    %convert_element_type3A_3188 = arith.extui %eq3A_3187 : vector<16xi1> to vector<16xi32>
    %cumsum3A_3189 = arith.constant true
    %cumsum3A_3190 = vector.broadcast %cumsum3A_3189 : i1 to vector<16xi1>
    %cumsum3A_3191 = tpu.scan <sum>, %convert_element_type3A_3188 masked %cumsum3A_3190 : vector<16xi32>, vector<16xi1> -> vector<16xi32>
    %add3A_3192 = vector.broadcast %add3A_3182 : i32 to vector<16xi32>
    %add3A_3193 = arith.addi %add3A_3192, %cumsum3A_3191 : vector<16xi32>
    %sub3A_3194 = arith.constant 1 : i32
    %sub3A_3195 = vector.broadcast %sub3A_3194 : i32 to vector<16xi32>
    %sub3A_3196 = arith.subi %add3A_3193, %sub3A_3195 : vector<16xi32>
    %get3A_3197 = arith.constant 96 : index
    %get3A_3198 = tpu.vector_load %arg12[%get3A_3197] {strides = array<i32>} : memref<128xi32, #tpu.memory_space<vmem>>, vector<16xi32>,
    %select_n3A_3199 = arith.select %eq3A_3187, %sub3A_3196, %get3A_3198 : vector<16xi1>, vector<16xi32>
    %swap3A_3200 = arith.constant 96 : index
    %swap3A_3201 = tpu.vector_load %arg12[%swap3A_3200] {strides = array<i32>} : memref<128xi32, #tpu.memory_space<vmem>>, vector<16xi32>,
    tpu.vector_store %arg12[%swap3A_3200], %select_n3A_3199 {strides = array<i32>} : memref<128xi32, #tpu.memory_space<vmem>>, vector<16xi32>,
    %reduce_sum3A_3202 = arith.constant true
    %reduce_sum3A_3203 = vector.broadcast %reduce_sum3A_3202 : i1 to vector<16xi1>
    %reduce_sum3A_3204 = tpu.scan <sum>, %convert_element_type3A_3188 masked %reduce_sum3A_3203 : vector<16xi32>, vector<16xi1> -> vector<16xi32>
    %reduce_sum3A_3205 = vector.extract %reduce_sum3A_3204[15] : i32 from vector<16xi32>
    %add3A_3206 = arith.addi %add3A_3182, %reduce_sum3A_3205 : i32
    %get3A_3207 = arith.constant 112 : index
    %get3A_3208 = tpu.vector_load %arg11[%get3A_3207] {strides = array<i32>} : memref<128xi32, #tpu.memory_space<vmem>>, vector<16xi32>,
    %eq3A_3209 = arith.constant 7 : i32
    %eq3A_3210 = vector.broadcast %eq3A_3209 : i32 to vector<16xi32>
    %eq3A_3211 = arith.cmpi eq, %get3A_3208, %eq3A_3210 : vector<16xi32>
    %convert_element_type3A_3212 = arith.extui %eq3A_3211 : vector<16xi1> to vector<16xi32>
    %cumsum3A_3213 = arith.constant true
    %cumsum3A_3214 = vector.broadcast %cumsum3A_3213 : i1 to vector<16xi1>
    %cumsum3A_3215 = tpu.scan <sum>, %convert_element_type3A_3212 masked %cumsum3A_3214 : vector<16xi32>, vector<16xi1> -> vector<16xi32>
    %add3A_3216 = vector.broadcast %add3A_3206 : i32 to vector<16xi32>
    %add3A_3217 = arith.addi %add3A_3216, %cumsum3A_3215 : vector<16xi32>
    %sub3A_3218 = arith.constant 1 : i32
    %sub3A_3219 = vector.broadcast %sub3A_3218 : i32 to vector<16xi32>
    %sub3A_3220 = arith.subi %add3A_3217, %sub3A_3219 : vector<16xi32>
    %get3A_3221 = arith.constant 112 : index
    %get3A_3222 = tpu.vector_load %arg12[%get3A_3221] {strides = array<i32>} : memref<128xi32, #tpu.memory_space<vmem>>, vector<16xi32>,
    %select_n3A_3223 = arith.select %eq3A_3211, %sub3A_3220, %get3A_3222 : vector<16xi1>, vector<16xi32>
    %swap3A_3224 = arith.constant 112 : index
    %swap3A_3225 = tpu.vector_load %arg12[%swap3A_3224] {strides = array<i32>} : memref<128xi32, #tpu.memory_space<vmem>>, vector<16xi32>,
    tpu.vector_store %arg12[%swap3A_3224], %select_n3A_3223 {strides = array<i32>} : memref<128xi32, #tpu.memory_space<vmem>>, vector<16xi32>,
    %reduce_sum3A_3226 = arith.constant true
    %reduce_sum3A_3227 = vector.broadcast %reduce_sum3A_3226 : i1 to vector<16xi1>
    %reduce_sum3A_3228 = tpu.scan <sum>, %convert_element_type3A_3212 masked %reduce_sum3A_3227 : vector<16xi32>, vector<16xi1> -> vector<16xi32>
    %reduce_sum3A_3229 = vector.extract %reduce_sum3A_3228[15] : i32 from vector<16xi32>
    %add3A_3230 = arith.addi %add3A_3206, %reduce_sum3A_3229 : i32
    %eq3A_3231 = arith.constant 8 : i32
    %eq3A_3232 = vector.broadcast %eq3A_3231 : i32 to vector<16xi32>
    %eq3A_3233 = arith.cmpi eq, %iota3A, %eq3A_3232 : vector<16xi32>
    %convert_element_type3A_3234 = arith.extui %eq3A_3233 : vector<16xi1> to vector<16xi32>
    %mul3A_3235 = arith.muli %convert_element_type3A_3234, %add3A_1619 : vector<16xi32>
    %reduce_sum3A_3236 = arith.constant true
    %reduce_sum3A_3237 = vector.broadcast %reduce_sum3A_3236 : i1 to vector<16xi1>
    %reduce_sum3A_3238 = tpu.scan <sum>, %mul3A_3235 masked %reduce_sum3A_3237 : vector<16xi32>, vector<16xi1> -> vector<16xi32>
    %reduce_sum3A_3239 = vector.extract %reduce_sum3A_3238[15] : i32 from vector<16xi32>
    %get3A_3240 = arith.constant 0 : index
    %get3A_3241 = tpu.vector_load %arg11[%get3A_3240] {strides = array<i32>} : memref<128xi32, #tpu.memory_space<vmem>>, vector<16xi32>,
    %eq3A_3242 = arith.constant 8 : i32
    %eq3A_3243 = vector.broadcast %eq3A_3242 : i32 to vector<16xi32>
    %eq3A_3244 = arith.cmpi eq, %get3A_3241, %eq3A_3243 : vector<16xi32>
    %convert_element_type3A_3245 = arith.extui %eq3A_3244 : vector<16xi1> to vector<16xi32>
    %cumsum3A_3246 = arith.constant true
    %cumsum3A_3247 = vector.broadcast %cumsum3A_3246 : i1 to vector<16xi1>
    %cumsum3A_3248 = tpu.scan <sum>, %convert_element_type3A_3245 masked %cumsum3A_3247 : vector<16xi32>, vector<16xi1> -> vector<16xi32>
    %add3A_3249 = vector.broadcast %reduce_sum3A_3239 : i32 to vector<16xi32>
    %add3A_3250 = arith.addi %add3A_3249, %cumsum3A_3248 : vector<16xi32>
    %sub3A_3251 = arith.constant 1 : i32
    %sub3A_3252 = vector.broadcast %sub3A_3251 : i32 to vector<16xi32>
    %sub3A_3253 = arith.subi %add3A_3250, %sub3A_3252 : vector<16xi32>
    %get3A_3254 = arith.constant 0 : index
    %get3A_3255 = tpu.vector_load %arg12[%get3A_3254] {strides = array<i32>} : memref<128xi32, #tpu.memory_space<vmem>>, vector<16xi32>,
    %select_n3A_3256 = arith.select %eq3A_3244, %sub3A_3253, %get3A_3255 : vector<16xi1>, vector<16xi32>
    %swap3A_3257 = arith.constant 0 : index
    %swap3A_3258 = tpu.vector_load %arg12[%swap3A_3257] {strides = array<i32>} : memref<128xi32, #tpu.memory_space<vmem>>, vector<16xi32>,
    tpu.vector_store %arg12[%swap3A_3257], %select_n3A_3256 {strides = array<i32>} : memref<128xi32, #tpu.memory_space<vmem>>, vector<16xi32>,
    %reduce_sum3A_3259 = arith.constant true
    %reduce_sum3A_3260 = vector.broadcast %reduce_sum3A_3259 : i1 to vector<16xi1>
    %reduce_sum3A_3261 = tpu.scan <sum>, %convert_element_type3A_3245 masked %reduce_sum3A_3260 : vector<16xi32>, vector<16xi1> -> vector<16xi32>
    %reduce_sum3A_3262 = vector.extract %reduce_sum3A_3261[15] : i32 from vector<16xi32>
    %add3A_3263 = arith.addi %reduce_sum3A_3239, %reduce_sum3A_3262 : i32
    %get3A_3264 = arith.constant 16 : index
    %get3A_3265 = tpu.vector_load %arg11[%get3A_3264] {strides = array<i32>} : memref<128xi32, #tpu.memory_space<vmem>>, vector<16xi32>,
    %eq3A_3266 = arith.constant 8 : i32
    %eq3A_3267 = vector.broadcast %eq3A_3266 : i32 to vector<16xi32>
    %eq3A_3268 = arith.cmpi eq, %get3A_3265, %eq3A_3267 : vector<16xi32>
    %convert_element_type3A_3269 = arith.extui %eq3A_3268 : vector<16xi1> to vector<16xi32>
    %cumsum3A_3270 = arith.constant true
    %cumsum3A_3271 = vector.broadcast %cumsum3A_3270 : i1 to vector<16xi1>
    %cumsum3A_3272 = tpu.scan <sum>, %convert_element_type3A_3269 masked %cumsum3A_3271 : vector<16xi32>, vector<16xi1> -> vector<16xi32>
    %add3A_3273 = vector.broadcast %add3A_3263 : i32 to vector<16xi32>
    %add3A_3274 = arith.addi %add3A_3273, %cumsum3A_3272 : vector<16xi32>
    %sub3A_3275 = arith.constant 1 : i32
    %sub3A_3276 = vector.broadcast %sub3A_3275 : i32 to vector<16xi32>
    %sub3A_3277 = arith.subi %add3A_3274, %sub3A_3276 : vector<16xi32>
    %get3A_3278 = arith.constant 16 : index
    %get3A_3279 = tpu.vector_load %arg12[%get3A_3278] {strides = array<i32>} : memref<128xi32, #tpu.memory_space<vmem>>, vector<16xi32>,
    %select_n3A_3280 = arith.select %eq3A_3268, %sub3A_3277, %get3A_3279 : vector<16xi1>, vector<16xi32>
    %swap3A_3281 = arith.constant 16 : index
    %swap3A_3282 = tpu.vector_load %arg12[%swap3A_3281] {strides = array<i32>} : memref<128xi32, #tpu.memory_space<vmem>>, vector<16xi32>,
    tpu.vector_store %arg12[%swap3A_3281], %select_n3A_3280 {strides = array<i32>} : memref<128xi32, #tpu.memory_space<vmem>>, vector<16xi32>,
    %reduce_sum3A_3283 = arith.constant true
    %reduce_sum3A_3284 = vector.broadcast %reduce_sum3A_3283 : i1 to vector<16xi1>
    %reduce_sum3A_3285 = tpu.scan <sum>, %convert_element_type3A_3269 masked %reduce_sum3A_3284 : vector<16xi32>, vector<16xi1> -> vector<16xi32>
    %reduce_sum3A_3286 = vector.extract %reduce_sum3A_3285[15] : i32 from vector<16xi32>
    %add3A_3287 = arith.addi %add3A_3263, %reduce_sum3A_3286 : i32
    %get3A_3288 = arith.constant 32 : index
    %get3A_3289 = tpu.vector_load %arg11[%get3A_3288] {strides = array<i32>} : memref<128xi32, #tpu.memory_space<vmem>>, vector<16xi32>,
    %eq3A_3290 = arith.constant 8 : i32
    %eq3A_3291 = vector.broadcast %eq3A_3290 : i32 to vector<16xi32>
    %eq3A_3292 = arith.cmpi eq, %get3A_3289, %eq3A_3291 : vector<16xi32>
    %convert_element_type3A_3293 = arith.extui %eq3A_3292 : vector<16xi1> to vector<16xi32>
    %cumsum3A_3294 = arith.constant true
    %cumsum3A_3295 = vector.broadcast %cumsum3A_3294 : i1 to vector<16xi1>
    %cumsum3A_3296 = tpu.scan <sum>, %convert_element_type3A_3293 masked %cumsum3A_3295 : vector<16xi32>, vector<16xi1> -> vector<16xi32>
    %add3A_3297 = vector.broadcast %add3A_3287 : i32 to vector<16xi32>
    %add3A_3298 = arith.addi %add3A_3297, %cumsum3A_3296 : vector<16xi32>
    %sub3A_3299 = arith.constant 1 : i32
    %sub3A_3300 = vector.broadcast %sub3A_3299 : i32 to vector<16xi32>
    %sub3A_3301 = arith.subi %add3A_3298, %sub3A_3300 : vector<16xi32>
    %get3A_3302 = arith.constant 32 : index
    %get3A_3303 = tpu.vector_load %arg12[%get3A_3302] {strides = array<i32>} : memref<128xi32, #tpu.memory_space<vmem>>, vector<16xi32>,
    %select_n3A_3304 = arith.select %eq3A_3292, %sub3A_3301, %get3A_3303 : vector<16xi1>, vector<16xi32>
    %swap3A_3305 = arith.constant 32 : index
    %swap3A_3306 = tpu.vector_load %arg12[%swap3A_3305] {strides = array<i32>} : memref<128xi32, #tpu.memory_space<vmem>>, vector<16xi32>,
    tpu.vector_store %arg12[%swap3A_3305], %select_n3A_3304 {strides = array<i32>} : memref<128xi32, #tpu.memory_space<vmem>>, vector<16xi32>,
    %reduce_sum3A_3307 = arith.constant true
    %reduce_sum3A_3308 = vector.broadcast %reduce_sum3A_3307 : i1 to vector<16xi1>
    %reduce_sum3A_3309 = tpu.scan <sum>, %convert_element_type3A_3293 masked %reduce_sum3A_3308 : vector<16xi32>, vector<16xi1> -> vector<16xi32>
    %reduce_sum3A_3310 = vector.extract %reduce_sum3A_3309[15] : i32 from vector<16xi32>
    %add3A_3311 = arith.addi %add3A_3287, %reduce_sum3A_3310 : i32
    %get3A_3312 = arith.constant 48 : index
    %get3A_3313 = tpu.vector_load %arg11[%get3A_3312] {strides = array<i32>} : memref<128xi32, #tpu.memory_space<vmem>>, vector<16xi32>,
    %eq3A_3314 = arith.constant 8 : i32
    %eq3A_3315 = vector.broadcast %eq3A_3314 : i32 to vector<16xi32>
    %eq3A_3316 = arith.cmpi eq, %get3A_3313, %eq3A_3315 : vector<16xi32>
    %convert_element_type3A_3317 = arith.extui %eq3A_3316 : vector<16xi1> to vector<16xi32>
    %cumsum3A_3318 = arith.constant true
    %cumsum3A_3319 = vector.broadcast %cumsum3A_3318 : i1 to vector<16xi1>
    %cumsum3A_3320 = tpu.scan <sum>, %convert_element_type3A_3317 masked %cumsum3A_3319 : vector<16xi32>, vector<16xi1> -> vector<16xi32>
    %add3A_3321 = vector.broadcast %add3A_3311 : i32 to vector<16xi32>
    %add3A_3322 = arith.addi %add3A_3321, %cumsum3A_3320 : vector<16xi32>
    %sub3A_3323 = arith.constant 1 : i32
    %sub3A_3324 = vector.broadcast %sub3A_3323 : i32 to vector<16xi32>
    %sub3A_3325 = arith.subi %add3A_3322, %sub3A_3324 : vector<16xi32>
    %get3A_3326 = arith.constant 48 : index
    %get3A_3327 = tpu.vector_load %arg12[%get3A_3326] {strides = array<i32>} : memref<128xi32, #tpu.memory_space<vmem>>, vector<16xi32>,
    %select_n3A_3328 = arith.select %eq3A_3316, %sub3A_3325, %get3A_3327 : vector<16xi1>, vector<16xi32>
    %swap3A_3329 = arith.constant 48 : index
    %swap3A_3330 = tpu.vector_load %arg12[%swap3A_3329] {strides = array<i32>} : memref<128xi32, #tpu.memory_space<vmem>>, vector<16xi32>,
    tpu.vector_store %arg12[%swap3A_3329], %select_n3A_3328 {strides = array<i32>} : memref<128xi32, #tpu.memory_space<vmem>>, vector<16xi32>,
    %reduce_sum3A_3331 = arith.constant true
    %reduce_sum3A_3332 = vector.broadcast %reduce_sum3A_3331 : i1 to vector<16xi1>
    %reduce_sum3A_3333 = tpu.scan <sum>, %convert_element_type3A_3317 masked %reduce_sum3A_3332 : vector<16xi32>, vector<16xi1> -> vector<16xi32>
    %reduce_sum3A_3334 = vector.extract %reduce_sum3A_3333[15] : i32 from vector<16xi32>
    %add3A_3335 = arith.addi %add3A_3311, %reduce_sum3A_3334 : i32
    %get3A_3336 = arith.constant 64 : index
    %get3A_3337 = tpu.vector_load %arg11[%get3A_3336] {strides = array<i32>} : memref<128xi32, #tpu.memory_space<vmem>>, vector<16xi32>,
    %eq3A_3338 = arith.constant 8 : i32
    %eq3A_3339 = vector.broadcast %eq3A_3338 : i32 to vector<16xi32>
    %eq3A_3340 = arith.cmpi eq, %get3A_3337, %eq3A_3339 : vector<16xi32>
    %convert_element_type3A_3341 = arith.extui %eq3A_3340 : vector<16xi1> to vector<16xi32>
    %cumsum3A_3342 = arith.constant true
    %cumsum3A_3343 = vector.broadcast %cumsum3A_3342 : i1 to vector<16xi1>
    %cumsum3A_3344 = tpu.scan <sum>, %convert_element_type3A_3341 masked %cumsum3A_3343 : vector<16xi32>, vector<16xi1> -> vector<16xi32>
    %add3A_3345 = vector.broadcast %add3A_3335 : i32 to vector<16xi32>
    %add3A_3346 = arith.addi %add3A_3345, %cumsum3A_3344 : vector<16xi32>
    %sub3A_3347 = arith.constant 1 : i32
    %sub3A_3348 = vector.broadcast %sub3A_3347 : i32 to vector<16xi32>
    %sub3A_3349 = arith.subi %add3A_3346, %sub3A_3348 : vector<16xi32>
    %get3A_3350 = arith.constant 64 : index
    %get3A_3351 = tpu.vector_load %arg12[%get3A_3350] {strides = array<i32>} : memref<128xi32, #tpu.memory_space<vmem>>, vector<16xi32>,
    %select_n3A_3352 = arith.select %eq3A_3340, %sub3A_3349, %get3A_3351 : vector<16xi1>, vector<16xi32>
    %swap3A_3353 = arith.constant 64 : index
    %swap3A_3354 = tpu.vector_load %arg12[%swap3A_3353] {strides = array<i32>} : memref<128xi32, #tpu.memory_space<vmem>>, vector<16xi32>,
    tpu.vector_store %arg12[%swap3A_3353], %select_n3A_3352 {strides = array<i32>} : memref<128xi32, #tpu.memory_space<vmem>>, vector<16xi32>,
    %reduce_sum3A_3355 = arith.constant true
    %reduce_sum3A_3356 = vector.broadcast %reduce_sum3A_3355 : i1 to vector<16xi1>
    %reduce_sum3A_3357 = tpu.scan <sum>, %convert_element_type3A_3341 masked %reduce_sum3A_3356 : vector<16xi32>, vector<16xi1> -> vector<16xi32>
    %reduce_sum3A_3358 = vector.extract %reduce_sum3A_3357[15] : i32 from vector<16xi32>
    %add3A_3359 = arith.addi %add3A_3335, %reduce_sum3A_3358 : i32
    %get3A_3360 = arith.constant 80 : index
    %get3A_3361 = tpu.vector_load %arg11[%get3A_3360] {strides = array<i32>} : memref<128xi32, #tpu.memory_space<vmem>>, vector<16xi32>,
    %eq3A_3362 = arith.constant 8 : i32
    %eq3A_3363 = vector.broadcast %eq3A_3362 : i32 to vector<16xi32>
    %eq3A_3364 = arith.cmpi eq, %get3A_3361, %eq3A_3363 : vector<16xi32>
    %convert_element_type3A_3365 = arith.extui %eq3A_3364 : vector<16xi1> to vector<16xi32>
    %cumsum3A_3366 = arith.constant true
    %cumsum3A_3367 = vector.broadcast %cumsum3A_3366 : i1 to vector<16xi1>
    %cumsum3A_3368 = tpu.scan <sum>, %convert_element_type3A_3365 masked %cumsum3A_3367 : vector<16xi32>, vector<16xi1> -> vector<16xi32>
    %add3A_3369 = vector.broadcast %add3A_3359 : i32 to vector<16xi32>
    %add3A_3370 = arith.addi %add3A_3369, %cumsum3A_3368 : vector<16xi32>
    %sub3A_3371 = arith.constant 1 : i32
    %sub3A_3372 = vector.broadcast %sub3A_3371 : i32 to vector<16xi32>
    %sub3A_3373 = arith.subi %add3A_3370, %sub3A_3372 : vector<16xi32>
    %get3A_3374 = arith.constant 80 : index
    %get3A_3375 = tpu.vector_load %arg12[%get3A_3374] {strides = array<i32>} : memref<128xi32, #tpu.memory_space<vmem>>, vector<16xi32>,
    %select_n3A_3376 = arith.select %eq3A_3364, %sub3A_3373, %get3A_3375 : vector<16xi1>, vector<16xi32>
    %swap3A_3377 = arith.constant 80 : index
    %swap3A_3378 = tpu.vector_load %arg12[%swap3A_3377] {strides = array<i32>} : memref<128xi32, #tpu.memory_space<vmem>>, vector<16xi32>,
    tpu.vector_store %arg12[%swap3A_3377], %select_n3A_3376 {strides = array<i32>} : memref<128xi32, #tpu.memory_space<vmem>>, vector<16xi32>,
    %reduce_sum3A_3379 = arith.constant true
    %reduce_sum3A_3380 = vector.broadcast %reduce_sum3A_3379 : i1 to vector<16xi1>
    %reduce_sum3A_3381 = tpu.scan <sum>, %convert_element_type3A_3365 masked %reduce_sum3A_3380 : vector<16xi32>, vector<16xi1> -> vector<16xi32>
    %reduce_sum3A_3382 = vector.extract %reduce_sum3A_3381[15] : i32 from vector<16xi32>
    %add3A_3383 = arith.addi %add3A_3359, %reduce_sum3A_3382 : i32
    %get3A_3384 = arith.constant 96 : index
    %get3A_3385 = tpu.vector_load %arg11[%get3A_3384] {strides = array<i32>} : memref<128xi32, #tpu.memory_space<vmem>>, vector<16xi32>,
    %eq3A_3386 = arith.constant 8 : i32
    %eq3A_3387 = vector.broadcast %eq3A_3386 : i32 to vector<16xi32>
    %eq3A_3388 = arith.cmpi eq, %get3A_3385, %eq3A_3387 : vector<16xi32>
    %convert_element_type3A_3389 = arith.extui %eq3A_3388 : vector<16xi1> to vector<16xi32>
    %cumsum3A_3390 = arith.constant true
    %cumsum3A_3391 = vector.broadcast %cumsum3A_3390 : i1 to vector<16xi1>
    %cumsum3A_3392 = tpu.scan <sum>, %convert_element_type3A_3389 masked %cumsum3A_3391 : vector<16xi32>, vector<16xi1> -> vector<16xi32>
    %add3A_3393 = vector.broadcast %add3A_3383 : i32 to vector<16xi32>
    %add3A_3394 = arith.addi %add3A_3393, %cumsum3A_3392 : vector<16xi32>
    %sub3A_3395 = arith.constant 1 : i32
    %sub3A_3396 = vector.broadcast %sub3A_3395 : i32 to vector<16xi32>
    %sub3A_3397 = arith.subi %add3A_3394, %sub3A_3396 : vector<16xi32>
    %get3A_3398 = arith.constant 96 : index
    %get3A_3399 = tpu.vector_load %arg12[%get3A_3398] {strides = array<i32>} : memref<128xi32, #tpu.memory_space<vmem>>, vector<16xi32>,
    %select_n3A_3400 = arith.select %eq3A_3388, %sub3A_3397, %get3A_3399 : vector<16xi1>, vector<16xi32>
    %swap3A_3401 = arith.constant 96 : index
    %swap3A_3402 = tpu.vector_load %arg12[%swap3A_3401] {strides = array<i32>} : memref<128xi32, #tpu.memory_space<vmem>>, vector<16xi32>,
    tpu.vector_store %arg12[%swap3A_3401], %select_n3A_3400 {strides = array<i32>} : memref<128xi32, #tpu.memory_space<vmem>>, vector<16xi32>,
    %reduce_sum3A_3403 = arith.constant true
    %reduce_sum3A_3404 = vector.broadcast %reduce_sum3A_3403 : i1 to vector<16xi1>
    %reduce_sum3A_3405 = tpu.scan <sum>, %convert_element_type3A_3389 masked %reduce_sum3A_3404 : vector<16xi32>, vector<16xi1> -> vector<16xi32>
    %reduce_sum3A_3406 = vector.extract %reduce_sum3A_3405[15] : i32 from vector<16xi32>
    %add3A_3407 = arith.addi %add3A_3383, %reduce_sum3A_3406 : i32
    %get3A_3408 = arith.constant 112 : index
    %get3A_3409 = tpu.vector_load %arg11[%get3A_3408] {strides = array<i32>} : memref<128xi32, #tpu.memory_space<vmem>>, vector<16xi32>,
    %eq3A_3410 = arith.constant 8 : i32
    %eq3A_3411 = vector.broadcast %eq3A_3410 : i32 to vector<16xi32>
    %eq3A_3412 = arith.cmpi eq, %get3A_3409, %eq3A_3411 : vector<16xi32>
    %convert_element_type3A_3413 = arith.extui %eq3A_3412 : vector<16xi1> to vector<16xi32>
    %cumsum3A_3414 = arith.constant true
    %cumsum3A_3415 = vector.broadcast %cumsum3A_3414 : i1 to vector<16xi1>
    %cumsum3A_3416 = tpu.scan <sum>, %convert_element_type3A_3413 masked %cumsum3A_3415 : vector<16xi32>, vector<16xi1> -> vector<16xi32>
    %add3A_3417 = vector.broadcast %add3A_3407 : i32 to vector<16xi32>
    %add3A_3418 = arith.addi %add3A_3417, %cumsum3A_3416 : vector<16xi32>
    %sub3A_3419 = arith.constant 1 : i32
    %sub3A_3420 = vector.broadcast %sub3A_3419 : i32 to vector<16xi32>
    %sub3A_3421 = arith.subi %add3A_3418, %sub3A_3420 : vector<16xi32>
    %get3A_3422 = arith.constant 112 : index
    %get3A_3423 = tpu.vector_load %arg12[%get3A_3422] {strides = array<i32>} : memref<128xi32, #tpu.memory_space<vmem>>, vector<16xi32>,
    %select_n3A_3424 = arith.select %eq3A_3412, %sub3A_3421, %get3A_3423 : vector<16xi1>, vector<16xi32>
    %swap3A_3425 = arith.constant 112 : index
    %swap3A_3426 = tpu.vector_load %arg12[%swap3A_3425] {strides = array<i32>} : memref<128xi32, #tpu.memory_space<vmem>>, vector<16xi32>,
    tpu.vector_store %arg12[%swap3A_3425], %select_n3A_3424 {strides = array<i32>} : memref<128xi32, #tpu.memory_space<vmem>>, vector<16xi32>,
    %reduce_sum3A_3427 = arith.constant true
    %reduce_sum3A_3428 = vector.broadcast %reduce_sum3A_3427 : i1 to vector<16xi1>
    %reduce_sum3A_3429 = tpu.scan <sum>, %convert_element_type3A_3413 masked %reduce_sum3A_3428 : vector<16xi32>, vector<16xi1> -> vector<16xi32>
    %reduce_sum3A_3430 = vector.extract %reduce_sum3A_3429[15] : i32 from vector<16xi32>
    %add3A_3431 = arith.addi %add3A_3407, %reduce_sum3A_3430 : i32
    %eq3A_3432 = arith.constant 9 : i32
    %eq3A_3433 = vector.broadcast %eq3A_3432 : i32 to vector<16xi32>
    %eq3A_3434 = arith.cmpi eq, %iota3A, %eq3A_3433 : vector<16xi32>
    %convert_element_type3A_3435 = arith.extui %eq3A_3434 : vector<16xi1> to vector<16xi32>
    %mul3A_3436 = arith.muli %convert_element_type3A_3435, %add3A_1619 : vector<16xi32>
    %reduce_sum3A_3437 = arith.constant true
    %reduce_sum3A_3438 = vector.broadcast %reduce_sum3A_3437 : i1 to vector<16xi1>
    %reduce_sum3A_3439 = tpu.scan <sum>, %mul3A_3436 masked %reduce_sum3A_3438 : vector<16xi32>, vector<16xi1> -> vector<16xi32>
    %reduce_sum3A_3440 = vector.extract %reduce_sum3A_3439[15] : i32 from vector<16xi32>
    %get3A_3441 = arith.constant 0 : index
    %get3A_3442 = tpu.vector_load %arg11[%get3A_3441] {strides = array<i32>} : memref<128xi32, #tpu.memory_space<vmem>>, vector<16xi32>,
    %eq3A_3443 = arith.constant 9 : i32
    %eq3A_3444 = vector.broadcast %eq3A_3443 : i32 to vector<16xi32>
    %eq3A_3445 = arith.cmpi eq, %get3A_3442, %eq3A_3444 : vector<16xi32>
    %convert_element_type3A_3446 = arith.extui %eq3A_3445 : vector<16xi1> to vector<16xi32>
    %cumsum3A_3447 = arith.constant true
    %cumsum3A_3448 = vector.broadcast %cumsum3A_3447 : i1 to vector<16xi1>
    %cumsum3A_3449 = tpu.scan <sum>, %convert_element_type3A_3446 masked %cumsum3A_3448 : vector<16xi32>, vector<16xi1> -> vector<16xi32>
    %add3A_3450 = vector.broadcast %reduce_sum3A_3440 : i32 to vector<16xi32>
    %add3A_3451 = arith.addi %add3A_3450, %cumsum3A_3449 : vector<16xi32>
    %sub3A_3452 = arith.constant 1 : i32
    %sub3A_3453 = vector.broadcast %sub3A_3452 : i32 to vector<16xi32>
    %sub3A_3454 = arith.subi %add3A_3451, %sub3A_3453 : vector<16xi32>
    %get3A_3455 = arith.constant 0 : index
    %get3A_3456 = tpu.vector_load %arg12[%get3A_3455] {strides = array<i32>} : memref<128xi32, #tpu.memory_space<vmem>>, vector<16xi32>,
    %select_n3A_3457 = arith.select %eq3A_3445, %sub3A_3454, %get3A_3456 : vector<16xi1>, vector<16xi32>
    %swap3A_3458 = arith.constant 0 : index
    %swap3A_3459 = tpu.vector_load %arg12[%swap3A_3458] {strides = array<i32>} : memref<128xi32, #tpu.memory_space<vmem>>, vector<16xi32>,
    tpu.vector_store %arg12[%swap3A_3458], %select_n3A_3457 {strides = array<i32>} : memref<128xi32, #tpu.memory_space<vmem>>, vector<16xi32>,
    %reduce_sum3A_3460 = arith.constant true
    %reduce_sum3A_3461 = vector.broadcast %reduce_sum3A_3460 : i1 to vector<16xi1>
    %reduce_sum3A_3462 = tpu.scan <sum>, %convert_element_type3A_3446 masked %reduce_sum3A_3461 : vector<16xi32>, vector<16xi1> -> vector<16xi32>
    %reduce_sum3A_3463 = vector.extract %reduce_sum3A_3462[15] : i32 from vector<16xi32>
    %add3A_3464 = arith.addi %reduce_sum3A_3440, %reduce_sum3A_3463 : i32
    %get3A_3465 = arith.constant 16 : index
    %get3A_3466 = tpu.vector_load %arg11[%get3A_3465] {strides = array<i32>} : memref<128xi32, #tpu.memory_space<vmem>>, vector<16xi32>,
    %eq3A_3467 = arith.constant 9 : i32
    %eq3A_3468 = vector.broadcast %eq3A_3467 : i32 to vector<16xi32>
    %eq3A_3469 = arith.cmpi eq, %get3A_3466, %eq3A_3468 : vector<16xi32>
    %convert_element_type3A_3470 = arith.extui %eq3A_3469 : vector<16xi1> to vector<16xi32>
    %cumsum3A_3471 = arith.constant true
    %cumsum3A_3472 = vector.broadcast %cumsum3A_3471 : i1 to vector<16xi1>
    %cumsum3A_3473 = tpu.scan <sum>, %convert_element_type3A_3470 masked %cumsum3A_3472 : vector<16xi32>, vector<16xi1> -> vector<16xi32>
    %add3A_3474 = vector.broadcast %add3A_3464 : i32 to vector<16xi32>
    %add3A_3475 = arith.addi %add3A_3474, %cumsum3A_3473 : vector<16xi32>
    %sub3A_3476 = arith.constant 1 : i32
    %sub3A_3477 = vector.broadcast %sub3A_3476 : i32 to vector<16xi32>
    %sub3A_3478 = arith.subi %add3A_3475, %sub3A_3477 : vector<16xi32>
    %get3A_3479 = arith.constant 16 : index
    %get3A_3480 = tpu.vector_load %arg12[%get3A_3479] {strides = array<i32>} : memref<128xi32, #tpu.memory_space<vmem>>, vector<16xi32>,
    %select_n3A_3481 = arith.select %eq3A_3469, %sub3A_3478, %get3A_3480 : vector<16xi1>, vector<16xi32>
    %swap3A_3482 = arith.constant 16 : index
    %swap3A_3483 = tpu.vector_load %arg12[%swap3A_3482] {strides = array<i32>} : memref<128xi32, #tpu.memory_space<vmem>>, vector<16xi32>,
    tpu.vector_store %arg12[%swap3A_3482], %select_n3A_3481 {strides = array<i32>} : memref<128xi32, #tpu.memory_space<vmem>>, vector<16xi32>,
    %reduce_sum3A_3484 = arith.constant true
    %reduce_sum3A_3485 = vector.broadcast %reduce_sum3A_3484 : i1 to vector<16xi1>
    %reduce_sum3A_3486 = tpu.scan <sum>, %convert_element_type3A_3470 masked %reduce_sum3A_3485 : vector<16xi32>, vector<16xi1> -> vector<16xi32>
    %reduce_sum3A_3487 = vector.extract %reduce_sum3A_3486[15] : i32 from vector<16xi32>
    %add3A_3488 = arith.addi %add3A_3464, %reduce_sum3A_3487 : i32
    %get3A_3489 = arith.constant 32 : index
    %get3A_3490 = tpu.vector_load %arg11[%get3A_3489] {strides = array<i32>} : memref<128xi32, #tpu.memory_space<vmem>>, vector<16xi32>,
    %eq3A_3491 = arith.constant 9 : i32
    %eq3A_3492 = vector.broadcast %eq3A_3491 : i32 to vector<16xi32>
    %eq3A_3493 = arith.cmpi eq, %get3A_3490, %eq3A_3492 : vector<16xi32>
    %convert_element_type3A_3494 = arith.extui %eq3A_3493 : vector<16xi1> to vector<16xi32>
    %cumsum3A_3495 = arith.constant true
    %cumsum3A_3496 = vector.broadcast %cumsum3A_3495 : i1 to vector<16xi1>
    %cumsum3A_3497 = tpu.scan <sum>, %convert_element_type3A_3494 masked %cumsum3A_3496 : vector<16xi32>, vector<16xi1> -> vector<16xi32>
    %add3A_3498 = vector.broadcast %add3A_3488 : i32 to vector<16xi32>
    %add3A_3499 = arith.addi %add3A_3498, %cumsum3A_3497 : vector<16xi32>
    %sub3A_3500 = arith.constant 1 : i32
    %sub3A_3501 = vector.broadcast %sub3A_3500 : i32 to vector<16xi32>
    %sub3A_3502 = arith.subi %add3A_3499, %sub3A_3501 : vector<16xi32>
    %get3A_3503 = arith.constant 32 : index
    %get3A_3504 = tpu.vector_load %arg12[%get3A_3503] {strides = array<i32>} : memref<128xi32, #tpu.memory_space<vmem>>, vector<16xi32>,
    %select_n3A_3505 = arith.select %eq3A_3493, %sub3A_3502, %get3A_3504 : vector<16xi1>, vector<16xi32>
    %swap3A_3506 = arith.constant 32 : index
    %swap3A_3507 = tpu.vector_load %arg12[%swap3A_3506] {strides = array<i32>} : memref<128xi32, #tpu.memory_space<vmem>>, vector<16xi32>,
    tpu.vector_store %arg12[%swap3A_3506], %select_n3A_3505 {strides = array<i32>} : memref<128xi32, #tpu.memory_space<vmem>>, vector<16xi32>,
    %reduce_sum3A_3508 = arith.constant true
    %reduce_sum3A_3509 = vector.broadcast %reduce_sum3A_3508 : i1 to vector<16xi1>
    %reduce_sum3A_3510 = tpu.scan <sum>, %convert_element_type3A_3494 masked %reduce_sum3A_3509 : vector<16xi32>, vector<16xi1> -> vector<16xi32>
    %reduce_sum3A_3511 = vector.extract %reduce_sum3A_3510[15] : i32 from vector<16xi32>
    %add3A_3512 = arith.addi %add3A_3488, %reduce_sum3A_3511 : i32
    %get3A_3513 = arith.constant 48 : index
    %get3A_3514 = tpu.vector_load %arg11[%get3A_3513] {strides = array<i32>} : memref<128xi32, #tpu.memory_space<vmem>>, vector<16xi32>,
    %eq3A_3515 = arith.constant 9 : i32
    %eq3A_3516 = vector.broadcast %eq3A_3515 : i32 to vector<16xi32>
    %eq3A_3517 = arith.cmpi eq, %get3A_3514, %eq3A_3516 : vector<16xi32>
    %convert_element_type3A_3518 = arith.extui %eq3A_3517 : vector<16xi1> to vector<16xi32>
    %cumsum3A_3519 = arith.constant true
    %cumsum3A_3520 = vector.broadcast %cumsum3A_3519 : i1 to vector<16xi1>
    %cumsum3A_3521 = tpu.scan <sum>, %convert_element_type3A_3518 masked %cumsum3A_3520 : vector<16xi32>, vector<16xi1> -> vector<16xi32>
    %add3A_3522 = vector.broadcast %add3A_3512 : i32 to vector<16xi32>
    %add3A_3523 = arith.addi %add3A_3522, %cumsum3A_3521 : vector<16xi32>
    %sub3A_3524 = arith.constant 1 : i32
    %sub3A_3525 = vector.broadcast %sub3A_3524 : i32 to vector<16xi32>
    %sub3A_3526 = arith.subi %add3A_3523, %sub3A_3525 : vector<16xi32>
    %get3A_3527 = arith.constant 48 : index
    %get3A_3528 = tpu.vector_load %arg12[%get3A_3527] {strides = array<i32>} : memref<128xi32, #tpu.memory_space<vmem>>, vector<16xi32>,
    %select_n3A_3529 = arith.select %eq3A_3517, %sub3A_3526, %get3A_3528 : vector<16xi1>, vector<16xi32>
    %swap3A_3530 = arith.constant 48 : index
    %swap3A_3531 = tpu.vector_load %arg12[%swap3A_3530] {strides = array<i32>} : memref<128xi32, #tpu.memory_space<vmem>>, vector<16xi32>,
    tpu.vector_store %arg12[%swap3A_3530], %select_n3A_3529 {strides = array<i32>} : memref<128xi32, #tpu.memory_space<vmem>>, vector<16xi32>,
    %reduce_sum3A_3532 = arith.constant true
    %reduce_sum3A_3533 = vector.broadcast %reduce_sum3A_3532 : i1 to vector<16xi1>
    %reduce_sum3A_3534 = tpu.scan <sum>, %convert_element_type3A_3518 masked %reduce_sum3A_3533 : vector<16xi32>, vector<16xi1> -> vector<16xi32>
    %reduce_sum3A_3535 = vector.extract %reduce_sum3A_3534[15] : i32 from vector<16xi32>
    %add3A_3536 = arith.addi %add3A_3512, %reduce_sum3A_3535 : i32
    %get3A_3537 = arith.constant 64 : index
    %get3A_3538 = tpu.vector_load %arg11[%get3A_3537] {strides = array<i32>} : memref<128xi32, #tpu.memory_space<vmem>>, vector<16xi32>,
    %eq3A_3539 = arith.constant 9 : i32
    %eq3A_3540 = vector.broadcast %eq3A_3539 : i32 to vector<16xi32>
    %eq3A_3541 = arith.cmpi eq, %get3A_3538, %eq3A_3540 : vector<16xi32>
    %convert_element_type3A_3542 = arith.extui %eq3A_3541 : vector<16xi1> to vector<16xi32>
    %cumsum3A_3543 = arith.constant true
    %cumsum3A_3544 = vector.broadcast %cumsum3A_3543 : i1 to vector<16xi1>
    %cumsum3A_3545 = tpu.scan <sum>, %convert_element_type3A_3542 masked %cumsum3A_3544 : vector<16xi32>, vector<16xi1> -> vector<16xi32>
    %add3A_3546 = vector.broadcast %add3A_3536 : i32 to vector<16xi32>
    %add3A_3547 = arith.addi %add3A_3546, %cumsum3A_3545 : vector<16xi32>
    %sub3A_3548 = arith.constant 1 : i32
    %sub3A_3549 = vector.broadcast %sub3A_3548 : i32 to vector<16xi32>
    %sub3A_3550 = arith.subi %add3A_3547, %sub3A_3549 : vector<16xi32>
    %get3A_3551 = arith.constant 64 : index
    %get3A_3552 = tpu.vector_load %arg12[%get3A_3551] {strides = array<i32>} : memref<128xi32, #tpu.memory_space<vmem>>, vector<16xi32>,
    %select_n3A_3553 = arith.select %eq3A_3541, %sub3A_3550, %get3A_3552 : vector<16xi1>, vector<16xi32>
    %swap3A_3554 = arith.constant 64 : index
    %swap3A_3555 = tpu.vector_load %arg12[%swap3A_3554] {strides = array<i32>} : memref<128xi32, #tpu.memory_space<vmem>>, vector<16xi32>,
    tpu.vector_store %arg12[%swap3A_3554], %select_n3A_3553 {strides = array<i32>} : memref<128xi32, #tpu.memory_space<vmem>>, vector<16xi32>,
    %reduce_sum3A_3556 = arith.constant true
    %reduce_sum3A_3557 = vector.broadcast %reduce_sum3A_3556 : i1 to vector<16xi1>
    %reduce_sum3A_3558 = tpu.scan <sum>, %convert_element_type3A_3542 masked %reduce_sum3A_3557 : vector<16xi32>, vector<16xi1> -> vector<16xi32>
    %reduce_sum3A_3559 = vector.extract %reduce_sum3A_3558[15] : i32 from vector<16xi32>
    %add3A_3560 = arith.addi %add3A_3536, %reduce_sum3A_3559 : i32
    %get3A_3561 = arith.constant 80 : index
    %get3A_3562 = tpu.vector_load %arg11[%get3A_3561] {strides = array<i32>} : memref<128xi32, #tpu.memory_space<vmem>>, vector<16xi32>,
    %eq3A_3563 = arith.constant 9 : i32
    %eq3A_3564 = vector.broadcast %eq3A_3563 : i32 to vector<16xi32>
    %eq3A_3565 = arith.cmpi eq, %get3A_3562, %eq3A_3564 : vector<16xi32>
    %convert_element_type3A_3566 = arith.extui %eq3A_3565 : vector<16xi1> to vector<16xi32>
    %cumsum3A_3567 = arith.constant true
    %cumsum3A_3568 = vector.broadcast %cumsum3A_3567 : i1 to vector<16xi1>
    %cumsum3A_3569 = tpu.scan <sum>, %convert_element_type3A_3566 masked %cumsum3A_3568 : vector<16xi32>, vector<16xi1> -> vector<16xi32>
    %add3A_3570 = vector.broadcast %add3A_3560 : i32 to vector<16xi32>
    %add3A_3571 = arith.addi %add3A_3570, %cumsum3A_3569 : vector<16xi32>
    %sub3A_3572 = arith.constant 1 : i32
    %sub3A_3573 = vector.broadcast %sub3A_3572 : i32 to vector<16xi32>
    %sub3A_3574 = arith.subi %add3A_3571, %sub3A_3573 : vector<16xi32>
    %get3A_3575 = arith.constant 80 : index
    %get3A_3576 = tpu.vector_load %arg12[%get3A_3575] {strides = array<i32>} : memref<128xi32, #tpu.memory_space<vmem>>, vector<16xi32>,
    %select_n3A_3577 = arith.select %eq3A_3565, %sub3A_3574, %get3A_3576 : vector<16xi1>, vector<16xi32>
    %swap3A_3578 = arith.constant 80 : index
    %swap3A_3579 = tpu.vector_load %arg12[%swap3A_3578] {strides = array<i32>} : memref<128xi32, #tpu.memory_space<vmem>>, vector<16xi32>,
    tpu.vector_store %arg12[%swap3A_3578], %select_n3A_3577 {strides = array<i32>} : memref<128xi32, #tpu.memory_space<vmem>>, vector<16xi32>,
    %reduce_sum3A_3580 = arith.constant true
    %reduce_sum3A_3581 = vector.broadcast %reduce_sum3A_3580 : i1 to vector<16xi1>
    %reduce_sum3A_3582 = tpu.scan <sum>, %convert_element_type3A_3566 masked %reduce_sum3A_3581 : vector<16xi32>, vector<16xi1> -> vector<16xi32>
    %reduce_sum3A_3583 = vector.extract %reduce_sum3A_3582[15] : i32 from vector<16xi32>
    %add3A_3584 = arith.addi %add3A_3560, %reduce_sum3A_3583 : i32
    %get3A_3585 = arith.constant 96 : index
    %get3A_3586 = tpu.vector_load %arg11[%get3A_3585] {strides = array<i32>} : memref<128xi32, #tpu.memory_space<vmem>>, vector<16xi32>,
    %eq3A_3587 = arith.constant 9 : i32
    %eq3A_3588 = vector.broadcast %eq3A_3587 : i32 to vector<16xi32>
    %eq3A_3589 = arith.cmpi eq, %get3A_3586, %eq3A_3588 : vector<16xi32>
    %convert_element_type3A_3590 = arith.extui %eq3A_3589 : vector<16xi1> to vector<16xi32>
    %cumsum3A_3591 = arith.constant true
    %cumsum3A_3592 = vector.broadcast %cumsum3A_3591 : i1 to vector<16xi1>
    %cumsum3A_3593 = tpu.scan <sum>, %convert_element_type3A_3590 masked %cumsum3A_3592 : vector<16xi32>, vector<16xi1> -> vector<16xi32>
    %add3A_3594 = vector.broadcast %add3A_3584 : i32 to vector<16xi32>
    %add3A_3595 = arith.addi %add3A_3594, %cumsum3A_3593 : vector<16xi32>
    %sub3A_3596 = arith.constant 1 : i32
    %sub3A_3597 = vector.broadcast %sub3A_3596 : i32 to vector<16xi32>
    %sub3A_3598 = arith.subi %add3A_3595, %sub3A_3597 : vector<16xi32>
    %get3A_3599 = arith.constant 96 : index
    %get3A_3600 = tpu.vector_load %arg12[%get3A_3599] {strides = array<i32>} : memref<128xi32, #tpu.memory_space<vmem>>, vector<16xi32>,
    %select_n3A_3601 = arith.select %eq3A_3589, %sub3A_3598, %get3A_3600 : vector<16xi1>, vector<16xi32>
    %swap3A_3602 = arith.constant 96 : index
    %swap3A_3603 = tpu.vector_load %arg12[%swap3A_3602] {strides = array<i32>} : memref<128xi32, #tpu.memory_space<vmem>>, vector<16xi32>,
    tpu.vector_store %arg12[%swap3A_3602], %select_n3A_3601 {strides = array<i32>} : memref<128xi32, #tpu.memory_space<vmem>>, vector<16xi32>,
    %reduce_sum3A_3604 = arith.constant true
    %reduce_sum3A_3605 = vector.broadcast %reduce_sum3A_3604 : i1 to vector<16xi1>
    %reduce_sum3A_3606 = tpu.scan <sum>, %convert_element_type3A_3590 masked %reduce_sum3A_3605 : vector<16xi32>, vector<16xi1> -> vector<16xi32>
    %reduce_sum3A_3607 = vector.extract %reduce_sum3A_3606[15] : i32 from vector<16xi32>
    %add3A_3608 = arith.addi %add3A_3584, %reduce_sum3A_3607 : i32
    %get3A_3609 = arith.constant 112 : index
    %get3A_3610 = tpu.vector_load %arg11[%get3A_3609] {strides = array<i32>} : memref<128xi32, #tpu.memory_space<vmem>>, vector<16xi32>,
    %eq3A_3611 = arith.constant 9 : i32
    %eq3A_3612 = vector.broadcast %eq3A_3611 : i32 to vector<16xi32>
    %eq3A_3613 = arith.cmpi eq, %get3A_3610, %eq3A_3612 : vector<16xi32>
    %convert_element_type3A_3614 = arith.extui %eq3A_3613 : vector<16xi1> to vector<16xi32>
    %cumsum3A_3615 = arith.constant true
    %cumsum3A_3616 = vector.broadcast %cumsum3A_3615 : i1 to vector<16xi1>
    %cumsum3A_3617 = tpu.scan <sum>, %convert_element_type3A_3614 masked %cumsum3A_3616 : vector<16xi32>, vector<16xi1> -> vector<16xi32>
    %add3A_3618 = vector.broadcast %add3A_3608 : i32 to vector<16xi32>
    %add3A_3619 = arith.addi %add3A_3618, %cumsum3A_3617 : vector<16xi32>
    %sub3A_3620 = arith.constant 1 : i32
    %sub3A_3621 = vector.broadcast %sub3A_3620 : i32 to vector<16xi32>
    %sub3A_3622 = arith.subi %add3A_3619, %sub3A_3621 : vector<16xi32>
    %get3A_3623 = arith.constant 112 : index
    %get3A_3624 = tpu.vector_load %arg12[%get3A_3623] {strides = array<i32>} : memref<128xi32, #tpu.memory_space<vmem>>, vector<16xi32>,
    %select_n3A_3625 = arith.select %eq3A_3613, %sub3A_3622, %get3A_3624 : vector<16xi1>, vector<16xi32>
    %swap3A_3626 = arith.constant 112 : index
    %swap3A_3627 = tpu.vector_load %arg12[%swap3A_3626] {strides = array<i32>} : memref<128xi32, #tpu.memory_space<vmem>>, vector<16xi32>,
    tpu.vector_store %arg12[%swap3A_3626], %select_n3A_3625 {strides = array<i32>} : memref<128xi32, #tpu.memory_space<vmem>>, vector<16xi32>,
    %reduce_sum3A_3628 = arith.constant true
    %reduce_sum3A_3629 = vector.broadcast %reduce_sum3A_3628 : i1 to vector<16xi1>
    %reduce_sum3A_3630 = tpu.scan <sum>, %convert_element_type3A_3614 masked %reduce_sum3A_3629 : vector<16xi32>, vector<16xi1> -> vector<16xi32>
    %reduce_sum3A_3631 = vector.extract %reduce_sum3A_3630[15] : i32 from vector<16xi32>
    %add3A_3632 = arith.addi %add3A_3608, %reduce_sum3A_3631 : i32
    "tpu.region"() ({
      %run_scoped3A = tpu.sem_alloc : memref<!tpu.dma_semaphore, #tpu.memory_space<semaphore_mem>>
      %dma_start3A_3642 = tpu.memref_slice %arg6[%add3A] : memref<4096xi32, #tpu.memory_space<hbm>> -> memref<128xi32, #tpu.memory_space<hbm>>
      %dma_start3A_3643 = tpu.memref_slice %arg6[%add3A] : memref<4096xi32, #tpu.memory_space<hbm>> -> memref<128xi32, #tpu.memory_space<hbm>>
      tpu.enqueue_dma source(%arg12 : memref<128xi32, #tpu.memory_space<vmem>>) target(%dma_start3A_3643 : memref<128xi32, #tpu.memory_space<hbm>>) target_semaphore(%run_scoped3A : memref<!tpu.dma_semaphore, #tpu.memory_space<semaphore_mem>>)
      %dma_wait3A_3644 = tpu.memref_slice %arg6[%add3A] : memref<4096xi32, #tpu.memory_space<hbm>> -> memref<128xi32, #tpu.memory_space<hbm>>
      %dma_wait3A_3645 = tpu.memref_slice %arg6[%add3A] : memref<4096xi32, #tpu.memory_space<hbm>> -> memref<128xi32, #tpu.memory_space<hbm>>
      tpu.wait_dma2 semaphore(%run_scoped3A : memref<!tpu.dma_semaphore, #tpu.memory_space<semaphore_mem>>) src(%arg12 : memref<128xi32, #tpu.memory_space<vmem>>) dst(%dma_wait3A_3645 : memref<128xi32, #tpu.memory_space<hbm>>)
      tpu.yield
    }) : () -> ()
    %dma_wait3A = arith.constant 0 : i32
    %dma_wait3A_3633 = tpu.memref_slice %arg4[%add3A, %dma_wait3A] : memref<4096x256xf32, #tpu.memory_space<hbm>> -> memref<128x256xf32, #tpu.memory_space<hbm>>
    %dma_wait3A_3634 = arith.constant 0 : i32
    %dma_wait3A_3635 = tpu.memref_slice %arg4[%add3A, %dma_wait3A_3634] : memref<4096x256xf32, #tpu.memory_space<hbm>> -> memref<128x256xf32, #tpu.memory_space<hbm>>
    tpu.wait_dma2 semaphore(%arg16 : memref<!tpu.dma_semaphore, #tpu.memory_space<semaphore_mem>>) src(%dma_wait3A_3635 : memref<128x256xf32, #tpu.memory_space<hbm>>) dst(%arg13 : memref<128x256xf32, #tpu.memory_space<vmem>>)
    %dma_start3A_3636 = arith.constant 0 : i32
    %dma_start3A_3637 = arith.constant 0 : i32
    %dma_start3A_3638 = tpu.memref_slice %arg5[%dma_start3A_3636, %dma_start3A_3637] : memref<4096x256xf32, #tpu.memory_space<hbm>> -> memref<4096x256xf32, #tpu.memory_space<hbm>>
    tpu.enqueue_indirect_dma source(%arg13 : memref<128x256xf32, #tpu.memory_space<vmem>>) target(%dma_start3A_3638 : memref<4096x256xf32, #tpu.memory_space<hbm>>) offsets(%arg12 : memref<128xi32, #tpu.memory_space<vmem>>) semaphore(%arg17 : memref<!tpu.dma_semaphore, #tpu.memory_space<semaphore_mem>>)
    %dma_wait3A_3639 = arith.constant 0 : i32
    %dma_wait3A_3640 = arith.constant 0 : i32
    %dma_wait3A_3641 = tpu.memref_slice %arg5[%dma_wait3A_3639, %dma_wait3A_3640] : memref<4096x256xf32, #tpu.memory_space<hbm>> -> memref<4096x256xf32, #tpu.memory_space<hbm>>
    tpu.wait_indirect_dma semaphore(%arg17 : memref<!tpu.dma_semaphore, #tpu.memory_space<semaphore_mem>>) src(%arg13 : memref<128x256xf32, #tpu.memory_space<vmem>>) dst(%dma_wait3A_3641 : memref<4096x256xf32, #tpu.memory_space<hbm>>)
    return
  }
}

#map = affine_map<(d0, d1) -> (0, 0)>
#map1 = affine_map<(d0, d1) -> (0)>
module attributes {stable_mosaic.version = 14 : i64} {
  func.func @_sc_unsort_body(%arg0: i32, %arg1: i32, %arg2: memref<4096x256xf32, #tpu.memory_space<hbm>>, %arg3: memref<4096xi32, #tpu.memory_space<hbm>>, %arg4: memref<4096x256xf32, #tpu.memory_space<hbm>>, %arg5: memref<128xi32, #tpu.memory_space<vmem>>, %arg6: memref<128x256xf32, #tpu.memory_space<vmem>>, %arg7: memref<!tpu.dma_semaphore, #tpu.memory_space<semaphore_mem>>) attributes {dimension_semantics = [#tpu.dimension_semantics<core_parallel>, #tpu.dimension_semantics<subcore_parallel>], iteration_bounds = array<i64: 2, 16>, scalar_prefetch = 0 : i64, scratch_operands = 3 : i64, tpu.core_type = #tpu.core_type<sc_vector_subcore>, window_params = [{transform_indices = #map}, {transform_indices = #map1}, {transform_indices = #map}]} {
    %mul3A = arith.constant 2048 : i32
    %mul3A_0 = arith.muli %arg0, %mul3A : i32
    %mul3A_1 = arith.constant 128 : i32
    %mul3A_2 = arith.muli %arg1, %mul3A_1 : i32
    %add3A = arith.addi %mul3A_0, %mul3A_2 : i32
    "tpu.region"() ({
      %run_scoped3A = tpu.sem_alloc : memref<!tpu.dma_semaphore, #tpu.memory_space<semaphore_mem>>
      %dma_start3A_7 = tpu.memref_slice %arg3[%add3A] : memref<4096xi32, #tpu.memory_space<hbm>> -> memref<128xi32, #tpu.memory_space<hbm>>
      %dma_start3A_8 = tpu.memref_slice %arg3[%add3A] : memref<4096xi32, #tpu.memory_space<hbm>> -> memref<128xi32, #tpu.memory_space<hbm>>
      tpu.enqueue_dma source(%dma_start3A_8 : memref<128xi32, #tpu.memory_space<hbm>>) target(%arg5 : memref<128xi32, #tpu.memory_space<vmem>>) target_semaphore(%run_scoped3A : memref<!tpu.dma_semaphore, #tpu.memory_space<semaphore_mem>>)
      %dma_wait3A_9 = tpu.memref_slice %arg3[%add3A] : memref<4096xi32, #tpu.memory_space<hbm>> -> memref<128xi32, #tpu.memory_space<hbm>>
      %dma_wait3A_10 = tpu.memref_slice %arg3[%add3A] : memref<4096xi32, #tpu.memory_space<hbm>> -> memref<128xi32, #tpu.memory_space<hbm>>
      tpu.wait_dma2 semaphore(%run_scoped3A : memref<!tpu.dma_semaphore, #tpu.memory_space<semaphore_mem>>) src(%dma_wait3A_10 : memref<128xi32, #tpu.memory_space<hbm>>) dst(%arg5 : memref<128xi32, #tpu.memory_space<vmem>>)
      tpu.yield
    }) : () -> ()
    %dma_start3A = arith.constant 0 : i32
    %dma_start3A_3 = arith.constant 0 : i32
    %dma_start3A_4 = tpu.memref_slice %arg2[%dma_start3A, %dma_start3A_3] : memref<4096x256xf32, #tpu.memory_space<hbm>> -> memref<4096x256xf32, #tpu.memory_space<hbm>>
    tpu.enqueue_indirect_dma source(%dma_start3A_4 : memref<4096x256xf32, #tpu.memory_space<hbm>>) target(%arg6 : memref<128x256xf32, #tpu.memory_space<vmem>>) offsets(%arg5 : memref<128xi32, #tpu.memory_space<vmem>>) semaphore(%arg7 : memref<!tpu.dma_semaphore, #tpu.memory_space<semaphore_mem>>)
    %dma_wait3A = arith.constant 0 : i32
    %dma_wait3A_5 = arith.constant 0 : i32
    %dma_wait3A_6 = tpu.memref_slice %arg2[%dma_wait3A, %dma_wait3A_5] : memref<4096x256xf32, #tpu.memory_space<hbm>> -> memref<4096x256xf32, #tpu.memory_space<hbm>>
    tpu.wait_indirect_dma semaphore(%arg7 : memref<!tpu.dma_semaphore, #tpu.memory_space<semaphore_mem>>) src(%dma_wait3A_6 : memref<4096x256xf32, #tpu.memory_space<hbm>>) dst(%arg6 : memref<128x256xf32, #tpu.memory_space<vmem>>)
    "tpu.region"() ({
      %run_scoped3A = tpu.sem_alloc : memref<!tpu.dma_semaphore, #tpu.memory_space<semaphore_mem>>
      %dma_start3A_7 = arith.constant 0 : i32
      %dma_start3A_8 = tpu.memref_slice %arg4[%add3A, %dma_start3A_7] : memref<4096x256xf32, #tpu.memory_space<hbm>> -> memref<128x256xf32, #tpu.memory_space<hbm>>
      %dma_start3A_9 = arith.constant 0 : i32
      %dma_start3A_10 = tpu.memref_slice %arg4[%add3A, %dma_start3A_9] : memref<4096x256xf32, #tpu.memory_space<hbm>> -> memref<128x256xf32, #tpu.memory_space<hbm>>
      tpu.enqueue_dma source(%arg6 : memref<128x256xf32, #tpu.memory_space<vmem>>) target(%dma_start3A_10 : memref<128x256xf32, #tpu.memory_space<hbm>>) target_semaphore(%run_scoped3A : memref<!tpu.dma_semaphore, #tpu.memory_space<semaphore_mem>>)
      %dma_wait3A_11 = arith.constant 0 : i32
      %dma_wait3A_12 = tpu.memref_slice %arg4[%add3A, %dma_wait3A_11] : memref<4096x256xf32, #tpu.memory_space<hbm>> -> memref<128x256xf32, #tpu.memory_space<hbm>>
      %dma_wait3A_13 = arith.constant 0 : i32
      %dma_wait3A_14 = tpu.memref_slice %arg4[%add3A, %dma_wait3A_13] : memref<4096x256xf32, #tpu.memory_space<hbm>> -> memref<128x256xf32, #tpu.memory_space<hbm>>
      tpu.wait_dma2 semaphore(%run_scoped3A : memref<!tpu.dma_semaphore, #tpu.memory_space<semaphore_mem>>) src(%arg6 : memref<128x256xf32, #tpu.memory_space<vmem>>) dst(%dma_wait3A_14 : memref<128x256xf32, #tpu.memory_space<hbm>>)
      tpu.yield
    }) : () -> ()
    return
  }
}

module attributes {stable_mosaic.version = 14 : i64} {
  func.func @_tc_matmul_body(%arg0: i32, %arg1: memref<32xi32, #tpu.memory_space<smem>>, %arg2: memref<1024x256xf32, #tpu.memory_space<vmem>>, %arg3: memref<10x256x256xbf16, #tpu.memory_space<vmem>>, %arg4: memref<1x256xf32, #tpu.memory_space<vmem>>, %arg5: memref<1024x256xf32, #tpu.memory_space<vmem>>) attributes {dimension_semantics = [#tpu.dimension_semantics<arbitrary>], iteration_bounds = array<i64: 4>, scalar_prefetch = 0 : i64, scratch_operands = 0 : i64, tpu.core_type = #tpu.core_type<tc>, window_params = [{transform_indices = @transform_0, window_bounds = array<i64: 32>}, {transform_indices = @transform_1, window_bounds = array<i64: 1024, 256>}, {pipeline_mode = #tpu.pipeline_mode<synchronous>, transform_indices = @transform_2, window_bounds = array<i64: 10, 256, 256>}, {pipeline_mode = #tpu.pipeline_mode<synchronous>, transform_indices = @transform_3, window_bounds = array<i64: 1, 256>}, {transform_indices = @transform_4, window_bounds = array<i64: 1024, 256>}]} {
    %jit3A = arith.constant 2 : i32
    %div3A = arith.divsi %arg0, %jit3A : i32
    %sign3A = arith.constant 0 : i32
    %sign3A_0 = arith.cmpi sgt, %arg0, %sign3A : i32
    %sign3A_1 = arith.extui %sign3A_0 : i1 to i32
    %sign3A_2 = arith.constant 0 : i32
    %sign3A_3 = arith.cmpi slt, %arg0, %sign3A_2 : i32
    %sign3A_4 = arith.extui %sign3A_3 : i1 to i32
    %sign3A_5 = arith.subi %sign3A_1, %sign3A_4 : i32
    %sign3A_6 = arith.constant 0 : i32
    %sign3A_7 = arith.cmpi sgt, %jit3A, %sign3A_6 : i32
    %sign3A_8 = arith.extui %sign3A_7 : i1 to i32
    %sign3A_9 = arith.constant 0 : i32
    %sign3A_10 = arith.cmpi slt, %jit3A, %sign3A_9 : i32
    %sign3A_11 = arith.extui %sign3A_10 : i1 to i32
    %sign3A_12 = arith.subi %sign3A_8, %sign3A_11 : i32
    %ne3A = arith.cmpi ne, %sign3A_5, %sign3A_12 : i32
    %rem3A = arith.remsi %arg0, %jit3A : i32
    %ne3A_13 = arith.constant 0 : i32
    %ne3A_14 = arith.cmpi ne, %rem3A, %ne3A_13 : i32
    %and3A = arith.andi %ne3A, %ne3A_14 : i1
    %sub3A = arith.constant 1 : i32
    %sub3A_15 = arith.subi %div3A, %sub3A : i32
    %select_n3A = arith.select %and3A, %sub3A_15, %div3A : i32
    %mul3A = arith.constant 1024 : i32
    %mul3A_16 = arith.muli %arg0, %mul3A : i32
    %iota3A = tpu.iota {dimensions = array<i32: 0>} : vector<1024x1xi32>
    %add3A = vector.broadcast %mul3A_16 : i32 to vector<1024x1xi32>
    %add3A_17 = arith.addi %add3A, %iota3A : vector<1024x1xi32>
    %mul3A_18 = arith.constant 2048 : i32
    %mul3A_19 = arith.muli %select_n3A, %mul3A_18 : i32
    %get3A = arith.constant 0 : index
    %get3A_20 = arith.constant 0 : index
    %get3A_21 = vector.load %arg2[%get3A, %get3A_20] : memref<1024x256xf32, #tpu.memory_space<vmem>>, vector<1024x256xf32>
    %convert_element_type3A = arith.truncf %get3A_21 : vector<1024x256xf32> to vector<1024x256xbf16>
    %get3A_22 = arith.constant 0 : index
    %get3A_23 = arith.constant 0 : index
    %get3A_24 = vector.load %arg4[%get3A_22, %get3A_23] : memref<1x256xf32, #tpu.memory_space<vmem>>, vector<1x256xf32>
    %broadcast_in_dim3A = vector.shape_cast %get3A_24 : vector<1x256xf32> to vector<1x256xf32>
    %broadcast_in_dim3A_25 = vector.broadcast %broadcast_in_dim3A : vector<1x256xf32> to vector<1024x256xf32>
    %swap3A = arith.constant 0 : index
    %swap3A_26 = arith.constant 0 : index
    %swap3A_27 = vector.load %arg5[%swap3A, %swap3A_26] : memref<1024x256xf32, #tpu.memory_space<vmem>>, vector<1024x256xf32>
    tpu.vector_store %arg5[%swap3A, %swap3A_26], %broadcast_in_dim3A_25 {strides = array<i32>} : memref<1024x256xf32, #tpu.memory_space<vmem>>, vector<1024x256xf32>,
    %mul3A_28 = arith.constant 16 : i32
    %mul3A_29 = arith.muli %select_n3A, %mul3A_28 : i32
    %add3A_30 = arith.constant 0 : i32
    %add3A_31 = arith.addi %mul3A_29, %add3A_30 : i32
    %get3A_32 = arith.index_cast %add3A_31 : i32 to index
    %get3A_33 = memref.load %arg1[%get3A_32] : memref<32xi32, #tpu.memory_space<smem>>
    %add3A_34 = arith.addi %mul3A_19, %get3A_33 : i32
    %mul3A_35 = arith.constant 16 : i32
    %mul3A_36 = arith.muli %select_n3A, %mul3A_35 : i32
    %add3A_37 = arith.constant 0 : i32
    %add3A_38 = arith.addi %mul3A_36, %add3A_37 : i32
    %add3A_39 = arith.constant 1 : i32
    %add3A_40 = arith.addi %add3A_38, %add3A_39 : i32
    %get3A_41 = arith.index_cast %add3A_40 : i32 to index
    %get3A_42 = memref.load %arg1[%get3A_41] : memref<32xi32, #tpu.memory_space<smem>>
    %add3A_43 = arith.addi %mul3A_19, %get3A_42 : i32
    %add3A_44 = arith.constant 1024 : i32
    %add3A_45 = arith.addi %mul3A_16, %add3A_44 : i32
    %lt3A = arith.cmpi slt, %add3A_34, %add3A_45 : i32
    %gt3A = arith.cmpi sgt, %add3A_43, %mul3A_16 : i32
    %and3A_46 = arith.andi %lt3A, %gt3A : i1
    %convert_element_type3A_47 = arith.extui %and3A_46 : i1 to i32
    %cond3A = arith.constant 0 : i32
    %cond3A_48 = arith.cmpi ne, %convert_element_type3A_47, %cond3A : i32
    scf.if %cond3A_48 {
      %ge3A = vector.broadcast %add3A_34 : i32 to vector<1024x1xi32>
      %ge3A_265 = arith.cmpi sge, %add3A_17, %ge3A : vector<1024x1xi32>
      %lt3A_266 = vector.broadcast %add3A_43 : i32 to vector<1024x1xi32>
      %lt3A_267 = arith.cmpi slt, %add3A_17, %lt3A_266 : vector<1024x1xi32>
      %and3A_268 = arith.andi %ge3A_265, %lt3A_267 : vector<1024x1xi1>
      %jit3A_269 = arith.constant 0.000000e+00 : bf16
      %broadcast_in_dim3A_270 = vector.shape_cast %and3A_268 : vector<1024x1xi1> to vector<1024x1xi1>
      %broadcast_in_dim3A_271 = vector.broadcast %broadcast_in_dim3A_270 : vector<1024x1xi1> to vector<1024x256xi1>
      %broadcast_in_dim3A_272 = vector.broadcast %jit3A_269 : bf16 to vector<1024x256xbf16>
      %select_n3A_273 = arith.select %broadcast_in_dim3A_271, %convert_element_type3A, %broadcast_in_dim3A_272 : vector<1024x256xi1>, vector<1024x256xbf16>
      %get3A_274 = arith.constant 0 : index
      %get3A_275 = arith.constant 0 : index
      %get3A_276 = vector.load %arg5[%get3A_274, %get3A_275] : memref<1024x256xf32, #tpu.memory_space<vmem>>, vector<1024x256xf32>
      %get3A_277 = arith.constant 0 : index
      %get3A_278 = arith.constant 0 : index
      %get3A_279 = arith.constant 0 : index
      %get3A_280 = vector.load %arg3[%get3A_277, %get3A_278, %get3A_279] : memref<10x256x256xbf16, #tpu.memory_space<vmem>>, vector<1x256x256xbf16>
      %get3A_281 = vector.shape_cast %get3A_280 : vector<1x256x256xbf16> to vector<256x256xbf16>
      %dot_general3A = arith.constant dense<0.000000e+00> : vector<1024x256xf32>
      %dot_general3A_282 = tpu.matmul %select_n3A_273, %get3A_281, %dot_general3A {dimension_numbers = #tpu.dot_dimension_numbers<[1], [0], [0], [1], [0, 0, 1, 1], [], []>, transpose_lhs_hint = false} : vector<1024x256xbf16>, vector<256x256xbf16>, vector<1024x256xf32> -> vector<1024x256xf32>
      %add3A_283 = arith.addf %get3A_276, %dot_general3A_282 : vector<1024x256xf32>
      %swap3A_284 = arith.constant 0 : index
      %swap3A_285 = arith.constant 0 : index
      %swap3A_286 = vector.load %arg5[%swap3A_284, %swap3A_285] : memref<1024x256xf32, #tpu.memory_space<vmem>>, vector<1024x256xf32>
      tpu.vector_store %arg5[%swap3A_284, %swap3A_285], %add3A_283 {strides = array<i32>} : memref<1024x256xf32, #tpu.memory_space<vmem>>, vector<1024x256xf32>,
    } else {
    }
    %mul3A_49 = arith.constant 16 : i32
    %mul3A_50 = arith.muli %select_n3A, %mul3A_49 : i32
    %add3A_51 = arith.constant 1 : i32
    %add3A_52 = arith.addi %mul3A_50, %add3A_51 : i32
    %get3A_53 = arith.index_cast %add3A_52 : i32 to index
    %get3A_54 = memref.load %arg1[%get3A_53] : memref<32xi32, #tpu.memory_space<smem>>
    %add3A_55 = arith.addi %mul3A_19, %get3A_54 : i32
    %mul3A_56 = arith.constant 16 : i32
    %mul3A_57 = arith.muli %select_n3A, %mul3A_56 : i32
    %add3A_58 = arith.constant 1 : i32
    %add3A_59 = arith.addi %mul3A_57, %add3A_58 : i32
    %add3A_60 = arith.constant 1 : i32
    %add3A_61 = arith.addi %add3A_59, %add3A_60 : i32
    %get3A_62 = arith.index_cast %add3A_61 : i32 to index
    %get3A_63 = memref.load %arg1[%get3A_62] : memref<32xi32, #tpu.memory_space<smem>>
    %add3A_64 = arith.addi %mul3A_19, %get3A_63 : i32
    %add3A_65 = arith.constant 1024 : i32
    %add3A_66 = arith.addi %mul3A_16, %add3A_65 : i32
    %lt3A_67 = arith.cmpi slt, %add3A_55, %add3A_66 : i32
    %gt3A_68 = arith.cmpi sgt, %add3A_64, %mul3A_16 : i32
    %and3A_69 = arith.andi %lt3A_67, %gt3A_68 : i1
    %convert_element_type3A_70 = arith.extui %and3A_69 : i1 to i32
    %cond3A_71 = arith.constant 0 : i32
    %cond3A_72 = arith.cmpi ne, %convert_element_type3A_70, %cond3A_71 : i32
    scf.if %cond3A_72 {
      %ge3A = vector.broadcast %add3A_55 : i32 to vector<1024x1xi32>
      %ge3A_265 = arith.cmpi sge, %add3A_17, %ge3A : vector<1024x1xi32>
      %lt3A_266 = vector.broadcast %add3A_64 : i32 to vector<1024x1xi32>
      %lt3A_267 = arith.cmpi slt, %add3A_17, %lt3A_266 : vector<1024x1xi32>
      %and3A_268 = arith.andi %ge3A_265, %lt3A_267 : vector<1024x1xi1>
      %jit3A_269 = arith.constant 0.000000e+00 : bf16
      %broadcast_in_dim3A_270 = vector.shape_cast %and3A_268 : vector<1024x1xi1> to vector<1024x1xi1>
      %broadcast_in_dim3A_271 = vector.broadcast %broadcast_in_dim3A_270 : vector<1024x1xi1> to vector<1024x256xi1>
      %broadcast_in_dim3A_272 = vector.broadcast %jit3A_269 : bf16 to vector<1024x256xbf16>
      %select_n3A_273 = arith.select %broadcast_in_dim3A_271, %convert_element_type3A, %broadcast_in_dim3A_272 : vector<1024x256xi1>, vector<1024x256xbf16>
      %get3A_274 = arith.constant 0 : index
      %get3A_275 = arith.constant 0 : index
      %get3A_276 = vector.load %arg5[%get3A_274, %get3A_275] : memref<1024x256xf32, #tpu.memory_space<vmem>>, vector<1024x256xf32>
      %get3A_277 = arith.constant 1 : index
      %get3A_278 = arith.constant 0 : index
      %get3A_279 = arith.constant 0 : index
      %get3A_280 = vector.load %arg3[%get3A_277, %get3A_278, %get3A_279] : memref<10x256x256xbf16, #tpu.memory_space<vmem>>, vector<1x256x256xbf16>
      %get3A_281 = vector.shape_cast %get3A_280 : vector<1x256x256xbf16> to vector<256x256xbf16>
      %dot_general3A = arith.constant dense<0.000000e+00> : vector<1024x256xf32>
      %dot_general3A_282 = tpu.matmul %select_n3A_273, %get3A_281, %dot_general3A {dimension_numbers = #tpu.dot_dimension_numbers<[1], [0], [0], [1], [0, 0, 1, 1], [], []>, transpose_lhs_hint = false} : vector<1024x256xbf16>, vector<256x256xbf16>, vector<1024x256xf32> -> vector<1024x256xf32>
      %add3A_283 = arith.addf %get3A_276, %dot_general3A_282 : vector<1024x256xf32>
      %swap3A_284 = arith.constant 0 : index
      %swap3A_285 = arith.constant 0 : index
      %swap3A_286 = vector.load %arg5[%swap3A_284, %swap3A_285] : memref<1024x256xf32, #tpu.memory_space<vmem>>, vector<1024x256xf32>
      tpu.vector_store %arg5[%swap3A_284, %swap3A_285], %add3A_283 {strides = array<i32>} : memref<1024x256xf32, #tpu.memory_space<vmem>>, vector<1024x256xf32>,
    } else {
    }
    %mul3A_73 = arith.constant 16 : i32
    %mul3A_74 = arith.muli %select_n3A, %mul3A_73 : i32
    %add3A_75 = arith.constant 2 : i32
    %add3A_76 = arith.addi %mul3A_74, %add3A_75 : i32
    %get3A_77 = arith.index_cast %add3A_76 : i32 to index
    %get3A_78 = memref.load %arg1[%get3A_77] : memref<32xi32, #tpu.memory_space<smem>>
    %add3A_79 = arith.addi %mul3A_19, %get3A_78 : i32
    %mul3A_80 = arith.constant 16 : i32
    %mul3A_81 = arith.muli %select_n3A, %mul3A_80 : i32
    %add3A_82 = arith.constant 2 : i32
    %add3A_83 = arith.addi %mul3A_81, %add3A_82 : i32
    %add3A_84 = arith.constant 1 : i32
    %add3A_85 = arith.addi %add3A_83, %add3A_84 : i32
    %get3A_86 = arith.index_cast %add3A_85 : i32 to index
    %get3A_87 = memref.load %arg1[%get3A_86] : memref<32xi32, #tpu.memory_space<smem>>
    %add3A_88 = arith.addi %mul3A_19, %get3A_87 : i32
    %add3A_89 = arith.constant 1024 : i32
    %add3A_90 = arith.addi %mul3A_16, %add3A_89 : i32
    %lt3A_91 = arith.cmpi slt, %add3A_79, %add3A_90 : i32
    %gt3A_92 = arith.cmpi sgt, %add3A_88, %mul3A_16 : i32
    %and3A_93 = arith.andi %lt3A_91, %gt3A_92 : i1
    %convert_element_type3A_94 = arith.extui %and3A_93 : i1 to i32
    %cond3A_95 = arith.constant 0 : i32
    %cond3A_96 = arith.cmpi ne, %convert_element_type3A_94, %cond3A_95 : i32
    scf.if %cond3A_96 {
      %ge3A = vector.broadcast %add3A_79 : i32 to vector<1024x1xi32>
      %ge3A_265 = arith.cmpi sge, %add3A_17, %ge3A : vector<1024x1xi32>
      %lt3A_266 = vector.broadcast %add3A_88 : i32 to vector<1024x1xi32>
      %lt3A_267 = arith.cmpi slt, %add3A_17, %lt3A_266 : vector<1024x1xi32>
      %and3A_268 = arith.andi %ge3A_265, %lt3A_267 : vector<1024x1xi1>
      %jit3A_269 = arith.constant 0.000000e+00 : bf16
      %broadcast_in_dim3A_270 = vector.shape_cast %and3A_268 : vector<1024x1xi1> to vector<1024x1xi1>
      %broadcast_in_dim3A_271 = vector.broadcast %broadcast_in_dim3A_270 : vector<1024x1xi1> to vector<1024x256xi1>
      %broadcast_in_dim3A_272 = vector.broadcast %jit3A_269 : bf16 to vector<1024x256xbf16>
      %select_n3A_273 = arith.select %broadcast_in_dim3A_271, %convert_element_type3A, %broadcast_in_dim3A_272 : vector<1024x256xi1>, vector<1024x256xbf16>
      %get3A_274 = arith.constant 0 : index
      %get3A_275 = arith.constant 0 : index
      %get3A_276 = vector.load %arg5[%get3A_274, %get3A_275] : memref<1024x256xf32, #tpu.memory_space<vmem>>, vector<1024x256xf32>
      %get3A_277 = arith.constant 2 : index
      %get3A_278 = arith.constant 0 : index
      %get3A_279 = arith.constant 0 : index
      %get3A_280 = vector.load %arg3[%get3A_277, %get3A_278, %get3A_279] : memref<10x256x256xbf16, #tpu.memory_space<vmem>>, vector<1x256x256xbf16>
      %get3A_281 = vector.shape_cast %get3A_280 : vector<1x256x256xbf16> to vector<256x256xbf16>
      %dot_general3A = arith.constant dense<0.000000e+00> : vector<1024x256xf32>
      %dot_general3A_282 = tpu.matmul %select_n3A_273, %get3A_281, %dot_general3A {dimension_numbers = #tpu.dot_dimension_numbers<[1], [0], [0], [1], [0, 0, 1, 1], [], []>, transpose_lhs_hint = false} : vector<1024x256xbf16>, vector<256x256xbf16>, vector<1024x256xf32> -> vector<1024x256xf32>
      %add3A_283 = arith.addf %get3A_276, %dot_general3A_282 : vector<1024x256xf32>
      %swap3A_284 = arith.constant 0 : index
      %swap3A_285 = arith.constant 0 : index
      %swap3A_286 = vector.load %arg5[%swap3A_284, %swap3A_285] : memref<1024x256xf32, #tpu.memory_space<vmem>>, vector<1024x256xf32>
      tpu.vector_store %arg5[%swap3A_284, %swap3A_285], %add3A_283 {strides = array<i32>} : memref<1024x256xf32, #tpu.memory_space<vmem>>, vector<1024x256xf32>,
    } else {
    }
    %mul3A_97 = arith.constant 16 : i32
    %mul3A_98 = arith.muli %select_n3A, %mul3A_97 : i32
    %add3A_99 = arith.constant 3 : i32
    %add3A_100 = arith.addi %mul3A_98, %add3A_99 : i32
    %get3A_101 = arith.index_cast %add3A_100 : i32 to index
    %get3A_102 = memref.load %arg1[%get3A_101] : memref<32xi32, #tpu.memory_space<smem>>
    %add3A_103 = arith.addi %mul3A_19, %get3A_102 : i32
    %mul3A_104 = arith.constant 16 : i32
    %mul3A_105 = arith.muli %select_n3A, %mul3A_104 : i32
    %add3A_106 = arith.constant 3 : i32
    %add3A_107 = arith.addi %mul3A_105, %add3A_106 : i32
    %add3A_108 = arith.constant 1 : i32
    %add3A_109 = arith.addi %add3A_107, %add3A_108 : i32
    %get3A_110 = arith.index_cast %add3A_109 : i32 to index
    %get3A_111 = memref.load %arg1[%get3A_110] : memref<32xi32, #tpu.memory_space<smem>>
    %add3A_112 = arith.addi %mul3A_19, %get3A_111 : i32
    %add3A_113 = arith.constant 1024 : i32
    %add3A_114 = arith.addi %mul3A_16, %add3A_113 : i32
    %lt3A_115 = arith.cmpi slt, %add3A_103, %add3A_114 : i32
    %gt3A_116 = arith.cmpi sgt, %add3A_112, %mul3A_16 : i32
    %and3A_117 = arith.andi %lt3A_115, %gt3A_116 : i1
    %convert_element_type3A_118 = arith.extui %and3A_117 : i1 to i32
    %cond3A_119 = arith.constant 0 : i32
    %cond3A_120 = arith.cmpi ne, %convert_element_type3A_118, %cond3A_119 : i32
    scf.if %cond3A_120 {
      %ge3A = vector.broadcast %add3A_103 : i32 to vector<1024x1xi32>
      %ge3A_265 = arith.cmpi sge, %add3A_17, %ge3A : vector<1024x1xi32>
      %lt3A_266 = vector.broadcast %add3A_112 : i32 to vector<1024x1xi32>
      %lt3A_267 = arith.cmpi slt, %add3A_17, %lt3A_266 : vector<1024x1xi32>
      %and3A_268 = arith.andi %ge3A_265, %lt3A_267 : vector<1024x1xi1>
      %jit3A_269 = arith.constant 0.000000e+00 : bf16
      %broadcast_in_dim3A_270 = vector.shape_cast %and3A_268 : vector<1024x1xi1> to vector<1024x1xi1>
      %broadcast_in_dim3A_271 = vector.broadcast %broadcast_in_dim3A_270 : vector<1024x1xi1> to vector<1024x256xi1>
      %broadcast_in_dim3A_272 = vector.broadcast %jit3A_269 : bf16 to vector<1024x256xbf16>
      %select_n3A_273 = arith.select %broadcast_in_dim3A_271, %convert_element_type3A, %broadcast_in_dim3A_272 : vector<1024x256xi1>, vector<1024x256xbf16>
      %get3A_274 = arith.constant 0 : index
      %get3A_275 = arith.constant 0 : index
      %get3A_276 = vector.load %arg5[%get3A_274, %get3A_275] : memref<1024x256xf32, #tpu.memory_space<vmem>>, vector<1024x256xf32>
      %get3A_277 = arith.constant 3 : index
      %get3A_278 = arith.constant 0 : index
      %get3A_279 = arith.constant 0 : index
      %get3A_280 = vector.load %arg3[%get3A_277, %get3A_278, %get3A_279] : memref<10x256x256xbf16, #tpu.memory_space<vmem>>, vector<1x256x256xbf16>
      %get3A_281 = vector.shape_cast %get3A_280 : vector<1x256x256xbf16> to vector<256x256xbf16>
      %dot_general3A = arith.constant dense<0.000000e+00> : vector<1024x256xf32>
      %dot_general3A_282 = tpu.matmul %select_n3A_273, %get3A_281, %dot_general3A {dimension_numbers = #tpu.dot_dimension_numbers<[1], [0], [0], [1], [0, 0, 1, 1], [], []>, transpose_lhs_hint = false} : vector<1024x256xbf16>, vector<256x256xbf16>, vector<1024x256xf32> -> vector<1024x256xf32>
      %add3A_283 = arith.addf %get3A_276, %dot_general3A_282 : vector<1024x256xf32>
      %swap3A_284 = arith.constant 0 : index
      %swap3A_285 = arith.constant 0 : index
      %swap3A_286 = vector.load %arg5[%swap3A_284, %swap3A_285] : memref<1024x256xf32, #tpu.memory_space<vmem>>, vector<1024x256xf32>
      tpu.vector_store %arg5[%swap3A_284, %swap3A_285], %add3A_283 {strides = array<i32>} : memref<1024x256xf32, #tpu.memory_space<vmem>>, vector<1024x256xf32>,
    } else {
    }
    %mul3A_121 = arith.constant 16 : i32
    %mul3A_122 = arith.muli %select_n3A, %mul3A_121 : i32
    %add3A_123 = arith.constant 4 : i32
    %add3A_124 = arith.addi %mul3A_122, %add3A_123 : i32
    %get3A_125 = arith.index_cast %add3A_124 : i32 to index
    %get3A_126 = memref.load %arg1[%get3A_125] : memref<32xi32, #tpu.memory_space<smem>>
    %add3A_127 = arith.addi %mul3A_19, %get3A_126 : i32
    %mul3A_128 = arith.constant 16 : i32
    %mul3A_129 = arith.muli %select_n3A, %mul3A_128 : i32
    %add3A_130 = arith.constant 4 : i32
    %add3A_131 = arith.addi %mul3A_129, %add3A_130 : i32
    %add3A_132 = arith.constant 1 : i32
    %add3A_133 = arith.addi %add3A_131, %add3A_132 : i32
    %get3A_134 = arith.index_cast %add3A_133 : i32 to index
    %get3A_135 = memref.load %arg1[%get3A_134] : memref<32xi32, #tpu.memory_space<smem>>
    %add3A_136 = arith.addi %mul3A_19, %get3A_135 : i32
    %add3A_137 = arith.constant 1024 : i32
    %add3A_138 = arith.addi %mul3A_16, %add3A_137 : i32
    %lt3A_139 = arith.cmpi slt, %add3A_127, %add3A_138 : i32
    %gt3A_140 = arith.cmpi sgt, %add3A_136, %mul3A_16 : i32
    %and3A_141 = arith.andi %lt3A_139, %gt3A_140 : i1
    %convert_element_type3A_142 = arith.extui %and3A_141 : i1 to i32
    %cond3A_143 = arith.constant 0 : i32
    %cond3A_144 = arith.cmpi ne, %convert_element_type3A_142, %cond3A_143 : i32
    scf.if %cond3A_144 {
      %ge3A = vector.broadcast %add3A_127 : i32 to vector<1024x1xi32>
      %ge3A_265 = arith.cmpi sge, %add3A_17, %ge3A : vector<1024x1xi32>
      %lt3A_266 = vector.broadcast %add3A_136 : i32 to vector<1024x1xi32>
      %lt3A_267 = arith.cmpi slt, %add3A_17, %lt3A_266 : vector<1024x1xi32>
      %and3A_268 = arith.andi %ge3A_265, %lt3A_267 : vector<1024x1xi1>
      %jit3A_269 = arith.constant 0.000000e+00 : bf16
      %broadcast_in_dim3A_270 = vector.shape_cast %and3A_268 : vector<1024x1xi1> to vector<1024x1xi1>
      %broadcast_in_dim3A_271 = vector.broadcast %broadcast_in_dim3A_270 : vector<1024x1xi1> to vector<1024x256xi1>
      %broadcast_in_dim3A_272 = vector.broadcast %jit3A_269 : bf16 to vector<1024x256xbf16>
      %select_n3A_273 = arith.select %broadcast_in_dim3A_271, %convert_element_type3A, %broadcast_in_dim3A_272 : vector<1024x256xi1>, vector<1024x256xbf16>
      %get3A_274 = arith.constant 0 : index
      %get3A_275 = arith.constant 0 : index
      %get3A_276 = vector.load %arg5[%get3A_274, %get3A_275] : memref<1024x256xf32, #tpu.memory_space<vmem>>, vector<1024x256xf32>
      %get3A_277 = arith.constant 4 : index
      %get3A_278 = arith.constant 0 : index
      %get3A_279 = arith.constant 0 : index
      %get3A_280 = vector.load %arg3[%get3A_277, %get3A_278, %get3A_279] : memref<10x256x256xbf16, #tpu.memory_space<vmem>>, vector<1x256x256xbf16>
      %get3A_281 = vector.shape_cast %get3A_280 : vector<1x256x256xbf16> to vector<256x256xbf16>
      %dot_general3A = arith.constant dense<0.000000e+00> : vector<1024x256xf32>
      %dot_general3A_282 = tpu.matmul %select_n3A_273, %get3A_281, %dot_general3A {dimension_numbers = #tpu.dot_dimension_numbers<[1], [0], [0], [1], [0, 0, 1, 1], [], []>, transpose_lhs_hint = false} : vector<1024x256xbf16>, vector<256x256xbf16>, vector<1024x256xf32> -> vector<1024x256xf32>
      %add3A_283 = arith.addf %get3A_276, %dot_general3A_282 : vector<1024x256xf32>
      %swap3A_284 = arith.constant 0 : index
      %swap3A_285 = arith.constant 0 : index
      %swap3A_286 = vector.load %arg5[%swap3A_284, %swap3A_285] : memref<1024x256xf32, #tpu.memory_space<vmem>>, vector<1024x256xf32>
      tpu.vector_store %arg5[%swap3A_284, %swap3A_285], %add3A_283 {strides = array<i32>} : memref<1024x256xf32, #tpu.memory_space<vmem>>, vector<1024x256xf32>,
    } else {
    }
    %mul3A_145 = arith.constant 16 : i32
    %mul3A_146 = arith.muli %select_n3A, %mul3A_145 : i32
    %add3A_147 = arith.constant 5 : i32
    %add3A_148 = arith.addi %mul3A_146, %add3A_147 : i32
    %get3A_149 = arith.index_cast %add3A_148 : i32 to index
    %get3A_150 = memref.load %arg1[%get3A_149] : memref<32xi32, #tpu.memory_space<smem>>
    %add3A_151 = arith.addi %mul3A_19, %get3A_150 : i32
    %mul3A_152 = arith.constant 16 : i32
    %mul3A_153 = arith.muli %select_n3A, %mul3A_152 : i32
    %add3A_154 = arith.constant 5 : i32
    %add3A_155 = arith.addi %mul3A_153, %add3A_154 : i32
    %add3A_156 = arith.constant 1 : i32
    %add3A_157 = arith.addi %add3A_155, %add3A_156 : i32
    %get3A_158 = arith.index_cast %add3A_157 : i32 to index
    %get3A_159 = memref.load %arg1[%get3A_158] : memref<32xi32, #tpu.memory_space<smem>>
    %add3A_160 = arith.addi %mul3A_19, %get3A_159 : i32
    %add3A_161 = arith.constant 1024 : i32
    %add3A_162 = arith.addi %mul3A_16, %add3A_161 : i32
    %lt3A_163 = arith.cmpi slt, %add3A_151, %add3A_162 : i32
    %gt3A_164 = arith.cmpi sgt, %add3A_160, %mul3A_16 : i32
    %and3A_165 = arith.andi %lt3A_163, %gt3A_164 : i1
    %convert_element_type3A_166 = arith.extui %and3A_165 : i1 to i32
    %cond3A_167 = arith.constant 0 : i32
    %cond3A_168 = arith.cmpi ne, %convert_element_type3A_166, %cond3A_167 : i32
    scf.if %cond3A_168 {
      %ge3A = vector.broadcast %add3A_151 : i32 to vector<1024x1xi32>
      %ge3A_265 = arith.cmpi sge, %add3A_17, %ge3A : vector<1024x1xi32>
      %lt3A_266 = vector.broadcast %add3A_160 : i32 to vector<1024x1xi32>
      %lt3A_267 = arith.cmpi slt, %add3A_17, %lt3A_266 : vector<1024x1xi32>
      %and3A_268 = arith.andi %ge3A_265, %lt3A_267 : vector<1024x1xi1>
      %jit3A_269 = arith.constant 0.000000e+00 : bf16
      %broadcast_in_dim3A_270 = vector.shape_cast %and3A_268 : vector<1024x1xi1> to vector<1024x1xi1>
      %broadcast_in_dim3A_271 = vector.broadcast %broadcast_in_dim3A_270 : vector<1024x1xi1> to vector<1024x256xi1>
      %broadcast_in_dim3A_272 = vector.broadcast %jit3A_269 : bf16 to vector<1024x256xbf16>
      %select_n3A_273 = arith.select %broadcast_in_dim3A_271, %convert_element_type3A, %broadcast_in_dim3A_272 : vector<1024x256xi1>, vector<1024x256xbf16>
      %get3A_274 = arith.constant 0 : index
      %get3A_275 = arith.constant 0 : index
      %get3A_276 = vector.load %arg5[%get3A_274, %get3A_275] : memref<1024x256xf32, #tpu.memory_space<vmem>>, vector<1024x256xf32>
      %get3A_277 = arith.constant 5 : index
      %get3A_278 = arith.constant 0 : index
      %get3A_279 = arith.constant 0 : index
      %get3A_280 = vector.load %arg3[%get3A_277, %get3A_278, %get3A_279] : memref<10x256x256xbf16, #tpu.memory_space<vmem>>, vector<1x256x256xbf16>
      %get3A_281 = vector.shape_cast %get3A_280 : vector<1x256x256xbf16> to vector<256x256xbf16>
      %dot_general3A = arith.constant dense<0.000000e+00> : vector<1024x256xf32>
      %dot_general3A_282 = tpu.matmul %select_n3A_273, %get3A_281, %dot_general3A {dimension_numbers = #tpu.dot_dimension_numbers<[1], [0], [0], [1], [0, 0, 1, 1], [], []>, transpose_lhs_hint = false} : vector<1024x256xbf16>, vector<256x256xbf16>, vector<1024x256xf32> -> vector<1024x256xf32>
      %add3A_283 = arith.addf %get3A_276, %dot_general3A_282 : vector<1024x256xf32>
      %swap3A_284 = arith.constant 0 : index
      %swap3A_285 = arith.constant 0 : index
      %swap3A_286 = vector.load %arg5[%swap3A_284, %swap3A_285] : memref<1024x256xf32, #tpu.memory_space<vmem>>, vector<1024x256xf32>
      tpu.vector_store %arg5[%swap3A_284, %swap3A_285], %add3A_283 {strides = array<i32>} : memref<1024x256xf32, #tpu.memory_space<vmem>>, vector<1024x256xf32>,
    } else {
    }
    %mul3A_169 = arith.constant 16 : i32
    %mul3A_170 = arith.muli %select_n3A, %mul3A_169 : i32
    %add3A_171 = arith.constant 6 : i32
    %add3A_172 = arith.addi %mul3A_170, %add3A_171 : i32
    %get3A_173 = arith.index_cast %add3A_172 : i32 to index
    %get3A_174 = memref.load %arg1[%get3A_173] : memref<32xi32, #tpu.memory_space<smem>>
    %add3A_175 = arith.addi %mul3A_19, %get3A_174 : i32
    %mul3A_176 = arith.constant 16 : i32
    %mul3A_177 = arith.muli %select_n3A, %mul3A_176 : i32
    %add3A_178 = arith.constant 6 : i32
    %add3A_179 = arith.addi %mul3A_177, %add3A_178 : i32
    %add3A_180 = arith.constant 1 : i32
    %add3A_181 = arith.addi %add3A_179, %add3A_180 : i32
    %get3A_182 = arith.index_cast %add3A_181 : i32 to index
    %get3A_183 = memref.load %arg1[%get3A_182] : memref<32xi32, #tpu.memory_space<smem>>
    %add3A_184 = arith.addi %mul3A_19, %get3A_183 : i32
    %add3A_185 = arith.constant 1024 : i32
    %add3A_186 = arith.addi %mul3A_16, %add3A_185 : i32
    %lt3A_187 = arith.cmpi slt, %add3A_175, %add3A_186 : i32
    %gt3A_188 = arith.cmpi sgt, %add3A_184, %mul3A_16 : i32
    %and3A_189 = arith.andi %lt3A_187, %gt3A_188 : i1
    %convert_element_type3A_190 = arith.extui %and3A_189 : i1 to i32
    %cond3A_191 = arith.constant 0 : i32
    %cond3A_192 = arith.cmpi ne, %convert_element_type3A_190, %cond3A_191 : i32
    scf.if %cond3A_192 {
      %ge3A = vector.broadcast %add3A_175 : i32 to vector<1024x1xi32>
      %ge3A_265 = arith.cmpi sge, %add3A_17, %ge3A : vector<1024x1xi32>
      %lt3A_266 = vector.broadcast %add3A_184 : i32 to vector<1024x1xi32>
      %lt3A_267 = arith.cmpi slt, %add3A_17, %lt3A_266 : vector<1024x1xi32>
      %and3A_268 = arith.andi %ge3A_265, %lt3A_267 : vector<1024x1xi1>
      %jit3A_269 = arith.constant 0.000000e+00 : bf16
      %broadcast_in_dim3A_270 = vector.shape_cast %and3A_268 : vector<1024x1xi1> to vector<1024x1xi1>
      %broadcast_in_dim3A_271 = vector.broadcast %broadcast_in_dim3A_270 : vector<1024x1xi1> to vector<1024x256xi1>
      %broadcast_in_dim3A_272 = vector.broadcast %jit3A_269 : bf16 to vector<1024x256xbf16>
      %select_n3A_273 = arith.select %broadcast_in_dim3A_271, %convert_element_type3A, %broadcast_in_dim3A_272 : vector<1024x256xi1>, vector<1024x256xbf16>
      %get3A_274 = arith.constant 0 : index
      %get3A_275 = arith.constant 0 : index
      %get3A_276 = vector.load %arg5[%get3A_274, %get3A_275] : memref<1024x256xf32, #tpu.memory_space<vmem>>, vector<1024x256xf32>
      %get3A_277 = arith.constant 6 : index
      %get3A_278 = arith.constant 0 : index
      %get3A_279 = arith.constant 0 : index
      %get3A_280 = vector.load %arg3[%get3A_277, %get3A_278, %get3A_279] : memref<10x256x256xbf16, #tpu.memory_space<vmem>>, vector<1x256x256xbf16>
      %get3A_281 = vector.shape_cast %get3A_280 : vector<1x256x256xbf16> to vector<256x256xbf16>
      %dot_general3A = arith.constant dense<0.000000e+00> : vector<1024x256xf32>
      %dot_general3A_282 = tpu.matmul %select_n3A_273, %get3A_281, %dot_general3A {dimension_numbers = #tpu.dot_dimension_numbers<[1], [0], [0], [1], [0, 0, 1, 1], [], []>, transpose_lhs_hint = false} : vector<1024x256xbf16>, vector<256x256xbf16>, vector<1024x256xf32> -> vector<1024x256xf32>
      %add3A_283 = arith.addf %get3A_276, %dot_general3A_282 : vector<1024x256xf32>
      %swap3A_284 = arith.constant 0 : index
      %swap3A_285 = arith.constant 0 : index
      %swap3A_286 = vector.load %arg5[%swap3A_284, %swap3A_285] : memref<1024x256xf32, #tpu.memory_space<vmem>>, vector<1024x256xf32>
      tpu.vector_store %arg5[%swap3A_284, %swap3A_285], %add3A_283 {strides = array<i32>} : memref<1024x256xf32, #tpu.memory_space<vmem>>, vector<1024x256xf32>,
    } else {
    }
    %mul3A_193 = arith.constant 16 : i32
    %mul3A_194 = arith.muli %select_n3A, %mul3A_193 : i32
    %add3A_195 = arith.constant 7 : i32
    %add3A_196 = arith.addi %mul3A_194, %add3A_195 : i32
    %get3A_197 = arith.index_cast %add3A_196 : i32 to index
    %get3A_198 = memref.load %arg1[%get3A_197] : memref<32xi32, #tpu.memory_space<smem>>
    %add3A_199 = arith.addi %mul3A_19, %get3A_198 : i32
    %mul3A_200 = arith.constant 16 : i32
    %mul3A_201 = arith.muli %select_n3A, %mul3A_200 : i32
    %add3A_202 = arith.constant 7 : i32
    %add3A_203 = arith.addi %mul3A_201, %add3A_202 : i32
    %add3A_204 = arith.constant 1 : i32
    %add3A_205 = arith.addi %add3A_203, %add3A_204 : i32
    %get3A_206 = arith.index_cast %add3A_205 : i32 to index
    %get3A_207 = memref.load %arg1[%get3A_206] : memref<32xi32, #tpu.memory_space<smem>>
    %add3A_208 = arith.addi %mul3A_19, %get3A_207 : i32
    %add3A_209 = arith.constant 1024 : i32
    %add3A_210 = arith.addi %mul3A_16, %add3A_209 : i32
    %lt3A_211 = arith.cmpi slt, %add3A_199, %add3A_210 : i32
    %gt3A_212 = arith.cmpi sgt, %add3A_208, %mul3A_16 : i32
    %and3A_213 = arith.andi %lt3A_211, %gt3A_212 : i1
    %convert_element_type3A_214 = arith.extui %and3A_213 : i1 to i32
    %cond3A_215 = arith.constant 0 : i32
    %cond3A_216 = arith.cmpi ne, %convert_element_type3A_214, %cond3A_215 : i32
    scf.if %cond3A_216 {
      %ge3A = vector.broadcast %add3A_199 : i32 to vector<1024x1xi32>
      %ge3A_265 = arith.cmpi sge, %add3A_17, %ge3A : vector<1024x1xi32>
      %lt3A_266 = vector.broadcast %add3A_208 : i32 to vector<1024x1xi32>
      %lt3A_267 = arith.cmpi slt, %add3A_17, %lt3A_266 : vector<1024x1xi32>
      %and3A_268 = arith.andi %ge3A_265, %lt3A_267 : vector<1024x1xi1>
      %jit3A_269 = arith.constant 0.000000e+00 : bf16
      %broadcast_in_dim3A_270 = vector.shape_cast %and3A_268 : vector<1024x1xi1> to vector<1024x1xi1>
      %broadcast_in_dim3A_271 = vector.broadcast %broadcast_in_dim3A_270 : vector<1024x1xi1> to vector<1024x256xi1>
      %broadcast_in_dim3A_272 = vector.broadcast %jit3A_269 : bf16 to vector<1024x256xbf16>
      %select_n3A_273 = arith.select %broadcast_in_dim3A_271, %convert_element_type3A, %broadcast_in_dim3A_272 : vector<1024x256xi1>, vector<1024x256xbf16>
      %get3A_274 = arith.constant 0 : index
      %get3A_275 = arith.constant 0 : index
      %get3A_276 = vector.load %arg5[%get3A_274, %get3A_275] : memref<1024x256xf32, #tpu.memory_space<vmem>>, vector<1024x256xf32>
      %get3A_277 = arith.constant 7 : index
      %get3A_278 = arith.constant 0 : index
      %get3A_279 = arith.constant 0 : index
      %get3A_280 = vector.load %arg3[%get3A_277, %get3A_278, %get3A_279] : memref<10x256x256xbf16, #tpu.memory_space<vmem>>, vector<1x256x256xbf16>
      %get3A_281 = vector.shape_cast %get3A_280 : vector<1x256x256xbf16> to vector<256x256xbf16>
      %dot_general3A = arith.constant dense<0.000000e+00> : vector<1024x256xf32>
      %dot_general3A_282 = tpu.matmul %select_n3A_273, %get3A_281, %dot_general3A {dimension_numbers = #tpu.dot_dimension_numbers<[1], [0], [0], [1], [0, 0, 1, 1], [], []>, transpose_lhs_hint = false} : vector<1024x256xbf16>, vector<256x256xbf16>, vector<1024x256xf32> -> vector<1024x256xf32>
      %add3A_283 = arith.addf %get3A_276, %dot_general3A_282 : vector<1024x256xf32>
      %swap3A_284 = arith.constant 0 : index
      %swap3A_285 = arith.constant 0 : index
      %swap3A_286 = vector.load %arg5[%swap3A_284, %swap3A_285] : memref<1024x256xf32, #tpu.memory_space<vmem>>, vector<1024x256xf32>
      tpu.vector_store %arg5[%swap3A_284, %swap3A_285], %add3A_283 {strides = array<i32>} : memref<1024x256xf32, #tpu.memory_space<vmem>>, vector<1024x256xf32>,
    } else {
    }
    %mul3A_217 = arith.constant 16 : i32
    %mul3A_218 = arith.muli %select_n3A, %mul3A_217 : i32
    %add3A_219 = arith.constant 8 : i32
    %add3A_220 = arith.addi %mul3A_218, %add3A_219 : i32
    %get3A_221 = arith.index_cast %add3A_220 : i32 to index
    %get3A_222 = memref.load %arg1[%get3A_221] : memref<32xi32, #tpu.memory_space<smem>>
    %add3A_223 = arith.addi %mul3A_19, %get3A_222 : i32
    %mul3A_224 = arith.constant 16 : i32
    %mul3A_225 = arith.muli %select_n3A, %mul3A_224 : i32
    %add3A_226 = arith.constant 8 : i32
    %add3A_227 = arith.addi %mul3A_225, %add3A_226 : i32
    %add3A_228 = arith.constant 1 : i32
    %add3A_229 = arith.addi %add3A_227, %add3A_228 : i32
    %get3A_230 = arith.index_cast %add3A_229 : i32 to index
    %get3A_231 = memref.load %arg1[%get3A_230] : memref<32xi32, #tpu.memory_space<smem>>
    %add3A_232 = arith.addi %mul3A_19, %get3A_231 : i32
    %add3A_233 = arith.constant 1024 : i32
    %add3A_234 = arith.addi %mul3A_16, %add3A_233 : i32
    %lt3A_235 = arith.cmpi slt, %add3A_223, %add3A_234 : i32
    %gt3A_236 = arith.cmpi sgt, %add3A_232, %mul3A_16 : i32
    %and3A_237 = arith.andi %lt3A_235, %gt3A_236 : i1
    %convert_element_type3A_238 = arith.extui %and3A_237 : i1 to i32
    %cond3A_239 = arith.constant 0 : i32
    %cond3A_240 = arith.cmpi ne, %convert_element_type3A_238, %cond3A_239 : i32
    scf.if %cond3A_240 {
      %ge3A = vector.broadcast %add3A_223 : i32 to vector<1024x1xi32>
      %ge3A_265 = arith.cmpi sge, %add3A_17, %ge3A : vector<1024x1xi32>
      %lt3A_266 = vector.broadcast %add3A_232 : i32 to vector<1024x1xi32>
      %lt3A_267 = arith.cmpi slt, %add3A_17, %lt3A_266 : vector<1024x1xi32>
      %and3A_268 = arith.andi %ge3A_265, %lt3A_267 : vector<1024x1xi1>
      %jit3A_269 = arith.constant 0.000000e+00 : bf16
      %broadcast_in_dim3A_270 = vector.shape_cast %and3A_268 : vector<1024x1xi1> to vector<1024x1xi1>
      %broadcast_in_dim3A_271 = vector.broadcast %broadcast_in_dim3A_270 : vector<1024x1xi1> to vector<1024x256xi1>
      %broadcast_in_dim3A_272 = vector.broadcast %jit3A_269 : bf16 to vector<1024x256xbf16>
      %select_n3A_273 = arith.select %broadcast_in_dim3A_271, %convert_element_type3A, %broadcast_in_dim3A_272 : vector<1024x256xi1>, vector<1024x256xbf16>
      %get3A_274 = arith.constant 0 : index
      %get3A_275 = arith.constant 0 : index
      %get3A_276 = vector.load %arg5[%get3A_274, %get3A_275] : memref<1024x256xf32, #tpu.memory_space<vmem>>, vector<1024x256xf32>
      %get3A_277 = arith.constant 8 : index
      %get3A_278 = arith.constant 0 : index
      %get3A_279 = arith.constant 0 : index
      %get3A_280 = vector.load %arg3[%get3A_277, %get3A_278, %get3A_279] : memref<10x256x256xbf16, #tpu.memory_space<vmem>>, vector<1x256x256xbf16>
      %get3A_281 = vector.shape_cast %get3A_280 : vector<1x256x256xbf16> to vector<256x256xbf16>
      %dot_general3A = arith.constant dense<0.000000e+00> : vector<1024x256xf32>
      %dot_general3A_282 = tpu.matmul %select_n3A_273, %get3A_281, %dot_general3A {dimension_numbers = #tpu.dot_dimension_numbers<[1], [0], [0], [1], [0, 0, 1, 1], [], []>, transpose_lhs_hint = false} : vector<1024x256xbf16>, vector<256x256xbf16>, vector<1024x256xf32> -> vector<1024x256xf32>
      %add3A_283 = arith.addf %get3A_276, %dot_general3A_282 : vector<1024x256xf32>
      %swap3A_284 = arith.constant 0 : index
      %swap3A_285 = arith.constant 0 : index
      %swap3A_286 = vector.load %arg5[%swap3A_284, %swap3A_285] : memref<1024x256xf32, #tpu.memory_space<vmem>>, vector<1024x256xf32>
      tpu.vector_store %arg5[%swap3A_284, %swap3A_285], %add3A_283 {strides = array<i32>} : memref<1024x256xf32, #tpu.memory_space<vmem>>, vector<1024x256xf32>,
    } else {
    }
    %mul3A_241 = arith.constant 16 : i32
    %mul3A_242 = arith.muli %select_n3A, %mul3A_241 : i32
    %add3A_243 = arith.constant 9 : i32
    %add3A_244 = arith.addi %mul3A_242, %add3A_243 : i32
    %get3A_245 = arith.index_cast %add3A_244 : i32 to index
    %get3A_246 = memref.load %arg1[%get3A_245] : memref<32xi32, #tpu.memory_space<smem>>
    %add3A_247 = arith.addi %mul3A_19, %get3A_246 : i32
    %mul3A_248 = arith.constant 16 : i32
    %mul3A_249 = arith.muli %select_n3A, %mul3A_248 : i32
    %add3A_250 = arith.constant 9 : i32
    %add3A_251 = arith.addi %mul3A_249, %add3A_250 : i32
    %add3A_252 = arith.constant 1 : i32
    %add3A_253 = arith.addi %add3A_251, %add3A_252 : i32
    %get3A_254 = arith.index_cast %add3A_253 : i32 to index
    %get3A_255 = memref.load %arg1[%get3A_254] : memref<32xi32, #tpu.memory_space<smem>>
    %add3A_256 = arith.addi %mul3A_19, %get3A_255 : i32
    %add3A_257 = arith.constant 1024 : i32
    %add3A_258 = arith.addi %mul3A_16, %add3A_257 : i32
    %lt3A_259 = arith.cmpi slt, %add3A_247, %add3A_258 : i32
    %gt3A_260 = arith.cmpi sgt, %add3A_256, %mul3A_16 : i32
    %and3A_261 = arith.andi %lt3A_259, %gt3A_260 : i1
    %convert_element_type3A_262 = arith.extui %and3A_261 : i1 to i32
    %cond3A_263 = arith.constant 0 : i32
    %cond3A_264 = arith.cmpi ne, %convert_element_type3A_262, %cond3A_263 : i32
    scf.if %cond3A_264 {
      %ge3A = vector.broadcast %add3A_247 : i32 to vector<1024x1xi32>
      %ge3A_265 = arith.cmpi sge, %add3A_17, %ge3A : vector<1024x1xi32>
      %lt3A_266 = vector.broadcast %add3A_256 : i32 to vector<1024x1xi32>
      %lt3A_267 = arith.cmpi slt, %add3A_17, %lt3A_266 : vector<1024x1xi32>
      %and3A_268 = arith.andi %ge3A_265, %lt3A_267 : vector<1024x1xi1>
      %jit3A_269 = arith.constant 0.000000e+00 : bf16
      %broadcast_in_dim3A_270 = vector.shape_cast %and3A_268 : vector<1024x1xi1> to vector<1024x1xi1>
      %broadcast_in_dim3A_271 = vector.broadcast %broadcast_in_dim3A_270 : vector<1024x1xi1> to vector<1024x256xi1>
      %broadcast_in_dim3A_272 = vector.broadcast %jit3A_269 : bf16 to vector<1024x256xbf16>
      %select_n3A_273 = arith.select %broadcast_in_dim3A_271, %convert_element_type3A, %broadcast_in_dim3A_272 : vector<1024x256xi1>, vector<1024x256xbf16>
      %get3A_274 = arith.constant 0 : index
      %get3A_275 = arith.constant 0 : index
      %get3A_276 = vector.load %arg5[%get3A_274, %get3A_275] : memref<1024x256xf32, #tpu.memory_space<vmem>>, vector<1024x256xf32>
      %get3A_277 = arith.constant 9 : index
      %get3A_278 = arith.constant 0 : index
      %get3A_279 = arith.constant 0 : index
      %get3A_280 = vector.load %arg3[%get3A_277, %get3A_278, %get3A_279] : memref<10x256x256xbf16, #tpu.memory_space<vmem>>, vector<1x256x256xbf16>
      %get3A_281 = vector.shape_cast %get3A_280 : vector<1x256x256xbf16> to vector<256x256xbf16>
      %dot_general3A = arith.constant dense<0.000000e+00> : vector<1024x256xf32>
      %dot_general3A_282 = tpu.matmul %select_n3A_273, %get3A_281, %dot_general3A {dimension_numbers = #tpu.dot_dimension_numbers<[1], [0], [0], [1], [0, 0, 1, 1], [], []>, transpose_lhs_hint = false} : vector<1024x256xbf16>, vector<256x256xbf16>, vector<1024x256xf32> -> vector<1024x256xf32>
      %add3A_283 = arith.addf %get3A_276, %dot_general3A_282 : vector<1024x256xf32>
      %swap3A_284 = arith.constant 0 : index
      %swap3A_285 = arith.constant 0 : index
      %swap3A_286 = vector.load %arg5[%swap3A_284, %swap3A_285] : memref<1024x256xf32, #tpu.memory_space<vmem>>, vector<1024x256xf32>
      tpu.vector_store %arg5[%swap3A_284, %swap3A_285], %add3A_283 {strides = array<i32>} : memref<1024x256xf32, #tpu.memory_space<vmem>>, vector<1024x256xf32>,
    } else {
    }
    return
  }
  func.func @transform_0(%arg0: i32) -> i32 {
    %c0_i32 = arith.constant 0 : i32
    %c0_i32_0 = arith.constant 0 : i32
    return %c0_i32 : i32
  }
  func.func @transform_1(%arg0: i32) -> (i32, i32) {
    %c0_i32 = arith.constant 0 : i32
    %c0_i32_0 = arith.constant 0 : i32
    return %arg0, %c0_i32 : i32, i32
  }
  func.func @transform_2(%arg0: i32) -> (i32, i32, i32) {
    %c0_i32 = arith.constant 0 : i32
    %c0_i32_0 = arith.constant 0 : i32
    %c0_i32_1 = arith.constant 0 : i32
    %c0_i32_2 = arith.constant 0 : i32
    return %c0_i32, %c0_i32_0, %c0_i32_1 : i32, i32, i32
  }
  func.func @transform_3(%arg0: i32) -> (i32, i32) {
    %c0_i32 = arith.constant 0 : i32
    %c0_i32_0 = arith.constant 0 : i32
    %c0_i32_1 = arith.constant 0 : i32
    return %c0_i32, %c0_i32_0 : i32, i32
  }
  func.func @transform_4(%arg0: i32) -> (i32, i32) {
    %c0_i32 = arith.constant 0 : i32
    %c0_i32_0 = arith.constant 0 : i32
    return %arg0, %c0_i32 : i32, i32
  }
}

</mosaic_0001>

<sc_bundles>
// kernel: kernel.5.cloned.1.call-start
scs
__scs_entry_jumppad:
0x0: {  	(pc) =	sbr.rel $0x88, $3  }
0x1: {  	(tag) =	ssettag $0x0;
	lr =	simm.s32 $0x1  }
0x2: {  	[smem:$0x3F9D] =	sst lr;
	_ =	strace $0xD0000000  }
0x3: {  	_ = 	snop  }
0x4: {  	_ = 	snop  }
0x5: {  	_ = 	snop  }
0x6: {  	_ = 	snop  }
0x7: {  	_ = 	snop  }
__scs_overlays_trampoline_lowered:
0x8: {  	[smem:$0x3FAC] =	sst s0  }
0x9: {  	[smem:$0x3FAD] =	sst s1  }
0xa: {  	[smem:$0x3FAE] =	sst s2  }
0xb: {  	[smem:$0x3FAF] =	sst s3  }
0xc: {  	[smem:$0x3FB0] =	sst s4  }
0xd: {  	[smem:$0x3FB1] =	sst s5  }
0xe: {  	[smem:$0x3FB2] =	sst s6  }
0xf: {  	[smem:$0x3FB3] =	sst s7  }
0x10: {  	[smem:$0x3FB4] =	sst s8  }
0x11: {  	[smem:$0x3FB5] =	sst s9;
	s0 =	simm.s32 @!p0 $0x0  }
0x12: {  	s1 =	sld [smem:$0x3F9B];
	s0 =	simm.s32 @p0 $0x1  }
0x13: {  	[smem:$0x3FB6] =	sst s0;
	s0 =	simm.s32 @!p1 $0x0  }
0x14: {  	s2 =	sld [smem:$0x3F9A];
	s0 =	simm.s32 @p1 $0x1  }
0x15: {  	[smem:$0x3FB7] =	sst s0;
	s0 =	simm.s32 @!p2 $0x0  }
0x16: {  	s3 =	sld [smem:$0x3FDB];
	s0 =	simm.s32 @p2 $0x1  }
0x17: {  	s4 =	simm.s32 $0x1BF5;
	[smem:$0x3FB9] =	sst s0  }
0x18: {  	s0 =	sld [smem:$0x3F9C];
	_ =	swait.ge [sflag:s4], $0x0  }
0x19: {  	s7 =	sld [smem:$0x3F9D]  }
0x1a: {  	s8 =	sadd.s32 $0xFFFFE003, lr  }
0x1b: {  	s9 =	sadd.s32 $0xFFFFFEF7, lr;
	s5 =	simm.s32 $0xFFFFFFFF;
	p2 =	slt.u32 s8, $0xFFFFF086  }
0x1c: {  	p1 =	slt.u32 s9, $0xF7A;
	s5 =	simm.s32 @!p2 $0x0  }
0x1d: {  	s5 =	simm.s32 @p1 $0x1;
	p0 =	seq.s32 s7, s2  }
0x1e: {  	s7 =	smul.u32 @!p0 $0xF7A, s2;
	p2 =	seq.s32 @!p0 s5, $0x0  }
0x1f: {  	s9 =	smul.u32 $0xF7A, s1;
	s8 =	simm.s32 @!p0 $0x1BF5;
	p2 =	por !p2, p0  }
0x20: {  	[sflag:s8] =	ssyncset.s32 @!p0 $0xFFFFF086;
	s6 =	sadd.s32 @!p0 s3, s7;
	s7 =	simm.s32 @!p0 $0x108  }
0x21: {  	s3 =	sadd.s32 s3, s9;
	s6 =	sadd.s32 @!p0 $0x88, s6;
	s7 =	simm.s32 @p2 $0x1082  }
0x22: {  	[simem:s7], [sflag:s8] =	dma.local @!p0 [hbm:s6], $0xF7A  }
0x23: {  	s9 =	sor.u32 $0xD0000000, s2;
	s6 =	simm.s32 $0x108;
	_ =	swait.ge @!p0 [sflag:s8], $0x0  }
0x24: {  	s3 =	sadd.s32 $0x88, s3;
	s6 =	simm.s32 @!p1 $0x1082;
	[sflag:s4] =	ssyncset.s32 $0xFFFFF086  }
0x25: {  	[simem:s6], [sflag:s4] =	dma.local [hbm:s3], $0xF7A  }
0x26: {  	[smem:$0x3F9D] =	sst s1;
	(tag) =	ssettag s2;
	_ =	strace s9  }
0x27: {  	s1 =	sld [smem:$0x3FAD]  }
0x28: {  	s2 =	sld [smem:$0x3FAE]  }
0x29: {  	s4 =	sld [smem:$0x3FB0]  }
0x2a: {  	p0 =	seq.s32 s5, $0x0;
	s5 =	sld [smem:$0x3FB1]  }
0x2b: {  	s6 =	sld [smem:$0x3FB2]  }
0x2c: {  	s7 =	sld [smem:$0x3FB3]  }
0x2d: {  	s3 =	simm.s32 $0x108;
	s8 =	sld [smem:$0x3FB4]  }
0x2e: {  	s3 =	simm.s32 @!p0 $0x1082;
	s9 =	sld [smem:$0x3FB5]  }
0x2f: {  	lr =	sadd.s32 s0, s3;
	s0 =	sld [smem:$0x3FAC]  }
0x30: {  	s3 =	sld [smem:$0x3FAF]  }
0x31: {  	[smem:$0x3FB8] =	sst s10  }
0x32: {  	s10 =	sld [smem:$0x3FB6];
	_ =	sdelay $0x3  }
0x33: {  	p0 =	seq.s32 s10, $0x1;
	s10 =	sld [smem:$0x3FB8];
	_ =	sdelay $0x3  }
0x34: {  	[smem:$0x3FB8] =	sst s10  }
0x35: {  	s10 =	sld [smem:$0x3FB7];
	_ =	sdelay $0x3  }
0x36: {  	p1 =	seq.s32 s10, $0x1;
	s10 =	sld [smem:$0x3FB8];
	_ =	sdelay $0x3  }
0x37: {  	[smem:$0x3FB8] =	sst s10  }
0x38: {  	s10 =	sld [smem:$0x3FB9]  }
0x39: {  	_ = 	snop;
	(pc) =	sbr.ind lr, $3  }
0x3a: {  	_ = 	snop  }
0x3b: {  	_ = 	snop  }
0x3c: {  	p2 =	seq.s32 s10, $0x1;
	s10 =	sld [smem:$0x3FB8]  }
0x3d: {  	_ =	shalt  }
0x3e: {  	_ =	shalt  }
0x3f: {  	_ =	shalt  }
0x40: {  	_ =	shalt  }
0x41: {  	_ =	shalt  }
0x42: {  	_ =	shalt  }
0x43: {  	_ =	shalt  }
0x44: {  	_ =	shalt  }
0x45: {  	_ =	shalt  }
0x46: {  	_ =	shalt  }
0x47: {  	_ =	shalt  }
0x48: {  	_ =	shalt  }
0x49: {  	_ =	shalt  }
0x4a: {  	_ =	shalt  }
0x4b: {  	_ =	shalt  }
0x4c: {  	_ =	shalt  }
0x4d: {  	_ =	shalt  }
0x4e: {  	_ =	shalt  }
0x4f: {  	_ =	shalt  }
0x50: {  	_ =	shalt  }
0x51: {  	_ =	shalt  }
0x52: {  	_ =	shalt  }
0x53: {  	_ =	shalt  }
0x54: {  	_ =	shalt  }
0x55: {  	_ =	shalt  }
0x56: {  	_ =	shalt  }
0x57: {  	_ =	shalt  }
0x58: {  	_ =	shalt  }
0x59: {  	_ =	shalt  }
0x5a: {  	_ =	shalt  }
0x5b: {  	_ =	shalt  }
0x5c: {  	_ =	shalt  }
0x5d: {  	_ =	shalt  }
0x5e: {  	_ =	shalt  }
0x5f: {  	_ =	shalt  }
0x60: {  	_ =	shalt  }
0x61: {  	_ =	shalt  }
0x62: {  	_ =	shalt  }
0x63: {  	_ =	shalt  }
0x64: {  	_ =	shalt  }
0x65: {  	_ =	shalt  }
0x66: {  	_ =	shalt  }
0x67: {  	_ =	shalt  }
0x68: {  	_ =	shalt  }
0x69: {  	_ =	shalt  }
0x6a: {  	_ =	shalt  }
0x6b: {  	_ =	shalt  }
0x6c: {  	_ =	shalt  }
0x6d: {  	_ =	shalt  }
0x6e: {  	_ =	shalt  }
0x6f: {  	_ =	shalt  }
0x70: {  	_ =	shalt  }
0x71: {  	_ =	shalt  }
0x72: {  	_ =	shalt  }
0x73: {  	_ =	shalt  }
0x74: {  	_ =	shalt  }
0x75: {  	_ =	shalt  }
0x76: {  	_ =	shalt  }
0x77: {  	_ =	shalt  }
0x78: {  	_ =	shalt  }
0x79: {  	_ =	shalt  }
0x7a: {  	_ =	shalt  }
0x7b: {  	_ =	shalt  }
0x7c: {  	_ =	shalt  }
0x7d: {  	_ =	shalt  }
0x7e: {  	_ =	shalt  }
0x7f: {  	_ =	shalt  }
0x80: {  	_ =	shalt  }
0x81: {  	_ =	shalt  }
0x82: {  	_ =	shalt  }
0x83: {  	_ =	shalt  }
0x84: {  	_ =	shalt  }
0x85: {  	_ =	shalt  }
0x86: {  	_ =	shalt  }
0x87: {  	_ =	shalt  }
.Lfunc_end0:
.L_simem_size_0:
called_computation_lowered:
.L_overlay_start_0:
0x88: {  	s2 =	sld [smem:$0x3FD9]  }
0x89: {  	s3 =	sld [smem:$0x3FFE];
	_ =	sdelay $0x1  }
0x8a: {  	s1 =	srdreg.scid  }
0x8b: {  	s0 =	sand.u32 $0x1, s1  }
0x8c: {  	s17 =	sshll.u32 s0, $0xA;
	s2 =	sadd.s32 s3, s2  }
0x8d: {  	s2 =	sadd.s32 s2, s17  }
0x8e: {  	[smem:$0x3FC4] =	sst s2  }
0x8f: {  	_ = 	snop  }
0x90: {  	s2 =	sld [smem:$0x3FC9]  }
0x91: {  	s18 =	sld [smem:$0x3FD0];
	(tm) =	ssettm $0x1  }
0x92: {  	s4 =	sld [smem:$0x3FFB];
	_ =	sdelay $0x3  }
0x93: {  	_ =	strace s4  }
0x94: {  	s4 =	sld [smem:$0x3FFC];
	_ =	sdelay $0x3  }
0x95: {  	_ =	strace s4  }
0x96: {  	s4 =	sld [smem:$0x3FFD];
	_ =	sdelay $0x3  }
0x97: {  	_ =	strace s4  }
0x98: {  	_ =	strace $0x8FFFFFFF  }
0x99: {  	s19 =	sld [smem:$0x3FDB];
	_ =	sdelay $0x1  }
0x9a: {  	s5 =	simm.s32 $_scs_section_size  }
0x9b: {  	s6 =	simm.s32 $_size__tile_overlayer_lowered;
	s7 =	simm.s32 $_tile_overlayer_lowered  }
0x9c: {  	s22 =	simm.s32 $0x1BFF;
	s21 =	sshll.u32 s7, $0x1;
	s4 =	sadd.s32 s5, s19  }
0x9d: {  	s8 =	simm.s32 $0x0;
	s20 =	sshll.u32 s6, $0x1;
	s6 =	sadd.s32 s21, s4  }
0x9e: {  	[timem:s8], [sflag:s22] =	dma.local [hbm:s6], s20  }
0x9f: {  	_ =	swait.ge [sflag:s22], s20  }
0xa0: {  	s5 =	ssub.s32 $0x0, s20;
	[sflag:s22] =	ssyncset.done $0x0  }
0xa1: {  	[sflag:s22] =	ssyncadd.s32 s5;
	_ =	sdelay $0x1  }
0xa2: {  	s23 =	simm.s32 $0x1B8B  }
0xa3: {  	_ =	swait.ge [sflag:s23], $0x1  }
0xa4: {  	[sflag:s23] =	ssyncset.done $0x0  }
0xa5: {  	s25 =	simm.s32 $0x1B8E;
	s24 =	sld [smem:$0x3FFE];
	[sflag:s23] =	ssyncadd.s32 $0xFFFFFFFF  }
0xa6: {  	s26 =	simm.s32 $execute0_lowered;
	[smem:$0x3FD2] =	sst s25  }
0xa7: {  	s6 =	sshll.u32 s26, $0x1;
	_ =	strace $0x80000046;
	[dreg:$0x1] =	wrdreg $0xFFFFFFFF  }
0xa8: {  	s28 =	simm.s32 $_size_execute0_lowered;
	s4 =	sadd.s32 s4, s6;
	[dreg:$0x0] =	wrdreg $0x0  }
0xa9: {  	s6 =	sshll.u32 s28, $0x1;
	[dreg:$0x2] =	wrdreg s4  }
0xaa: {  	[dreg:$0x3] =	wrdreg s6  }
0xab: {  	[dreg:$0x4] =	wrdreg $0xC0  }
0xac: {  	_ =	task [dreg:s8], $0x5FFFF  }
0xad: {  	[dreg:$0x1] =	wrdreg $0xFFFFFFFF  }
0xae: {  	[dreg:$0x0] =	wrdreg $0x60  }
0xaf: {  	[dreg:$0x2] =	wrdreg s24  }
0xb0: {  	[dreg:$0x3] =	wrdreg s2  }
0xb1: {  	[dreg:$0x4] =	wrdreg s18  }
0xb2: {  	[dreg:$0x5] =	wrdreg $0x9  }
0xb3: {  	_ =	task.clear_ibuf [dreg:s8], $0x6FFFF;
	_ =	strace $0x90000046  }
0xb4: {  	s29 =	simm.s32 $0x9;
	_ =	strace $0x80000048  }
0xb5: {  	_ =	swait.ge [sflag:s29], $0x1  }
0xb6: {  	[sflag:s29] =	ssyncadd.s32 $0xFFFFFFFF  }
0xb7: {  	_ =	strace $0x90000048  }
0xb8: {  	_ =	sfence  }
0xb9: {  	s30 =	sld [smem:$0x0];
	_ =	sdelay $0x2  }
0xba: {  	s31 =	sshll.u32 s1, $0xD;
	s1 =	sshrl.u32 s1, $0x2  }
0xbb: {  	s3 =	sand.u32 $0x4000, s31;
	s1 =	sadd.s32 s1, s30  }
0xbc: {  	s0 =	sor.u32 s3, s0;
	s1 =	sshll.u32 s1, $0x11  }
0xbd: {  	s0 =	sor.u32 s1, s0  }
0xbe: {  	s0 =	sadd.s32 $0x8F2B, s0  }
0xbf: {  	[sflag:s0] =	ssyncadd.remote.s32 $0x1  }
0xc0: {  	_ =	sfence.sel $0xFFFF  }
0xc1: {  	[dreg:$0x0] =	wrdreg $0xFFFFFFFF;
	(pc) =	sbr.abs _section_cstart, $3  }
0xc2: {  	[dreg:$0x1] =	wrdreg $0xFFFFFFFF  }
0xc3: {  	_ =	task.clear_ibuf [dreg:s8], $0x2FFFF;
	_ =	strace $0x9FFFFFFF  }
0xc4: {  	(tm) =	ssettm $0x7FFFFFFF  }
0xc5: {  	_ =	shalt  }
tec
execute0_lowered:
.L_overlay_start_1:
0x0: {  	(tag) =	ssettag $0x1  }
0x1: {  	s6 =	rddreg [dreg:$0x0]  }
0x2: {  	s7 =	rddreg [dreg:$0x1]  }
0x3: {  	s1 =	rddreg [dreg:$0x2]  }
0x4: {  	s2 =	srdreg.scid;
	s0 =	rddreg [dreg:$0x3]  }
0x5: {  	s5 =	stileid.u32;
	s14 =	simm.s32 $0x1;
	s15 =	simm.s32 $0x1  }
0x6: {  	s16 =	simm.s32 $0x1;
	s17 =	simm.s32 $0x1;
	s18 =	simm.s32 $0x1  }
0x7: {  	s26 =	simm.s32 $0x8200;
	s28 =	simm.s32 $0x100;
	s29 =	simm.s32 $0x8280  }
0x8: {  	s30 =	simm.s32 $0x180;
	s31 =	simm.s32 $0xA00;
	s3 =	sand.u32 $0x1, s2  }
0x9: {  	s2 =	simm.s32 $0x0;
	s8 =	sshll.u32 s5, $0x7;
	s11 =	sadd.s32 $0x1800, s6  }
0xa: {  	s12 =	sshll.u32 s5, $0x2;
	s13 =	sshll.u32 s5, $0x1;
	[smem:$0x7FF] =	sst s2  }
0xb: {  	p0 =	sne.s32 s5, $0x0;
	_ =	strace $0x80000047;
	[dreg:$0xb] =	wrdreg s26  }
0xc: {  	p1 =	sgt.u32 s5, $0x1;
	s4 =	sshll.u32 s3, $0xB;
	[dreg:$0xc] =	wrdreg s28  }
0xd: {  	v15 =	vimm.s32 $0x0;
	vm0 =	vcmask $0x2724;
	s10 =	sshll.u32 s3, $0x4;
	s19 =	sand.u32 $0x20, s12;
	[dreg:$0xd] =	wrdreg s29  }
0xe: {  	vm7 =	vcmask $0x2320;
	v49 =	vsel vm0, $0xFFFFFFFF, v15;
	s20 =	sand.u32 $0xE, s13;
	s12 =	simm.s32 $0x1;
	[dreg:$0xe] =	wrdreg s30  }
0xf: {  	vm8 =	vcmask $0x1F1C;
	v50 =	vsel vm7, $0xFFFFFFFF, v15;
	s13 =	simm.s32 $0x1;
	s24 =	sadd.s32 s11, s10;
	[dreg:$0xf] =	wrdreg s31;
	[tilespmem:$0x1FF00] =	vst v49  }
0x10: {  	vm1 =	vcmask $0x1B18;
	v51 =	vsel vm8, $0xFFFFFFFF, v15;
	s3 =	ssub.s32 $0x2, s3;
	[tilespmem:$0x1FF10] =	vst v50;
	s26 =	simm.s32 $0x5A00;
	[dreg:$0x8] =	wrdreg s24  }
0x11: {  	vm9 =	vcmask $0x1714;
	v52 =	vsel vm1, $0xFFFFFFFF, v15;
	s8 =	sor.u32 s8, s4;
	[tilespmem:$0x1FF20] =	vst v51;
	s28 =	simm.s32 $0x6200;
	[dreg:$0x19] =	wrdreg s26  }
0x12: {  	vm10 =	vcmask $0x1310;
	v53 =	vsel vm9, $0xFFFFFFFF, v15;
	[tilespmem:$0x1FF30] =	vst v52;
	s29 =	simm.s32 $0x6A00;
	s30 =	simm.s32 $0x7200;
	[dreg:$0x1a] =	wrdreg s28  }
0x13: {  	vm11 =	vcmask $0xF0C;
	v54 =	vsel vm10, $0xFFFFFFFF, v15;
	[tilespmem:$0x1FF40] =	vst v53;
	s31 =	simm.s32 $0x7A00;
	s9 =	sshrl.u32 s8, $0x3;
	[dreg:$0x1b] =	wrdreg s29  }
0x14: {  	vm12 =	vcmask $0xB08;
	v55 =	vsel vm11, $0xFFFFFFFF, v15;
	[tilespmem:$0x1FF50] =	vst v54;
	s8 =	sshll.u32 s8, $0x5;
	s24 =	sshrl.u32 s3, $0x1;
	[dreg:$0x1c] =	wrdreg s30  }
0x15: {  	vm13 =	vcmask $0x300;
	v56 =	vsel vm12, $0xFFFFFFFF, v15;
	[tilespmem:$0x1FF60] =	vst v55;
	[dreg:$0x1d] =	wrdreg s31;
	s9 =	sadd.s32 s9, s6;
	s7 =	sadd.s32 s7, s8  }
0x16: {  	vm14 =	vcmask $0x704;
	v57 =	vsel vm13, $0xFFFFFFFF, v15;
	[tilespmem:$0x1FF70] =	vst v56;
	s8 =	sor.u32 s20, s19;
	s6 =	sadd.s32 s10, s6;
	s19 =	simm.s32 $0x1  }
0x17: {  	v39 =	vimm.f32 $6.283180230e+00;
	v59 =	vlaneseq.u32;
	v58 =	vsel vm14, $0xFFFFFFFF, v15;
	[tilespmem:$0x1FF80] =	vst v57;
	s20 =	simm.s32 $0x3200;
	[dreg:$0x4] =	wrdreg s7;
	s21 =	sadd.s32 $0x1600, s9  }
0x18: {  	v63 =	vand.u32 $0x7, v59;
	[tilespmem:$0x1FF90] =	vst v58;
	(erf) = vrcp.f32 v39;
	s22 =	sadd.s32 $0x1400, s9;
	s8 =	sor.u32 s10, s8;
	s7 =	simm.s32 $0x1  }
0x19: {  	v48 =	vmov s4;
	[tilespmem:$0x1FFD0] =	vst v63;
	s23 =	sadd.s32 s11, s8;
	s7 =	simm.s32 @!p0 $0x0;
	s8 =	simm.s32 $0x1  }
0x1a: {  	[tilespmem:$0x1FEF0] =	vst v48;
	s10 =	simm.s32 $0x1;
	s6 =	sadd.s32 $0x1A00, s6;
	s8 =	simm.s32 @!p1 $0x0;
	v0 =	vmov s7  }
0x1b: {  	s25 =	sadd.s32 $0x1C00, s9;
	[dreg:$0x14] =	wrdreg s20;
	p1 =	sgt.u32 s5, $0x2;
	[tilespmem:$0x1FE00] =	vst v0;
	v34 =	vmov s8  }
0x1c: {  	s11 =	simm.s32 $0x1;
	s10 =	simm.s32 @!p1 $0x0;
	p1 =	sgt.u32 s5, $0x3;
	v0 =	vor.u32 $0x8, v59;
	[tilespmem:$0x1FE10] =	vst v34  }
0x1d: {  	[dreg:$0x5] =	wrdreg s21;
	s11 =	simm.s32 @!p1 $0x0;
	p1 =	sgt.u32 s5, $0x4;
	v35 =	vmov s10;
	[tilespmem:$0x1FFF0] =	vst v0  }
0x1e: {  	[dreg:$0x6] =	wrdreg s22;
	s12 =	simm.s32 @!p1 $0x0;
	p1 =	sgt.u32 s5, $0x5;
	[tilespmem:$0x1FE20] =	vst v35;
	v36 =	vmov s11  }
0x1f: {  	s9 =	simm.s32 $0x1;
	[dreg:$0x9] =	wrdreg s6;
	s13 =	simm.s32 @!p1 $0x0;
	[tilespmem:$0x1FE30] =	vst v36;
	v37 =	vmov s12  }
0x20: {  	[dreg:$0xa] =	wrdreg s25;
	s6 =	simm.s32 $0x1;
	p1 =	sgt.u32 s5, $0x6;
	[tilespmem:$0x1FE40] =	vst v37;
	v38 =	vmov s13  }
0x21: {  	s21 =	simm.s32 $0x3A00;
	s14 =	simm.s32 @!p1 $0x0;
	p1 =	sgt.u32 s5, $0x7;
	v2 =	vpop (erf);
	[tilespmem:$0x1FE50] =	vst v38  }
0x22: {  	s22 =	simm.s32 $0x4200;
	[dreg:$0x7] =	wrdreg s23;
	s15 =	simm.s32 @!p1 $0x0;
	v1 =	vmov s14;
	[tilespmem:$0x1FFC0] =	vst v2  }
0x23: {  	v60 =	vimm.s32 $0x0;
	vm0 =	vmmov @!p0 $0x3ff;
	s25 =	simm.s32 $0x5200;
	[dreg:$0x15] =	wrdreg s21;
	p1 =	sgt.u32 s5, $0x8;
	[tilespmem:$0x1FE60] =	vst v1;
	v40 =	vmov s15  }
0x24: {  	s7 =	simm.s32 $0x1;
	[dreg:$0x16] =	wrdreg s22;
	s16 =	simm.s32 @!p1 $0x0;
	v1 =	vsel vm0, $0xFFFFFFFF, v60;
	[tilespmem:$0x1FE70] =	vst v40  }
0x25: {  	vm15 =	vmmov $0xffff;
	v61 =	vimm.s32 $0x0;
	s23 =	simm.s32 $0x4A00;
	[dreg:$0x18] =	wrdreg s25;
	p1 =	sgt.u32 s5, $0x9;
	v41 =	vmov s16;
	[tilespmem:$0x1FFA0] =	vst v1  }
0x26: {  	[dreg:$0x17] =	wrdreg s23;
	s17 =	simm.s32 @!p1 $0x0;
	p1 =	sgt.u32 s5, $0xA;
	v1 =	vsel vm15, $0xFFFFFFFF, v61;
	[tilespmem:$0x1FE80] =	vst v41  }
0x27: {  	v62 =	vshrl.u32 v59, $0x3;
	s8 =	simm.s32 $0x2;
	s11 =	simm.s32 $0x1200;
	s18 =	simm.s32 @!p1 $0x0;
	v42 =	vmov s17;
	[tilespmem:$0x1FFB0] =	vst v1  }
0x28: {  	[dreg:$0x10] =	wrdreg s11;
	s13 =	simm.s32 $0x1A00;
	p1 =	sgt.u32 s5, $0xB;
	v1 =	vmul.u32 $0x8, v62;
	[tilespmem:$0x1FE90] =	vst v42;
	v43 =	vmov s18  }
0x29: {  	[dreg:$0x11] =	wrdreg s13;
	s19 =	simm.s32 @!p1 $0x0;
	p1 =	sgt.u32 s5, $0xC;
	[tilespmem:$0x1FEA0] =	vst v43  }
0x2a: {  	s15 =	simm.s32 $0x2200;
	s9 =	simm.s32 @!p1 $0x0;
	p1 =	sgt.u32 s5, $0xD;
	v44 =	vmov s19;
	[tilespmem:$0x1FFE0] =	vst v1  }
0x2b: {  	[dreg:$0x12] =	wrdreg s15;
	s7 =	simm.s32 @!p1 $0x0;
	p1 =	seq.s32 s5, $0xF;
	[tilespmem:$0x1FEB0] =	vst v44;
	v45 =	vmov s9  }
0x2c: {  	s18 =	simm.s32 $0x2A00;
	s5 =	ssub.s32 s3, s24;
	[tilespmem:$0x1FEC0] =	vst v45;
	v46 =	vmov s7;
	s6 =	simm.s32 @!p1 $0x0  }
0x2d: {  	[dreg:$0x13] =	wrdreg s18;
	s3 =	simm.s32 $0x1;
	s4 =	smax.u32 s5, $0x1;
	[tilespmem:$0x1FED0] =	vst v46;
	v47 =	vmov s6  }
0x2e: {  	s5 =	simm.s32 $0x200;
	s7 =	simm.s32 $0x80;
	s6 =	simm.s32 $0x3;
	[tilespmem:$0x1FEE0] =	vst v47  }
.LBB2_1:
0x2f: {  	s9 =	rddreg [dreg:$0x4]  }
0x30: {  	[tilespmem:s5], [sflag:$0x1] =	stream.linear.gather [hbm4b:s9+s2], $0x8000, $0x38;
	[tilespmem:$0x8380] =	vst v63  }
0x31: {  	s10 =	rddreg [dreg:$0x5]  }
0x32: {  	[tilespmem:s2], [sflag:$0x3] =	stream.linear.gather [hbm4b:s10+s2], $0x80, $0x38;
	[tilespmem:$0x8380] =	vst v63  }
0x33: {  	_ =	swait.ge [sflag:s6], $0x80  }
0x34: {  	[sflag:s6] =	ssyncset.done $0x0  }
0x35: {  	s11 =	rddreg [dreg:$0x6];
	[sflag:s6] =	ssyncadd.s32 $0xFFFFFF80  }
0x36: {  	[tilespmem:s7], [sflag:$0x3] =	stream.linear.gather [hbm4b:s11+s2], $0x80, $0x38;
	[tilespmem:$0x8380] =	vst v63  }
0x37: {  	_ =	swait.ge [sflag:s6], $0x80  }
0x38: {  	[sflag:s6] =	ssyncset.done $0x0  }
0x39: {  	[sflag:s6] =	ssyncadd.s32 $0xFFFFFF80  }
0x3a: {  	v0 =	vld [tilespmem:$0x80]  }
0x3b: {  	v1 =	vld [tilespmem:$0x0]  }
0x3c: {  	v2 =	vld [tilespmem:$0x90]  }
0x3d: {  	v3 =	vld [tilespmem:$0x10]  }
0x3e: {  	v8 =	vld [tilespmem:$0xA0]  }
0x3f: {  	v9 =	vld [tilespmem:$0x20]  }
0x40: {  	v62 =	vld [tilespmem:$0xB0]  }
0x41: {  	v41 =	vld [tilespmem:$0x1FFC0]  }
0x42: {  	v0 =	vmul.f32 $8.000000000e+00, v0  }
0x43: {  	v1 =	vmul.f32 $5.000000000e+00, v1;
	v49 =	vmul.f32 $8.000000000e+00, v2  }
0x44: {  	v51 =	vmul.f32 $5.000000000e+00, v3;
	v8 =	vmul.f32 $8.000000000e+00, v8  }
0x45: {  	v9 =	vmul.f32 $5.000000000e+00, v9;
	v27 =	vmul.f32 $8.000000000e+00, v62  }
0x46: {  	v0 =	vmul.f32 v0, v41;
	v1 =	vtrunc.f32 v1  }
0x47: {  	v2 =	vtrunc.f32 v51;
	v56 =	vmul.f32 v8, v41  }
0x48: {  	v1 =	vcvt.f32.s32 v1;
	v0 =	vtrunc.f32 v0  }
0x49: {  	v9 =	vtrunc.f32 v9;
	v0 =	vcvt.f32.s32 v0  }
0x4a: {  	v2 =	vcvt.f32.s32 v2;
	v59 =	vcvt.f32.s32 v9;
	vm0 =	vgt.s32 v1, $0x0  }
0x4b: {  	v3 =	vtrunc.f32 v56;
	v1 =	vnsel vm0, $0x0, v1;
	vm9 =	vgt.s32 v0, $0x0  }
0x4c: {  	vm15 =	vgt.s32 v2, $0x0;
	v1 =	vmin.u32 v1, $0x4;
	v0 =	vnsel vm9, $0x0, v0  }
0x4d: {  	v2 =	vnsel vm15, $0x0, v2;
	v1 =	vshll.u32 v1, $0x1;
	v0 =	vmin.u32 v0, $0x7  }
0x4e: {  	v3 =	vcvt.f32.s32 v3;
	v2 =	vmin.u32 v2, $0x4;
	v31 =	vadd.s32 v1, v0  }
0x4f: {  	v2 =	vshll.u32 v2, $0x1;
	v0 =	vmul.f32 v49, v41;
	vm10 =	veq.s32 v31, $0x0  }
0x50: {  	vm11 =	veq.s32 v31, $0x1;
	vm1 =	veq.s32 v31, $0x2;
	vm12 =	veq.s32 v31, $0x3  }
0x51: {  	vm13 =	veq.s32 v31, $0x4;
	vm14 =	veq.s32 v31, $0x5;
	vm5 =	veq.s32 v31, $0x6  }
0x52: {  	vm6 =	veq.s32 v31, $0x7;
	vm7 =	veq.s32 v31, $0x8;
	vm8 =	veq.s32 v31, $0x9  }
0x53: {  	v39 =	vld [tilespmem:$0x50];
	v50 =	vsel vm10, $0x1, v15;
	v52 =	vsel vm11, $0x1, v15;
	v4 =	vsel vm1, $0x1, v15  }
0x54: {  	v0 =	vtrunc.f32 v0;
	v5 =	vsel vm12, $0x1, v15;
	v6 =	vsel vm13, $0x1, v15  }
0x55: {  	v10 =	vsel vm5, $0x1, v15;
	vm5 =	vgt.s32 v3, $0x0;
	v0 =	vcvt.f32.s32 v0  }
0x56: {  	v7 =	vsel vm14, $0x1, v15;
	v11 =	vsel vm6, $0x1, v15;
	(xrf0) =	vadd.scan.msk.s32 $0xffff, v50;
	v3 =	vnsel vm5, $0x0, v3  }
0x57: {  	v53 =	vsel vm7, $0x1, v15;
	(xrf0) =	vadd.scan.msk.s32 $0xffff, v52;
	v21 =	vmin.u32 v3, $0x7;
	vm4 =	vgt.s32 v0, $0x0  }
0x58: {  	v3 =	vmul.f32 $5.000000000e+00, v39;
	(xrf0) =	vadd.scan.msk.s32 $0xffff, v4;
	v0 =	vnsel vm4, $0x0, v0;
	vm4 =	vgt.s32 v59, $0x0  }
0x59: {  	v54 =	vsel vm8, $0x1, v15;
	(xrf0) =	vadd.scan.msk.s32 $0xffff, v5;
	v0 =	vmin.u32 v0, $0x7;
	v5 =	vnsel vm4, $0x0, v59  }
0x5a: {  	v3 =	vtrunc.f32 v3;
	v32 =	vadd.s32 v2, v0;
	v5 =	vmin.u32 v5, $0x4  }
0x5b: {  	v0 =	vmul.f32 v27, v41;
	vm2 =	veq.s32 v32, $0x0;
	vm9 =	veq.s32 v32, $0x1  }
0x5c: {  	vm10 =	veq.s32 v32, $0x2;
	vm11 =	veq.s32 v32, $0x3;
	vm12 =	veq.s32 v32, $0x4  }
0x5d: {  	vm13 =	veq.s32 v32, $0x5;
	vm14 =	veq.s32 v32, $0x6;
	vm15 =	veq.s32 v32, $0x7  }
0x5e: {  	(xrf0) =	vadd.scan.msk.s32 $0xffff, v6;
	vm6 =	veq.s32 v32, $0x8;
	vm7 =	veq.s32 v32, $0x9;
	v22 =	vshll.u32 v5, $0x1  }
0x5f: {  	(xrf0) =	vadd.scan.msk.s32 $0xffff, v7;
	v12 =	vsel vm2, $0x1, v15;
	v55 =	vsel vm9, $0x1, v15;
	v13 =	vsel vm10, $0x1, v15  }
0x60: {  	v14, _, _ =	vpop (xrf0);
	(xrf0) =	vadd.scan.msk.s32 $0xffff, v10;
	v57 =	vsel vm11, $0x1, v15;
	v58 =	vsel vm12, $0x1, v15;
	v60 =	vsel vm13, $0x1, v15  }
0x61: {  	v61 =	vsel vm14, $0x1, v15;
	[tilespmem:$0x1FD80] =	vst v14;
	v63 =	vsel vm15, $0x1, v15;
	v24 =	vsel vm6, $0x1, v15  }
0x62: {  	v16, _, _ =	vpop (xrf0);
	(xrf0) =	vadd.scan.msk.s32 $0xffff, v11;
	v25 =	vsel vm7, $0x1, v15;
	v34 =	vadd.s32 v22, v21;
	v0 =	vtrunc.f32 v0  }
0x63: {  	v14 =	vld [tilespmem:$0x30];
	[tilespmem:$0x1FDB0] =	vst v16;
	vm8 =	veq.s32 v34, $0x0;
	vm9 =	veq.s32 v34, $0x1;
	vm10 =	veq.s32 v34, $0x2  }
0x64: {  	v20, _, _ =	vpop (xrf0);
	(xrf0) =	vadd.scan.msk.s32 $0xffff, v53;
	vm11 =	veq.s32 v34, $0x3;
	vm12 =	veq.s32 v34, $0x4;
	vm13 =	veq.s32 v34, $0x5  }
0x65: {  	v0 =	vcvt.f32.s32 v0;
	vm14 =	veq.s32 v34, $0x6;
	vm5 =	veq.s32 v34, $0x7;
	v23, _, _ =	vpop (xrf0);
	(xrf0) =	vadd.scan.msk.s32 $0xffff, v54  }
0x66: {  	vm6 =	veq.s32 v34, $0x8;
	vm7 =	veq.s32 v34, $0x9;
	[tilespmem:$0x1FD50] =	vst v20;
	v26, _, _ =	vpop (xrf0);
	(xrf0) =	vadd.scan.msk.s32 $0xffff, v12  }
0x67: {  	v29 =	vsel vm8, $0x1, v15;
	v30 =	vsel vm9, $0x1, v15;
	[tilespmem:$0x1FD30] =	vst v23;
	v28, _, _ =	vpop (xrf0);
	(xrf0) =	vadd.scan.msk.s32 $0xffff, v55  }
0x68: {  	v37 =	vsel vm10, $0x1, v15;
	[tilespmem:$0x1FD10] =	vst v26;
	v33 =	vmul.f32 $5.000000000e+00, v14;
	v35, _, _ =	vpop (xrf0);
	(xrf0) =	vadd.scan.msk.s32 $0xffff, v13  }
0x69: {  	v38 =	vsel vm11, $0x1, v15;
	v46 =	vsel vm12, $0x1, v15;
	[tilespmem:$0x1FCF0] =	vst v28;
	v36, _, _ =	vpop (xrf0);
	(xrf0) =	vadd.scan.msk.s32 $0xffff, v57  }
0x6a: {  	v49 =	vld [tilespmem:$0xC0];
	v48 =	vsel vm13, $0x1, v15;
	[tilespmem:$0x1FCD0] =	vst v35;
	v9 =	vtrunc.f32 v33;
	v12, _, _ =	vpop (xrf0);
	(xrf0) =	vadd.scan.msk.s32 $0xffff, v58  }
0x6b: {  	v50 =	vsel vm14, $0x1, v15;
	vm4 =	vgt.s32 v0, $0x0;
	[tilespmem:$0x1FCC0] =	vst v36;
	v45 =	vcvt.f32.s32 v9;
	v43, _, _ =	vpop (xrf0)  }
0x6c: {  	v54 =	vsel vm5, $0x1, v15;
	v0 =	vnsel vm4, $0x0, v0;
	[tilespmem:$0x1FCB0] =	vst v12;
	(xrf0) =	vadd.scan.msk.s32 $0xffff, v60;
	v47, _, _ =	vpop (xrf0)  }
0x6d: {  	v55 =	vsel vm6, $0x1, v15;
	(xrf0) =	vadd.scan.msk.s32 $0xffff, v61;
	[tilespmem:$0x1FD90] =	vst v47;
	vm15 =	vgt.s32 v45, $0x0;
	v12, _, _ =	vpop (xrf0)  }
0x6e: {  	v0 =	vmin.u32 v0, $0x7;
	(xrf0) =	vadd.scan.msk.s32 $0xffff, v63;
	[tilespmem:$0x1FDC0] =	vst v12;
	v8 =	vnsel vm15, $0x0, v45;
	v13, _, _ =	vpop (xrf0)  }
0x6f: {  	v61 =	vmul.f32 $8.000000000e+00, v49;
	(xrf0) =	vadd.scan.msk.s32 $0xffff, v24;
	[tilespmem:$0x1FD60] =	vst v13;
	v51 =	vmin.u32 v8, $0x4;
	v52, _, _ =	vpop (xrf0)  }
0x70: {  	v63 =	vsel vm7, $0x1, v15;
	(xrf0) =	vadd.scan.msk.s32 $0xffff, v25;
	[tilespmem:$0x1FD40] =	vst v52;
	v2 =	vshll.u32 v51, $0x1;
	v53, _, _ =	vpop (xrf0)  }
0x71: {  	v12 =	vld [tilespmem:$0x40];
	(xrf0) =	vadd.scan.msk.s32 $0xffff, v29;
	v51 =	vcvt.f32.s32 v3;
	[tilespmem:$0x1FD20] =	vst v53;
	v40 =	vadd.s32 v2, v0  }
0x72: {  	v60, _, _ =	vpop (xrf0);
	(xrf0) =	vadd.scan.msk.s32 $0xffff, v30;
	v0 =	vmul.f32 v61, v41;
	vm8 =	veq.s32 v40, $0x0;
	vm9 =	veq.s32 v40, $0x1  }
0x73: {  	[tilespmem:$0x1FD00] =	vst v60;
	vm10 =	veq.s32 v40, $0x2;
	vm11 =	veq.s32 v40, $0x3;
	vm12 =	veq.s32 v40, $0x4  }
0x74: {  	v62, _, _ =	vpop (xrf0);
	(xrf0) =	vadd.scan.msk.s32 $0xffff, v37;
	vm13 =	veq.s32 v40, $0x5;
	vm4 =	veq.s32 v40, $0x6;
	vm5 =	veq.s32 v40, $0x7  }
0x75: {  	v29 =	vld [tilespmem:$0xD0];
	vm6 =	veq.s32 v40, $0x8;
	vm7 =	veq.s32 v40, $0x9;
	[tilespmem:$0x1FCE0] =	vst v62;
	v57, _, _ =	vpop (xrf0);
	(xrf0) =	vadd.scan.msk.s32 $0xffff, v38  }
0x76: {  	v18 =	vsel vm8, $0x1, v15;
	v19 =	vmul.f32 $5.000000000e+00, v12;
	v20 =	vsel vm9, $0x1, v15;
	v37, _, _ =	vpop (xrf0);
	(xrf0) =	vadd.scan.msk.s32 $0xffff, v46  }
0x77: {  	v21 =	vsel vm10, $0x1, v15;
	v0 =	vtrunc.f32 v0;
	v23 =	vsel vm11, $0x1, v15;
	v36, _, _ =	vpop (xrf0);
	(xrf0) =	vadd.scan.msk.s32 $0xffff, v48  }
0x78: {  	v25 =	vsel vm12, $0x1, v15;
	v27 =	vsel vm13, $0x1, v15;
	v42 =	vsel vm4, $0x1, v15;
	v22, _, _ =	vpop (xrf0);
	(xrf0) =	vadd.scan.msk.s32 $0xffff, v50  }
0x79: {  	v44 =	vsel vm5, $0x1, v15;
	v0 =	vcvt.f32.s32 v0;
	v4 =	vtrunc.f32 v19;
	v24, _, _ =	vpop (xrf0);
	(xrf0) =	vadd.scan.msk.s32 $0xffff, v54  }
0x7a: {  	v45 =	vsel vm6, $0x1, v15;
	v10 =	vmul.f32 $8.000000000e+00, v29;
	v4 =	vcvt.f32.s32 v4;
	v26, _, _ =	vpop (xrf0);
	(xrf0) =	vadd.scan.msk.s32 $0xffff, v55  }
0x7b: {  	vm4 =	vgt.s32 v51, $0x0;
	v46 =	vsel vm7, $0x1, v15;
	v19 =	vld [tilespmem:$0xE0];
	vm15 =	vgt.s32 v0, $0x0;
	v56, _, _ =	vpop (xrf0);
	(xrf0) =	vadd.scan.msk.s32 $0xffff, v63  }
0x7c: {  	v36 =	vadd.s32 v43, v36;
	v48 =	vmul.f32 v10, v41;
	vm14 =	vgt.s32 v4, $0x0;
	v38, _, _ =	vpop (xrf0);
	(xrf0) =	vadd.scan.msk.s32 $0xffff, v18  }
0x7d: {  	[tilespmem:$0x1FDA0] =	vst v22;
	v0 =	vnsel vm15, $0x0, v0;
	v28 =	vnsel vm14, $0x0, v4;
	v33, _, _ =	vpop (xrf0);
	(xrf0) =	vadd.scan.msk.s32 $0xffff, v20  }
0x7e: {  	[tilespmem:$0x1FDD0] =	vst v24;
	v6 =	vtrunc.f32 v48;
	v1 =	vmin.u32 v28, $0x4;
	v2, _, _ =	vpop (xrf0);
	(xrf0) =	vadd.scan.msk.s32 $0xffff, v21  }
0x7f: {  	v0 =	vmin.u32 v0, $0x7;
	v6 =	vcvt.f32.s32 v6;
	v30 =	vshll.u32 v1, $0x1;
	v4, _, _ =	vpop (xrf0);
	(xrf0) =	vadd.scan.msk.s32 $0xffff, v23  }
0x80: {  	[tilespmem:$0x1FD70] =	vst v26;
	v53 =	vmul.f32 $8.000000000e+00, v19;
	v49 =	vadd.s32 v30, v0;
	v8, _, _ =	vpop (xrf0);
	(xrf0) =	vadd.scan.msk.s32 $0xffff, v25  }
0x81: {  	v0 =	vnsel vm4, $0x0, v51;
	vm5 =	vgt.s32 v6, $0x0;
	vm8 =	veq.s32 v49, $0x0;
	v9, _, _ =	vpop (xrf0);
	(xrf0) =	vadd.scan.msk.s32 $0xffff, v27  }
0x82: {  	vm9 =	veq.s32 v49, $0x1;
	vm10 =	veq.s32 v49, $0x2;
	vm11 =	veq.s32 v49, $0x3;
	v58, _, _ =	vpop (xrf0);
	(xrf0) =	vadd.scan.msk.s32 $0xffff, v42  }
0x83: {  	vm12 =	veq.s32 v49, $0x4;
	vm13 =	veq.s32 v49, $0x5;
	vm14 =	veq.s32 v49, $0x6;
	v39, _, _ =	vpop (xrf0);
	(xrf0) =	vadd.scan.msk.s32 $0xffff, v44  }
0x84: {  	vm15 =	veq.s32 v49, $0x7;
	vm6 =	veq.s32 v49, $0x8;
	v0 =	vmin.u32 v0, $0x4;
	v35, _, _ =	vpop (xrf0);
	(xrf0) =	vadd.scan.msk.s32 $0xffff, v45  }
0x85: {  	v52 =	vnsel vm5, $0x0, v6;
	vm7 =	veq.s32 v49, $0x9;
	v12 =	vsel vm8, $0x1, v15;
	v3, _, _ =	vpop (xrf0);
	(xrf0) =	vadd.scan.msk.s32 $0xffff, v46  }
0x86: {  	v23 =	vld [tilespmem:$0x60];
	v47 =	vsel vm9, $0x1, v15;
	v14 =	vsel vm10, $0x1, v15;
	v50 =	vsel vm11, $0x1, v15;
	v7, _, _ =	vpop (xrf0);
	(xrf0) =	vadd.scan.msk.s32 $0xffff, v12  }
0x87: {  	v17 =	vsel vm12, $0x1, v15;
	v5 =	vmin.u32 v52, $0x7;
	v0 =	vshll.u32 v0, $0x1;
	v10, _, _ =	vpop (xrf0);
	(xrf0) =	vadd.scan.msk.s32 $0xffff, v47  }
0x88: {  	v18 =	vsel vm13, $0x1, v15;
	v22 =	vsel vm15, $0x1, v15;
	v62 =	vadd.s32 v0, v5;
	v13, _, _ =	vpop (xrf0);
	(xrf0) =	vadd.scan.msk.s32 $0xffff, v14  }
0x89: {  	v0 =	vmul.f32 v53, v41;
	vm8 =	veq.s32 v62, $0x0;
	vm9 =	veq.s32 v62, $0x1;
	v16, _, _ =	vpop (xrf0);
	(xrf0) =	vadd.scan.msk.s32 $0xffff, v50  }
0x8a: {  	vm10 =	veq.s32 v62, $0x2;
	vm11 =	veq.s32 v62, $0x3;
	vm12 =	veq.s32 v62, $0x4;
	v20, _, _ =	vpop (xrf0);
	(xrf0) =	vadd.scan.msk.s32 $0xffff, v17  }
0x8b: {  	vm13 =	veq.s32 v62, $0x5;
	v55 =	vmul.f32 $5.000000000e+00, v23;
	v12 =	vsel vm14, $0x1, v15;
	v21, _, _ =	vpop (xrf0);
	(xrf0) =	vadd.scan.msk.s32 $0xffff, v18  }
0x8c: {  	vm5 =	veq.s32 v62, $0x7;
	v54 =	vsel vm9, $0x1, v15;
	v14 =	vsel vm6, $0x1, v15;
	v5, _, _ =	vpop (xrf0);
	(xrf0) =	vadd.scan.msk.s32 $0xffff, v12  }
0x8d: {  	v59 =	vsel vm10, $0x1, v15;
	v0 =	vtrunc.f32 v0;
	v19 =	vtrunc.f32 v55;
	v6, _, _ =	vpop (xrf0);
	(xrf0) =	vadd.scan.msk.s32 $0xffff, v22  }
0x8e: {  	v26 =	vld [tilespmem:$0xF0];
	v24 =	vsel vm11, $0x1, v15;
	v0 =	vcvt.f32.s32 v0;
	v17 =	vsel vm7, $0x1, v15;
	v11, _, _ =	vpop (xrf0);
	(xrf0) =	vadd.scan.msk.s32 $0xffff, v14  }
0x8f: {  	v63 =	vld [tilespmem:$0x70];
	v60 =	vsel vm13, $0x1, v15;
	v12 =	vsel vm8, $0x1, v15;
	v14, _, _ =	vpop (xrf0);
	(xrf0) =	vadd.scan.msk.s32 $0xffff, v17;
	v17 =	vcvt.f32.s32 v19  }
0x90: {  	v28 =	vsel vm5, $0x1, v15;
	vm14 =	veq.s32 v62, $0x6;
	vm4 =	vgt.s32 v0, $0x0;
	v19, _, _ =	vpop (xrf0);
	(xrf0) =	vadd.scan.msk.s32 $0xffff, v12  }
0x91: {  	v61 =	vsel vm14, $0x1, v15;
	v0 =	vnsel vm4, $0x0, v0;
	v22, _, _ =	vpop (xrf0);
	(xrf0) =	vadd.scan.msk.s32 $0xffff, v54;
	vm15 =	vgt.s32 v17, $0x0  }
0x92: {  	v0 =	vmin.u32 v0, $0x7;
	vm6 =	veq.s32 v62, $0x8;
	v25, _, _ =	vpop (xrf0);
	(xrf0) =	vadd.scan.msk.s32 $0xffff, v59;
	v17 =	vnsel vm15, $0x0, v17  }
0x93: {  	vm7 =	veq.s32 v62, $0x9;
	v12 =	vsel vm12, $0x1, v15;
	v27, _, _ =	vpop (xrf0);
	(xrf0) =	vadd.scan.msk.s32 $0xffff, v24;
	v17 =	vmin.u32 v17, $0x4  }
0x94: {  	v59 =	vmul.f32 $8.000000000e+00, v26;
	v24 =	vmul.f32 $5.000000000e+00, v63;
	v1, _, _ =	vpop (xrf0);
	(xrf0) =	vadd.scan.msk.s32 $0xffff, v12;
	v12 =	vshll.u32 v17, $0x1  }
0x95: {  	v23 =	vsel vm6, $0x1, v15;
	v30 =	vsel vm7, $0x1, v15;
	v29, _, _ =	vpop (xrf0);
	(xrf0) =	vadd.scan.msk.s32 $0xffff, v60;
	v12 =	vadd.s32 v12, v0  }
0x96: {  	v44 =	vmul.f32 v59, v41;
	v24 =	vtrunc.f32 v24;
	v17, _, _ =	vpop (xrf0);
	(xrf0) =	vadd.scan.msk.s32 $0xffff, v61;
	vm8 =	veq.s32 v12, $0x0  }
0x97: {  	vm9 =	veq.s32 v12, $0x1;
	vm10 =	veq.s32 v12, $0x2;
	vm11 =	veq.s32 v12, $0x3;
	v18, _, _ =	vpop (xrf0);
	(xrf0) =	vadd.scan.msk.s32 $0xffff, v28  }
0x98: {  	vm3 =	veq.s32 v12, $0x4;
	vm4 =	veq.s32 v12, $0x5;
	vm5 =	veq.s32 v12, $0x6;
	(xrf0) =	vadd.scan.msk.s32 $0xffff, v23;
	v23, _, _ =	vpop (xrf0)  }
0x99: {  	v24 =	vcvt.f32.s32 v24;
	v46 =	vtrunc.f32 v44;
	v42 =	vsel vm8, $0x1, v15;
	(xrf0) =	vadd.scan.msk.s32 $0xffff, v30;
	v26, _, _ =	vpop (xrf0)  }
0x9a: {  	vm12 =	veq.s32 v12, $0x7;
	v45 =	vsel vm9, $0x1, v15;
	v28 =	vcvt.f32.s32 v46;
	(xrf0) =	vadd.scan.msk.s32 $0xffff, v42;
	v0, _, _ =	vpop (xrf0)  }
0x9b: {  	vm13 =	veq.s32 v12, $0x8;
	v47 =	vsel vm10, $0x1, v15;
	vm14 =	vgt.s32 v24, $0x0;
	(xrf0) =	vadd.scan.msk.s32 $0xffff, v45;
	v59, _, _ =	vpop (xrf0)  }
0x9c: {  	v48 =	vsel vm11, $0x1, v15;
	v24 =	vnsel vm14, $0x0, v24;
	vm15 =	vgt.s32 v28, $0x0;
	(xrf0) =	vadd.scan.msk.s32 $0xffff, v47;
	v60, _, _ =	vpop (xrf0)  }
0x9d: {  	v50 =	vsel vm3, $0x1, v15;
	v24 =	vmin.u32 v24, $0x4;
	v28 =	vnsel vm15, $0x0, v28;
	(xrf0) =	vadd.scan.msk.s32 $0xffff, v48;
	v61, _, _ =	vpop (xrf0)  }
0x9e: {  	v51 =	vsel vm4, $0x1, v15;
	v53 =	vmin.u32 v28, $0x7;
	v24 =	vshll.u32 v24, $0x1;
	(xrf0) =	vadd.scan.msk.s32 $0xffff, v50;
	v63, _, _ =	vpop (xrf0)  }
0x9f: {  	v52 =	vsel vm5, $0x1, v15;
	vm4 =	veq.s32 v12, $0x9;
	v24 =	vadd.s32 v24, v53;
	(xrf0) =	vadd.scan.msk.s32 $0xffff, v51;
	v42, _, _ =	vpop (xrf0)  }
0xa0: {  	v54 =	vsel vm12, $0x1, v15;
	v44 =	vsel vm4, $0x1, v15;
	vm5 =	veq.s32 v24, $0x0;
	(xrf0) =	vadd.scan.msk.s32 $0xffff, v52;
	v28, _, _ =	vpop (xrf0)  }
0xa1: {  	v55 =	vsel vm13, $0x1, v15;
	vm6 =	veq.s32 v24, $0x1;
	v45 =	vsel vm5, $0x1, v15;
	(xrf0) =	vadd.scan.msk.s32 $0xffff, v54;
	v30, _, _ =	vpop (xrf0)  }
0xa2: {  	v9 =	vadd.s32 v9, v36;
	v36 =	vld [tilespmem:$0x1FCB0];
	vm7 =	veq.s32 v24, $0x2;
	v46 =	vsel vm6, $0x1, v15;
	(xrf0) =	vadd.scan.msk.s32 $0xffff, v55;
	v41, _, _ =	vpop (xrf0)  }
0xa3: {  	vm8 =	veq.s32 v24, $0x3;
	v47 =	vsel vm7, $0x1, v15;
	(xrf0) =	vadd.scan.msk.s32 $0xffff, v44;
	v44, _, _ =	vpop (xrf0)  }
0xa4: {  	vm9 =	veq.s32 v24, $0x4;
	v48 =	vsel vm8, $0x1, v15;
	(xrf0) =	vadd.scan.msk.s32 $0xffff, v45;
	v45, _, _ =	vpop (xrf0)  }
0xa5: {  	vm10 =	veq.s32 v24, $0x5;
	v50 =	vsel vm9, $0x1, v15;
	(xrf0) =	vadd.scan.msk.s32 $0xffff, v46;
	v46, _, _ =	vpop (xrf0)  }
0xa6: {  	vm11 =	veq.s32 v24, $0x6;
	v51 =	vsel vm10, $0x1, v15;
	(xrf0) =	vadd.scan.msk.s32 $0xffff, v47;
	v47, _, _ =	vpop (xrf0)  }
0xa7: {  	v36 =	vadd.s32 v36, v37;
	vm12 =	veq.s32 v24, $0x7;
	v52 =	vsel vm11, $0x1, v15;
	(xrf0) =	vadd.scan.msk.s32 $0xffff, v48;
	v48, _, _ =	vpop (xrf0)  }
0xa8: {  	v8 =	vadd.s32 v8, v36;
	v36 =	vld [tilespmem:$0x1FCC0];
	vm13 =	veq.s32 v24, $0x8;
	v53 =	vsel vm12, $0x1, v15;
	(xrf0) =	vadd.scan.msk.s32 $0xffff, v50;
	v50, _, _ =	vpop (xrf0)  }
0xa9: {  	vm14 =	veq.s32 v24, $0x9;
	v54 =	vsel vm13, $0x1, v15;
	(xrf0) =	vadd.scan.msk.s32 $0xffff, v51;
	v51, _, _ =	vpop (xrf0)  }
0xaa: {  	v55 =	vsel vm14, $0x1, v15;
	(xrf0) =	vadd.scan.msk.s32 $0xffff, v52;
	v52, _, _ =	vpop (xrf0)  }
0xab: {  	(xrf0) =	vadd.scan.msk.s32 $0xffff, v53;
	v53, _, _ =	vpop (xrf0)  }
0xac: {  	v8 =	vadd.s32 v20, v8;
	(xrf0) =	vadd.scan.msk.s32 $0xffff, v54;
	v54, _, _ =	vpop (xrf0)  }
0xad: {  	v1 =	vadd.s32 v1, v8;
	v8 =	vadd.s32 v36, v57;
	(xrf0) =	vadd.scan.msk.s32 $0xffff, v55;
	v55, _, _ =	vpop (xrf0)  }
0xae: {  	v57 =	vld [tilespmem:$0x1FCD0];
	v4 =	vadd.s32 v4, v8;
	v43, _, _ =	vpop (xrf0)  }
0xaf: {  	v4 =	vadd.s32 v16, v4;
	v16 =	vld [tilespmem:$0x1FCE0];
	v37, _, _ =	vpop (xrf0)  }
0xb0: {  	v9 =	vadd.s32 v21, v9;
	v21, _, _ =	vpop (xrf0)  }
0xb1: {  	v9 =	vadd.s32 v29, v9;
	v20, _, _ =	vpop (xrf0)  }
0xb2: {  	v9 =	vadd.s32 v42, v9;
	v42, _, _ =	vpop (xrf0)  }
0xb3: {  	v1 =	vadd.s32 v63, v1;
	v63 =	vld [tilespmem:$0x1FCF0];
	v9 =	vadd.s32 v51, v9;
	v51, _, _ =	vpop (xrf0)  }
0xb4: {  	v8 =	vadd.s32 v51, v9;
	v9 =	vadd.s32 v57, v16;
	v16 =	vld [tilespmem:$0x1FD00]  }
0xb5: {  	v4 =	vadd.s32 v27, v4;
	v27 =	vld [tilespmem:$0x1FD10];
	v2 =	vadd.s32 v2, v9  }
0xb6: {  	v2 =	vadd.s32 v13, v2;
	v13 =	vld [tilespmem:$0x1FD20];
	_ =	sdelay $0x2  }
0xb7: {  	v9 =	vadd.s32 v63, v16  }
0xb8: {  	v29 =	vld [tilespmem:$0x1FD30];
	v9 =	vadd.s32 v33, v9  }
0xb9: {  	v9 =	vadd.s32 v10, v9;
	v10 =	vadd.s32 v27, v13;
	v13 =	vld [tilespmem:$0x1FD40]  }
0xba: {  	v4 =	vadd.s32 v61, v4;
	v2 =	vadd.s32 v25, v2  }
0xbb: {  	v4 =	vadd.s32 v48, v4;
	v48 =	vld [tilespmem:$0x1FD70];
	v2 =	vadd.s32 v60, v2;
	v9 =	vadd.s32 v22, v9  }
0xbc: {  	v2 =	vadd.s32 v47, v2;
	v47 =	vld [tilespmem:$0x1FD60];
	v9 =	vadd.s32 v59, v9  }
0xbd: {  	v10 =	vadd.s32 v38, v10;
	v9 =	vadd.s32 v46, v9;
	v46 =	vld [tilespmem:$0x1FD50]  }
0xbe: {  	v1 =	vadd.s32 v50, v1;
	v50 =	vld [tilespmem:$0x1FD80];
	v7 =	vadd.s32 v7, v10;
	v10 =	vadd.s32 v29, v13  }
0xbf: {  	v1 =	vadd.s32 v42, v1;
	v42 =	vld [tilespmem:$0x1FF40];
	v10 =	vadd.s32 v56, v10  }
0xc0: {  	v51 =	vld [tilespmem:$0x1FD90];
	v3 =	vadd.s32 v3, v10  }
0xc1: {  	v25 =	vld [tilespmem:$0x1FF10];
	v9 =	vadd.s32 v37, v9;
	v3 =	vadd.s32 v14, v3  }
0xc2: {  	v27 =	vld [tilespmem:$0x1FF00];
	v38 =	vbroadcast v9, $0xF;
	v9 =	vadd.s32 v46, v47;
	v3 =	vadd.s32 v26, v3  }
0xc3: {  	v7 =	vadd.s32 v19, v7;
	v13 =	vld [tilespmem:$0x1FDC0];
	v9 =	vadd.s32 v48, v9;
	v3 =	vadd.s32 v44, v3  }
0xc4: {  	v0 =	vadd.s32 v0, v7;
	v9 =	vadd.s32 v35, v9;
	v3 =	vadd.s32 v55, v3;
	v55 =	vld [tilespmem:$0x1FDB0]  }
0xc5: {  	v29 =	vld [tilespmem:$0x1FF20];
	v0 =	vadd.s32 v45, v0;
	v9 =	vadd.s32 v11, v9  }
0xc6: {  	v0 =	vadd.s32 v43, v0;
	v43 =	vld [tilespmem:$0x1FF50];
	v9 =	vadd.s32 v23, v9  }
0xc7: {  	v4 =	vadd.s32 v20, v4;
	v26 =	vld [tilespmem:$0x1FF30];
	v9 =	vadd.s32 v41, v9  }
0xc8: {  	v1 =	vbroadcast v1, $0xF;
	v8 =	vbroadcast v8, $0xF;
	v9 =	vadd.s32 v54, v9;
	v54 =	vld [tilespmem:$0x1FDA0]  }
0xc9: {  	v4 =	vbroadcast v4, $0xF;
	v2 =	vadd.s32 v21, v2;
	v11 =	vadd.s32 v55, v13;
	v13 =	vld [tilespmem:$0x1FDD0]  }
0xca: {  	v36 =	vld [tilespmem:$0x1FF60];
	v1 =	vand.u32 v25, v1;
	v33 =	vand.u32 v27, v8;
	v0 =	vbroadcast v0, $0xF  }
0xcb: {  	v2 =	vbroadcast v2, $0xF;
	v1 =	vadd.s32 v33, v1;
	v8 =	vand.u32 v42, v38  }
0xcc: {  	v10 =	vadd.s32 v50, v51;
	v4 =	vand.u32 v29, v4;
	v0 =	vand.u32 v43, v0  }
0xcd: {  	v1 =	vadd.s32 v4, v1;
	v3 =	vbroadcast v3, $0xF;
	v10 =	vadd.s32 v54, v10  }
0xce: {  	v2 =	vand.u32 v26, v2;
	v10 =	vadd.s32 v58, v10;
	v11 =	vadd.s32 v13, v11  }
0xcf: {  	v20 =	vld [tilespmem:$0x1FF70];
	v3 =	vand.u32 v36, v3;
	v5 =	vadd.s32 v5, v10;
	v56 =	vadd.s32 v39, v11  }
0xd0: {  	[tilespmem:$0x100] =	vst v31;
	v63 =	vld [tilespmem:$0x1FF80];
	v9 =	vbroadcast v9, $0xF;
	v5 =	vadd.s32 v17, v5;
	v6 =	vadd.s32 v6, v56  }
0xd1: {  	[tilespmem:$0x110] =	vst v32;
	v19 =	vld [tilespmem:$0x1FF90];
	v1 =	vadd.s32 v2, v1;
	v57 =	vadd.s32 v28, v5;
	v58 =	vadd.s32 v18, v6  }
0xd2: {  	[tilespmem:$0x120] =	vst v34;
	v1 =	vadd.s32 v8, v1;
	v59 =	vadd.s32 v52, v57;
	v60 =	vadd.s32 v30, v58  }
0xd3: {  	[tilespmem:$0x130] =	vst v40;
	v0 =	vadd.s32 v0, v1;
	v2 =	vbroadcast v59, $0xF;
	v4 =	vadd.s32 v53, v60  }
0xd4: {  	[tilespmem:$0x140] =	vst v49;
	v61 =	vand.u32 v20, v9;
	v0 =	vadd.s32 v3, v0;
	v4 =	vbroadcast v4, $0xF  }
0xd5: {  	[tilespmem:$0x150] =	vst v62;
	v0 =	vadd.s32 v61, v0;
	v2 =	vand.u32 v63, v2  }
0xd6: {  	[tilespmem:$0x160] =	vst v12;
	v0 =	vadd.s32 v2, v0;
	v11 =	vand.u32 v19, v4  }
0xd7: {  	s12 =	rddreg [dreg:$0x7];
	[tilespmem:$0x170] =	vst v24;
	v0 =	vadd.s32 v11, v0  }
0xd8: {  	s13 =	rddreg [dreg:$0xb];
	[tilespmem:$0x8200] =	vst v0  }
0xd9: {  	[hbm4b:s12+s2] =	stream.linear.scatter [tilespmem:s13], [sflag:$0x3], $0x10, $0x38;
	[tilespmem:$0x8380] =	vst v63  }
0xda: {  	_ =	swait.ge [sflag:s6], $0x10  }
0xdb: {  	[sflag:s6] =	ssyncset.done $0x0  }
0xdc: {  	[sflag:s6] =	ssyncadd.s32 $0xFFFFFFF0  }
0xdd: {  	[bflag:$0x0] =	sbarrier.arrive $0xFFFF  }
0xde: {  	s14 =	rddreg [dreg:$0x8]  }
0xdf: {  	s15 =	rddreg [dreg:$0xc]  }
0xe0: {  	s11 =	rddreg [dreg:$0xd]  }
0xe1: {  	[tilespmem:s11], [sflag:$0x3] =	stream.strided.gather [hbm4b:s14+s7], $0x100, s15, s7, $0x38;
	[tilespmem:$0x8380] =	vst v63  }
0xe2: {  	_ =	swait.ge [sflag:s6], $0x100  }
0xe3: {  	[sflag:s6] =	ssyncset.done $0x0  }
0xe4: {  	[sflag:s6] =	ssyncadd.s32 $0xFFFFFF00  }
0xe5: {  	v21 =	vld [tilespmem:$0x8280]  }
0xe6: {  	v22 =	vld [tilespmem:$0x8290]  }
0xe7: {  	v23 =	vld [tilespmem:$0x82A0]  }
0xe8: {  	v24 =	vld [tilespmem:$0x82B0]  }
0xe9: {  	v28 =	vld [tilespmem:$0x82C0]  }
0xea: {  	v30 =	vld [tilespmem:$0x82D0]  }
0xeb: {  	v32 =	vld [tilespmem:$0x82E0];
	v31 =	vadd.s32 v21, v22  }
0xec: {  	v33 =	vld [tilespmem:$0x82F0];
	v6 =	vadd.s32 v23, v31  }
0xed: {  	v34 =	vld [tilespmem:$0x8300];
	v6 =	vadd.s32 v24, v6  }
0xee: {  	v35 =	vld [tilespmem:$0x8310];
	v6 =	vadd.s32 v28, v6  }
0xef: {  	v37 =	vld [tilespmem:$0x8320];
	v6 =	vadd.s32 v30, v6  }
0xf0: {  	v12 =	vld [tilespmem:$0x8330];
	v6 =	vadd.s32 v32, v6  }
0xf1: {  	v13 =	vld [tilespmem:$0x8340];
	v6 =	vadd.s32 v33, v6  }
0xf2: {  	v14 =	vld [tilespmem:$0x8350];
	v6 =	vadd.s32 v34, v6  }
0xf3: {  	v16 =	vld [tilespmem:$0x8360];
	v6 =	vadd.s32 v35, v6  }
0xf4: {  	v17 =	vld [tilespmem:$0x8370];
	v6 =	vadd.s32 v37, v6  }
0xf5: {  	v6 =	vadd.s32 v12, v6  }
0xf6: {  	v6 =	vadd.s32 v13, v6  }
0xf7: {  	v6 =	vadd.s32 v14, v6  }
0xf8: {  	v6 =	vadd.s32 v16, v6  }
0xf9: {  	v6 =	vadd.s32 v17, v6;
	v17 =	vld [tilespmem:$0x1FE00];
	_ =	sdelay $0x4  }
0xfa: {  	v0 =	vmul.u32 v17, v21;
	v17 =	vld [tilespmem:$0x1FE10];
	_ =	sdelay $0x4  }
0xfb: {  	v1 =	vmul.u32 v17, v22;
	v17 =	vld [tilespmem:$0x1FE20];
	_ =	sdelay $0x4  }
0xfc: {  	v2 =	vmul.u32 v17, v23;
	v17 =	vld [tilespmem:$0x1FEF0];
	_ =	sdelay $0x4  }
0xfd: {  	(xrf0) =	vadd.scan.msk.s32 $0xffff, v6;
	v0 =	vadd.s32 v17, v0;
	v17 =	vld [tilespmem:$0x1FE30]  }
0xfe: {  	v38 =	vld [tilespmem:$0x1FE40]  }
0xff: {  	v44 =	vld [tilespmem:$0x1FFA0];
	_ =	sdelay $0x2  }
0x100: {  	v0 =	vadd.s32 v1, v0;
	v3 =	vmul.u32 v17, v24  }
0x101: {  	v39, _, _ =	vpop (xrf0);
	v1 =	vmul.u32 v38, v28;
	v0 =	vadd.s32 v2, v0  }
0x102: {  	v40 =	vld [tilespmem:$0x1FE50];
	vm0 =	vnez.u8 v44;
	v4 =	vsub.s32 v39, v6;
	v0 =	vadd.s32 v3, v0  }
0x103: {  	v41 =	vld [tilespmem:$0x1FE60];
	v0 =	vadd.s32 v1, v0;
	v1 =	vnsel @!p0 vm0, $0x800, v4  }
0x104: {  	s10 =	simm.s32 @!p0 $0x0;
	s11 =	simm.s32 @!p0 $0x8200;
	s9 =	rddreg [dreg:$0x9];
	v45 =	vld [tilespmem:$0x1FE70];
	[tilespmem:$0x8200] =	vst @!p0 v1  }
0x105: {  	v46 =	vld [tilespmem:$0x1FE80];
	[hbm4b:s9+s10] =	stream.linear.scatter @!p0 [tilespmem:s11], [sflag:$0x3], $0x80, $0x38  }
0x106: {  	v47 =	vld [tilespmem:$0x1FE90];
	s9 =	simm.s32 @!p0 $0x3  }
0x107: {  	v48 =	vld [tilespmem:$0x1FEA0];
	v2 =	vmul.u32 v40, v30;
	_ =	swait.ge @!p0 [sflag:s9], $0x80  }
0x108: {  	v3 =	vmul.u32 v41, v32;
	v49 =	vld [tilespmem:$0x1FEB0]  }
0x109: {  	v5 =	vmul.u32 v45, v33;
	v0 =	vadd.s32 v2, v0;
	v50 =	vld [tilespmem:$0x1FEC0]  }
0x10a: {  	v1 =	vmul.u32 v46, v34;
	v0 =	vadd.s32 v3, v0;
	v51 =	vld [tilespmem:$0x1FED0]  }
0x10b: {  	v2 =	vmul.u32 v47, v35;
	v0 =	vadd.s32 v5, v0;
	v53 =	vld [tilespmem:$0x1FEE0]  }
0x10c: {  	v3 =	vmul.u32 v48, v37;
	v0 =	vadd.s32 v1, v0  }
0x10d: {  	[sflag:s9] =	ssyncset.done @!p0 $0x0;
	v0 =	vadd.s32 v2, v0;
	v1 =	vmul.u32 v49, v12  }
0x10e: {  	[sflag:s9] =	ssyncadd.s32 @!p0 $0xFFFFFF80;
	v0 =	vadd.s32 v3, v0;
	v2 =	vmul.u32 v50, v13  }
0x10f: {  	v52 =	vld [tilespmem:$0x100];
	v3 =	vmul.u32 v51, v14;
	v0 =	vadd.s32 v1, v0  }
0x110: {  	v54 =	vld [tilespmem:$0x110];
	v5 =	vmul.u32 v53, v16;
	v0 =	vadd.s32 v2, v0  }
0x111: {  	v0 =	vadd.s32 v3, v0  }
0x112: {  	v55 =	vld [tilespmem:$0x120];
	v0 =	vadd.s32 v5, v0  }
0x113: {  	v58 =	vld [tilespmem:$0x130];
	v31 =	vadd.s32 v4, v0  }
0x114: {  	vm15 =	veq.s32 v52, $0x0;
	v0 =	vand.u32 v63, v31  }
0x115: {  	v59 =	vld [tilespmem:$0x140];
	vm9 =	veq.s32 v54, $0x0;
	v56 =	vsel vm15, $0x1, v15;
	(xrf0) =	vadd.scan.msk.s32 $0xffff, v0  }
0x116: {  	v57 =	vsel vm9, $0x1, v15;
	(xrf0) =	vadd.scan.msk.s32 $0xffff, v56  }
0x117: {  	v60 =	vld [tilespmem:$0x150];
	vm6 =	veq.s32 v55, $0x0;
	(xrf0) =	vadd.scan.msk.s32 $0xffff, v57  }
0x118: {  	vm10 =	veq.s32 v58, $0x0;
	v1 =	vsel vm6, $0x1, v15  }
0x119: {  	v2 =	vsel vm10, $0x1, v15;
	(xrf0) =	vadd.scan.msk.s32 $0xffff, v1  }
0x11a: {  	vm11 =	veq.s32 v59, $0x0;
	(xrf0) =	vadd.scan.msk.s32 $0xffff, v2  }
0x11b: {  	v10 =	vsel vm11, $0x1, v15;
	v61, _, _ =	vpop (xrf0)  }
0x11c: {  	vm12 =	veq.s32 v60, $0x0;
	(xrf0) =	vadd.scan.msk.s32 $0xffff, v10;
	(v2sf) =	vpush v61, $0xF;
	v62, _, _ =	vpop (xrf0)  }
0x11d: {  	v11 =	vsel vm12, $0x1, v15;
	(v2sf) =	vpush v62, $0xF;
	v63, _, _ =	vpop (xrf0)  }
0x11e: {  	(xrf0) =	vadd.scan.msk.s32 $0xffff, v11;
	(v2sf) =	vpush v63, $0xF  }
0x11f: {  	v18 =	vld [tilespmem:$0x160];
	v21, _, _ =	vpop (xrf0)  }
0x120: {  	(v2sf) =	vpush v21, $0xF;
	v22, _, _ =	vpop (xrf0)  }
0x121: {  	(v2sf) =	vpush v22, $0xF  }
0x122: {  	v23, _, _ =	vpop (xrf0)  }
0x123: {  	(v2sf) =	vpush v23, $0xF  }
0x124: {  	vm13 =	veq.s32 v18, $0x0;
	v24, _, _ =	vpop (xrf0)  }
0x125: {  	v2 =	vsel vm13, $0x1, v15;
	(v2sf) =	vpush v24, $0xF  }
0x126: {  	(xrf0) =	vadd.scan.msk.s32 $0xffff, v2;
	_ =	sdelay $0x1  }
0x127: {  	v13 =	vld [tilespmem:$0x170]  }
0x128: {  	v51 =	vld [tilespmem:$0x110];
	_ =	sdelay $0x1  }
0x129: {  	s16 =	spop (v2sf)  }
0x12a: {  	v30, _, _ =	vpop (xrf0);
	s17 =	spop (v2sf)  }
0x12b: {  	v28 =	vld [tilespmem:$0x180];
	vm4 =	veq.s32 v13, $0x0;
	v4 =	vadd.s32 $0xFFFFFFFF, v61;
	s9 =	sadd.s32 s16, s17;
	s18 =	spop (v2sf);
	(v2sf) =	vpush v30, $0xF  }
0x12c: {  	vm8 =	veq.s32 v51, $0x1;
	v13 =	vsel vm4, $0x1, v15;
	v4 =	vbroadcast v4, $0xF;
	s10 =	sadd.s32 s9, s18  }
0x12d: {  	v32 =	vld [tilespmem:$0x190];
	v52 =	vand.u32 v19, v31;
	v33 =	vmov s9;
	s19 =	spop (v2sf);
	v34 =	vmov s10  }
0x12e: {  	v12 =	vld [tilespmem:$0x1A0];
	v1 =	vadd.s32 v62, v4;
	v10 =	vadd.s32 $0xFFFFFFFF, v33;
	s9 =	sadd.s32 s10, s19;
	s20 =	spop (v2sf);
	v11 =	vadd.s32 $0xFFFFFFFF, v34  }
0x12f: {  	v50 =	vld [tilespmem:$0x100];
	v10 =	vbroadcast v10, $0x0;
	v37 =	vmov s9;
	s9 =	sadd.s32 s9, s20;
	v11 =	vbroadcast v11, $0x0  }
0x130: {  	v4 =	vsel vm15, v1, v28;
	v38 =	vadd.s32 $0xFFFFFFFF, v37;
	s21 =	spop (v2sf);
	v40 =	vmov s9  }
0x131: {  	v39 =	vld [tilespmem:$0x1B0];
	v0 =	vadd.s32 v63, v10;
	s9 =	sadd.s32 s9, s21;
	v2 =	vadd.s32 $0xFFFFFFFF, v40;
	v35 =	vadd.s32 v21, v11  }
0x132: {  	v41 =	vld [tilespmem:$0x1C0];
	(xrf0) =	vadd.scan.msk.s32 $0xffff, v13;
	s22 =	spop (v2sf);
	v6 =	vsel vm9, v0, v32;
	v0 =	vbroadcast v38, $0x0;
	v44 =	vmov s9  }
0x133: {  	(xrf0) =	vadd.scan.msk.s32 $0xffff, v52;
	s9 =	sadd.s32 s9, s22;
	v2 =	vbroadcast v2, $0x0;
	v3 =	vsel vm6, v35, v12;
	v12 =	vld [tilespmem:$0x1D0];
	v11 =	vadd.s32 $0xFFFFFFFF, v44  }
0x134: {  	v16 =	vld [tilespmem:$0x1E0];
	[tilespmem:$0x180] =	vst v4;
	v14 =	vmov s9;
	vm6 =	veq.s32 v50, $0x1;
	v0 =	vadd.s32 v22, v0  }
0x135: {  	v53 =	vld [tilespmem:$0x120];
	[tilespmem:$0x190] =	vst v6;
	v11 =	vbroadcast v11, $0x0;
	v13 =	vadd.s32 $0xFFFFFFFF, v14;
	v45 =	vadd.s32 v23, v2  }
0x136: {  	[tilespmem:$0x1A0] =	vst v3;
	v9 =	vsel vm6, $0x1, v15;
	v5 =	vsel vm10, v0, v39;
	v46 =	vbroadcast v13, $0x0  }
0x137: {  	v0 =	vsel vm11, v45, v41;
	(xrf0) =	vadd.scan.msk.s32 $0xffff, v9;
	[tilespmem:$0x1B0] =	vst v5;
	v47 =	vadd.s32 v24, v11  }
0x138: {  	v54 =	vld [tilespmem:$0x130];
	v10 =	vsel vm8, $0x1, v15;
	[tilespmem:$0x1C0] =	vst v0;
	v1 =	vadd.s32 v30, v46;
	v2 =	vsel vm12, v47, v12  }
0x139: {  	(xrf0) =	vadd.scan.msk.s32 $0xffff, v10;
	v1 =	vsel vm13, v1, v16;
	[tilespmem:$0x1D0] =	vst v2  }
0x13a: {  	v49 =	vld [tilespmem:$0x1F0];
	vm3 =	veq.s32 v53, $0x1;
	v48, _, _ =	vpop (xrf0);
	[tilespmem:$0x1E0] =	vst v1;
	s23 =	spop (v2sf)  }
0x13b: {  	v12 =	vsel vm3, $0x1, v15;
	v10 =	vld [tilespmem:$0x140]  }
0x13c: {  	v55, _, _ =	vpop (xrf0);
	(xrf0) =	vadd.scan.msk.s32 $0xffff, v12;
	v12 =	vld [tilespmem:$0x150]  }
0x13d: {  	vm1 =	veq.s32 v54, $0x1;
	(v2sf) =	vpush v55, $0xF;
	v13, _, _ =	vpop (xrf0)  }
0x13e: {  	v9 =	vsel vm1, $0x1, v15;
	(v2sf) =	vpush v13, $0xF  }
0x13f: {  	v56 =	vld [tilespmem:$0x160];
	(xrf0) =	vadd.scan.msk.s32 $0xffff, v9;
	v57, _, _ =	vpop (xrf0)  }
0x140: {  	(v2sf) =	vpush v57, $0xF;
	vm7 =	veq.s32 v10, $0x1  }
0x141: {  	vm9 =	veq.s32 v12, $0x1;
	v12 =	vld [tilespmem:$0x170];
	v14 =	vsel vm7, $0x1, v15  }
0x142: {  	(xrf0) =	vadd.scan.msk.s32 $0xffff, v14  }
0x143: {  	v16 =	vsel vm9, $0x1, v15  }
0x144: {  	vm12 =	veq.s32 v56, $0x1;
	(xrf0) =	vadd.scan.msk.s32 $0xffff, v16;
	v14, _, _ =	vpop (xrf0)  }
0x145: {  	v17 =	vld [tilespmem:$0x100];
	v16 =	vsel vm12, $0x1, v15;
	(v2sf) =	vpush v14, $0xF;
	v58, _, _ =	vpop (xrf0)  }
0x146: {  	vm11 =	veq.s32 v12, $0x1;
	v12 =	vld [tilespmem:$0x110];
	(v2sf) =	vpush v58, $0xF  }
0x147: {  	(xrf0) =	vadd.scan.msk.s32 $0xffff, v16  }
0x148: {  	v61 =	vand.u32 v20, v31;
	s9 =	sadd.s32 s9, s23;
	v45 =	vadd.s32 $0xFFFFFFFF, v55;
	v16, _, _ =	vpop (xrf0)  }
0x149: {  	v41 =	vld [tilespmem:$0x120];
	v60 =	vmov s9;
	v8 =	vbroadcast v45, $0xF;
	(v2sf) =	vpush v16, $0xF  }
0x14a: {  	v52 =	vld [tilespmem:$0x160];
	vm14 =	veq.s32 v17, $0x2;
	v17 =	vadd.s32 $0xFFFFFFFF, v60;
	v59 =	vsel vm11, $0x1, v15;
	v62, _, _ =	vpop (xrf0)  }
0x14b: {  	v17 =	vbroadcast v17, $0x0;
	(xrf0) =	vadd.scan.msk.s32 $0xffff, v59;
	(v2sf) =	vpush v62, $0xF;
	vm2 =	veq.s32 v12, $0x2;
	v12 =	vld [tilespmem:$0x130]  }
0x14c: {  	v40 =	vsel vm14, $0x1, v15;
	(xrf0) =	vadd.scan.msk.s32 $0xffff, v61;
	s24 =	spop (v2sf)  }
0x14d: {  	v28 =	vld [tilespmem:$0x150];
	v8 =	vadd.s32 v13, v8;
	v7 =	vadd.s32 v48, v17;
	(xrf0) =	vadd.scan.msk.s32 $0xffff, v40;
	v21, _, _ =	vpop (xrf0);
	v17 =	vsel vm2, $0x1, v15;
	s25 =	spop (v2sf)  }
0x14e: {  	v37 =	vsel vm6, v8, v4;
	(v2sf) =	vpush v21, $0xF;
	(xrf0) =	vadd.scan.msk.s32 $0xffff, v17;
	s9 =	sadd.s32 s24, s25  }
0x14f: {  	vm10 =	veq.s32 v52, $0x2;
	v33 =	vsel vm4, v7, v49;
	s26 =	spop (v2sf);
	v44 =	vmov s9  }
0x150: {  	vm4 =	veq.s32 v41, $0x2;
	s9 =	sadd.s32 s9, s26;
	v7 =	vadd.s32 $0xFFFFFFFF, v44;
	vm5 =	veq.s32 v12, $0x2;
	v12 =	vld [tilespmem:$0x140]  }
0x151: {  	v53 =	vld [tilespmem:$0x170];
	v47 =	vsel vm4, $0x1, v15;
	v46, _, _ =	vpop (xrf0);
	v48 =	vmov s9;
	v7 =	vbroadcast v7, $0x0  }
0x152: {  	vm6 =	veq.s32 v28, $0x2;
	v59 =	vsel vm10, $0x1, v15;
	(xrf0) =	vadd.scan.msk.s32 $0xffff, v47;
	v17, _, _ =	vpop (xrf0);
	v63 =	vadd.s32 $0xFFFFFFFF, v48  }
0x153: {  	(v2sf) =	vpush v17, $0xF;
	v49, _, _ =	vpop (xrf0);
	v40 =	vbroadcast v63, $0x0;
	v7 =	vadd.s32 v57, v7  }
0x154: {  	v24 =	vsel vm5, $0x1, v15;
	v44, _, _ =	vpop (xrf0);
	v32 =	vsel vm8, v7, v6;
	s28 =	spop (v2sf);
	(v2sf) =	vpush v49, $0xF  }
0x155: {  	(xrf0) =	vadd.scan.msk.s32 $0xffff, v24;
	v50 =	vadd.s32 v14, v40;
	vm8 =	veq.s32 v12, $0x2;
	s9 =	sadd.s32 s9, s28;
	s29 =	spop (v2sf);
	(v2sf) =	vpush v44, $0xF  }
0x156: {  	v35 =	vsel vm3, v50, v3;
	vm3 =	veq.s32 v53, $0x2;
	v41 =	vmov s9;
	s9 =	sadd.s32 s9, s29  }
0x157: {  	v13 =	vsel vm8, $0x1, v15;
	v4 =	vadd.s32 $0xFFFFFFFF, v41;
	v51 =	vmov s9  }
0x158: {  	v56 =	vld [tilespmem:$0x100];
	v12, _, _ =	vpop (xrf0);
	(xrf0) =	vadd.scan.msk.s32 $0xffff, v13;
	v13 =	vsel vm6, $0x1, v15;
	v4 =	vbroadcast v4, $0x0;
	s30 =	spop (v2sf);
	v8 =	vadd.s32 $0xFFFFFFFF, v51  }
0x159: {  	v19 =	vadd.s32 $0xFFFFFFFF, v17;
	(xrf0) =	vadd.scan.msk.s32 $0xffff, v13;
	v13 =	vsel vm3, $0x1, v15;
	(v2sf) =	vpush v12, $0xF;
	s9 =	sadd.s32 s9, s30  }
0x15a: {  	v63 =	vld [tilespmem:$0x120];
	(xrf0) =	vadd.scan.msk.s32 $0xffff, v59;
	v54 =	vbroadcast v8, $0x0;
	s31 =	spop (v2sf);
	v14 =	vmov s9;
	v4 =	vadd.s32 v58, v4  }
0x15b: {  	(xrf0) =	vadd.scan.msk.s32 $0xffff, v13;
	v13 =	vand.u32 v36, v31;
	s9 =	sadd.s32 s9, s31;
	v55 =	vadd.s32 $0xFFFFFFFF, v14;
	v8, _, _ =	vpop (xrf0);
	v34 =	vsel vm1, v4, v5  }
0x15c: {  	v51 =	vld [tilespmem:$0x150];
	v58 =	vmov s9;
	v7 =	vbroadcast v55, $0x0;
	(v2sf) =	vpush v8, $0xF  }
0x15d: {  	v3 =	vadd.s32 v16, v54;
	s11 =	spop (v2sf);
	v14 =	vld [tilespmem:$0x110];
	vm1 =	veq.s32 v56, $0x3;
	v5 =	vadd.s32 $0xFFFFFFFF, v58  }
0x15e: {  	(xrf0) =	vadd.scan.msk.s32 $0xffff, v13;
	s9 =	sadd.s32 s9, s11;
	v13 =	vsel vm1, $0x1, v15;
	v41 =	vsel vm7, v3, v0;
	v57 =	vadd.s32 v62, v7;
	v62, _, _ =	vpop (xrf0)  }
0x15f: {  	vm7 =	veq.s32 v63, $0x3;
	v60 =	vmov s9;
	(v2sf) =	vpush v62, $0xF;
	v16, _, _ =	vpop (xrf0)  }
0x160: {  	v5 =	vbroadcast v5, $0x0;
	v61 =	vadd.s32 $0xFFFFFFFF, v60;
	(v2sf) =	vpush v16, $0xF  }
0x161: {  	v20 =	vld [tilespmem:$0x130];
	(xrf0) =	vadd.scan.msk.s32 $0xffff, v13;
	v45 =	vsel vm7, $0x1, v15;
	vm13 =	veq.s32 v51, $0x3;
	v7 =	vbroadcast v61, $0x0  }
0x162: {  	s12 =	spop (v2sf);
	v39 =	vsel vm9, v57, v2;
	v5 =	vadd.s32 v21, v5;
	vm9 =	veq.s32 v14, $0x3  }
0x163: {  	v38 =	vsel vm12, v5, v1;
	v1 =	vbroadcast v19, $0xF;
	v23, _, _ =	vpop (xrf0);
	v24 =	vsel vm9, $0x1, v15;
	s13 =	spop (v2sf)  }
0x164: {  	v17 =	vsel vm13, $0x1, v15;
	v57 =	vld [tilespmem:$0x100];
	v18 =	vadd.s32 v46, v7;
	(v2sf) =	vpush v23, $0xF;
	v30, _, _ =	vpop (xrf0);
	(xrf0) =	vadd.scan.msk.s32 $0xffff, v24;
	s9 =	sadd.s32 s12, s13;
	s14 =	spop (v2sf)  }
0x165: {  	v46 =	vld [tilespmem:$0x140];
	v36 =	vsel vm11, v18, v33;
	v1 =	vadd.s32 v49, v1;
	v48, _, _ =	vpop (xrf0);
	(xrf0) =	vadd.scan.msk.s32 $0xffff, v45;
	v21 =	vmov s9;
	s9 =	sadd.s32 s9, s14  }
0x166: {  	vm11 =	veq.s32 v20, $0x3;
	(v2sf) =	vpush v48, $0xF;
	v47 =	vmov s9  }
0x167: {  	v50, _, _ =	vpop (xrf0);
	v13 =	vsel vm11, $0x1, v15;
	v40 =	vsel vm14, v1, v37;
	v49 =	vadd.s32 $0xFFFFFFFF, v47  }
0x168: {  	v11 =	vadd.s32 $0xFFFFFFFF, v48;
	(v2sf) =	vpush v50, $0xF;
	v3 =	vbroadcast v49, $0x0  }
0x169: {  	v53 =	vld [tilespmem:$0x160];
	vm12 =	veq.s32 v57, $0x4;
	v11 =	vbroadcast v11, $0xF;
	v28 =	vadd.s32 $0xFFFFFFFF, v21;
	s15 =	spop (v2sf)  }
0x16a: {  	vm14 =	veq.s32 v46, $0x3;
	v0 =	vbroadcast v28, $0x0;
	s9 =	sadd.s32 s9, s15;
	v3 =	vadd.s32 v12, v3;
	v12, _, _ =	vpop (xrf0)  }
0x16b: {  	(xrf0) =	vadd.scan.msk.s32 $0xffff, v13;
	v13 =	vsel vm14, $0x1, v15;
	v52 =	vmov s9;
	s16 =	spop (v2sf);
	(v2sf) =	vpush v12, $0xF;
	v14, _, _ =	vpop (xrf0)  }
0x16c: {  	v55 =	vld [tilespmem:$0x170];
	v21 =	vsel vm12, $0x1, v15;
	(xrf0) =	vadd.scan.msk.s32 $0xffff, v13;
	v1 =	vadd.s32 $0xFFFFFFFF, v52;
	s9 =	sadd.s32 s9, s16;
	(v2sf) =	vpush v14, $0xF  }
0x16d: {  	v0 =	vadd.s32 v44, v0;
	v1 =	vbroadcast v1, $0x0;
	v54 =	vmov s9  }
0x16e: {  	v45 =	vsel vm2, v0, v32;
	vm2 =	veq.s32 v53, $0x3;
	v4 =	vadd.s32 $0xFFFFFFFF, v54;
	s17 =	spop (v2sf)  }
0x16f: {  	v18 =	vld [tilespmem:$0x100];
	(xrf0) =	vadd.scan.msk.s32 $0xffff, v17;
	v60 =	vsel vm2, $0x1, v15;
	v56 =	vadd.s32 v8, v1;
	v13 =	vbroadcast v4, $0x0;
	s9 =	sadd.s32 s9, s17;
	s18 =	spop (v2sf)  }
0x170: {  	v17 =	vld [tilespmem:$0x110];
	v4 =	vsel vm4, v3, v35;
	v3 =	vsel vm5, v56, v34;
	v59 =	vmov s9;
	s9 =	sadd.s32 s9, s18  }
0x171: {  	v53 =	vld [tilespmem:$0x140];
	v8, _, _ =	vpop (xrf0);
	vm5 =	veq.s32 v55, $0x3;
	v58 =	vadd.s32 v62, v13;
	v13 =	vmov s9  }
0x172: {  	v22 =	vld [tilespmem:$0x120];
	(xrf0) =	vadd.scan.msk.s32 $0xffff, v60;
	(v2sf) =	vpush v8, $0xF;
	v63, _, _ =	vpop (xrf0);
	v62 =	vadd.s32 $0xFFFFFFFF, v13;
	v13 =	vsel vm5, $0x1, v15  }
0x173: {  	v9 =	vadd.s32 v50, v11;
	(v2sf) =	vpush v63, $0xF;
	s19 =	spop (v2sf);
	(xrf0) =	vadd.scan.msk.s32 $0xffff, v13;
	v13 =	vand.u32 v43, v31  }
0x174: {  	v48 =	vsel vm1, v9, v40;
	vm15 =	veq.s32 v18, $0x5;
	v6 =	vadd.s32 $0xFFFFFFFF, v59;
	s9 =	sadd.s32 s9, s19;
	(xrf0) =	vadd.scan.msk.s32 $0xffff, v13  }
0x175: {  	v24 =	vld [tilespmem:$0x130];
	vm0 =	veq.s32 v17, $0x4;
	v1, _, _ =	vpop (xrf0);
	v61 =	vbroadcast v6, $0x0;
	v13 =	vmov s9;
	(xrf0) =	vadd.scan.msk.s32 $0xffff, v21  }
0x176: {  	vm1 =	veq.s32 v53, $0x4;
	(v2sf) =	vpush v1, $0xF;
	v20 =	vbroadcast v62, $0x0  }
0x177: {  	v44 =	vsel vm8, v58, v41;
	vm8 =	veq.s32 v22, $0x4;
	v2 =	vadd.s32 v16, v61  }
0x178: {  	s20 =	spop (v2sf);
	v16 =	vsel vm0, $0x1, v15;
	v0 =	vadd.s32 v23, v20;
	v23 =	vadd.s32 $0xFFFFFFFF, v13;
	v13, _, _ =	vpop (xrf0)  }
0x179: {  	v6 =	vsel vm1, $0x1, v15;
	s21 =	spop (v2sf);
	v46 =	vsel vm6, v2, v39;
	v2 =	vbroadcast v23, $0x0;
	(xrf0) =	vadd.scan.msk.s32 $0xffff, v16;
	v7, _, _ =	vpop (xrf0)  }
0x17a: {  	v56 =	vld [tilespmem:$0x150];
	v17 =	vsel vm8, $0x1, v15;
	s9 =	sadd.s32 s20, s21;
	vm6 =	veq.s32 v24, $0x4;
	(v2sf) =	vpush v13, $0xF;
	v43, _, _ =	vpop (xrf0);
	s22 =	spop (v2sf)  }
0x17b: {  	v28 =	vadd.s32 v30, v2;
	v30 =	vmov s9;
	(v2sf) =	vpush v43, $0xF;
	v16, _, _ =	vpop (xrf0);
	s9 =	sadd.s32 s9, s22;
	s23 =	spop (v2sf)  }
0x17c: {  	v2 =	vadd.s32 $0xFFFFFFFF, v30;
	(v2sf) =	vpush v16, $0xF;
	v54 =	vmov s9;
	s9 =	sadd.s32 s9, s23  }
0x17d: {  	v58 =	vld [tilespmem:$0x160];
	v5 =	vsel vm6, $0x1, v15;
	(xrf0) =	vadd.scan.msk.s32 $0xffff, v17;
	v2 =	vbroadcast v2, $0x0;
	v55 =	vmov s9  }
0x17e: {  	v24 =	vand.u32 v42, v31;
	v47 =	vsel vm10, v0, v38;
	(xrf0) =	vadd.scan.msk.s32 $0xffff, v5;
	v5 =	vadd.s32 $0xFFFFFFFF, v55  }
0x17f: {  	vm10 =	veq.s32 v56, $0x4;
	v2 =	vadd.s32 v12, v2;
	v12, _, _ =	vpop (xrf0);
	v5 =	vbroadcast v5, $0x0  }
0x180: {  	v49 =	vsel vm3, v28, v36;
	v0 =	vadd.s32 $0xFFFFFFFF, v54;
	(v2sf) =	vpush v12, $0xF  }
0x181: {  	v30 =	vsel vm15, $0x1, v15;
	v28 =	vadd.s32 $0xFFFFFFFF, v43;
	s24 =	spop (v2sf);
	v0 =	vbroadcast v0, $0x0  }
0x182: {  	(xrf0) =	vadd.scan.msk.s32 $0xffff, v6;
	v6 =	vbroadcast v28, $0xF;
	v50 =	vsel vm9, v2, v45;
	vm9 =	veq.s32 v58, $0x4;
	s9 =	sadd.s32 s9, s24;
	s25 =	spop (v2sf)  }
0x183: {  	v21 =	vld [tilespmem:$0x110];
	v57 =	vmov s9;
	s9 =	sadd.s32 s9, s25;
	v0 =	vadd.s32 v14, v0;
	v59 =	vadd.s32 v8, v5;
	v5, _, _ =	vpop (xrf0)  }
0x184: {  	v2 =	vadd.s32 $0xFFFFFFFF, v57;
	v60 =	vmov s9;
	(v2sf) =	vpush v5, $0xF;
	v8, _, _ =	vpop (xrf0)  }
0x185: {  	v17 =	vld [tilespmem:$0x170];
	s26 =	spop (v2sf);
	v14 =	vsel vm10, $0x1, v15;
	v2 =	vbroadcast v2, $0x0;
	(v2sf) =	vpush v8, $0xF  }
0x186: {  	v42 =	vld [tilespmem:$0x120];
	v20 =	vsel vm9, $0x1, v15;
	v6 =	vadd.s32 v16, v6;
	s9 =	sadd.s32 s9, s26;
	v62 =	vadd.s32 $0xFFFFFFFF, v60;
	(xrf0) =	vadd.scan.msk.s32 $0xffff, v14  }
0x187: {  	(xrf0) =	vadd.scan.msk.s32 $0xffff, v20;
	v61 =	vadd.s32 v63, v2;
	v2 =	vbroadcast v62, $0x0;
	v63 =	vmov s9  }
0x188: {  	vm4 =	veq.s32 v21, $0x5;
	v55 =	vsel vm12, v6, v48;
	v19 =	vadd.s32 $0xFFFFFFFF, v63  }
0x189: {  	v51 =	vsel vm7, v0, v4;
	v9, _, _ =	vpop (xrf0);
	v1 =	vadd.s32 v1, v2;
	v0 =	vbroadcast v19, $0x0;
	s28 =	spop (v2sf)  }
0x18a: {  	v63 =	vld [tilespmem:$0x160];
	v52 =	vsel vm13, v1, v46;
	vm13 =	veq.s32 v17, $0x4;
	(v2sf) =	vpush v9, $0xF;
	s9 =	sadd.s32 s9, s28;
	s29 =	spop (v2sf)  }
0x18b: {  	vm7 =	veq.s32 v42, $0x5;
	v17 =	vld [tilespmem:$0x140];
	v23 =	vsel vm13, $0x1, v15;
	v22 =	vmov s9;
	s30 =	spop (v2sf)  }
0x18c: {  	v53 =	vsel vm11, v59, v3;
	v0 =	vadd.s32 v13, v0;
	v13, _, _ =	vpop (xrf0);
	(xrf0) =	vadd.scan.msk.s32 $0xffff, v23;
	v1 =	vadd.s32 $0xFFFFFFFF, v22;
	s9 =	sadd.s32 s29, s30  }
0x18d: {  	v60 =	vld [tilespmem:$0x150];
	v10, _, _ =	vpop (xrf0);
	(xrf0) =	vadd.scan.msk.s32 $0xffff, v24;
	(v2sf) =	vpush v13, $0xF;
	v1 =	vbroadcast v1, $0x0;
	v14 =	vmov s9  }
0x18e: {  	v43 =	vld [tilespmem:$0x130];
	(xrf0) =	vadd.scan.msk.s32 $0xffff, v30;
	(v2sf) =	vpush v10, $0xF;
	v57 =	vadd.s32 $0xFFFFFFFF, v14;
	v14 =	vsel vm4, $0x1, v15  }
0x18f: {  	v11 =	vsel vm7, $0x1, v15;
	v24 =	vld [tilespmem:$0x170];
	v1 =	vadd.s32 v7, v1;
	s31 =	spop (v2sf);
	v7 =	vbroadcast v57, $0x0;
	(xrf0) =	vadd.scan.msk.s32 $0xffff, v14  }
0x190: {  	v54 =	vsel vm14, v61, v44;
	vm11 =	veq.s32 v63, $0x5;
	vm3 =	veq.s32 v17, $0x5;
	s9 =	sadd.s32 s9, s31  }
0x191: {  	v61 =	vsel vm3, $0x1, v15;
	v56 =	vsel vm5, v1, v49;
	v59 =	vmov s9  }
0x192: {  	v6, _, _ =	vpop (xrf0);
	vm5 =	veq.s32 v60, $0x5;
	v57 =	vsel vm2, v0, v47;
	v1 =	vadd.s32 $0xFFFFFFFF, v59  }
0x193: {  	vm2 =	veq.s32 v43, $0x5;
	v58 =	vadd.s32 v12, v7;
	v16 =	vbroadcast v1, $0x0;
	s11 =	spop (v2sf);
	v7, _, _ =	vpop (xrf0)  }
0x194: {  	vm14 =	veq.s32 v24, $0x5;
	(xrf0) =	vadd.scan.msk.s32 $0xffff, v11;
	v2 =	vsel vm2, $0x1, v15;
	s9 =	sadd.s32 s9, s11;
	s12 =	spop (v2sf);
	(v2sf) =	vpush v7, $0xF;
	v12, _, _ =	vpop (xrf0)  }
0x195: {  	v22 =	vadd.s32 v5, v16;
	v14 =	vmov s9;
	s9 =	sadd.s32 s9, s12;
	(v2sf) =	vpush v12, $0xF;
	v17, _, _ =	vpop (xrf0)  }
0x196: {  	(xrf0) =	vadd.scan.msk.s32 $0xffff, v2;
	v62 =	vadd.s32 $0xFFFFFFFF, v14;
	v14 =	vmov s9;
	(v2sf) =	vpush v17, $0xF  }
0x197: {  	v30 =	vld [tilespmem:$0x110];
	v16 =	vsel vm5, $0x1, v15;
	(xrf0) =	vadd.scan.msk.s32 $0xffff, v61;
	v7 =	vadd.s32 $0xFFFFFFFF, v7;
	v14 =	vadd.s32 $0xFFFFFFFF, v14  }
0x198: {  	v59 =	vsel vm14, $0x1, v15;
	v1 =	vsel vm0, v58, v50;
	(xrf0) =	vadd.scan.msk.s32 $0xffff, v16;
	v16 =	vld [tilespmem:$0x100];
	v7 =	vbroadcast v7, $0xF  }
0x199: {  	v2 =	vsel vm11, $0x1, v15;
	v0 =	vsel vm8, v22, v51;
	s13 =	spop (v2sf);
	v21 =	vbroadcast v62, $0x0  }
0x19a: {  	v61 =	vand.u32 v26, v31;
	s9 =	sadd.s32 s9, s13;
	v26 =	vadd.s32 v12, v7;
	v23 =	vbroadcast v14, $0x0;
	v14, _, _ =	vpop (xrf0)  }
0x19b: {  	[tilespmem:$0x1F0] =	vst v33;
	v28 =	vmov s9;
	v8 =	vadd.s32 v8, v21;
	(v2sf) =	vpush v14, $0xF  }
0x19c: {  	[tilespmem:$0x1B0] =	vst v34;
	v24 =	vld [tilespmem:$0x140];
	s14 =	spop (v2sf);
	v5 =	vadd.s32 v9, v23;
	v9 =	vadd.s32 $0xFFFFFFFF, v28;
	v58 =	vsel vm6, v8, v53  }
0x19d: {  	v60 =	vld [tilespmem:$0x120];
	(xrf0) =	vadd.scan.msk.s32 $0xffff, v2;
	s9 =	sadd.s32 s9, s14;
	s15 =	spop (v2sf);
	vm8 =	veq.s32 v16, $0x6;
	vm6 =	veq.s32 v30, $0x6;
	v18, _, _ =	vpop (xrf0);
	v9 =	vbroadcast v9, $0x0  }
0x19e: {  	(xrf0) =	vadd.scan.msk.s32 $0xffff, v59;
	v16 =	vld [tilespmem:$0x130];
	v42 =	vmov s9;
	s9 =	sadd.s32 s9, s15;
	v63 =	vsel vm8, $0x1, v15;
	(v2sf) =	vpush v18, $0xF;
	v19, _, _ =	vpop (xrf0)  }
0x19f: {  	(xrf0) =	vadd.scan.msk.s32 $0xffff, v61;
	v62 =	vmov s9;
	(v2sf) =	vpush v19, $0xF;
	v33 =	vadd.s32 v13, v9;
	v13, _, _ =	vpop (xrf0)  }
0x1a0: {  	v20 =	vsel vm6, $0x1, v15;
	(xrf0) =	vadd.scan.msk.s32 $0xffff, v63;
	v11 =	vadd.s32 $0xFFFFFFFF, v62;
	(v2sf) =	vpush v13, $0xF  }
0x1a1: {  	v34 =	vsel vm15, v26, v55;
	vm15 =	veq.s32 v24, $0x6;
	v43 =	vadd.s32 $0xFFFFFFFF, v42;
	(xrf0) =	vadd.scan.msk.s32 $0xffff, v20  }
0x1a2: {  	[tilespmem:$0x180] =	vst v37;
	v2 =	vsel vm1, v5, v54;
	v5 =	vbroadcast v43, $0x0;
	v37 =	vsel vm10, v33, v52  }
0x1a3: {  	[tilespmem:$0x190] =	vst v32;
	v21 =	vbroadcast v11, $0x0;
	vm10 =	veq.s32 v60, $0x6;
	vm0 =	veq.s32 v16, $0x6;
	v11, _, _ =	vpop (xrf0);
	s16 =	spop (v2sf)  }
0x1a4: {  	[tilespmem:$0x1A0] =	vst v35;
	v30 =	vld [tilespmem:$0x150];
	v5 =	vadd.s32 v10, v5;
	v23 =	vsel vm10, $0x1, v15;
	v16 =	vsel vm0, $0x1, v15;
	v9, _, _ =	vpop (xrf0);
	s17 =	spop (v2sf)  }
0x1a5: {  	v8 =	vsel vm15, $0x1, v15;
	v43 =	vld [tilespmem:$0x160];
	v33 =	vsel vm9, v5, v57;
	(xrf0) =	vadd.scan.msk.s32 $0xffff, v23;
	v7, _, _ =	vpop (xrf0);
	(v2sf) =	vpush v11, $0xF;
	s9 =	sadd.s32 s16, s17;
	s18 =	spop (v2sf)  }
0x1a6: {  	[tilespmem:$0x1E0] =	vst v38;
	v22 =	vadd.s32 v6, v21;
	v12, _, _ =	vpop (xrf0);
	(v2sf) =	vpush v7, $0xF;
	v28 =	vmov s9;
	s9 =	sadd.s32 s9, s18  }
0x1a7: {  	v62 =	vld [tilespmem:$0x170];
	(xrf0) =	vadd.scan.msk.s32 $0xffff, v16;
	v16, _, _ =	vpop (xrf0);
	(v2sf) =	vpush v12, $0xF;
	v35 =	vadd.s32 $0xFFFFFFFF, v28;
	v42 =	vmov s9  }
0x1a8: {  	[tilespmem:$0x1F0] =	vst v36;
	(v2sf) =	vpush v16, $0xF;
	v5 =	vbroadcast v35, $0x0;
	v10 =	vadd.s32 $0xFFFFFFFF, v42  }
0x1a9: {  	[tilespmem:$0x180] =	vst v40;
	v26 =	vld [tilespmem:$0x100];
	vm9 =	veq.s32 v30, $0x6;
	v32 =	vsel vm13, v22, v56;
	v10 =	vbroadcast v10, $0x0  }
0x1aa: {  	[tilespmem:$0x180] =	vst v48;
	v61 =	vsel vm9, $0x1, v15;
	vm12 =	veq.s32 v43, $0x6;
	s19 =	spop (v2sf);
	v5 =	vadd.s32 v17, v5  }
0x1ab: {  	[tilespmem:$0x1B0] =	vst v3;
	v24 =	vsel vm12, $0x1, v15;
	s9 =	sadd.s32 s9, s19;
	v59 =	vadd.s32 v14, v10;
	v14, _, _ =	vpop (xrf0);
	v36 =	vsel vm4, v5, v1  }
0x1ac: {  	[tilespmem:$0x1B0] =	vst v53;
	vm4 =	veq.s32 v62, $0x6;
	v60 =	vmov s9;
	(v2sf) =	vpush v14, $0xF  }
0x1ad: {  	(xrf0) =	vadd.scan.msk.s32 $0xffff, v8;
	s20 =	spop (v2sf);
	v35 =	vsel vm7, v59, v0;
	v8 =	vsel vm4, $0x1, v15;
	v59 =	vand.u32 v29, v31  }
0x1ae: {  	(xrf0) =	vadd.scan.msk.s32 $0xffff, v61;
	s9 =	sadd.s32 s9, s20;
	s21 =	spop (v2sf);
	v22, _, _ =	vpop (xrf0);
	vm7 =	veq.s32 v26, $0x7;
	v26 =	vadd.s32 $0xFFFFFFFF, v7;
	v10 =	vadd.s32 $0xFFFFFFFF, v60  }
0x1af: {  	v53 =	vld [tilespmem:$0x160];
	(xrf0) =	vadd.scan.msk.s32 $0xffff, v24;
	s10 =	sadd.s32 s9, s21;
	v17 =	vmov s9;
	(v2sf) =	vpush v22, $0xF;
	s22 =	spop (v2sf);
	v10 =	vbroadcast v10, $0x0  }
0x1b0: {  	[tilespmem:$0x190] =	vst v45;
	v62 =	vsel vm7, $0x1, v15;
	v63 =	vmov s10;
	v17 =	vadd.s32 $0xFFFFFFFF, v17;
	s9 =	sadd.s32 s10, s22  }
0x1b1: {  	[tilespmem:$0x180] =	vst v55;
	v20 =	vadd.s32 $0xFFFFFFFF, v63;
	v17 =	vbroadcast v17, $0x0;
	v45 =	vmov s9  }
0x1b2: {  	v55 =	vld [tilespmem:$0x170];
	(xrf0) =	vadd.scan.msk.s32 $0xffff, v8;
	v20 =	vbroadcast v20, $0x0;
	v28 =	vadd.s32 v18, v10;
	v3 =	vadd.s32 $0xFFFFFFFF, v45  }
0x1b3: {  	(xrf0) =	vadd.scan.msk.s32 $0xffff, v59;
	v30 =	vadd.s32 v19, v17;
	v17 =	vld [tilespmem:$0x110];
	v63 =	vbroadcast v3, $0x0;
	v3 =	vsel vm2, v28, v58;
	v10, _, _ =	vpop (xrf0)  }
0x1b4: {  	vm2 =	veq.s32 v53, $0x7;
	v38 =	vadd.s32 v13, v20;
	s23 =	spop (v2sf);
	(xrf0) =	vadd.scan.msk.s32 $0xffff, v62;
	(v2sf) =	vpush v10, $0xF;
	v13, _, _ =	vpop (xrf0)  }
0x1b5: {  	[tilespmem:$0x1C0] =	vst v41;
	v41 =	vsel vm3, v30, v2;
	v30 =	vld [tilespmem:$0x120];
	s9 =	sadd.s32 s9, s23;
	s24 =	spop (v2sf);
	v38 =	vsel vm5, v38, v37;
	(v2sf) =	vpush v13, $0xF;
	v61, _, _ =	vpop (xrf0)  }
0x1b6: {  	[tilespmem:$0x1D0] =	vst v39;
	v23 =	vadd.s32 v11, v63;
	v60 =	vmov s9;
	s25 =	spop (v2sf);
	(v2sf) =	vpush v61, $0xF  }
0x1b7: {  	[tilespmem:$0x1C0] =	vst v44;
	v44 =	vld [tilespmem:$0x130];
	v39 =	vsel vm11, v23, v33;
	vm11 =	veq.s32 v55, $0x7;
	v18 =	vadd.s32 $0xFFFFFFFF, v60;
	s9 =	sadd.s32 s24, s25;
	s26 =	spop (v2sf)  }
0x1b8: {  	v29, _, _ =	vpop (xrf0);
	v21 =	vbroadcast v18, $0x0;
	vm13 =	veq.s32 v17, $0x7;
	v28 =	vmov s9;
	s9 =	sadd.s32 s9, s26  }
0x1b9: {  	[tilespmem:$0x1A0] =	vst v4;
	v43, _, _ =	vpop (xrf0);
	v24 =	vsel vm13, $0x1, v15;
	v6 =	vadd.s32 $0xFFFFFFFF, v28;
	v42 =	vmov s9  }
0x1ba: {  	(v2sf) =	vpush v43, $0xF;
	vm1 =	veq.s32 v30, $0x7;
	(xrf0) =	vadd.scan.msk.s32 $0xffff, v24;
	v6 =	vbroadcast v6, $0x0;
	v45, _, _ =	vpop (xrf0)  }
0x1bb: {  	[tilespmem:$0x1D0] =	vst v46;
	v7 =	vadd.s32 $0xFFFFFFFF, v42;
	v5 =	vsel vm1, $0x1, v15;
	(v2sf) =	vpush v45, $0xF  }
0x1bc: {  	vm5 =	veq.s32 v44, $0x7;
	v63 =	vsel vm11, $0x1, v15;
	v7 =	vbroadcast v7, $0x0;
	(xrf0) =	vadd.scan.msk.s32 $0xffff, v5  }
0x1bd: {  	[tilespmem:$0x1E0] =	vst v47;
	v17 =	vsel vm5, $0x1, v15;
	v4 =	vadd.s32 v9, v21;
	v6 =	vadd.s32 v16, v6;
	v16 =	vld [tilespmem:$0x140]  }
0x1be: {  	v40 =	vsel vm14, v4, v32;
	v4 =	vbroadcast v26, $0xF;
	(xrf0) =	vadd.scan.msk.s32 $0xffff, v17;
	s28 =	spop (v2sf);
	v14 =	vadd.s32 v14, v7  }
0x1bf: {  	[tilespmem:$0x1E0] =	vst v57;
	v57 =	vadd.s32 $0xFFFFFFFF, v43;
	v26 =	vand.u32 v25, v31;
	s9 =	sadd.s32 s9, s28;
	v5 =	vsel vm10, v14, v35;
	v14 =	vld [tilespmem:$0x150]  }
0x1c0: {  	[tilespmem:$0x1F0] =	vst v49;
	v4 =	vadd.s32 v12, v4;
	v7 =	vsel vm6, v6, v36;
	s29 =	spop (v2sf);
	v12 =	vmov s9;
	v21, _, _ =	vpop (xrf0)  }
0x1c1: {  	[tilespmem:$0x190] =	vst v50;
	v4 =	vsel vm8, v4, v34;
	s9 =	sadd.s32 s9, s29;
	v46 =	vadd.s32 $0xFFFFFFFF, v12;
	(v2sf) =	vpush v21, $0xF  }
0x1c2: {  	[tilespmem:$0x1D0] =	vst v52;
	v47 =	vmov s9;
	v12 =	vbroadcast v46, $0x0;
	vm8 =	veq.s32 v16, $0x7;
	v52, _, _ =	vpop (xrf0)  }
0x1c3: {  	[tilespmem:$0x1A0] =	vst v51;
	v48 =	vadd.s32 $0xFFFFFFFF, v47;
	v16 =	vsel vm8, $0x1, v15;
	(v2sf) =	vpush v52, $0xF;
	s30 =	spop (v2sf)  }
0x1c4: {  	v49 =	vadd.s32 v22, v12;
	v12 =	vbroadcast v48, $0x0;
	(xrf0) =	vadd.scan.msk.s32 $0xffff, v16;
	vm14 =	veq.s32 v14, $0x7;
	v14, _, _ =	vpop (xrf0);
	s9 =	sadd.s32 s9, s30;
	s31 =	spop (v2sf)  }
0x1c5: {  	[tilespmem:$0x1C0] =	vst v54;
	v47 =	vimm.s32 $0x0;
	(v2sf) =	vpush v14, $0xF;
	v50 =	vmov s9;
	s9 =	sadd.s32 s9, s31;
	s11 =	spop (v2sf)  }
0x1c6: {  	[tilespmem:$0x1F0] =	vst v56;
	v10 =	vadd.s32 v10, v12;
	v12 =	vadd.s32 $0xFFFFFFFF, v50;
	v17 =	vmov s9;
	s9 =	sadd.s32 s9, s11  }
0x1c7: {  	[tilespmem:$0x190] =	vst v1;
	v59 =	vld [tilespmem:$0x100];
	v51 =	vbroadcast v12, $0x0;
	v12 =	vadd.s32 $0xFFFFFFFF, v17;
	v16 =	vmov s9  }
0x1c8: {  	[tilespmem:$0x1A0] =	vst v0;
	v28 =	vld [tilespmem:$0x150];
	v12 =	vbroadcast v12, $0x0;
	v54 =	vadd.s32 $0xFFFFFFFF, v16;
	v16 =	vsel vm14, $0x1, v15  }
0x1c9: {  	v24 =	vld [tilespmem:$0x140];
	v6 =	vsel vm0, v49, v3;
	v8 =	vsel vm15, v10, v41;
	s12 =	spop (v2sf);
	v10 =	vadd.s32 v13, v51;
	(xrf0) =	vadd.scan.msk.s32 $0xffff, v16  }
0x1ca: {  	[tilespmem:$0x180] =	vst v34;
	v13 =	vbroadcast v54, $0x0;
	v17, _, _ =	vpop (xrf0);
	s13 =	spop (v2sf);
	v1 =	vsel vm9, v10, v38;
	v56 =	vadd.s32 v61, v12;
	v12 =	vld [tilespmem:$0x110]  }
0x1cb: {  	[tilespmem:$0x1B0] =	vst v58;
	v16 =	vld [tilespmem:$0x130];
	v10 =	vbroadcast v57, $0xF;
	(v2sf) =	vpush v17, $0xF;
	s9 =	sadd.s32 s12, s13;
	v61 =	vsel vm2, $0x1, v15  }
0x1cc: {  	[tilespmem:$0x1C0] =	vst v2;
	v0 =	vsel vm12, v56, v39;
	v9 =	vadd.s32 v29, v13;
	v13 =	vld [tilespmem:$0x120];
	v62 =	vmov s9  }
0x1cd: {  	(xrf0) =	vadd.scan.msk.s32 $0xffff, v61;
	vm12 =	veq.s32 v59, $0x8;
	v2 =	vsel vm4, v9, v40;
	v60 =	vadd.s32 v45, v10  }
0x1ce: {  	[tilespmem:$0x1D0] =	vst v37;
	v18 =	vadd.s32 $0xFFFFFFFF, v62;
	v29 =	vsel vm12, $0x1, v15;
	vm4 =	veq.s32 v28, $0x8  }
0x1cf: {  	(xrf0) =	vadd.scan.msk.s32 $0xffff, v63;
	v9 =	vsel vm7, v60, v4;
	v18 =	vbroadcast v18, $0x0;
	v23, _, _ =	vpop (xrf0);
	vm9 =	veq.s32 v12, $0x8;
	v12 =	vld [tilespmem:$0x160]  }
0x1d0: {  	vm7 =	veq.s32 v24, $0x8;
	v46 =	vsel vm4, $0x1, v15;
	s14 =	spop (v2sf);
	(xrf0) =	vadd.scan.msk.s32 $0xffff, v26;
	(v2sf) =	vpush v23, $0xF  }
0x1d1: {  	vm6 =	veq.s32 v16, $0x8;
	s9 =	sadd.s32 s9, s14;
	(xrf0) =	vadd.scan.msk.s32 $0xffff, v29;
	v30 =	vsel vm9, $0x1, v15;
	vm10 =	veq.s32 v13, $0x8;
	v13 =	vld [tilespmem:$0x170]  }
0x1d2: {  	v45 =	vsel vm7, $0x1, v15;
	v37 =	vmov s9;
	(xrf0) =	vadd.scan.msk.s32 $0xffff, v30;
	v42 =	vsel vm10, $0x1, v15  }
0x1d3: {  	v44 =	vld [tilespmem:$0x100];
	v43 =	vsel vm6, $0x1, v15;
	v48 =	vadd.s32 v21, v18;
	v24, _, _ =	vpop (xrf0);
	v16 =	vadd.s32 $0xFFFFFFFF, v37;
	(xrf0) =	vadd.scan.msk.s32 $0xffff, v42  }
0x1d4: {  	(v2sf) =	vpush v24, $0xF;
	v16 =	vbroadcast v16, $0x0;
	(xrf0) =	vadd.scan.msk.s32 $0xffff, v43;
	vm15 =	veq.s32 v12, $0x8  }
0x1d5: {  	v53 =	vld [tilespmem:$0x110];
	v20, _, _ =	vpop (xrf0);
	(xrf0) =	vadd.scan.msk.s32 $0xffff, v45;
	v12 =	vimm.s32 $0x0;
	v11 =	vsel vm15, $0xFFFFFFFF, v47;
	v49 =	vsel vm15, $0x1, v15  }
0x1d6: {  	v55 =	vld [tilespmem:$0x120];
	s15 =	spop (v2sf);
	v21, _, _ =	vpop (xrf0);
	(xrf0) =	vadd.scan.msk.s32 $0xffff, v46;
	vm15 =	veq.s32 v13, $0x8;
	v50 =	vadd.s32 v52, v16;
	v52 =	vand.u32 v27, v31  }
0x1d7: {  	s9 =	sadd.s32 s9, s15;
	s16 =	spop (v2sf);
	v12 =	vsel vm15, $0xFFFFFFFF, v12;
	v22, _, _ =	vpop (xrf0);
	(xrf0) =	vadd.scan.msk.s32 $0xffff, v49;
	v51 =	vsel vm15, $0x1, v15;
	(v2sf) =	vpush v21, $0xF  }
0x1d8: {  	s10 =	sadd.s32 s9, s16;
	[tilespmem:$0x1FDF0] =	vst v12;
	v12 =	vsel vm13, v48, v7;
	v25, _, _ =	vpop (xrf0);
	(xrf0) =	vadd.scan.msk.s32 $0xffff, v51;
	vm13 =	veq.s32 v44, $0x9  }
0x1d9: {  	v13 =	vmov s10;
	(v2sf) =	vpush v22, $0xF;
	v27, _, _ =	vpop (xrf0);
	(xrf0) =	vadd.scan.msk.s32 $0xffff, v52;
	v54 =	vsel vm13, $0x1, v15  }
0x1da: {  	[tilespmem:$0x1E0] =	vst v33;
	v57 =	vld [tilespmem:$0x130];
	(v2sf) =	vpush v25, $0xF;
	v18, _, _ =	vpop (xrf0);
	(xrf0) =	vadd.scan.msk.s32 $0xffff, v54  }
0x1db: {  	[tilespmem:$0x1F0] =	vst v32;
	vm3 =	veq.s32 v55, $0x9;
	vm0 =	veq.s32 v53, $0x9;
	v62 =	vld [tilespmem:$0x140];
	(v2sf) =	vpush v27, $0xF;
	v19, _, _ =	vpop (xrf0)  }
0x1dc: {  	[tilespmem:$0x190] =	vst v36;
	v56 =	vmov s9;
	v59 =	vadd.s32 $0xFFFFFFFF, v13;
	(v2sf) =	vpush v18, $0xF;
	v13, _, _ =	vpop (xrf0)  }
0x1dd: {  	v26 =	vsel vm0, $0x1, v15;
	v58 =	vadd.s32 $0xFFFFFFFF, v56;
	[tilespmem:$0x1FDE0] =	vst v11;
	s17 =	spop (v2sf);
	(v2sf) =	vpush v19, $0xF;
	v11, _, _ =	vpop (xrf0)  }
0x1de: {  	[tilespmem:$0x1A0] =	vst v35;
	v37 =	vsel vm3, $0x1, v15;
	v60 =	vbroadcast v58, $0x0;
	(v2sf) =	vpush v13, $0xF;
	v10, _, _ =	vpop (xrf0)  }
0x1df: {  	[tilespmem:$0x1B0] =	vst v3;
	v16 =	vsel vm1, v50, v5;
	vm15 =	veq.s32 v57, $0x9;
	s9 =	sadd.s32 s10, s17;
	(v2sf) =	vpush v11, $0xF;
	v36, _, _ =	vpop (xrf0);
	s18 =	spop (v2sf)  }
0x1e0: {  	[tilespmem:$0x1C0] =	vst v41;
	vm1 =	veq.s32 v62, $0x9;
	v63 =	vmov s9;
	(v2sf) =	vpush v36, $0xF;
	v43, _, _ =	vpop (xrf0);
	s9 =	sadd.s32 s9, s18  }
0x1e1: {  	v47 =	vadd.s32 v14, v60;
	(xrf0) =	vadd.scan.msk.s32 $0xffff, v26;
	(v2sf) =	vpush v43, $0xF;
	v45 =	vmov s9  }
0x1e2: {  	v21 =	vadd.s32 $0xFFFFFFFF, v21;
	v44 =	vsel vm15, $0x1, v15;
	v48 =	vld [tilespmem:$0x160];
	(xrf0) =	vadd.scan.msk.s32 $0xffff, v37;
	v26 =	vadd.s32 $0xFFFFFFFF, v45  }
0x1e3: {  	v46 =	vld [tilespmem:$0x150];
	v61 =	vbroadcast v59, $0x0;
	v32 =	vsel vm1, $0x1, v15;
	(xrf0) =	vadd.scan.msk.s32 $0xffff, v44;
	v14 =	vbroadcast v26, $0x0  }
0x1e4: {  	[tilespmem:$0x1D0] =	vst v38;
	v60 =	vbroadcast v21, $0xF;
	v42 =	vadd.s32 $0xFFFFFFFF, v63;
	(xrf0) =	vadd.scan.msk.s32 $0xffff, v32  }
0x1e5: {  	[tilespmem:$0x1E0] =	vst v39;
	v49 =	vadd.s32 v17, v61;
	v29 =	vbroadcast v42, $0x0  }
0x1e6: {  	[tilespmem:$0x1A0] =	vst v5;
	v30 =	vsel vm5, v47, v6;
	v5 =	vadd.s32 v22, v60;
	v50 =	vsel vm8, v49, v8;
	s19 =	spop (v2sf)  }
0x1e7: {  	[tilespmem:$0x1F0] =	vst v40;
	vm8 =	veq.s32 v48, $0x9;
	v17 =	vadd.s32 v23, v29;
	v51 =	vadd.s32 v24, v14;
	s20 =	spop (v2sf);
	v14, _, _ =	vpop (xrf0)  }
0x1e8: {  	[tilespmem:$0x190] =	vst v7;
	v17 =	vsel vm14, v17, v1;
	vm14 =	veq.s32 v46, $0x9;
	s9 =	sadd.s32 s9, s19;
	s21 =	spop (v2sf);
	v52, _, _ =	vpop (xrf0);
	(v2sf) =	vpush v14, $0xF  }
0x1e9: {  	[tilespmem:$0x180] =	vst v4;
	v55 =	vsel vm14, $0x1, v15;
	v53 =	vmov s9;
	s22 =	spop (v2sf);
	(v2sf) =	vpush v52, $0xF;
	v54, _, _ =	vpop (xrf0)  }
0x1ea: {  	v58 =	vsel vm8, $0x1, v15;
	v29 =	vadd.s32 $0xFFFFFFFF, v53;
	s9 =	sadd.s32 s20, s21;
	(xrf0) =	vadd.scan.msk.s32 $0xffff, v55;
	s23 =	spop (v2sf);
	(v2sf) =	vpush v54, $0xF;
	v57, _, _ =	vpop (xrf0)  }
0x1eb: {  	v56 =	vbroadcast v29, $0x0;
	v59 =	vmov s9;
	s9 =	sadd.s32 s9, s22;
	(xrf0) =	vadd.scan.msk.s32 $0xffff, v58;
	s12 =	spop (v2sf);
	(v2sf) =	vpush v57, $0xF  }
0x1ec: {  	[tilespmem:$0x1B0] =	vst v6;
	v3 =	vsel vm2, v51, v0;
	v4 =	vadd.s32 $0xFFFFFFFF, v59;
	v61 =	vmov s9;
	s13 =	spop (v2sf)  }
0x1ed: {  	[tilespmem:$0x1C0] =	vst v8;
	v62 =	vadd.s32 v20, v56;
	s11 =	sadd.s32 s9, s23;
	v4 =	vbroadcast v4, $0x0;
	v63 =	vadd.s32 $0xFFFFFFFF, v61;
	s24 =	spop (v2sf)  }
0x1ee: {  	[tilespmem:$0x1D0] =	vst v1;
	v20 =	vsel vm12, v5, v9;
	v21 =	vmov s11;
	v7 =	vbroadcast v63, $0x0;
	s25 =	spop (v2sf)  }
0x1ef: {  	[tilespmem:$0x1E0] =	vst v0;
	v6 =	vsel vm11, v62, v2;
	s11 =	sadd.s32 s11, s12;
	v5 =	vadd.s32 $0xFFFFFFFF, v21;
	v4 =	vadd.s32 v25, v4;
	s26 =	spop (v2sf)  }
0x1f0: {  	[tilespmem:$0x1F0] =	vst v2;
	v25 =	vmov s11;
	v7 =	vadd.s32 v27, v7;
	v27 =	vbroadcast v5, $0x0;
	v22, _, _ =	vpop (xrf0);
	s14 =	spop (v2sf)  }
0x1f1: {  	[tilespmem:$0x180] =	vst v9;
	v29 =	vadd.s32 $0xFFFFFFFF, v25;
	v4 =	vsel vm9, v4, v12;
	(v2sf) =	vpush v22, $0xF;
	v32, _, _ =	vpop (xrf0);
	s12 =	sadd.s32 s26, s14  }
0x1f2: {  	[tilespmem:$0x190] =	vst v12;
	v12 =	vadd.s32 $0xFFFFFFFF, v36;
	(v2sf) =	vpush v32, $0xF;
	v34 =	vmov s12  }
0x1f3: {  	[tilespmem:$0x1A0] =	vst v16;
	s11 =	sadd.s32 s11, s13;
	v5 =	vbroadcast v29, $0x0;
	v7 =	vsel vm10, v7, v16;
	v9 =	vadd.s32 $0xFFFFFFFF, v34  }
0x1f4: {  	[tilespmem:$0x1B0] =	vst v30;
	v46 =	vld [tilespmem:$0x1FDE0];
	s10 =	sadd.s32 s11, s24;
	v16 =	vmov s11;
	v12 =	vbroadcast v12, $0xF;
	v9 =	vbroadcast v9, $0x0  }
0x1f5: {  	[tilespmem:$0x1C0] =	vst v50;
	v41 =	vmov s10;
	s9 =	sadd.s32 s10, s25;
	v2 =	vadd.s32 v18, v27;
	v16 =	vadd.s32 $0xFFFFFFFF, v16  }
0x1f6: {  	[tilespmem:$0x1D0] =	vst v17;
	v42 =	vmov s9;
	v9 =	vadd.s32 v14, v9;
	v14 =	vbroadcast v16, $0x0  }
0x1f7: {  	[tilespmem:$0x1E0] =	vst v3;
	v5 =	vadd.s32 v19, v5;
	v2 =	vsel vm6, v2, v30;
	v12 =	vadd.s32 v43, v12;
	s28 =	spop (v2sf)  }
0x1f8: {  	[tilespmem:$0x180] =	vst v20;
	v5 =	vsel vm7, v5, v50;
	v1 =	vsel vm13, v12, v20;
	v35 =	vadd.s32 v13, v14;
	v14 =	vld [tilespmem:$0x170];
	s12 =	sadd.s32 s12, s28;
	s29 =	spop (v2sf)  }
0x1f9: {  	[tilespmem:$0x190] =	vst v4;
	vm13 =	vnez.u8 v46;
	v9 =	vsel vm0, v9, v4;
	v12 =	vmov s12;
	s12 =	sadd.s32 s12, s29;
	s30 =	spop (v2sf)  }
0x1fa: {  	[tilespmem:$0x1A0] =	vst v7;
	v4 =	vsel vm4, v35, v17;
	v12 =	vadd.s32 $0xFFFFFFFF, v12;
	v13 =	vmov s12;
	s12 =	sadd.s32 s12, s30;
	s31 =	spop (v2sf)  }
0x1fb: {  	[tilespmem:$0x1B0] =	vst v2;
	v36 =	vbroadcast v12, $0x0;
	v12 =	vadd.s32 $0xFFFFFFFF, v13;
	v13 =	vmov s12;
	s12 =	sadd.s32 s12, s31  }
0x1fc: {  	[tilespmem:$0x180] =	vst v1;
	v37 =	vbroadcast v12, $0x0;
	v12 =	vadd.s32 $0xFFFFFFFF, v13;
	v13 =	vmov s12  }
0x1fd: {  	[tilespmem:$0x1C0] =	vst v5;
	vm12 =	veq.s32 v14, $0x9;
	v1 =	vadd.s32 v52, v36;
	v12 =	vbroadcast v12, $0x0  }
0x1fe: {  	v48 =	vld [tilespmem:$0x1FDF0];
	[tilespmem:$0x190] =	vst v9;
	v39 =	vadd.s32 $0xFFFFFFFF, v13;
	v40 =	vsel vm12, $0x1, v15;
	v1 =	vsel vm3, v1, v7  }
0x1ff: {  	v38 =	vadd.s32 v54, v37;
	v9 =	vbroadcast v39, $0x0;
	(xrf0) =	vadd.scan.msk.s32 $0xffff, v40;
	v12 =	vadd.s32 v57, v12  }
0x200: {  	s11 =	spop (v2sf);
	v2 =	vsel vm15, v38, v2;
	[tilespmem:$0x1A0] =	vst v1;
	v1 =	vadd.s32 $0xFFFFFFFF, v41;
	v5 =	vsel vm1, v12, v5  }
0x201: {  	s12 =	sadd.s32 s12, s11;
	s13 =	spop (v2sf);
	v0 =	vadd.s32 v22, v9;
	[tilespmem:$0x1B0] =	vst v2;
	v1 =	vbroadcast v1, $0x0;
	v2 =	vadd.s32 $0xFFFFFFFF, v42  }
0x202: {  	[tilespmem:$0x1F0] =	vst v6;
	v43 =	vmov s12;
	s9 =	sadd.s32 s12, s13;
	v0 =	vsel vm14, v0, v4;
	v2 =	vbroadcast v2, $0x0  }
0x203: {  	[tilespmem:$0x1D0] =	vst v4;
	v44 =	vadd.s32 $0xFFFFFFFF, v43;
	v45 =	vmov s9;
	vm14 =	vnez.u8 v48  }
0x204: {  	[tilespmem:$0x1D0] =	vst v0;
	v1 =	vadd.s32 v11, v1;
	v0 =	vbroadcast v44, $0x0;
	v4 =	vadd.s32 $0xFFFFFFFF, v45  }
0x205: {  	[tilespmem:$0x1C0] =	vst v5;
	v1 =	vsel vm13, v1, v3;
	v2 =	vadd.s32 v10, v2;
	v47 =	vbroadcast v4, $0x0  }
0x206: {  	v2 =	vsel vm14, v2, v6;
	[tilespmem:$0x1E0] =	vst v1;
	v0 =	vadd.s32 v32, v0;
	v49, _, _ =	vpop (xrf0)  }
0x207: {  	v0 =	vsel vm8, v0, v1;
	v50 =	vadd.s32 v49, v47;
	[tilespmem:$0x1F0] =	vst v2  }
0x208: {  	s15 =	rddreg [dreg:$0xe];
	v1 =	vsel vm12, v50, v2;
	[tilespmem:$0x1E0] =	vst v0  }
0x209: {  	s14 =	rddreg [dreg:$0xa];
	[tilespmem:$0x1F0] =	vst v1  }
0x20a: {  	[hbm4b:s14+s2] =	stream.linear.scatter [tilespmem:s15], [sflag:$0x3], $0x80, $0x38;
	[tilespmem:$0x8380] =	vst v63  }
0x20b: {  	_ =	swait.ge [sflag:s6], $0x80  }
0x20c: {  	[sflag:s6] =	ssyncset.done $0x0  }
0x20d: {  	[sflag:s6] =	ssyncadd.s32 $0xFFFFFF80  }
0x20e: {  	_ =	swait.ge [sflag:s3], $0x8000  }
0x20f: {  	[sflag:s3] =	ssyncset.done $0x0  }
0x210: {  	[sflag:s3] =	ssyncadd.s32 $0xFFFF8000  }
0x211: {  	v51 =	vld [tilespmem:$0x180];
	_ =	sdelay $0x2  }
0x212: {  	v53 =	vld [tilespmem:$0x1FFD0]  }
0x213: {  	v54 =	vld [tilespmem:$0x1FFE0]  }
0x214: {  	v55 =	vld [tilespmem:$0x1FFF0];
	v52 =	vshll.u32 v51, $0x1  }
0x215: {  	v0 =	vand.u32 $0x7, v51;
	v1 =	vand.u32 $0xFFFFFFF0, v52  }
0x216: {  	v0 =	vor.u32 v0, v1  }
0x217: {  	v1 =	vperm.xlane v0, v53  }
0x218: {  	v56 =	vld [tilespmem:$0x1FFB0]  }
0x219: {  	v0 =	vperm.xlane v0, v55;
	v1 =	vadd.s32 v54, v1;
	_ =	sdelay $0x1  }
0x21a: {  	v0 =	vadd.s32 v54, v0;
	_ =	sdelay $0x1  }
0x21b: {  	vm15 =	vnez.u8 v56  }
0x21c: {  	[hbm4b:s1+s2] =	stream.indirect_vreg.scatter [tilespmem:s5], [sflag:$0x2], $0x80, v1, vm15, $0xb8;
	[tilespmem:$0x8380] =	vst v63  }
0x21d: {  	s16 =	rddreg [dreg:$0xf]  }
0x21e: {  	[hbm4b:s1+s2] =	stream.indirect_vreg.scatter [tilespmem:s16], [sflag:$0x2], $0x80, v0, vm15, $0xb8;
	[tilespmem:$0x8380] =	vst v63  }
0x21f: {  	v0 =	vld [tilespmem:$0x190];
	_ =	sdelay $0x4  }
0x220: {  	v57 =	vshll.u32 v0, $0x1  }
0x221: {  	v0 =	vand.u32 $0x7, v0;
	v1 =	vand.u32 $0xFFFFFFF0, v57  }
0x222: {  	v0 =	vor.u32 v0, v1  }
0x223: {  	v1 =	vperm.xlane v0, v53;
	_ =	sdelay $0x1  }
0x224: {  	v0 =	vperm.xlane v0, v55;
	v1 =	vadd.s32 v54, v1;
	_ =	sdelay $0x1  }
0x225: {  	v0 =	vadd.s32 v54, v0;
	_ =	sdelay $0x1  }
0x226: {  	s17 =	rddreg [dreg:$0x10]  }
0x227: {  	[hbm4b:s1+s2] =	stream.indirect_vreg.scatter [tilespmem:s17], [sflag:$0x2], $0x80, v1, vm15, $0xb8;
	[tilespmem:$0x8380] =	vst v63  }
0x228: {  	s18 =	rddreg [dreg:$0x11]  }
0x229: {  	[hbm4b:s1+s2] =	stream.indirect_vreg.scatter [tilespmem:s18], [sflag:$0x2], $0x80, v0, vm15, $0xb8;
	[tilespmem:$0x8380] =	vst v63  }
0x22a: {  	v0 =	vld [tilespmem:$0x1A0];
	_ =	sdelay $0x4  }
0x22b: {  	v58 =	vshll.u32 v0, $0x1  }
0x22c: {  	v0 =	vand.u32 $0x7, v0;
	v1 =	vand.u32 $0xFFFFFFF0, v58  }
0x22d: {  	v0 =	vor.u32 v0, v1  }
0x22e: {  	v1 =	vperm.xlane v0, v53;
	_ =	sdelay $0x1  }
0x22f: {  	v0 =	vperm.xlane v0, v55;
	v1 =	vadd.s32 v54, v1;
	_ =	sdelay $0x1  }
0x230: {  	v0 =	vadd.s32 v54, v0;
	_ =	sdelay $0x1  }
0x231: {  	s19 =	rddreg [dreg:$0x12]  }
0x232: {  	[hbm4b:s1+s2] =	stream.indirect_vreg.scatter [tilespmem:s19], [sflag:$0x2], $0x80, v1, vm15, $0xb8;
	[tilespmem:$0x8380] =	vst v63  }
0x233: {  	s20 =	rddreg [dreg:$0x13]  }
0x234: {  	[hbm4b:s1+s2] =	stream.indirect_vreg.scatter [tilespmem:s20], [sflag:$0x2], $0x80, v0, vm15, $0xb8;
	[tilespmem:$0x8380] =	vst v63  }
0x235: {  	v0 =	vld [tilespmem:$0x1B0];
	_ =	sdelay $0x4  }
0x236: {  	v59 =	vshll.u32 v0, $0x1  }
0x237: {  	v0 =	vand.u32 $0x7, v0;
	v1 =	vand.u32 $0xFFFFFFF0, v59  }
0x238: {  	v0 =	vor.u32 v0, v1  }
0x239: {  	v1 =	vperm.xlane v0, v53;
	_ =	sdelay $0x1  }
0x23a: {  	v0 =	vperm.xlane v0, v55;
	v1 =	vadd.s32 v54, v1;
	_ =	sdelay $0x1  }
0x23b: {  	v0 =	vadd.s32 v54, v0;
	_ =	sdelay $0x1  }
0x23c: {  	s21 =	rddreg [dreg:$0x14]  }
0x23d: {  	[hbm4b:s1+s2] =	stream.indirect_vreg.scatter [tilespmem:s21], [sflag:$0x2], $0x80, v1, vm15, $0xb8;
	[tilespmem:$0x8380] =	vst v63  }
0x23e: {  	s22 =	rddreg [dreg:$0x15]  }
0x23f: {  	[hbm4b:s1+s2] =	stream.indirect_vreg.scatter [tilespmem:s22], [sflag:$0x2], $0x80, v0, vm15, $0xb8;
	[tilespmem:$0x8380] =	vst v63  }
0x240: {  	v0 =	vld [tilespmem:$0x1C0];
	_ =	sdelay $0x4  }
0x241: {  	v60 =	vshll.u32 v0, $0x1  }
0x242: {  	v0 =	vand.u32 $0x7, v0;
	v1 =	vand.u32 $0xFFFFFFF0, v60  }
0x243: {  	v0 =	vor.u32 v0, v1  }
0x244: {  	v1 =	vperm.xlane v0, v53;
	_ =	sdelay $0x1  }
0x245: {  	v0 =	vperm.xlane v0, v55;
	v1 =	vadd.s32 v54, v1;
	_ =	sdelay $0x1  }
0x246: {  	v0 =	vadd.s32 v54, v0;
	_ =	sdelay $0x1  }
0x247: {  	s23 =	rddreg [dreg:$0x16]  }
0x248: {  	[hbm4b:s1+s2] =	stream.indirect_vreg.scatter [tilespmem:s23], [sflag:$0x2], $0x80, v1, vm15, $0xb8;
	[tilespmem:$0x8380] =	vst v63  }
0x249: {  	s24 =	rddreg [dreg:$0x17]  }
0x24a: {  	[hbm4b:s1+s2] =	stream.indirect_vreg.scatter [tilespmem:s24], [sflag:$0x2], $0x80, v0, vm15, $0xb8;
	[tilespmem:$0x8380] =	vst v63  }
0x24b: {  	v0 =	vld [tilespmem:$0x1D0];
	_ =	sdelay $0x4  }
0x24c: {  	v61 =	vshll.u32 v0, $0x1  }
0x24d: {  	v0 =	vand.u32 $0x7, v0;
	v1 =	vand.u32 $0xFFFFFFF0, v61  }
0x24e: {  	v0 =	vor.u32 v0, v1  }
0x24f: {  	v1 =	vperm.xlane v0, v53;
	_ =	sdelay $0x1  }
0x250: {  	v0 =	vperm.xlane v0, v55;
	v1 =	vadd.s32 v54, v1;
	_ =	sdelay $0x1  }
0x251: {  	v0 =	vadd.s32 v54, v0;
	_ =	sdelay $0x1  }
0x252: {  	s25 =	rddreg [dreg:$0x18]  }
0x253: {  	[hbm4b:s1+s2] =	stream.indirect_vreg.scatter [tilespmem:s25], [sflag:$0x2], $0x80, v1, vm15, $0xb8;
	[tilespmem:$0x8380] =	vst v63  }
0x254: {  	s26 =	rddreg [dreg:$0x19]  }
0x255: {  	[hbm4b:s1+s2] =	stream.indirect_vreg.scatter [tilespmem:s26], [sflag:$0x2], $0x80, v0, vm15, $0xb8;
	[tilespmem:$0x8380] =	vst v63  }
0x256: {  	v0 =	vld [tilespmem:$0x1E0];
	_ =	sdelay $0x4  }
0x257: {  	v62 =	vshll.u32 v0, $0x1  }
0x258: {  	v0 =	vand.u32 $0x7, v0;
	v1 =	vand.u32 $0xFFFFFFF0, v62  }
0x259: {  	v0 =	vor.u32 v0, v1  }
0x25a: {  	v1 =	vperm.xlane v0, v53;
	_ =	sdelay $0x1  }
0x25b: {  	v0 =	vperm.xlane v0, v55;
	v1 =	vadd.s32 v54, v1;
	_ =	sdelay $0x1  }
0x25c: {  	v0 =	vadd.s32 v54, v0;
	_ =	sdelay $0x1  }
0x25d: {  	s28 =	rddreg [dreg:$0x1a]  }
0x25e: {  	[hbm4b:s1+s2] =	stream.indirect_vreg.scatter [tilespmem:s28], [sflag:$0x2], $0x80, v1, vm15, $0xb8;
	[tilespmem:$0x8380] =	vst v63  }
0x25f: {  	s29 =	rddreg [dreg:$0x1b]  }
0x260: {  	[hbm4b:s1+s2] =	stream.indirect_vreg.scatter [tilespmem:s29], [sflag:$0x2], $0x80, v0, vm15, $0xb8;
	[tilespmem:$0x8380] =	vst v63  }
0x261: {  	v0 =	vld [tilespmem:$0x1F0];
	_ =	sdelay $0x4  }
0x262: {  	v63 =	vshll.u32 v0, $0x1  }
0x263: {  	v0 =	vand.u32 $0x7, v0;
	v1 =	vand.u32 $0xFFFFFFF0, v63  }
0x264: {  	v0 =	vor.u32 v0, v1  }
0x265: {  	v1 =	vperm.xlane v0, v53;
	_ =	sdelay $0x1  }
0x266: {  	v0 =	vperm.xlane v0, v55;
	v1 =	vadd.s32 v54, v1;
	_ =	sdelay $0x1  }
0x267: {  	v0 =	vadd.s32 v54, v0  }
0x268: {  	s4 =	sadd.s32 $0xFFFFFFFF, s4  }
0x269: {  	p1 =	sne.s32 s4, $0x0;
	s30 =	rddreg [dreg:$0x1c]  }
0x26a: {  	[hbm4b:s1+s2] =	stream.indirect_vreg.scatter [tilespmem:s30], [sflag:$0x2], $0x80, v1, vm15, $0xb8;
	[tilespmem:$0x8380] =	vst v63  }
.Ltmp0:
0x26b: {  	s31 =	rddreg [dreg:$0x1d];
	(pc) =	sbr.rel @p1 .LBB2_1-.Ltmp0, $4  }
0x26c: {  	[hbm4b:s1+s2] =	stream.indirect_vreg.scatter [tilespmem:s31], [sflag:$0x2], $0x80, v0, vm15, $0xb8;
	[tilespmem:$0x8380] =	vst v63  }
0x26d: {  	_ =	swait.ge [sflag:s8], $0x8000  }
0x26e: {  	[sflag:s8] =	ssyncset.done $0x0  }
0x26f: {  	[sflag:s8] =	ssyncadd.s32 $0xFFFF8000  }
0x270: {  	_ =	sfence.sel $0x180000  }
0x271: {  	[bflag:$0x0] =	sbarrier.arrive $0xFFFF  }
0x272: {  	_ =	strace $0x90000047  }
0x273: {  	s0 =	sadd.s32 @!p0 $0x100000, s0;
	[bflag:$0x2] =	sbarrier.arrive $0xFFFF  }
0x274: {  	[sflag:s0] =	ssyncadd.tile.s32 @!p0 $0x1;
	_ =	shalt  }
.Lfunc_end2:
_tile_overlayer_lowered:
.L_overlay_start_2:
0x275: {  	(tag) =	ssettag $0x2  }
0x276: {  	s0 =	rddreg [dreg:$0x0];
	s2 =	stileid.u32  }
0x277: {  	s1 =	rddreg [dreg:$0x1];
	p0 =	sne.s32 s2, $0x0  }
0x278: {  	s3 =	rddreg [dreg:$0x2];
	[bflag:$0x3] =	sbarrier.arrive $0xFFFF;
	s2 =	simm.s32 @!p0 $0x1C03  }
0x279: {  	[timem:s3], [sflag:s2] =	dma.local @!p0 [hbm:s0], s1  }
0x27a: {  	s0 =	simm.s32 @!p0 $0x3  }
0x27b: {  	_ =	swait.ge @!p0 [sflag:s0], s1  }
0x27c: {  	s1 =	ssub.s32 @!p0 $0x0, s1;
	[sflag:s0] =	ssyncset.done @!p0 $0x0  }
0x27d: {  	[sflag:s0] =	ssyncadd.s32 @!p0 s1  }
0x27e: {  	[bflag:$0x3] =	sbarrier.arrive $0xFFFF  }
0x27f: {  	_ =	shalt  }

// kernel: kernel.8.cloned.1.call-start
scs
__scs_entry_jumppad:
0x0: {  	(pc) =	sbr.rel $0x88, $3  }
0x1: {  	(tag) =	ssettag $0x0;
	lr =	simm.s32 $0x1  }
0x2: {  	[smem:$0x3F9D] =	sst lr;
	_ =	strace $0xD0000000  }
0x3: {  	_ = 	snop  }
0x4: {  	_ = 	snop  }
0x5: {  	_ = 	snop  }
0x6: {  	_ = 	snop  }
0x7: {  	_ = 	snop  }
__scs_overlays_trampoline_lowered:
0x8: {  	[smem:$0x3FAC] =	sst s0  }
0x9: {  	[smem:$0x3FAD] =	sst s1  }
0xa: {  	[smem:$0x3FAE] =	sst s2  }
0xb: {  	[smem:$0x3FAF] =	sst s3  }
0xc: {  	[smem:$0x3FB0] =	sst s4  }
0xd: {  	[smem:$0x3FB1] =	sst s5  }
0xe: {  	[smem:$0x3FB2] =	sst s6  }
0xf: {  	[smem:$0x3FB3] =	sst s7  }
0x10: {  	[smem:$0x3FB4] =	sst s8  }
0x11: {  	[smem:$0x3FB5] =	sst s9;
	s0 =	simm.s32 @!p0 $0x0  }
0x12: {  	s1 =	sld [smem:$0x3F9B];
	s0 =	simm.s32 @p0 $0x1  }
0x13: {  	[smem:$0x3FB6] =	sst s0;
	s0 =	simm.s32 @!p1 $0x0  }
0x14: {  	s2 =	sld [smem:$0x3F9A];
	s0 =	simm.s32 @p1 $0x1  }
0x15: {  	[smem:$0x3FB7] =	sst s0;
	s0 =	simm.s32 @!p2 $0x0  }
0x16: {  	s3 =	sld [smem:$0x3FDB];
	s0 =	simm.s32 @p2 $0x1  }
0x17: {  	s4 =	simm.s32 $0x1BF5;
	[smem:$0x3FB9] =	sst s0  }
0x18: {  	s0 =	sld [smem:$0x3F9C];
	_ =	swait.ge [sflag:s4], $0x0  }
0x19: {  	s7 =	sld [smem:$0x3F9D]  }
0x1a: {  	s8 =	sadd.s32 $0xFFFFE003, lr  }
0x1b: {  	s9 =	sadd.s32 $0xFFFFFEF7, lr;
	s5 =	simm.s32 $0xFFFFFFFF;
	p2 =	slt.u32 s8, $0xFFFFF086  }
0x1c: {  	p1 =	slt.u32 s9, $0xF7A;
	s5 =	simm.s32 @!p2 $0x0  }
0x1d: {  	s5 =	simm.s32 @p1 $0x1;
	p0 =	seq.s32 s7, s2  }
0x1e: {  	s7 =	smul.u32 @!p0 $0xF7A, s2;
	p2 =	seq.s32 @!p0 s5, $0x0  }
0x1f: {  	s9 =	smul.u32 $0xF7A, s1;
	s8 =	simm.s32 @!p0 $0x1BF5;
	p2 =	por !p2, p0  }
0x20: {  	[sflag:s8] =	ssyncset.s32 @!p0 $0xFFFFF086;
	s6 =	sadd.s32 @!p0 s3, s7;
	s7 =	simm.s32 @!p0 $0x108  }
0x21: {  	s3 =	sadd.s32 s3, s9;
	s6 =	sadd.s32 @!p0 $0x88, s6;
	s7 =	simm.s32 @p2 $0x1082  }
0x22: {  	[simem:s7], [sflag:s8] =	dma.local @!p0 [hbm:s6], $0xF7A  }
0x23: {  	s9 =	sor.u32 $0xD0000000, s2;
	s6 =	simm.s32 $0x108;
	_ =	swait.ge @!p0 [sflag:s8], $0x0  }
0x24: {  	s3 =	sadd.s32 $0x88, s3;
	s6 =	simm.s32 @!p1 $0x1082;
	[sflag:s4] =	ssyncset.s32 $0xFFFFF086  }
0x25: {  	[simem:s6], [sflag:s4] =	dma.local [hbm:s3], $0xF7A  }
0x26: {  	[smem:$0x3F9D] =	sst s1;
	(tag) =	ssettag s2;
	_ =	strace s9  }
0x27: {  	s1 =	sld [smem:$0x3FAD]  }
0x28: {  	s2 =	sld [smem:$0x3FAE]  }
0x29: {  	s4 =	sld [smem:$0x3FB0]  }
0x2a: {  	p0 =	seq.s32 s5, $0x0;
	s5 =	sld [smem:$0x3FB1]  }
0x2b: {  	s6 =	sld [smem:$0x3FB2]  }
0x2c: {  	s7 =	sld [smem:$0x3FB3]  }
0x2d: {  	s3 =	simm.s32 $0x108;
	s8 =	sld [smem:$0x3FB4]  }
0x2e: {  	s3 =	simm.s32 @!p0 $0x1082;
	s9 =	sld [smem:$0x3FB5]  }
0x2f: {  	lr =	sadd.s32 s0, s3;
	s0 =	sld [smem:$0x3FAC]  }
0x30: {  	s3 =	sld [smem:$0x3FAF]  }
0x31: {  	[smem:$0x3FB8] =	sst s10  }
0x32: {  	s10 =	sld [smem:$0x3FB6];
	_ =	sdelay $0x3  }
0x33: {  	p0 =	seq.s32 s10, $0x1;
	s10 =	sld [smem:$0x3FB8];
	_ =	sdelay $0x3  }
0x34: {  	[smem:$0x3FB8] =	sst s10  }
0x35: {  	s10 =	sld [smem:$0x3FB7];
	_ =	sdelay $0x3  }
0x36: {  	p1 =	seq.s32 s10, $0x1;
	s10 =	sld [smem:$0x3FB8];
	_ =	sdelay $0x3  }
0x37: {  	[smem:$0x3FB8] =	sst s10  }
0x38: {  	s10 =	sld [smem:$0x3FB9]  }
0x39: {  	_ = 	snop;
	(pc) =	sbr.ind lr, $3  }
0x3a: {  	_ = 	snop  }
0x3b: {  	_ = 	snop  }
0x3c: {  	p2 =	seq.s32 s10, $0x1;
	s10 =	sld [smem:$0x3FB8]  }
0x3d: {  	_ =	shalt  }
0x3e: {  	_ =	shalt  }
0x3f: {  	_ =	shalt  }
0x40: {  	_ =	shalt  }
0x41: {  	_ =	shalt  }
0x42: {  	_ =	shalt  }
0x43: {  	_ =	shalt  }
0x44: {  	_ =	shalt  }
0x45: {  	_ =	shalt  }
0x46: {  	_ =	shalt  }
0x47: {  	_ =	shalt  }
0x48: {  	_ =	shalt  }
0x49: {  	_ =	shalt  }
0x4a: {  	_ =	shalt  }
0x4b: {  	_ =	shalt  }
0x4c: {  	_ =	shalt  }
0x4d: {  	_ =	shalt  }
0x4e: {  	_ =	shalt  }
0x4f: {  	_ =	shalt  }
0x50: {  	_ =	shalt  }
0x51: {  	_ =	shalt  }
0x52: {  	_ =	shalt  }
0x53: {  	_ =	shalt  }
0x54: {  	_ =	shalt  }
0x55: {  	_ =	shalt  }
0x56: {  	_ =	shalt  }
0x57: {  	_ =	shalt  }
0x58: {  	_ =	shalt  }
0x59: {  	_ =	shalt  }
0x5a: {  	_ =	shalt  }
0x5b: {  	_ =	shalt  }
0x5c: {  	_ =	shalt  }
0x5d: {  	_ =	shalt  }
0x5e: {  	_ =	shalt  }
0x5f: {  	_ =	shalt  }
0x60: {  	_ =	shalt  }
0x61: {  	_ =	shalt  }
0x62: {  	_ =	shalt  }
0x63: {  	_ =	shalt  }
0x64: {  	_ =	shalt  }
0x65: {  	_ =	shalt  }
0x66: {  	_ =	shalt  }
0x67: {  	_ =	shalt  }
0x68: {  	_ =	shalt  }
0x69: {  	_ =	shalt  }
0x6a: {  	_ =	shalt  }
0x6b: {  	_ =	shalt  }
0x6c: {  	_ =	shalt  }
0x6d: {  	_ =	shalt  }
0x6e: {  	_ =	shalt  }
0x6f: {  	_ =	shalt  }
0x70: {  	_ =	shalt  }
0x71: {  	_ =	shalt  }
0x72: {  	_ =	shalt  }
0x73: {  	_ =	shalt  }
0x74: {  	_ =	shalt  }
0x75: {  	_ =	shalt  }
0x76: {  	_ =	shalt  }
0x77: {  	_ =	shalt  }
0x78: {  	_ =	shalt  }
0x79: {  	_ =	shalt  }
0x7a: {  	_ =	shalt  }
0x7b: {  	_ =	shalt  }
0x7c: {  	_ =	shalt  }
0x7d: {  	_ =	shalt  }
0x7e: {  	_ =	shalt  }
0x7f: {  	_ =	shalt  }
0x80: {  	_ =	shalt  }
0x81: {  	_ =	shalt  }
0x82: {  	_ =	shalt  }
0x83: {  	_ =	shalt  }
0x84: {  	_ =	shalt  }
0x85: {  	_ =	shalt  }
0x86: {  	_ =	shalt  }
0x87: {  	_ =	shalt  }
.Lfunc_end0:
.L_simem_size_0:
called_computation.1_lowered:
.L_overlay_start_0:
0x88: {  	s2 =	sld [smem:$0x3FD9]  }
0x89: {  	s3 =	sld [smem:$0x3FFE];
	_ =	sdelay $0x1  }
0x8a: {  	s1 =	srdreg.scid  }
0x8b: {  	s0 =	sand.u32 $0x1, s1  }
0x8c: {  	s17 =	sshll.u32 s0, $0xA;
	s2 =	sadd.s32 s3, s2  }
0x8d: {  	s2 =	sadd.s32 s2, s17  }
0x8e: {  	[smem:$0x3FC4] =	sst s2  }
0x8f: {  	_ = 	snop  }
0x90: {  	s2 =	sld [smem:$0x3FD0];
	(tm) =	ssettm $0x1  }
0x91: {  	s18 =	sld [smem:$0x3FFB];
	_ =	sdelay $0x3  }
0x92: {  	_ =	strace s18  }
0x93: {  	s3 =	sld [smem:$0x3FFC];
	_ =	sdelay $0x3  }
0x94: {  	_ =	strace s3  }
0x95: {  	s3 =	sld [smem:$0x3FFD];
	_ =	sdelay $0x3  }
0x96: {  	_ =	strace s3  }
0x97: {  	_ =	strace $0x8FFFFFFF  }
0x98: {  	s19 =	sld [smem:$0x3FDB];
	_ =	sdelay $0x1  }
0x99: {  	s4 =	simm.s32 $_scs_section_size  }
0x9a: {  	s5 =	simm.s32 $_size__tile_overlayer_lowered;
	s6 =	simm.s32 $_tile_overlayer_lowered  }
0x9b: {  	s22 =	simm.s32 $0x1BFF;
	s21 =	sshll.u32 s6, $0x1;
	s3 =	sadd.s32 s4, s19  }
0x9c: {  	s7 =	simm.s32 $0x0;
	s20 =	sshll.u32 s5, $0x1;
	s5 =	sadd.s32 s21, s3  }
0x9d: {  	[timem:s7], [sflag:s22] =	dma.local [hbm:s5], s20  }
0x9e: {  	_ =	swait.ge [sflag:s22], s20  }
0x9f: {  	s4 =	ssub.s32 $0x0, s20;
	[sflag:s22] =	ssyncset.done $0x0  }
0xa0: {  	[sflag:s22] =	ssyncadd.s32 s4;
	_ =	sdelay $0x1  }
0xa1: {  	s23 =	simm.s32 $0x1B8B  }
0xa2: {  	_ =	swait.ge [sflag:s23], $0x1  }
0xa3: {  	[sflag:s23] =	ssyncset.done $0x0  }
0xa4: {  	s25 =	simm.s32 $0x1B8E;
	s24 =	sld [smem:$0x3FFE];
	[sflag:s23] =	ssyncadd.s32 $0xFFFFFFFF  }
0xa5: {  	s26 =	simm.s32 $execute0_lowered;
	[smem:$0x3FD2] =	sst s25  }
0xa6: {  	s5 =	sshll.u32 s26, $0x1;
	_ =	strace $0x80000049;
	[dreg:$0x1] =	wrdreg $0xFFFFFFFF  }
0xa7: {  	s28 =	simm.s32 $_size_execute0_lowered;
	s3 =	sadd.s32 s3, s5;
	[dreg:$0x0] =	wrdreg $0x0  }
0xa8: {  	s5 =	sshll.u32 s28, $0x1;
	[dreg:$0x2] =	wrdreg s3  }
0xa9: {  	[dreg:$0x3] =	wrdreg s5  }
0xaa: {  	[dreg:$0x4] =	wrdreg $0xC0  }
0xab: {  	_ =	task [dreg:s7], $0x5FFFF  }
0xac: {  	[dreg:$0x1] =	wrdreg $0xFFFFFFFF  }
0xad: {  	[dreg:$0x0] =	wrdreg $0x60  }
0xae: {  	[dreg:$0x2] =	wrdreg s24  }
0xaf: {  	[dreg:$0x3] =	wrdreg s2  }
0xb0: {  	[dreg:$0x4] =	wrdreg $0x9  }
0xb1: {  	_ =	task.clear_ibuf [dreg:s7], $0x5FFFF;
	_ =	strace $0x90000049  }
0xb2: {  	s29 =	simm.s32 $0x9;
	_ =	strace $0x8000004B  }
0xb3: {  	_ =	swait.ge [sflag:s29], $0x1  }
0xb4: {  	[sflag:s29] =	ssyncadd.s32 $0xFFFFFFFF  }
0xb5: {  	_ =	strace $0x9000004B  }
0xb6: {  	_ =	sfence  }
0xb7: {  	s30 =	sld [smem:$0x0];
	_ =	sdelay $0x2  }
0xb8: {  	s31 =	sshll.u32 s1, $0xD;
	s1 =	sshrl.u32 s1, $0x2  }
0xb9: {  	s3 =	sand.u32 $0x4000, s31;
	s1 =	sadd.s32 s1, s30  }
0xba: {  	s0 =	sor.u32 s3, s0;
	s1 =	sshll.u32 s1, $0x11  }
0xbb: {  	s0 =	sor.u32 s1, s0  }
0xbc: {  	s0 =	sadd.s32 $0x8F2B, s0  }
0xbd: {  	[sflag:s0] =	ssyncadd.remote.s32 $0x1  }
0xbe: {  	_ =	sfence.sel $0xFFFF  }
0xbf: {  	[dreg:$0x0] =	wrdreg $0xFFFFFFFF;
	(pc) =	sbr.abs _section_cstart, $3  }
0xc0: {  	[dreg:$0x1] =	wrdreg $0xFFFFFFFF  }
0xc1: {  	_ =	task.clear_ibuf [dreg:s7], $0x2FFFF;
	_ =	strace $0x9FFFFFFF  }
0xc2: {  	(tm) =	ssettm $0x7FFFFFFF  }
0xc3: {  	_ =	shalt  }
tec
execute0_lowered:
.L_overlay_start_1:
0x0: {  	(tag) =	ssettag $0x1  }
0x1: {  	s4 =	rddreg [dreg:$0x0]  }
0x2: {  	s5 =	rddreg [dreg:$0x1]  }
0x3: {  	s0 =	rddreg [dreg:$0x2];
	s3 =	srdreg.scid  }
0x4: {  	s2 =	simm.s32 $0x0;
	s1 =	stileid.u32;
	s10 =	simm.s32 $0x1080  }
0x5: {  	s11 =	simm.s32 $0x1880;
	s12 =	simm.s32 $0x2080;
	s13 =	simm.s32 $0x2880  }
0x6: {  	s14 =	simm.s32 $0x3080;
	s15 =	simm.s32 $0x3880;
	s16 =	simm.s32 $0x4080  }
0x7: {  	s17 =	simm.s32 $0x4880;
	s18 =	simm.s32 $0x5080;
	s19 =	simm.s32 $0x5880  }
0x8: {  	s20 =	simm.s32 $0x6080;
	s21 =	simm.s32 $0x6880;
	s22 =	simm.s32 $0x7080  }
0x9: {  	s23 =	simm.s32 $0x7880;
	s24 =	simm.s32 $0x1;
	s3 =	sand.u32 $0x1, s3  }
0xa: {  	[smem:$0x7FF] =	sst s2;
	s7 =	sshll.u32 s1, $0x7;
	s6 =	sshll.u32 s3, $0xB  }
0xb: {  	_ =	strace $0x8000004A;
	s31 =	ssub.s32 $0x2, s3;
	s6 =	sor.u32 s7, s6  }
0xc: {  	s3 =	sadd.s32 $0x1E00, s4;
	s9 =	sshrl.u32 s31, $0x1;
	s8 =	sshrl.u32 s6, $0x3  }
0xd: {  	v2 =	vlaneseq.u32;
	s7 =	ssub.s32 s31, s9;
	s6 =	sshll.u32 s6, $0x5;
	s9 =	simm.s32 $0x880  }
0xe: {  	vm0 =	vmmov $0xffff;
	v1 =	vshrl.u32 v2, $0x3;
	s4 =	sadd.s32 s8, s4;
	s5 =	sadd.s32 s5, s6;
	s6 =	smax.u32 s7, $0x1  }
0xf: {  	v0 =	vand.u32 $0x7, v2;
	v2 =	vor.u32 $0x8, v2;
	v1 =	vmul.u32 $0x8, v1;
	s7 =	simm.s32 $0x2;
	s8 =	simm.s32 $0x80;
	s4 =	sadd.s32 $0x1C00, s4  }
.LBB2_1:
0x10: {  	[tilespmem:s2], [sflag:$0x2] =	stream.linear.gather [hbm4b:s4+s2], $0x80, $0x38;
	[tilespmem:$0x8080] =	vst v63  }
0x11: {  	_ =	swait.ge [sflag:s7], $0x80  }
0x12: {  	[sflag:s7] =	ssyncset.done $0x0  }
0x13: {  	[sflag:s7] =	ssyncadd.s32 $0xFFFFFF80  }
0x14: {  	v3 =	vld [tilespmem:$0x0];
	_ =	sdelay $0x4  }
0x15: {  	v4 =	vshll.u32 v3, $0x1  }
0x16: {  	v3 =	vand.u32 $0x7, v3;
	v4 =	vand.u32 $0xFFFFFFF0, v4  }
0x17: {  	v3 =	vor.u32 v3, v4  }
0x18: {  	v4 =	vperm.xlane v3, v0;
	_ =	sdelay $0x1  }
0x19: {  	v3 =	vperm.xlane v3, v2;
	v4 =	vadd.s32 v1, v4;
	_ =	sdelay $0x1  }
0x1a: {  	v3 =	vadd.s32 v1, v3;
	_ =	sdelay $0x2  }
0x1b: {  	[tilespmem:s8], [sflag:$0x1] =	stream.indirect_vreg.gather [hbm4b:s3+s2], $0x80, v4, vm0, $0xb8;
	[tilespmem:$0x8080] =	vst v63  }
0x1c: {  	_ = 	snop  }
0x1d: {  	[tilespmem:s9], [sflag:$0x1] =	stream.indirect_vreg.gather [hbm4b:s3+s2], $0x80, v3, vm0, $0xb8;
	[tilespmem:$0x8080] =	vst v63  }
0x1e: {  	v3 =	vld [tilespmem:$0x10];
	_ =	sdelay $0x4  }
0x1f: {  	v57 =	vshll.u32 v3, $0x1  }
0x20: {  	v3 =	vand.u32 $0x7, v3;
	v4 =	vand.u32 $0xFFFFFFF0, v57  }
0x21: {  	v3 =	vor.u32 v3, v4  }
0x22: {  	v4 =	vperm.xlane v3, v0;
	_ =	sdelay $0x1  }
0x23: {  	v3 =	vperm.xlane v3, v2;
	v4 =	vadd.s32 v1, v4;
	_ =	sdelay $0x1  }
0x24: {  	v3 =	vadd.s32 v1, v3;
	_ =	sdelay $0x2  }
0x25: {  	[tilespmem:s10], [sflag:$0x1] =	stream.indirect_vreg.gather [hbm4b:s3+s2], $0x80, v4, vm0, $0xb8;
	[tilespmem:$0x8080] =	vst v63  }
0x26: {  	_ = 	snop  }
0x27: {  	[tilespmem:s11], [sflag:$0x1] =	stream.indirect_vreg.gather [hbm4b:s3+s2], $0x80, v3, vm0, $0xb8;
	[tilespmem:$0x8080] =	vst v63  }
0x28: {  	v3 =	vld [tilespmem:$0x20];
	_ =	sdelay $0x4  }
0x29: {  	v58 =	vshll.u32 v3, $0x1  }
0x2a: {  	v3 =	vand.u32 $0x7, v3;
	v4 =	vand.u32 $0xFFFFFFF0, v58  }
0x2b: {  	v3 =	vor.u32 v3, v4  }
0x2c: {  	v4 =	vperm.xlane v3, v0;
	_ =	sdelay $0x1  }
0x2d: {  	v3 =	vperm.xlane v3, v2;
	v4 =	vadd.s32 v1, v4;
	_ =	sdelay $0x1  }
0x2e: {  	v3 =	vadd.s32 v1, v3;
	_ =	sdelay $0x2  }
0x2f: {  	[tilespmem:s12], [sflag:$0x1] =	stream.indirect_vreg.gather [hbm4b:s3+s2], $0x80, v4, vm0, $0xb8;
	[tilespmem:$0x8080] =	vst v63  }
0x30: {  	_ = 	snop  }
0x31: {  	[tilespmem:s13], [sflag:$0x1] =	stream.indirect_vreg.gather [hbm4b:s3+s2], $0x80, v3, vm0, $0xb8;
	[tilespmem:$0x8080] =	vst v63  }
0x32: {  	v3 =	vld [tilespmem:$0x30];
	_ =	sdelay $0x4  }
0x33: {  	v59 =	vshll.u32 v3, $0x1  }
0x34: {  	v3 =	vand.u32 $0x7, v3;
	v4 =	vand.u32 $0xFFFFFFF0, v59  }
0x35: {  	v3 =	vor.u32 v3, v4  }
0x36: {  	v4 =	vperm.xlane v3, v0;
	_ =	sdelay $0x1  }
0x37: {  	v3 =	vperm.xlane v3, v2;
	v4 =	vadd.s32 v1, v4;
	_ =	sdelay $0x1  }
0x38: {  	v3 =	vadd.s32 v1, v3;
	_ =	sdelay $0x2  }
0x39: {  	[tilespmem:s14], [sflag:$0x1] =	stream.indirect_vreg.gather [hbm4b:s3+s2], $0x80, v4, vm0, $0xb8;
	[tilespmem:$0x8080] =	vst v63  }
0x3a: {  	_ = 	snop  }
0x3b: {  	[tilespmem:s15], [sflag:$0x1] =	stream.indirect_vreg.gather [hbm4b:s3+s2], $0x80, v3, vm0, $0xb8;
	[tilespmem:$0x8080] =	vst v63  }
0x3c: {  	v3 =	vld [tilespmem:$0x40];
	_ =	sdelay $0x4  }
0x3d: {  	v60 =	vshll.u32 v3, $0x1  }
0x3e: {  	v3 =	vand.u32 $0x7, v3;
	v4 =	vand.u32 $0xFFFFFFF0, v60  }
0x3f: {  	v3 =	vor.u32 v3, v4  }
0x40: {  	v4 =	vperm.xlane v3, v0;
	_ =	sdelay $0x1  }
0x41: {  	v3 =	vperm.xlane v3, v2;
	v4 =	vadd.s32 v1, v4;
	_ =	sdelay $0x1  }
0x42: {  	v3 =	vadd.s32 v1, v3;
	_ =	sdelay $0x2  }
0x43: {  	[tilespmem:s16], [sflag:$0x1] =	stream.indirect_vreg.gather [hbm4b:s3+s2], $0x80, v4, vm0, $0xb8;
	[tilespmem:$0x8080] =	vst v63  }
0x44: {  	_ = 	snop  }
0x45: {  	[tilespmem:s17], [sflag:$0x1] =	stream.indirect_vreg.gather [hbm4b:s3+s2], $0x80, v3, vm0, $0xb8;
	[tilespmem:$0x8080] =	vst v63  }
0x46: {  	v3 =	vld [tilespmem:$0x50];
	_ =	sdelay $0x4  }
0x47: {  	v61 =	vshll.u32 v3, $0x1  }
0x48: {  	v3 =	vand.u32 $0x7, v3;
	v4 =	vand.u32 $0xFFFFFFF0, v61  }
0x49: {  	v3 =	vor.u32 v3, v4  }
0x4a: {  	v4 =	vperm.xlane v3, v0;
	_ =	sdelay $0x1  }
0x4b: {  	v3 =	vperm.xlane v3, v2;
	v4 =	vadd.s32 v1, v4;
	_ =	sdelay $0x1  }
0x4c: {  	v3 =	vadd.s32 v1, v3;
	_ =	sdelay $0x2  }
0x4d: {  	[tilespmem:s18], [sflag:$0x1] =	stream.indirect_vreg.gather [hbm4b:s3+s2], $0x80, v4, vm0, $0xb8;
	[tilespmem:$0x8080] =	vst v63  }
0x4e: {  	_ = 	snop  }
0x4f: {  	[tilespmem:s19], [sflag:$0x1] =	stream.indirect_vreg.gather [hbm4b:s3+s2], $0x80, v3, vm0, $0xb8;
	[tilespmem:$0x8080] =	vst v63  }
0x50: {  	v3 =	vld [tilespmem:$0x60];
	_ =	sdelay $0x4  }
0x51: {  	v62 =	vshll.u32 v3, $0x1  }
0x52: {  	v3 =	vand.u32 $0x7, v3;
	v4 =	vand.u32 $0xFFFFFFF0, v62  }
0x53: {  	v3 =	vor.u32 v3, v4  }
0x54: {  	v4 =	vperm.xlane v3, v0;
	_ =	sdelay $0x1  }
0x55: {  	v3 =	vperm.xlane v3, v2;
	v4 =	vadd.s32 v1, v4;
	_ =	sdelay $0x1  }
0x56: {  	v3 =	vadd.s32 v1, v3;
	_ =	sdelay $0x2  }
0x57: {  	[tilespmem:s20], [sflag:$0x1] =	stream.indirect_vreg.gather [hbm4b:s3+s2], $0x80, v4, vm0, $0xb8;
	[tilespmem:$0x8080] =	vst v63  }
0x58: {  	_ = 	snop  }
0x59: {  	[tilespmem:s21], [sflag:$0x1] =	stream.indirect_vreg.gather [hbm4b:s3+s2], $0x80, v3, vm0, $0xb8;
	[tilespmem:$0x8080] =	vst v63  }
0x5a: {  	v3 =	vld [tilespmem:$0x70];
	_ =	sdelay $0x4  }
0x5b: {  	v63 =	vshll.u32 v3, $0x1  }
0x5c: {  	v3 =	vand.u32 $0x7, v3;
	v4 =	vand.u32 $0xFFFFFFF0, v63  }
0x5d: {  	v3 =	vor.u32 v3, v4  }
0x5e: {  	v4 =	vperm.xlane v3, v0;
	_ =	sdelay $0x1  }
0x5f: {  	v3 =	vperm.xlane v3, v2;
	v4 =	vadd.s32 v1, v4;
	_ =	sdelay $0x1  }
0x60: {  	v3 =	vadd.s32 v1, v3;
	_ =	sdelay $0x2  }
0x61: {  	[tilespmem:s22], [sflag:$0x1] =	stream.indirect_vreg.gather [hbm4b:s3+s2], $0x80, v4, vm0, $0xb8;
	[tilespmem:$0x8080] =	vst v63  }
0x62: {  	_ = 	snop  }
0x63: {  	[tilespmem:s23], [sflag:$0x1] =	stream.indirect_vreg.gather [hbm4b:s3+s2], $0x80, v3, vm0, $0xb8;
	[tilespmem:$0x8080] =	vst v63  }
0x64: {  	_ =	swait.ge [sflag:s24], $0x8000  }
0x65: {  	p0 =	sne.s32 s6, $0x1;
	[sflag:s24] =	ssyncset.done $0x0  }
.Ltmp0:
0x66: {  	[sflag:s24] =	ssyncadd.s32 $0xFFFF8000;
	(pc) =	sbr.rel @p0 .LBB2_1-.Ltmp0, $4  }
0x67: {  	[hbm4b:s5+s2] =	stream.linear.scatter [tilespmem:s8], [sflag:$0x2], $0x8000, $0x38;
	[tilespmem:$0x8080] =	vst v63  }
0x68: {  	_ =	swait.ge [sflag:s7], $0x8000  }
0x69: {  	[sflag:s7] =	ssyncset.done $0x0  }
0x6a: {  	s6 =	sadd.s32 $0xFFFFFFFF, s6;
	[sflag:s7] =	ssyncadd.s32 $0xFFFF8000  }
0x6b: {  	_ =	sfence.sel $0x180000  }
0x6c: {  	[bflag:$0x0] =	sbarrier.arrive $0xFFFF  }
0x6d: {  	p0 =	sne.s32 s1, $0x0;
	_ =	strace $0x9000004A  }
0x6e: {  	s0 =	sadd.s32 @!p0 $0x100000, s0;
	[bflag:$0x2] =	sbarrier.arrive $0xFFFF  }
0x6f: {  	[sflag:s0] =	ssyncadd.tile.s32 @!p0 $0x1;
	_ =	shalt  }
.Lfunc_end2:
_tile_overlayer_lowered:
.L_overlay_start_2:
0x70: {  	(tag) =	ssettag $0x2  }
0x71: {  	s0 =	rddreg [dreg:$0x0];
	s2 =	stileid.u32  }
0x72: {  	s1 =	rddreg [dreg:$0x1];
	p0 =	sne.s32 s2, $0x0  }
0x73: {  	s3 =	rddreg [dreg:$0x2];
	[bflag:$0x3] =	sbarrier.arrive $0xFFFF;
	s2 =	simm.s32 @!p0 $0x1C02  }
0x74: {  	[timem:s3], [sflag:s2] =	dma.local @!p0 [hbm:s0], s1  }
0x75: {  	s0 =	simm.s32 @!p0 $0x2  }
0x76: {  	_ =	swait.ge @!p0 [sflag:s0], s1  }
0x77: {  	s1 =	ssub.s32 @!p0 $0x0, s1;
	[sflag:s0] =	ssyncset.done @!p0 $0x0  }
0x78: {  	[sflag:s0] =	ssyncadd.s32 @!p0 s1  }
0x79: {  	[bflag:$0x3] =	sbarrier.arrive $0xFFFF  }
0x7a: {  	_ =	shalt  }

</sc_bundles>
